<compile_context>
chip_gen: v7x
topology: tpu7x:2x2x1
jax: 0.10.2.dev20260603
libtpu: 0.0.44.dev20260713+nightly
codegen_flags: <defaults>
</compile_context>

<pallas_src>
import jax
import jax.numpy as jnp
from jax import lax
from jax.experimental import pallas as pl
from jax.experimental.pallas import tpu as pltpu
from jax.experimental.pallas import tpu_sc as plsc

_N = 100000
_D = 128
_H = 5
_B = 100000
_R = _H + 2

_NC, _NS = 2, 16
_NW = _NC * _NS
_S = 4
_BPAD = 102400
_BS = _BPAD // _S
_W = _BS // _NW
_C = 40
_NCH = _W // _C
assert _NCH % 2 == 0 and _C % 8 == 0
_CR = _C * _R

_BLK = 640
_G = _BS // _BLK
assert _BLK % _C == 0 and _BS % _BLK == 0


def _gather_body(emb, dtab, idx_all, rows_out, d_out,
                 ib0, ib1, rows0, rows1, del_v,
                 isem0, isem1, gsem0, gsem1, wsem0, wsem1):
    wid = lax.axis_index("s") * _NC + lax.axis_index("c")
    ibase = pl.multiple_of(wid * _NCH * _CR, 8)
    dbase = pl.multiple_of(wid * _W, 8)
    bufs = ((ib0, rows0, isem0, gsem0, wsem0), (ib1, rows1, isem1, gsem1, wsem1))

    def idx_slice(g):
        return idx_all.at[pl.ds(ibase + g * _CR, _CR)]

    def fire_gathers(g, bs):
        ib, rows, _, gsem, _ = bs
        pltpu.async_copy(emb.at[ib.at[pl.ds(0, _C)]], rows.at[pl.ds(0, _C)], gsem)
        pltpu.async_copy(emb.at[ib.at[pl.ds(_C, _C)]], rows.at[pl.ds(_C, _C)], gsem)
        for j in range(_H):
            o = (2 + j) * _C
            pltpu.async_copy(emb.at[ib.at[pl.ds(o, _C)]], rows.at[pl.ds(o, _C)], gsem)
        pltpu.async_copy(dtab.at[ib.at[pl.ds(0, _C)]],
                         del_v.at[pl.ds(g * _C, _C)], gsem)

    def drain_gathers(bs):
        ib, rows, _, gsem, _ = bs
        for k in range(_R):
            pltpu.make_async_copy(emb.at[ib.at[pl.ds(0, _C)]],
                                  rows.at[pl.ds(k * _C, _C)], gsem).wait()
        pltpu.make_async_copy(dtab.at[ib.at[pl.ds(0, _C)]],
                              del_v.at[pl.ds(0, _C)], gsem).wait()

    pltpu.async_copy(idx_slice(0), ib0, isem0)
    pltpu.async_copy(idx_slice(1), ib1, isem1)

    def outer(i, carry):
        for b in range(2):
            g = 2 * i + b
            ib, rows, isem, gsem, wsem = bufs[b]

            @pl.when(g >= 2)
            def _dw():
                pltpu.make_async_copy(
                    rows, rows_out.at[pl.ds(ibase, _CR)], wsem).wait()

            pltpu.make_async_copy(idx_slice(0), ib, isem).wait()
            fire_gathers(g, bufs[b])
            drain_gathers(bufs[b])

            @pl.when(g + 2 < _NCH)
            def _fi():
                pltpu.async_copy(idx_slice(g + 2), ib, isem)

            pltpu.async_copy(rows, rows_out.at[pl.ds(ibase + g * _CR, _CR)], wsem)
        return carry

    lax.fori_loop(0, _NCH // 2, outer, 0)
    pltpu.make_async_copy(rows0, rows_out.at[pl.ds(ibase, _CR)], wsem0).wait()
    pltpu.make_async_copy(rows1, rows_out.at[pl.ds(ibase, _CR)], wsem1).wait()
    pltpu.sync_copy(del_v, d_out.at[pl.ds(dbase, _W)])


def _math_body(rows_ref, delta_ref, edge_ref, hst_ref, mask_ref,
               sign_ref, loss_ref):
    ps = []
    for c in range(_BLK // _C):
        b0 = c * _CR
        s_e = rows_ref[pl.ds(b0, _C)]
        t_e = rows_ref[pl.ds(b0 + _C, _C)]
        parts = [(s_e - t_e).astype(jnp.bfloat16)]
        for j in range(_H):
            he = rows_ref[pl.ds(b0 + (2 + j) * _C, _C)]
            parts.append((s_e - he).astype(jnp.bfloat16))
        ps.append(jnp.concatenate([q * q for q in parts], axis=1))
    p = jnp.concatenate(ps, axis=0)
    rows = lax.broadcasted_iota(jnp.int32, (6 * _D, 8), 0) // _D
    cols = lax.broadcasted_iota(jnp.int32, (6 * _D, 8), 1)
    w = (rows == cols).astype(jnp.bfloat16)
    r = lax.dot_general(p, w, (((1,), (0,)), ((), ())),
                        preferred_element_type=jnp.float32)
    rt = -r.T
    p_mu = rt[0:1]
    alpha = rt[1:1 + _H]
    m = jnp.max(alpha, axis=0, keepdims=True)
    es = jnp.exp(alpha - m)
    z_norm = jnp.sum(es, axis=0, keepdims=True)
    d_time = edge_ref[...] - hst_ref[...]
    wgt = (es / z_norm) * alpha * jnp.exp(-delta_ref[...] * d_time) * mask_ref[...]
    p_lambda = p_mu + jnp.sum(wgt, axis=0, keepdims=True)
    z = sign_ref[0] * p_lambda
    loss_ref[...] = jnp.maximum(-z, 0.0) + jnp.log(1.0 + jnp.exp(-jnp.abs(z)))


_sc_mesh = plsc.VectorSubcoreMesh(core_axis_name="c", subcore_axis_name="s")

_gather = pl.kernel(
    _gather_body,
    out_type=(
        jax.ShapeDtypeStruct((_BS * _R, _D), jnp.float32),
        jax.ShapeDtypeStruct((_BS,), jnp.float32),
    ),
    mesh=_sc_mesh,
    scratch_types=[
        pltpu.VMEM((_CR,), jnp.int32),
        pltpu.VMEM((_CR,), jnp.int32),
        pltpu.VMEM((_CR, _D), jnp.float32),
        pltpu.VMEM((_CR, _D), jnp.float32),
        pltpu.VMEM((_W,), jnp.float32),
        pltpu.SemaphoreType.DMA,
        pltpu.SemaphoreType.DMA,
        pltpu.SemaphoreType.DMA,
        pltpu.SemaphoreType.DMA,
        pltpu.SemaphoreType.DMA,
        pltpu.SemaphoreType.DMA,
    ],
)

_math = pl.pallas_call(
    _math_body,
    grid=(_G,),
    in_specs=[
        pl.BlockSpec((_BLK * _R, _D), lambda i: (i, 0)),
        pl.BlockSpec((1, _BLK), lambda i: (0, i)),
        pl.BlockSpec((1, _BLK), lambda i: (0, i)),
        pl.BlockSpec((_H, _BLK), lambda i: (0, i)),
        pl.BlockSpec((_H, _BLK), lambda i: (0, i)),
        pl.BlockSpec(memory_space=pltpu.SMEM),
    ],
    out_specs=pl.BlockSpec((1, _BLK), lambda i: (0, i)),
    out_shape=jax.ShapeDtypeStruct((1, _BS), jnp.float32),
)


def _make_idx(s32, t32, h32):
    s_r = s32.reshape(_NW * _NCH, 1, _C)
    t_r = t32.reshape(_NW * _NCH, 1, _C)
    h_r = h32.reshape(_NW * _NCH, _C, _H).transpose(0, 2, 1)
    return jnp.concatenate([s_r, t_r, h_r], axis=1).reshape(-1)


def kernel(sign, s, t, edge_times_batch, h_s, h_s_times, h_s_mask, emb_table,
           delta_table):
    def pad(x):
        return jnp.concatenate(
            [x, jnp.zeros((_BPAD - _B,) + x.shape[1:], x.dtype)], axis=0)

    def pad_idx(x):
        npad = _BPAD - x.shape[0]
        extra = (jnp.arange(npad * (x.size // x.shape[0]), dtype=jnp.int32)
                 % _N).reshape((npad,) + x.shape[1:])
        return jnp.concatenate([x.astype(jnp.int32), extra], axis=0)

    sp, tp, hp = pad_idx(s), pad_idx(t), pad_idx(h_s)
    hstp, maskp = pad(h_s_times), pad(h_s_mask)
    edgep = pad(edge_times_batch)
    dflat = delta_table.reshape(_N)

    losses = []
    for k in range(_S):
        lo = k * _BS
        idx_all = _make_idx(sp[lo:lo + _BS], tp[lo:lo + _BS], hp[lo:lo + _BS])
        rows_all, delta_g = _gather(emb_table, dflat, idx_all)
        losses.append(_math(rows_all, delta_g.reshape(1, _BS),
                            edgep[lo:lo + _BS].reshape(1, _BS),
                            hstp[lo:lo + _BS].T, maskp[lo:lo + _BS].T, sign))
    loss = jnp.concatenate(losses, axis=1)
    return loss[0, :_B]

# --- scband reference (transcript-rebuilt; emitter-appended) ---
"""Pipeline reference for scband-htne-1176821039722 (READ-ONLY COPY).

The authoritative reference and input builder live on the scoring server;
editing this copy changes nothing except your own understanding.
"""

import jax, jax.numpy as jnp
import numpy as np

NODE_SIZE = 100000
EMBED = 128
B = 100000
H = 5

def setup_inputs(seed: int = 0) -> dict:
    key = jax.random.key(seed)
    ks = jax.random.split(key, 8)
    s = jax.random.randint(ks[0], (B,), 0, NODE_SIZE, dtype=jnp.int32).astype(jnp.int64)
    t = jax.random.randint(ks[1], (B,), 0, NODE_SIZE, dtype=jnp.int32).astype(jnp.int64)
    edge_times_batch = jax.random.normal(ks[2], (B,), dtype=jnp.float32)
    h_s = jax.random.randint(ks[3], (B, H), 0, NODE_SIZE, dtype=jnp.int32).astype(jnp.int64)
    h_s_times = jax.random.normal(ks[4], (B, H), dtype=jnp.float32)
    h_s_mask = jnp.ones((B, H), dtype=jnp.float32)
    sign = jnp.ones((1,), dtype=jnp.float32)
    emb_table = jax.random.normal(ks[5], (NODE_SIZE, EMBED), dtype=jnp.float32) * 0.05
    delta_table = jax.random.normal(ks[6], (NODE_SIZE, 1), dtype=jnp.float32) * 0.05
    return {"sign": sign, "s": s, "t": t, "edge_times_batch": edge_times_batch,
            "h_s": h_s, "h_s_times": h_s_times, "h_s_mask": h_s_mask,
            "emb_table": emb_table, "delta_table": delta_table}

def reference(sign, s, t, edge_times_batch, h_s, h_s_times, h_s_mask, emb_table, delta_table):
    # Embedding gathers (SparseCore-friendly)
    s_embed = jnp.take(emb_table, s, axis=0)            # [B, D]
    t_embed = jnp.take(emb_table, t, axis=0)            # [B, D]
    h_s_embed = jnp.take(emb_table, h_s, axis=0)        # [B, H, D]
    delta = jnp.take(delta_table, s, axis=0)            # [B, 1]
    d_time = edge_times_batch[:, None] - h_s_times      # [B, H]
    # g1: base rate
    p_mu = -jnp.sum(jnp.square(s_embed - t_embed), axis=-1)                 # [B]
    # g2: attention logits over history
    alpha = -jnp.sum(jnp.square(s_embed[:, None, :] - h_s_embed), axis=-1)  # [B, H]
    attn = jax.nn.softmax(alpha, axis=1)
    p_lambda = p_mu + jnp.sum(attn * alpha * jnp.exp(-delta * d_time) * h_s_mask, axis=-1)
    loss = -jax.nn.log_sigmoid(sign * p_lambda)
    return loss

if __name__ == "__main__":
    import jax
    _d = setup_inputs()
    print(jax.jit(kernel)(*tuple(_d.values())))

</pallas_src>

<mosaic_0001>
#map = affine_map<(d0, d1) -> (0, 0)>
#map1 = affine_map<(d0, d1) -> (0)>
module attributes {stable_mosaic.version = 14 : i64} {
  func.func @_gather_body(%arg0: i32, %arg1: i32, %arg2: memref<100000x128xf32, #tpu.memory_space<hbm>>, %arg3: memref<100000xf32, #tpu.memory_space<hbm>>, %arg4: memref<179200xi32, #tpu.memory_space<hbm>>, %arg5: memref<179200x128xf32, #tpu.memory_space<hbm>>, %arg6: memref<25600xf32, #tpu.memory_space<hbm>>, %arg7: memref<280xi32, #tpu.memory_space<vmem>>, %arg8: memref<280xi32, #tpu.memory_space<vmem>>, %arg9: memref<280x128xf32, #tpu.memory_space<vmem>>, %arg10: memref<280x128xf32, #tpu.memory_space<vmem>>, %arg11: memref<800xf32, #tpu.memory_space<vmem>>, %arg12: memref<!tpu.dma_semaphore, #tpu.memory_space<semaphore_mem>>, %arg13: memref<!tpu.dma_semaphore, #tpu.memory_space<semaphore_mem>>, %arg14: memref<!tpu.dma_semaphore, #tpu.memory_space<semaphore_mem>>, %arg15: memref<!tpu.dma_semaphore, #tpu.memory_space<semaphore_mem>>, %arg16: memref<!tpu.dma_semaphore, #tpu.memory_space<semaphore_mem>>, %arg17: memref<!tpu.dma_semaphore, #tpu.memory_space<semaphore_mem>>) attributes {dimension_semantics = [#tpu.dimension_semantics<core_parallel>, #tpu.dimension_semantics<subcore_parallel>], iteration_bounds = array<i64: 2, 16>, scalar_prefetch = 0 : i64, scratch_operands = 11 : i64, tpu.core_type = #tpu.core_type<sc_vector_subcore>, window_params = [{transform_indices = #map}, {transform_indices = #map1}, {transform_indices = #map1}, {transform_indices = #map}, {transform_indices = #map1}]} {
    %mul3A = arith.constant 2 : i32
    %mul3A_0 = arith.muli %arg1, %mul3A : i32
    %add3A = arith.addi %mul3A_0, %arg0 : i32
    %mul3A_1 = arith.constant 20 : i32
    %mul3A_2 = arith.muli %add3A, %mul3A_1 : i32
    %mul3A_3 = arith.constant 280 : i32
    %mul3A_4 = arith.muli %mul3A_2, %mul3A_3 : i32
    %multiple_of3A = tpu.assume_multiple %mul3A_4, 8 : i32
    %mul3A_5 = arith.constant 800 : i32
    %mul3A_6 = arith.muli %add3A, %mul3A_5 : i32
    %multiple_of3A_7 = tpu.assume_multiple %mul3A_6, 8 : i32
    %add3A_8 = arith.constant 0 : i32
    %add3A_9 = arith.addi %multiple_of3A, %add3A_8 : i32
    %dma_start3A = tpu.memref_slice %arg4[%add3A_9] : memref<179200xi32, #tpu.memory_space<hbm>> -> memref<280xi32, #tpu.memory_space<hbm>>
    %dma_start3A_10 = tpu.memref_slice %arg4[%add3A_9] : memref<179200xi32, #tpu.memory_space<hbm>> -> memref<280xi32, #tpu.memory_space<hbm>>
    tpu.enqueue_dma source(%dma_start3A_10 : memref<280xi32, #tpu.memory_space<hbm>>) target(%arg7 : memref<280xi32, #tpu.memory_space<vmem>>) target_semaphore(%arg12 : memref<!tpu.dma_semaphore, #tpu.memory_space<semaphore_mem>>)
    %add3A_11 = arith.constant 280 : i32
    %add3A_12 = arith.addi %multiple_of3A, %add3A_11 : i32
    %dma_start3A_13 = tpu.memref_slice %arg4[%add3A_12] : memref<179200xi32, #tpu.memory_space<hbm>> -> memref<280xi32, #tpu.memory_space<hbm>>
    %dma_start3A_14 = tpu.memref_slice %arg4[%add3A_12] : memref<179200xi32, #tpu.memory_space<hbm>> -> memref<280xi32, #tpu.memory_space<hbm>>
    tpu.enqueue_dma source(%dma_start3A_14 : memref<280xi32, #tpu.memory_space<hbm>>) target(%arg8 : memref<280xi32, #tpu.memory_space<vmem>>) target_semaphore(%arg13 : memref<!tpu.dma_semaphore, #tpu.memory_space<semaphore_mem>>)
    %scan3A = arith.constant 0 : i32
    %scan3A_15 = arith.constant 0 : i32
    %scan3A_16 = arith.constant 10 : i32
    %scan3A_17 = arith.addi %scan3A_15, %scan3A_16 : i32
    %scan3A_18 = arith.constant 1 : i32
    scf.for %scan3A_27 = %scan3A_15 to %scan3A_17 step %scan3A_18  : i32 {
      %mul3A_28 = arith.constant 2 : i32
      %mul3A_29 = arith.muli %mul3A_28, %scan3A_27 : i32
      %add3A_30 = arith.constant 0 : i32
      %add3A_31 = arith.addi %mul3A_29, %add3A_30 : i32
      %ge3A = arith.constant 2 : i32
      %ge3A_32 = arith.cmpi sge, %add3A_31, %ge3A : i32
      %convert_element_type3A = arith.extui %ge3A_32 : i1 to i32
      %cond3A = arith.constant 0 : i32
      %cond3A_33 = arith.cmpi ne, %convert_element_type3A, %cond3A : i32
      scf.if %cond3A_33 {
        %dma_wait3A_328 = arith.constant 0 : i32
        %dma_wait3A_329 = tpu.memref_slice %arg5[%multiple_of3A, %dma_wait3A_328] : memref<179200x128xf32, #tpu.memory_space<hbm>> -> memref<280x128xf32, #tpu.memory_space<hbm>>
        %dma_wait3A_330 = arith.constant 0 : i32
        %dma_wait3A_331 = tpu.memref_slice %arg5[%multiple_of3A, %dma_wait3A_330] : memref<179200x128xf32, #tpu.memory_space<hbm>> -> memref<280x128xf32, #tpu.memory_space<hbm>>
        tpu.wait_dma2 semaphore(%arg16 : memref<!tpu.dma_semaphore, #tpu.memory_space<semaphore_mem>>) src(%arg9 : memref<280x128xf32, #tpu.memory_space<vmem>>) dst(%dma_wait3A_331 : memref<280x128xf32, #tpu.memory_space<hbm>>)
      } else {
      }
      %add3A_34 = arith.constant 0 : i32
      %add3A_35 = arith.addi %multiple_of3A, %add3A_34 : i32
      %dma_wait3A_36 = tpu.memref_slice %arg4[%add3A_35] : memref<179200xi32, #tpu.memory_space<hbm>> -> memref<280xi32, #tpu.memory_space<hbm>>
      %dma_wait3A_37 = tpu.memref_slice %arg4[%add3A_35] : memref<179200xi32, #tpu.memory_space<hbm>> -> memref<280xi32, #tpu.memory_space<hbm>>
      tpu.wait_dma2 semaphore(%arg12 : memref<!tpu.dma_semaphore, #tpu.memory_space<semaphore_mem>>) src(%dma_wait3A_37 : memref<280xi32, #tpu.memory_space<hbm>>) dst(%arg7 : memref<280xi32, #tpu.memory_space<vmem>>)
      %dma_start3A_38 = arith.constant 0 : i32
      %dma_start3A_39 = arith.constant 0 : i32
      %dma_start3A_40 = tpu.memref_slice %arg9[%dma_start3A_38, %dma_start3A_39] : memref<280x128xf32, #tpu.memory_space<vmem>> -> memref<40x128xf32, #tpu.memory_space<vmem>>
      %dma_start3A_41 = arith.constant 0 : i32
      %dma_start3A_42 = tpu.memref_slice %arg7[%dma_start3A_41] : memref<280xi32, #tpu.memory_space<vmem>> -> memref<40xi32, #tpu.memory_space<vmem>>
      %dma_start3A_43 = arith.constant 0 : i32
      %dma_start3A_44 = arith.constant 0 : i32
      %dma_start3A_45 = tpu.memref_slice %arg2[%dma_start3A_43, %dma_start3A_44] : memref<100000x128xf32, #tpu.memory_space<hbm>> -> memref<100000x128xf32, #tpu.memory_space<hbm>>
      tpu.enqueue_indirect_dma source(%dma_start3A_45 : memref<100000x128xf32, #tpu.memory_space<hbm>>) target(%dma_start3A_40 : memref<40x128xf32, #tpu.memory_space<vmem>>) offsets(%dma_start3A_42 : memref<40xi32, #tpu.memory_space<vmem>>) semaphore(%arg14 : memref<!tpu.dma_semaphore, #tpu.memory_space<semaphore_mem>>)
      %dma_start3A_46 = arith.constant 40 : i32
      %dma_start3A_47 = arith.constant 0 : i32
      %dma_start3A_48 = tpu.memref_slice %arg9[%dma_start3A_46, %dma_start3A_47] : memref<280x128xf32, #tpu.memory_space<vmem>> -> memref<40x128xf32, #tpu.memory_space<vmem>>
      %dma_start3A_49 = arith.constant 40 : i32
      %dma_start3A_50 = tpu.memref_slice %arg7[%dma_start3A_49] : memref<280xi32, #tpu.memory_space<vmem>> -> memref<40xi32, #tpu.memory_space<vmem>>
      %dma_start3A_51 = arith.constant 0 : i32
      %dma_start3A_52 = arith.constant 0 : i32
      %dma_start3A_53 = tpu.memref_slice %arg2[%dma_start3A_51, %dma_start3A_52] : memref<100000x128xf32, #tpu.memory_space<hbm>> -> memref<100000x128xf32, #tpu.memory_space<hbm>>
      tpu.enqueue_indirect_dma source(%dma_start3A_53 : memref<100000x128xf32, #tpu.memory_space<hbm>>) target(%dma_start3A_48 : memref<40x128xf32, #tpu.memory_space<vmem>>) offsets(%dma_start3A_50 : memref<40xi32, #tpu.memory_space<vmem>>) semaphore(%arg14 : memref<!tpu.dma_semaphore, #tpu.memory_space<semaphore_mem>>)
      %dma_start3A_54 = arith.constant 80 : i32
      %dma_start3A_55 = arith.constant 0 : i32
      %dma_start3A_56 = tpu.memref_slice %arg9[%dma_start3A_54, %dma_start3A_55] : memref<280x128xf32, #tpu.memory_space<vmem>> -> memref<40x128xf32, #tpu.memory_space<vmem>>
      %dma_start3A_57 = arith.constant 80 : i32
      %dma_start3A_58 = tpu.memref_slice %arg7[%dma_start3A_57] : memref<280xi32, #tpu.memory_space<vmem>> -> memref<40xi32, #tpu.memory_space<vmem>>
      %dma_start3A_59 = arith.constant 0 : i32
      %dma_start3A_60 = arith.constant 0 : i32
      %dma_start3A_61 = tpu.memref_slice %arg2[%dma_start3A_59, %dma_start3A_60] : memref<100000x128xf32, #tpu.memory_space<hbm>> -> memref<100000x128xf32, #tpu.memory_space<hbm>>
      tpu.enqueue_indirect_dma source(%dma_start3A_61 : memref<100000x128xf32, #tpu.memory_space<hbm>>) target(%dma_start3A_56 : memref<40x128xf32, #tpu.memory_space<vmem>>) offsets(%dma_start3A_58 : memref<40xi32, #tpu.memory_space<vmem>>) semaphore(%arg14 : memref<!tpu.dma_semaphore, #tpu.memory_space<semaphore_mem>>)
      %dma_start3A_62 = arith.constant 120 : i32
      %dma_start3A_63 = arith.constant 0 : i32
      %dma_start3A_64 = tpu.memref_slice %arg9[%dma_start3A_62, %dma_start3A_63] : memref<280x128xf32, #tpu.memory_space<vmem>> -> memref<40x128xf32, #tpu.memory_space<vmem>>
      %dma_start3A_65 = arith.constant 120 : i32
      %dma_start3A_66 = tpu.memref_slice %arg7[%dma_start3A_65] : memref<280xi32, #tpu.memory_space<vmem>> -> memref<40xi32, #tpu.memory_space<vmem>>
      %dma_start3A_67 = arith.constant 0 : i32
      %dma_start3A_68 = arith.constant 0 : i32
      %dma_start3A_69 = tpu.memref_slice %arg2[%dma_start3A_67, %dma_start3A_68] : memref<100000x128xf32, #tpu.memory_space<hbm>> -> memref<100000x128xf32, #tpu.memory_space<hbm>>
      tpu.enqueue_indirect_dma source(%dma_start3A_69 : memref<100000x128xf32, #tpu.memory_space<hbm>>) target(%dma_start3A_64 : memref<40x128xf32, #tpu.memory_space<vmem>>) offsets(%dma_start3A_66 : memref<40xi32, #tpu.memory_space<vmem>>) semaphore(%arg14 : memref<!tpu.dma_semaphore, #tpu.memory_space<semaphore_mem>>)
      %dma_start3A_70 = arith.constant 160 : i32
      %dma_start3A_71 = arith.constant 0 : i32
      %dma_start3A_72 = tpu.memref_slice %arg9[%dma_start3A_70, %dma_start3A_71] : memref<280x128xf32, #tpu.memory_space<vmem>> -> memref<40x128xf32, #tpu.memory_space<vmem>>
      %dma_start3A_73 = arith.constant 160 : i32
      %dma_start3A_74 = tpu.memref_slice %arg7[%dma_start3A_73] : memref<280xi32, #tpu.memory_space<vmem>> -> memref<40xi32, #tpu.memory_space<vmem>>
      %dma_start3A_75 = arith.constant 0 : i32
      %dma_start3A_76 = arith.constant 0 : i32
      %dma_start3A_77 = tpu.memref_slice %arg2[%dma_start3A_75, %dma_start3A_76] : memref<100000x128xf32, #tpu.memory_space<hbm>> -> memref<100000x128xf32, #tpu.memory_space<hbm>>
      tpu.enqueue_indirect_dma source(%dma_start3A_77 : memref<100000x128xf32, #tpu.memory_space<hbm>>) target(%dma_start3A_72 : memref<40x128xf32, #tpu.memory_space<vmem>>) offsets(%dma_start3A_74 : memref<40xi32, #tpu.memory_space<vmem>>) semaphore(%arg14 : memref<!tpu.dma_semaphore, #tpu.memory_space<semaphore_mem>>)
      %dma_start3A_78 = arith.constant 200 : i32
      %dma_start3A_79 = arith.constant 0 : i32
      %dma_start3A_80 = tpu.memref_slice %arg9[%dma_start3A_78, %dma_start3A_79] : memref<280x128xf32, #tpu.memory_space<vmem>> -> memref<40x128xf32, #tpu.memory_space<vmem>>
      %dma_start3A_81 = arith.constant 200 : i32
      %dma_start3A_82 = tpu.memref_slice %arg7[%dma_start3A_81] : memref<280xi32, #tpu.memory_space<vmem>> -> memref<40xi32, #tpu.memory_space<vmem>>
      %dma_start3A_83 = arith.constant 0 : i32
      %dma_start3A_84 = arith.constant 0 : i32
      %dma_start3A_85 = tpu.memref_slice %arg2[%dma_start3A_83, %dma_start3A_84] : memref<100000x128xf32, #tpu.memory_space<hbm>> -> memref<100000x128xf32, #tpu.memory_space<hbm>>
      tpu.enqueue_indirect_dma source(%dma_start3A_85 : memref<100000x128xf32, #tpu.memory_space<hbm>>) target(%dma_start3A_80 : memref<40x128xf32, #tpu.memory_space<vmem>>) offsets(%dma_start3A_82 : memref<40xi32, #tpu.memory_space<vmem>>) semaphore(%arg14 : memref<!tpu.dma_semaphore, #tpu.memory_space<semaphore_mem>>)
      %dma_start3A_86 = arith.constant 240 : i32
      %dma_start3A_87 = arith.constant 0 : i32
      %dma_start3A_88 = tpu.memref_slice %arg9[%dma_start3A_86, %dma_start3A_87] : memref<280x128xf32, #tpu.memory_space<vmem>> -> memref<40x128xf32, #tpu.memory_space<vmem>>
      %dma_start3A_89 = arith.constant 240 : i32
      %dma_start3A_90 = tpu.memref_slice %arg7[%dma_start3A_89] : memref<280xi32, #tpu.memory_space<vmem>> -> memref<40xi32, #tpu.memory_space<vmem>>
      %dma_start3A_91 = arith.constant 0 : i32
      %dma_start3A_92 = arith.constant 0 : i32
      %dma_start3A_93 = tpu.memref_slice %arg2[%dma_start3A_91, %dma_start3A_92] : memref<100000x128xf32, #tpu.memory_space<hbm>> -> memref<100000x128xf32, #tpu.memory_space<hbm>>
      tpu.enqueue_indirect_dma source(%dma_start3A_93 : memref<100000x128xf32, #tpu.memory_space<hbm>>) target(%dma_start3A_88 : memref<40x128xf32, #tpu.memory_space<vmem>>) offsets(%dma_start3A_90 : memref<40xi32, #tpu.memory_space<vmem>>) semaphore(%arg14 : memref<!tpu.dma_semaphore, #tpu.memory_space<semaphore_mem>>)
      %mul3A_94 = arith.constant 40 : i32
      %mul3A_95 = arith.muli %add3A_31, %mul3A_94 : i32
      %dma_start3A_96 = tpu.memref_slice %arg11[%mul3A_95] : memref<800xf32, #tpu.memory_space<vmem>> -> memref<40xf32, #tpu.memory_space<vmem>>
      %dma_start3A_97 = arith.constant 0 : i32
      %dma_start3A_98 = tpu.memref_slice %arg7[%dma_start3A_97] : memref<280xi32, #tpu.memory_space<vmem>> -> memref<40xi32, #tpu.memory_space<vmem>>
      %dma_start3A_99 = arith.constant 0 : i32
      %dma_start3A_100 = tpu.memref_slice %arg3[%dma_start3A_99] : memref<100000xf32, #tpu.memory_space<hbm>> -> memref<100000xf32, #tpu.memory_space<hbm>>
      tpu.enqueue_indirect_dma source(%dma_start3A_100 : memref<100000xf32, #tpu.memory_space<hbm>>) target(%dma_start3A_96 : memref<40xf32, #tpu.memory_space<vmem>>) offsets(%dma_start3A_98 : memref<40xi32, #tpu.memory_space<vmem>>) semaphore(%arg14 : memref<!tpu.dma_semaphore, #tpu.memory_space<semaphore_mem>>)
      %dma_wait3A_101 = arith.constant 0 : i32
      %dma_wait3A_102 = arith.constant 0 : i32
      %dma_wait3A_103 = tpu.memref_slice %arg9[%dma_wait3A_101, %dma_wait3A_102] : memref<280x128xf32, #tpu.memory_space<vmem>> -> memref<40x128xf32, #tpu.memory_space<vmem>>
      %dma_wait3A_104 = arith.constant 0 : i32
      %dma_wait3A_105 = tpu.memref_slice %arg7[%dma_wait3A_104] : memref<280xi32, #tpu.memory_space<vmem>> -> memref<40xi32, #tpu.memory_space<vmem>>
      %dma_wait3A_106 = arith.constant 0 : i32
      %dma_wait3A_107 = arith.constant 0 : i32
      %dma_wait3A_108 = tpu.memref_slice %arg2[%dma_wait3A_106, %dma_wait3A_107] : memref<100000x128xf32, #tpu.memory_space<hbm>> -> memref<100000x128xf32, #tpu.memory_space<hbm>>
      tpu.wait_indirect_dma semaphore(%arg14 : memref<!tpu.dma_semaphore, #tpu.memory_space<semaphore_mem>>) src(%dma_wait3A_108 : memref<100000x128xf32, #tpu.memory_space<hbm>>) dst(%dma_wait3A_103 : memref<40x128xf32, #tpu.memory_space<vmem>>)
      %dma_wait3A_109 = arith.constant 40 : i32
      %dma_wait3A_110 = arith.constant 0 : i32
      %dma_wait3A_111 = tpu.memref_slice %arg9[%dma_wait3A_109, %dma_wait3A_110] : memref<280x128xf32, #tpu.memory_space<vmem>> -> memref<40x128xf32, #tpu.memory_space<vmem>>
      %dma_wait3A_112 = arith.constant 0 : i32
      %dma_wait3A_113 = tpu.memref_slice %arg7[%dma_wait3A_112] : memref<280xi32, #tpu.memory_space<vmem>> -> memref<40xi32, #tpu.memory_space<vmem>>
      %dma_wait3A_114 = arith.constant 0 : i32
      %dma_wait3A_115 = arith.constant 0 : i32
      %dma_wait3A_116 = tpu.memref_slice %arg2[%dma_wait3A_114, %dma_wait3A_115] : memref<100000x128xf32, #tpu.memory_space<hbm>> -> memref<100000x128xf32, #tpu.memory_space<hbm>>
      tpu.wait_indirect_dma semaphore(%arg14 : memref<!tpu.dma_semaphore, #tpu.memory_space<semaphore_mem>>) src(%dma_wait3A_116 : memref<100000x128xf32, #tpu.memory_space<hbm>>) dst(%dma_wait3A_111 : memref<40x128xf32, #tpu.memory_space<vmem>>)
      %dma_wait3A_117 = arith.constant 80 : i32
      %dma_wait3A_118 = arith.constant 0 : i32
      %dma_wait3A_119 = tpu.memref_slice %arg9[%dma_wait3A_117, %dma_wait3A_118] : memref<280x128xf32, #tpu.memory_space<vmem>> -> memref<40x128xf32, #tpu.memory_space<vmem>>
      %dma_wait3A_120 = arith.constant 0 : i32
      %dma_wait3A_121 = tpu.memref_slice %arg7[%dma_wait3A_120] : memref<280xi32, #tpu.memory_space<vmem>> -> memref<40xi32, #tpu.memory_space<vmem>>
      %dma_wait3A_122 = arith.constant 0 : i32
      %dma_wait3A_123 = arith.constant 0 : i32
      %dma_wait3A_124 = tpu.memref_slice %arg2[%dma_wait3A_122, %dma_wait3A_123] : memref<100000x128xf32, #tpu.memory_space<hbm>> -> memref<100000x128xf32, #tpu.memory_space<hbm>>
      tpu.wait_indirect_dma semaphore(%arg14 : memref<!tpu.dma_semaphore, #tpu.memory_space<semaphore_mem>>) src(%dma_wait3A_124 : memref<100000x128xf32, #tpu.memory_space<hbm>>) dst(%dma_wait3A_119 : memref<40x128xf32, #tpu.memory_space<vmem>>)
      %dma_wait3A_125 = arith.constant 120 : i32
      %dma_wait3A_126 = arith.constant 0 : i32
      %dma_wait3A_127 = tpu.memref_slice %arg9[%dma_wait3A_125, %dma_wait3A_126] : memref<280x128xf32, #tpu.memory_space<vmem>> -> memref<40x128xf32, #tpu.memory_space<vmem>>
      %dma_wait3A_128 = arith.constant 0 : i32
      %dma_wait3A_129 = tpu.memref_slice %arg7[%dma_wait3A_128] : memref<280xi32, #tpu.memory_space<vmem>> -> memref<40xi32, #tpu.memory_space<vmem>>
      %dma_wait3A_130 = arith.constant 0 : i32
      %dma_wait3A_131 = arith.constant 0 : i32
      %dma_wait3A_132 = tpu.memref_slice %arg2[%dma_wait3A_130, %dma_wait3A_131] : memref<100000x128xf32, #tpu.memory_space<hbm>> -> memref<100000x128xf32, #tpu.memory_space<hbm>>
      tpu.wait_indirect_dma semaphore(%arg14 : memref<!tpu.dma_semaphore, #tpu.memory_space<semaphore_mem>>) src(%dma_wait3A_132 : memref<100000x128xf32, #tpu.memory_space<hbm>>) dst(%dma_wait3A_127 : memref<40x128xf32, #tpu.memory_space<vmem>>)
      %dma_wait3A_133 = arith.constant 160 : i32
      %dma_wait3A_134 = arith.constant 0 : i32
      %dma_wait3A_135 = tpu.memref_slice %arg9[%dma_wait3A_133, %dma_wait3A_134] : memref<280x128xf32, #tpu.memory_space<vmem>> -> memref<40x128xf32, #tpu.memory_space<vmem>>
      %dma_wait3A_136 = arith.constant 0 : i32
      %dma_wait3A_137 = tpu.memref_slice %arg7[%dma_wait3A_136] : memref<280xi32, #tpu.memory_space<vmem>> -> memref<40xi32, #tpu.memory_space<vmem>>
      %dma_wait3A_138 = arith.constant 0 : i32
      %dma_wait3A_139 = arith.constant 0 : i32
      %dma_wait3A_140 = tpu.memref_slice %arg2[%dma_wait3A_138, %dma_wait3A_139] : memref<100000x128xf32, #tpu.memory_space<hbm>> -> memref<100000x128xf32, #tpu.memory_space<hbm>>
      tpu.wait_indirect_dma semaphore(%arg14 : memref<!tpu.dma_semaphore, #tpu.memory_space<semaphore_mem>>) src(%dma_wait3A_140 : memref<100000x128xf32, #tpu.memory_space<hbm>>) dst(%dma_wait3A_135 : memref<40x128xf32, #tpu.memory_space<vmem>>)
      %dma_wait3A_141 = arith.constant 200 : i32
      %dma_wait3A_142 = arith.constant 0 : i32
      %dma_wait3A_143 = tpu.memref_slice %arg9[%dma_wait3A_141, %dma_wait3A_142] : memref<280x128xf32, #tpu.memory_space<vmem>> -> memref<40x128xf32, #tpu.memory_space<vmem>>
      %dma_wait3A_144 = arith.constant 0 : i32
      %dma_wait3A_145 = tpu.memref_slice %arg7[%dma_wait3A_144] : memref<280xi32, #tpu.memory_space<vmem>> -> memref<40xi32, #tpu.memory_space<vmem>>
      %dma_wait3A_146 = arith.constant 0 : i32
      %dma_wait3A_147 = arith.constant 0 : i32
      %dma_wait3A_148 = tpu.memref_slice %arg2[%dma_wait3A_146, %dma_wait3A_147] : memref<100000x128xf32, #tpu.memory_space<hbm>> -> memref<100000x128xf32, #tpu.memory_space<hbm>>
      tpu.wait_indirect_dma semaphore(%arg14 : memref<!tpu.dma_semaphore, #tpu.memory_space<semaphore_mem>>) src(%dma_wait3A_148 : memref<100000x128xf32, #tpu.memory_space<hbm>>) dst(%dma_wait3A_143 : memref<40x128xf32, #tpu.memory_space<vmem>>)
      %dma_wait3A_149 = arith.constant 240 : i32
      %dma_wait3A_150 = arith.constant 0 : i32
      %dma_wait3A_151 = tpu.memref_slice %arg9[%dma_wait3A_149, %dma_wait3A_150] : memref<280x128xf32, #tpu.memory_space<vmem>> -> memref<40x128xf32, #tpu.memory_space<vmem>>
      %dma_wait3A_152 = arith.constant 0 : i32
      %dma_wait3A_153 = tpu.memref_slice %arg7[%dma_wait3A_152] : memref<280xi32, #tpu.memory_space<vmem>> -> memref<40xi32, #tpu.memory_space<vmem>>
      %dma_wait3A_154 = arith.constant 0 : i32
      %dma_wait3A_155 = arith.constant 0 : i32
      %dma_wait3A_156 = tpu.memref_slice %arg2[%dma_wait3A_154, %dma_wait3A_155] : memref<100000x128xf32, #tpu.memory_space<hbm>> -> memref<100000x128xf32, #tpu.memory_space<hbm>>
      tpu.wait_indirect_dma semaphore(%arg14 : memref<!tpu.dma_semaphore, #tpu.memory_space<semaphore_mem>>) src(%dma_wait3A_156 : memref<100000x128xf32, #tpu.memory_space<hbm>>) dst(%dma_wait3A_151 : memref<40x128xf32, #tpu.memory_space<vmem>>)
      %dma_wait3A_157 = arith.constant 0 : i32
      %dma_wait3A_158 = tpu.memref_slice %arg11[%dma_wait3A_157] : memref<800xf32, #tpu.memory_space<vmem>> -> memref<40xf32, #tpu.memory_space<vmem>>
      %dma_wait3A_159 = arith.constant 0 : i32
      %dma_wait3A_160 = tpu.memref_slice %arg7[%dma_wait3A_159] : memref<280xi32, #tpu.memory_space<vmem>> -> memref<40xi32, #tpu.memory_space<vmem>>
      %dma_wait3A_161 = arith.constant 0 : i32
      %dma_wait3A_162 = tpu.memref_slice %arg3[%dma_wait3A_161] : memref<100000xf32, #tpu.memory_space<hbm>> -> memref<100000xf32, #tpu.memory_space<hbm>>
      tpu.wait_indirect_dma semaphore(%arg14 : memref<!tpu.dma_semaphore, #tpu.memory_space<semaphore_mem>>) src(%dma_wait3A_162 : memref<100000xf32, #tpu.memory_space<hbm>>) dst(%dma_wait3A_158 : memref<40xf32, #tpu.memory_space<vmem>>)
      %add3A_163 = arith.constant 2 : i32
      %add3A_164 = arith.addi %add3A_31, %add3A_163 : i32
      %lt3A = arith.constant 20 : i32
      %lt3A_165 = arith.cmpi slt, %add3A_164, %lt3A : i32
      %convert_element_type3A_166 = arith.extui %lt3A_165 : i1 to i32
      %cond3A_167 = arith.constant 0 : i32
      %cond3A_168 = arith.cmpi ne, %convert_element_type3A_166, %cond3A_167 : i32
      scf.if %cond3A_168 {
        %add3A_328 = arith.constant 2 : i32
        %add3A_329 = arith.addi %add3A_31, %add3A_328 : i32
        %mul3A_330 = arith.constant 280 : i32
        %mul3A_331 = arith.muli %add3A_329, %mul3A_330 : i32
        %add3A_332 = arith.addi %multiple_of3A, %mul3A_331 : i32
        %dma_start3A_333 = tpu.memref_slice %arg4[%add3A_332] : memref<179200xi32, #tpu.memory_space<hbm>> -> memref<280xi32, #tpu.memory_space<hbm>>
        %dma_start3A_334 = tpu.memref_slice %arg4[%add3A_332] : memref<179200xi32, #tpu.memory_space<hbm>> -> memref<280xi32, #tpu.memory_space<hbm>>
        tpu.enqueue_dma source(%dma_start3A_334 : memref<280xi32, #tpu.memory_space<hbm>>) target(%arg7 : memref<280xi32, #tpu.memory_space<vmem>>) target_semaphore(%arg12 : memref<!tpu.dma_semaphore, #tpu.memory_space<semaphore_mem>>)
      } else {
      }
      %mul3A_169 = arith.constant 280 : i32
      %mul3A_170 = arith.muli %add3A_31, %mul3A_169 : i32
      %add3A_171 = arith.addi %multiple_of3A, %mul3A_170 : i32
      %dma_start3A_172 = arith.constant 0 : i32
      %dma_start3A_173 = tpu.memref_slice %arg5[%add3A_171, %dma_start3A_172] : memref<179200x128xf32, #tpu.memory_space<hbm>> -> memref<280x128xf32, #tpu.memory_space<hbm>>
      %dma_start3A_174 = arith.constant 0 : i32
      %dma_start3A_175 = tpu.memref_slice %arg5[%add3A_171, %dma_start3A_174] : memref<179200x128xf32, #tpu.memory_space<hbm>> -> memref<280x128xf32, #tpu.memory_space<hbm>>
      tpu.enqueue_dma source(%arg9 : memref<280x128xf32, #tpu.memory_space<vmem>>) target(%dma_start3A_175 : memref<280x128xf32, #tpu.memory_space<hbm>>) target_semaphore(%arg16 : memref<!tpu.dma_semaphore, #tpu.memory_space<semaphore_mem>>)
      %mul3A_176 = arith.constant 2 : i32
      %mul3A_177 = arith.muli %mul3A_176, %scan3A_27 : i32
      %add3A_178 = arith.constant 1 : i32
      %add3A_179 = arith.addi %mul3A_177, %add3A_178 : i32
      %ge3A_180 = arith.constant 2 : i32
      %ge3A_181 = arith.cmpi sge, %add3A_179, %ge3A_180 : i32
      %convert_element_type3A_182 = arith.extui %ge3A_181 : i1 to i32
      %cond3A_183 = arith.constant 0 : i32
      %cond3A_184 = arith.cmpi ne, %convert_element_type3A_182, %cond3A_183 : i32
      scf.if %cond3A_184 {
        %dma_wait3A_328 = arith.constant 0 : i32
        %dma_wait3A_329 = tpu.memref_slice %arg5[%multiple_of3A, %dma_wait3A_328] : memref<179200x128xf32, #tpu.memory_space<hbm>> -> memref<280x128xf32, #tpu.memory_space<hbm>>
        %dma_wait3A_330 = arith.constant 0 : i32
        %dma_wait3A_331 = tpu.memref_slice %arg5[%multiple_of3A, %dma_wait3A_330] : memref<179200x128xf32, #tpu.memory_space<hbm>> -> memref<280x128xf32, #tpu.memory_space<hbm>>
        tpu.wait_dma2 semaphore(%arg17 : memref<!tpu.dma_semaphore, #tpu.memory_space<semaphore_mem>>) src(%arg10 : memref<280x128xf32, #tpu.memory_space<vmem>>) dst(%dma_wait3A_331 : memref<280x128xf32, #tpu.memory_space<hbm>>)
      } else {
      }
      %add3A_185 = arith.constant 0 : i32
      %add3A_186 = arith.addi %multiple_of3A, %add3A_185 : i32
      %dma_wait3A_187 = tpu.memref_slice %arg4[%add3A_186] : memref<179200xi32, #tpu.memory_space<hbm>> -> memref<280xi32, #tpu.memory_space<hbm>>
      %dma_wait3A_188 = tpu.memref_slice %arg4[%add3A_186] : memref<179200xi32, #tpu.memory_space<hbm>> -> memref<280xi32, #tpu.memory_space<hbm>>
      tpu.wait_dma2 semaphore(%arg13 : memref<!tpu.dma_semaphore, #tpu.memory_space<semaphore_mem>>) src(%dma_wait3A_188 : memref<280xi32, #tpu.memory_space<hbm>>) dst(%arg8 : memref<280xi32, #tpu.memory_space<vmem>>)
      %dma_start3A_189 = arith.constant 0 : i32
      %dma_start3A_190 = arith.constant 0 : i32
      %dma_start3A_191 = tpu.memref_slice %arg10[%dma_start3A_189, %dma_start3A_190] : memref<280x128xf32, #tpu.memory_space<vmem>> -> memref<40x128xf32, #tpu.memory_space<vmem>>
      %dma_start3A_192 = arith.constant 0 : i32
      %dma_start3A_193 = tpu.memref_slice %arg8[%dma_start3A_192] : memref<280xi32, #tpu.memory_space<vmem>> -> memref<40xi32, #tpu.memory_space<vmem>>
      %dma_start3A_194 = arith.constant 0 : i32
      %dma_start3A_195 = arith.constant 0 : i32
      %dma_start3A_196 = tpu.memref_slice %arg2[%dma_start3A_194, %dma_start3A_195] : memref<100000x128xf32, #tpu.memory_space<hbm>> -> memref<100000x128xf32, #tpu.memory_space<hbm>>
      tpu.enqueue_indirect_dma source(%dma_start3A_196 : memref<100000x128xf32, #tpu.memory_space<hbm>>) target(%dma_start3A_191 : memref<40x128xf32, #tpu.memory_space<vmem>>) offsets(%dma_start3A_193 : memref<40xi32, #tpu.memory_space<vmem>>) semaphore(%arg15 : memref<!tpu.dma_semaphore, #tpu.memory_space<semaphore_mem>>)
      %dma_start3A_197 = arith.constant 40 : i32
      %dma_start3A_198 = arith.constant 0 : i32
      %dma_start3A_199 = tpu.memref_slice %arg10[%dma_start3A_197, %dma_start3A_198] : memref<280x128xf32, #tpu.memory_space<vmem>> -> memref<40x128xf32, #tpu.memory_space<vmem>>
      %dma_start3A_200 = arith.constant 40 : i32
      %dma_start3A_201 = tpu.memref_slice %arg8[%dma_start3A_200] : memref<280xi32, #tpu.memory_space<vmem>> -> memref<40xi32, #tpu.memory_space<vmem>>
      %dma_start3A_202 = arith.constant 0 : i32
      %dma_start3A_203 = arith.constant 0 : i32
      %dma_start3A_204 = tpu.memref_slice %arg2[%dma_start3A_202, %dma_start3A_203] : memref<100000x128xf32, #tpu.memory_space<hbm>> -> memref<100000x128xf32, #tpu.memory_space<hbm>>
      tpu.enqueue_indirect_dma source(%dma_start3A_204 : memref<100000x128xf32, #tpu.memory_space<hbm>>) target(%dma_start3A_199 : memref<40x128xf32, #tpu.memory_space<vmem>>) offsets(%dma_start3A_201 : memref<40xi32, #tpu.memory_space<vmem>>) semaphore(%arg15 : memref<!tpu.dma_semaphore, #tpu.memory_space<semaphore_mem>>)
      %dma_start3A_205 = arith.constant 80 : i32
      %dma_start3A_206 = arith.constant 0 : i32
      %dma_start3A_207 = tpu.memref_slice %arg10[%dma_start3A_205, %dma_start3A_206] : memref<280x128xf32, #tpu.memory_space<vmem>> -> memref<40x128xf32, #tpu.memory_space<vmem>>
      %dma_start3A_208 = arith.constant 80 : i32
      %dma_start3A_209 = tpu.memref_slice %arg8[%dma_start3A_208] : memref<280xi32, #tpu.memory_space<vmem>> -> memref<40xi32, #tpu.memory_space<vmem>>
      %dma_start3A_210 = arith.constant 0 : i32
      %dma_start3A_211 = arith.constant 0 : i32
      %dma_start3A_212 = tpu.memref_slice %arg2[%dma_start3A_210, %dma_start3A_211] : memref<100000x128xf32, #tpu.memory_space<hbm>> -> memref<100000x128xf32, #tpu.memory_space<hbm>>
      tpu.enqueue_indirect_dma source(%dma_start3A_212 : memref<100000x128xf32, #tpu.memory_space<hbm>>) target(%dma_start3A_207 : memref<40x128xf32, #tpu.memory_space<vmem>>) offsets(%dma_start3A_209 : memref<40xi32, #tpu.memory_space<vmem>>) semaphore(%arg15 : memref<!tpu.dma_semaphore, #tpu.memory_space<semaphore_mem>>)
      %dma_start3A_213 = arith.constant 120 : i32
      %dma_start3A_214 = arith.constant 0 : i32
      %dma_start3A_215 = tpu.memref_slice %arg10[%dma_start3A_213, %dma_start3A_214] : memref<280x128xf32, #tpu.memory_space<vmem>> -> memref<40x128xf32, #tpu.memory_space<vmem>>
      %dma_start3A_216 = arith.constant 120 : i32
      %dma_start3A_217 = tpu.memref_slice %arg8[%dma_start3A_216] : memref<280xi32, #tpu.memory_space<vmem>> -> memref<40xi32, #tpu.memory_space<vmem>>
      %dma_start3A_218 = arith.constant 0 : i32
      %dma_start3A_219 = arith.constant 0 : i32
      %dma_start3A_220 = tpu.memref_slice %arg2[%dma_start3A_218, %dma_start3A_219] : memref<100000x128xf32, #tpu.memory_space<hbm>> -> memref<100000x128xf32, #tpu.memory_space<hbm>>
      tpu.enqueue_indirect_dma source(%dma_start3A_220 : memref<100000x128xf32, #tpu.memory_space<hbm>>) target(%dma_start3A_215 : memref<40x128xf32, #tpu.memory_space<vmem>>) offsets(%dma_start3A_217 : memref<40xi32, #tpu.memory_space<vmem>>) semaphore(%arg15 : memref<!tpu.dma_semaphore, #tpu.memory_space<semaphore_mem>>)
      %dma_start3A_221 = arith.constant 160 : i32
      %dma_start3A_222 = arith.constant 0 : i32
      %dma_start3A_223 = tpu.memref_slice %arg10[%dma_start3A_221, %dma_start3A_222] : memref<280x128xf32, #tpu.memory_space<vmem>> -> memref<40x128xf32, #tpu.memory_space<vmem>>
      %dma_start3A_224 = arith.constant 160 : i32
      %dma_start3A_225 = tpu.memref_slice %arg8[%dma_start3A_224] : memref<280xi32, #tpu.memory_space<vmem>> -> memref<40xi32, #tpu.memory_space<vmem>>
      %dma_start3A_226 = arith.constant 0 : i32
      %dma_start3A_227 = arith.constant 0 : i32
      %dma_start3A_228 = tpu.memref_slice %arg2[%dma_start3A_226, %dma_start3A_227] : memref<100000x128xf32, #tpu.memory_space<hbm>> -> memref<100000x128xf32, #tpu.memory_space<hbm>>
      tpu.enqueue_indirect_dma source(%dma_start3A_228 : memref<100000x128xf32, #tpu.memory_space<hbm>>) target(%dma_start3A_223 : memref<40x128xf32, #tpu.memory_space<vmem>>) offsets(%dma_start3A_225 : memref<40xi32, #tpu.memory_space<vmem>>) semaphore(%arg15 : memref<!tpu.dma_semaphore, #tpu.memory_space<semaphore_mem>>)
      %dma_start3A_229 = arith.constant 200 : i32
      %dma_start3A_230 = arith.constant 0 : i32
      %dma_start3A_231 = tpu.memref_slice %arg10[%dma_start3A_229, %dma_start3A_230] : memref<280x128xf32, #tpu.memory_space<vmem>> -> memref<40x128xf32, #tpu.memory_space<vmem>>
      %dma_start3A_232 = arith.constant 200 : i32
      %dma_start3A_233 = tpu.memref_slice %arg8[%dma_start3A_232] : memref<280xi32, #tpu.memory_space<vmem>> -> memref<40xi32, #tpu.memory_space<vmem>>
      %dma_start3A_234 = arith.constant 0 : i32
      %dma_start3A_235 = arith.constant 0 : i32
      %dma_start3A_236 = tpu.memref_slice %arg2[%dma_start3A_234, %dma_start3A_235] : memref<100000x128xf32, #tpu.memory_space<hbm>> -> memref<100000x128xf32, #tpu.memory_space<hbm>>
      tpu.enqueue_indirect_dma source(%dma_start3A_236 : memref<100000x128xf32, #tpu.memory_space<hbm>>) target(%dma_start3A_231 : memref<40x128xf32, #tpu.memory_space<vmem>>) offsets(%dma_start3A_233 : memref<40xi32, #tpu.memory_space<vmem>>) semaphore(%arg15 : memref<!tpu.dma_semaphore, #tpu.memory_space<semaphore_mem>>)
      %dma_start3A_237 = arith.constant 240 : i32
      %dma_start3A_238 = arith.constant 0 : i32
      %dma_start3A_239 = tpu.memref_slice %arg10[%dma_start3A_237, %dma_start3A_238] : memref<280x128xf32, #tpu.memory_space<vmem>> -> memref<40x128xf32, #tpu.memory_space<vmem>>
      %dma_start3A_240 = arith.constant 240 : i32
      %dma_start3A_241 = tpu.memref_slice %arg8[%dma_start3A_240] : memref<280xi32, #tpu.memory_space<vmem>> -> memref<40xi32, #tpu.memory_space<vmem>>
      %dma_start3A_242 = arith.constant 0 : i32
      %dma_start3A_243 = arith.constant 0 : i32
      %dma_start3A_244 = tpu.memref_slice %arg2[%dma_start3A_242, %dma_start3A_243] : memref<100000x128xf32, #tpu.memory_space<hbm>> -> memref<100000x128xf32, #tpu.memory_space<hbm>>
      tpu.enqueue_indirect_dma source(%dma_start3A_244 : memref<100000x128xf32, #tpu.memory_space<hbm>>) target(%dma_start3A_239 : memref<40x128xf32, #tpu.memory_space<vmem>>) offsets(%dma_start3A_241 : memref<40xi32, #tpu.memory_space<vmem>>) semaphore(%arg15 : memref<!tpu.dma_semaphore, #tpu.memory_space<semaphore_mem>>)
      %mul3A_245 = arith.constant 40 : i32
      %mul3A_246 = arith.muli %add3A_179, %mul3A_245 : i32
      %dma_start3A_247 = tpu.memref_slice %arg11[%mul3A_246] : memref<800xf32, #tpu.memory_space<vmem>> -> memref<40xf32, #tpu.memory_space<vmem>>
      %dma_start3A_248 = arith.constant 0 : i32
      %dma_start3A_249 = tpu.memref_slice %arg8[%dma_start3A_248] : memref<280xi32, #tpu.memory_space<vmem>> -> memref<40xi32, #tpu.memory_space<vmem>>
      %dma_start3A_250 = arith.constant 0 : i32
      %dma_start3A_251 = tpu.memref_slice %arg3[%dma_start3A_250] : memref<100000xf32, #tpu.memory_space<hbm>> -> memref<100000xf32, #tpu.memory_space<hbm>>
      tpu.enqueue_indirect_dma source(%dma_start3A_251 : memref<100000xf32, #tpu.memory_space<hbm>>) target(%dma_start3A_247 : memref<40xf32, #tpu.memory_space<vmem>>) offsets(%dma_start3A_249 : memref<40xi32, #tpu.memory_space<vmem>>) semaphore(%arg15 : memref<!tpu.dma_semaphore, #tpu.memory_space<semaphore_mem>>)
      %dma_wait3A_252 = arith.constant 0 : i32
      %dma_wait3A_253 = arith.constant 0 : i32
      %dma_wait3A_254 = tpu.memref_slice %arg10[%dma_wait3A_252, %dma_wait3A_253] : memref<280x128xf32, #tpu.memory_space<vmem>> -> memref<40x128xf32, #tpu.memory_space<vmem>>
      %dma_wait3A_255 = arith.constant 0 : i32
      %dma_wait3A_256 = tpu.memref_slice %arg8[%dma_wait3A_255] : memref<280xi32, #tpu.memory_space<vmem>> -> memref<40xi32, #tpu.memory_space<vmem>>
      %dma_wait3A_257 = arith.constant 0 : i32
      %dma_wait3A_258 = arith.constant 0 : i32
      %dma_wait3A_259 = tpu.memref_slice %arg2[%dma_wait3A_257, %dma_wait3A_258] : memref<100000x128xf32, #tpu.memory_space<hbm>> -> memref<100000x128xf32, #tpu.memory_space<hbm>>
      tpu.wait_indirect_dma semaphore(%arg15 : memref<!tpu.dma_semaphore, #tpu.memory_space<semaphore_mem>>) src(%dma_wait3A_259 : memref<100000x128xf32, #tpu.memory_space<hbm>>) dst(%dma_wait3A_254 : memref<40x128xf32, #tpu.memory_space<vmem>>)
      %dma_wait3A_260 = arith.constant 40 : i32
      %dma_wait3A_261 = arith.constant 0 : i32
      %dma_wait3A_262 = tpu.memref_slice %arg10[%dma_wait3A_260, %dma_wait3A_261] : memref<280x128xf32, #tpu.memory_space<vmem>> -> memref<40x128xf32, #tpu.memory_space<vmem>>
      %dma_wait3A_263 = arith.constant 0 : i32
      %dma_wait3A_264 = tpu.memref_slice %arg8[%dma_wait3A_263] : memref<280xi32, #tpu.memory_space<vmem>> -> memref<40xi32, #tpu.memory_space<vmem>>
      %dma_wait3A_265 = arith.constant 0 : i32
      %dma_wait3A_266 = arith.constant 0 : i32
      %dma_wait3A_267 = tpu.memref_slice %arg2[%dma_wait3A_265, %dma_wait3A_266] : memref<100000x128xf32, #tpu.memory_space<hbm>> -> memref<100000x128xf32, #tpu.memory_space<hbm>>
      tpu.wait_indirect_dma semaphore(%arg15 : memref<!tpu.dma_semaphore, #tpu.memory_space<semaphore_mem>>) src(%dma_wait3A_267 : memref<100000x128xf32, #tpu.memory_space<hbm>>) dst(%dma_wait3A_262 : memref<40x128xf32, #tpu.memory_space<vmem>>)
      %dma_wait3A_268 = arith.constant 80 : i32
      %dma_wait3A_269 = arith.constant 0 : i32
      %dma_wait3A_270 = tpu.memref_slice %arg10[%dma_wait3A_268, %dma_wait3A_269] : memref<280x128xf32, #tpu.memory_space<vmem>> -> memref<40x128xf32, #tpu.memory_space<vmem>>
      %dma_wait3A_271 = arith.constant 0 : i32
      %dma_wait3A_272 = tpu.memref_slice %arg8[%dma_wait3A_271] : memref<280xi32, #tpu.memory_space<vmem>> -> memref<40xi32, #tpu.memory_space<vmem>>
      %dma_wait3A_273 = arith.constant 0 : i32
      %dma_wait3A_274 = arith.constant 0 : i32
      %dma_wait3A_275 = tpu.memref_slice %arg2[%dma_wait3A_273, %dma_wait3A_274] : memref<100000x128xf32, #tpu.memory_space<hbm>> -> memref<100000x128xf32, #tpu.memory_space<hbm>>
      tpu.wait_indirect_dma semaphore(%arg15 : memref<!tpu.dma_semaphore, #tpu.memory_space<semaphore_mem>>) src(%dma_wait3A_275 : memref<100000x128xf32, #tpu.memory_space<hbm>>) dst(%dma_wait3A_270 : memref<40x128xf32, #tpu.memory_space<vmem>>)
      %dma_wait3A_276 = arith.constant 120 : i32
      %dma_wait3A_277 = arith.constant 0 : i32
      %dma_wait3A_278 = tpu.memref_slice %arg10[%dma_wait3A_276, %dma_wait3A_277] : memref<280x128xf32, #tpu.memory_space<vmem>> -> memref<40x128xf32, #tpu.memory_space<vmem>>
      %dma_wait3A_279 = arith.constant 0 : i32
      %dma_wait3A_280 = tpu.memref_slice %arg8[%dma_wait3A_279] : memref<280xi32, #tpu.memory_space<vmem>> -> memref<40xi32, #tpu.memory_space<vmem>>
      %dma_wait3A_281 = arith.constant 0 : i32
      %dma_wait3A_282 = arith.constant 0 : i32
      %dma_wait3A_283 = tpu.memref_slice %arg2[%dma_wait3A_281, %dma_wait3A_282] : memref<100000x128xf32, #tpu.memory_space<hbm>> -> memref<100000x128xf32, #tpu.memory_space<hbm>>
      tpu.wait_indirect_dma semaphore(%arg15 : memref<!tpu.dma_semaphore, #tpu.memory_space<semaphore_mem>>) src(%dma_wait3A_283 : memref<100000x128xf32, #tpu.memory_space<hbm>>) dst(%dma_wait3A_278 : memref<40x128xf32, #tpu.memory_space<vmem>>)
      %dma_wait3A_284 = arith.constant 160 : i32
      %dma_wait3A_285 = arith.constant 0 : i32
      %dma_wait3A_286 = tpu.memref_slice %arg10[%dma_wait3A_284, %dma_wait3A_285] : memref<280x128xf32, #tpu.memory_space<vmem>> -> memref<40x128xf32, #tpu.memory_space<vmem>>
      %dma_wait3A_287 = arith.constant 0 : i32
      %dma_wait3A_288 = tpu.memref_slice %arg8[%dma_wait3A_287] : memref<280xi32, #tpu.memory_space<vmem>> -> memref<40xi32, #tpu.memory_space<vmem>>
      %dma_wait3A_289 = arith.constant 0 : i32
      %dma_wait3A_290 = arith.constant 0 : i32
      %dma_wait3A_291 = tpu.memref_slice %arg2[%dma_wait3A_289, %dma_wait3A_290] : memref<100000x128xf32, #tpu.memory_space<hbm>> -> memref<100000x128xf32, #tpu.memory_space<hbm>>
      tpu.wait_indirect_dma semaphore(%arg15 : memref<!tpu.dma_semaphore, #tpu.memory_space<semaphore_mem>>) src(%dma_wait3A_291 : memref<100000x128xf32, #tpu.memory_space<hbm>>) dst(%dma_wait3A_286 : memref<40x128xf32, #tpu.memory_space<vmem>>)
      %dma_wait3A_292 = arith.constant 200 : i32
      %dma_wait3A_293 = arith.constant 0 : i32
      %dma_wait3A_294 = tpu.memref_slice %arg10[%dma_wait3A_292, %dma_wait3A_293] : memref<280x128xf32, #tpu.memory_space<vmem>> -> memref<40x128xf32, #tpu.memory_space<vmem>>
      %dma_wait3A_295 = arith.constant 0 : i32
      %dma_wait3A_296 = tpu.memref_slice %arg8[%dma_wait3A_295] : memref<280xi32, #tpu.memory_space<vmem>> -> memref<40xi32, #tpu.memory_space<vmem>>
      %dma_wait3A_297 = arith.constant 0 : i32
      %dma_wait3A_298 = arith.constant 0 : i32
      %dma_wait3A_299 = tpu.memref_slice %arg2[%dma_wait3A_297, %dma_wait3A_298] : memref<100000x128xf32, #tpu.memory_space<hbm>> -> memref<100000x128xf32, #tpu.memory_space<hbm>>
      tpu.wait_indirect_dma semaphore(%arg15 : memref<!tpu.dma_semaphore, #tpu.memory_space<semaphore_mem>>) src(%dma_wait3A_299 : memref<100000x128xf32, #tpu.memory_space<hbm>>) dst(%dma_wait3A_294 : memref<40x128xf32, #tpu.memory_space<vmem>>)
      %dma_wait3A_300 = arith.constant 240 : i32
      %dma_wait3A_301 = arith.constant 0 : i32
      %dma_wait3A_302 = tpu.memref_slice %arg10[%dma_wait3A_300, %dma_wait3A_301] : memref<280x128xf32, #tpu.memory_space<vmem>> -> memref<40x128xf32, #tpu.memory_space<vmem>>
      %dma_wait3A_303 = arith.constant 0 : i32
      %dma_wait3A_304 = tpu.memref_slice %arg8[%dma_wait3A_303] : memref<280xi32, #tpu.memory_space<vmem>> -> memref<40xi32, #tpu.memory_space<vmem>>
      %dma_wait3A_305 = arith.constant 0 : i32
      %dma_wait3A_306 = arith.constant 0 : i32
      %dma_wait3A_307 = tpu.memref_slice %arg2[%dma_wait3A_305, %dma_wait3A_306] : memref<100000x128xf32, #tpu.memory_space<hbm>> -> memref<100000x128xf32, #tpu.memory_space<hbm>>
      tpu.wait_indirect_dma semaphore(%arg15 : memref<!tpu.dma_semaphore, #tpu.memory_space<semaphore_mem>>) src(%dma_wait3A_307 : memref<100000x128xf32, #tpu.memory_space<hbm>>) dst(%dma_wait3A_302 : memref<40x128xf32, #tpu.memory_space<vmem>>)
      %dma_wait3A_308 = arith.constant 0 : i32
      %dma_wait3A_309 = tpu.memref_slice %arg11[%dma_wait3A_308] : memref<800xf32, #tpu.memory_space<vmem>> -> memref<40xf32, #tpu.memory_space<vmem>>
      %dma_wait3A_310 = arith.constant 0 : i32
      %dma_wait3A_311 = tpu.memref_slice %arg8[%dma_wait3A_310] : memref<280xi32, #tpu.memory_space<vmem>> -> memref<40xi32, #tpu.memory_space<vmem>>
      %dma_wait3A_312 = arith.constant 0 : i32
      %dma_wait3A_313 = tpu.memref_slice %arg3[%dma_wait3A_312] : memref<100000xf32, #tpu.memory_space<hbm>> -> memref<100000xf32, #tpu.memory_space<hbm>>
      tpu.wait_indirect_dma semaphore(%arg15 : memref<!tpu.dma_semaphore, #tpu.memory_space<semaphore_mem>>) src(%dma_wait3A_313 : memref<100000xf32, #tpu.memory_space<hbm>>) dst(%dma_wait3A_309 : memref<40xf32, #tpu.memory_space<vmem>>)
      %add3A_314 = arith.constant 2 : i32
      %add3A_315 = arith.addi %add3A_179, %add3A_314 : i32
      %lt3A_316 = arith.constant 20 : i32
      %lt3A_317 = arith.cmpi slt, %add3A_315, %lt3A_316 : i32
      %convert_element_type3A_318 = arith.extui %lt3A_317 : i1 to i32
      %cond3A_319 = arith.constant 0 : i32
      %cond3A_320 = arith.cmpi ne, %convert_element_type3A_318, %cond3A_319 : i32
      scf.if %cond3A_320 {
        %add3A_328 = arith.constant 2 : i32
        %add3A_329 = arith.addi %add3A_179, %add3A_328 : i32
        %mul3A_330 = arith.constant 280 : i32
        %mul3A_331 = arith.muli %add3A_329, %mul3A_330 : i32
        %add3A_332 = arith.addi %multiple_of3A, %mul3A_331 : i32
        %dma_start3A_333 = tpu.memref_slice %arg4[%add3A_332] : memref<179200xi32, #tpu.memory_space<hbm>> -> memref<280xi32, #tpu.memory_space<hbm>>
        %dma_start3A_334 = tpu.memref_slice %arg4[%add3A_332] : memref<179200xi32, #tpu.memory_space<hbm>> -> memref<280xi32, #tpu.memory_space<hbm>>
        tpu.enqueue_dma source(%dma_start3A_334 : memref<280xi32, #tpu.memory_space<hbm>>) target(%arg8 : memref<280xi32, #tpu.memory_space<vmem>>) target_semaphore(%arg13 : memref<!tpu.dma_semaphore, #tpu.memory_space<semaphore_mem>>)
      } else {
      }
      %mul3A_321 = arith.constant 280 : i32
      %mul3A_322 = arith.muli %add3A_179, %mul3A_321 : i32
      %add3A_323 = arith.addi %multiple_of3A, %mul3A_322 : i32
      %dma_start3A_324 = arith.constant 0 : i32
      %dma_start3A_325 = tpu.memref_slice %arg5[%add3A_323, %dma_start3A_324] : memref<179200x128xf32, #tpu.memory_space<hbm>> -> memref<280x128xf32, #tpu.memory_space<hbm>>
      %dma_start3A_326 = arith.constant 0 : i32
      %dma_start3A_327 = tpu.memref_slice %arg5[%add3A_323, %dma_start3A_326] : memref<179200x128xf32, #tpu.memory_space<hbm>> -> memref<280x128xf32, #tpu.memory_space<hbm>>
      tpu.enqueue_dma source(%arg10 : memref<280x128xf32, #tpu.memory_space<vmem>>) target(%dma_start3A_327 : memref<280x128xf32, #tpu.memory_space<hbm>>) target_semaphore(%arg17 : memref<!tpu.dma_semaphore, #tpu.memory_space<semaphore_mem>>)
    }
    %scan3A_19 = arith.constant 10 : i32
    %dma_wait3A = arith.constant 0 : i32
    %dma_wait3A_20 = tpu.memref_slice %arg5[%multiple_of3A, %dma_wait3A] : memref<179200x128xf32, #tpu.memory_space<hbm>> -> memref<280x128xf32, #tpu.memory_space<hbm>>
    %dma_wait3A_21 = arith.constant 0 : i32
    %dma_wait3A_22 = tpu.memref_slice %arg5[%multiple_of3A, %dma_wait3A_21] : memref<179200x128xf32, #tpu.memory_space<hbm>> -> memref<280x128xf32, #tpu.memory_space<hbm>>
    tpu.wait_dma2 semaphore(%arg16 : memref<!tpu.dma_semaphore, #tpu.memory_space<semaphore_mem>>) src(%arg9 : memref<280x128xf32, #tpu.memory_space<vmem>>) dst(%dma_wait3A_22 : memref<280x128xf32, #tpu.memory_space<hbm>>)
    %dma_wait3A_23 = arith.constant 0 : i32
    %dma_wait3A_24 = tpu.memref_slice %arg5[%multiple_of3A, %dma_wait3A_23] : memref<179200x128xf32, #tpu.memory_space<hbm>> -> memref<280x128xf32, #tpu.memory_space<hbm>>
    %dma_wait3A_25 = arith.constant 0 : i32
    %dma_wait3A_26 = tpu.memref_slice %arg5[%multiple_of3A, %dma_wait3A_25] : memref<179200x128xf32, #tpu.memory_space<hbm>> -> memref<280x128xf32, #tpu.memory_space<hbm>>
    tpu.wait_dma2 semaphore(%arg17 : memref<!tpu.dma_semaphore, #tpu.memory_space<semaphore_mem>>) src(%arg10 : memref<280x128xf32, #tpu.memory_space<vmem>>) dst(%dma_wait3A_26 : memref<280x128xf32, #tpu.memory_space<hbm>>)
    "tpu.region"() ({
      %run_scoped3A = tpu.sem_alloc : memref<!tpu.dma_semaphore, #tpu.memory_space<semaphore_mem>>
      %dma_start3A_27 = tpu.memref_slice %arg6[%multiple_of3A_7] : memref<25600xf32, #tpu.memory_space<hbm>> -> memref<800xf32, #tpu.memory_space<hbm>>
      %dma_start3A_28 = tpu.memref_slice %arg6[%multiple_of3A_7] : memref<25600xf32, #tpu.memory_space<hbm>> -> memref<800xf32, #tpu.memory_space<hbm>>
      tpu.enqueue_dma source(%arg11 : memref<800xf32, #tpu.memory_space<vmem>>) target(%dma_start3A_28 : memref<800xf32, #tpu.memory_space<hbm>>) target_semaphore(%run_scoped3A : memref<!tpu.dma_semaphore, #tpu.memory_space<semaphore_mem>>)
      %dma_wait3A_29 = tpu.memref_slice %arg6[%multiple_of3A_7] : memref<25600xf32, #tpu.memory_space<hbm>> -> memref<800xf32, #tpu.memory_space<hbm>>
      %dma_wait3A_30 = tpu.memref_slice %arg6[%multiple_of3A_7] : memref<25600xf32, #tpu.memory_space<hbm>> -> memref<800xf32, #tpu.memory_space<hbm>>
      tpu.wait_dma2 semaphore(%run_scoped3A : memref<!tpu.dma_semaphore, #tpu.memory_space<semaphore_mem>>) src(%arg11 : memref<800xf32, #tpu.memory_space<vmem>>) dst(%dma_wait3A_30 : memref<800xf32, #tpu.memory_space<hbm>>)
      tpu.yield
    }) : () -> ()
    return
  }
}

#map = affine_map<(d0, d1) -> (0, 0)>
#map1 = affine_map<(d0, d1) -> (0)>
module attributes {stable_mosaic.version = 14 : i64} {
  func.func @_gather_body(%arg0: i32, %arg1: i32, %arg2: memref<100000x128xf32, #tpu.memory_space<hbm>>, %arg3: memref<100000xf32, #tpu.memory_space<hbm>>, %arg4: memref<179200xi32, #tpu.memory_space<hbm>>, %arg5: memref<179200x128xf32, #tpu.memory_space<hbm>>, %arg6: memref<25600xf32, #tpu.memory_space<hbm>>, %arg7: memref<280xi32, #tpu.memory_space<vmem>>, %arg8: memref<280xi32, #tpu.memory_space<vmem>>, %arg9: memref<280x128xf32, #tpu.memory_space<vmem>>, %arg10: memref<280x128xf32, #tpu.memory_space<vmem>>, %arg11: memref<800xf32, #tpu.memory_space<vmem>>, %arg12: memref<!tpu.dma_semaphore, #tpu.memory_space<semaphore_mem>>, %arg13: memref<!tpu.dma_semaphore, #tpu.memory_space<semaphore_mem>>, %arg14: memref<!tpu.dma_semaphore, #tpu.memory_space<semaphore_mem>>, %arg15: memref<!tpu.dma_semaphore, #tpu.memory_space<semaphore_mem>>, %arg16: memref<!tpu.dma_semaphore, #tpu.memory_space<semaphore_mem>>, %arg17: memref<!tpu.dma_semaphore, #tpu.memory_space<semaphore_mem>>) attributes {dimension_semantics = [#tpu.dimension_semantics<core_parallel>, #tpu.dimension_semantics<subcore_parallel>], iteration_bounds = array<i64: 2, 16>, scalar_prefetch = 0 : i64, scratch_operands = 11 : i64, tpu.core_type = #tpu.core_type<sc_vector_subcore>, window_params = [{transform_indices = #map}, {transform_indices = #map1}, {transform_indices = #map1}, {transform_indices = #map}, {transform_indices = #map1}]} {
    %mul3A = arith.constant 2 : i32
    %mul3A_0 = arith.muli %arg1, %mul3A : i32
    %add3A = arith.addi %mul3A_0, %arg0 : i32
    %mul3A_1 = arith.constant 20 : i32
    %mul3A_2 = arith.muli %add3A, %mul3A_1 : i32
    %mul3A_3 = arith.constant 280 : i32
    %mul3A_4 = arith.muli %mul3A_2, %mul3A_3 : i32
    %multiple_of3A = tpu.assume_multiple %mul3A_4, 8 : i32
    %mul3A_5 = arith.constant 800 : i32
    %mul3A_6 = arith.muli %add3A, %mul3A_5 : i32
    %multiple_of3A_7 = tpu.assume_multiple %mul3A_6, 8 : i32
    %add3A_8 = arith.constant 0 : i32
    %add3A_9 = arith.addi %multiple_of3A, %add3A_8 : i32
    %dma_start3A = tpu.memref_slice %arg4[%add3A_9] : memref<179200xi32, #tpu.memory_space<hbm>> -> memref<280xi32, #tpu.memory_space<hbm>>
    %dma_start3A_10 = tpu.memref_slice %arg4[%add3A_9] : memref<179200xi32, #tpu.memory_space<hbm>> -> memref<280xi32, #tpu.memory_space<hbm>>
    tpu.enqueue_dma source(%dma_start3A_10 : memref<280xi32, #tpu.memory_space<hbm>>) target(%arg7 : memref<280xi32, #tpu.memory_space<vmem>>) target_semaphore(%arg12 : memref<!tpu.dma_semaphore, #tpu.memory_space<semaphore_mem>>)
    %add3A_11 = arith.constant 280 : i32
    %add3A_12 = arith.addi %multiple_of3A, %add3A_11 : i32
    %dma_start3A_13 = tpu.memref_slice %arg4[%add3A_12] : memref<179200xi32, #tpu.memory_space<hbm>> -> memref<280xi32, #tpu.memory_space<hbm>>
    %dma_start3A_14 = tpu.memref_slice %arg4[%add3A_12] : memref<179200xi32, #tpu.memory_space<hbm>> -> memref<280xi32, #tpu.memory_space<hbm>>
    tpu.enqueue_dma source(%dma_start3A_14 : memref<280xi32, #tpu.memory_space<hbm>>) target(%arg8 : memref<280xi32, #tpu.memory_space<vmem>>) target_semaphore(%arg13 : memref<!tpu.dma_semaphore, #tpu.memory_space<semaphore_mem>>)
    %scan3A = arith.constant 0 : i32
    %scan3A_15 = arith.constant 0 : i32
    %scan3A_16 = arith.constant 10 : i32
    %scan3A_17 = arith.addi %scan3A_15, %scan3A_16 : i32
    %scan3A_18 = arith.constant 1 : i32
    scf.for %scan3A_27 = %scan3A_15 to %scan3A_17 step %scan3A_18  : i32 {
      %mul3A_28 = arith.constant 2 : i32
      %mul3A_29 = arith.muli %mul3A_28, %scan3A_27 : i32
      %add3A_30 = arith.constant 0 : i32
      %add3A_31 = arith.addi %mul3A_29, %add3A_30 : i32
      %ge3A = arith.constant 2 : i32
      %ge3A_32 = arith.cmpi sge, %add3A_31, %ge3A : i32
      %convert_element_type3A = arith.extui %ge3A_32 : i1 to i32
      %cond3A = arith.constant 0 : i32
      %cond3A_33 = arith.cmpi ne, %convert_element_type3A, %cond3A : i32
      scf.if %cond3A_33 {
        %dma_wait3A_328 = arith.constant 0 : i32
        %dma_wait3A_329 = tpu.memref_slice %arg5[%multiple_of3A, %dma_wait3A_328] : memref<179200x128xf32, #tpu.memory_space<hbm>> -> memref<280x128xf32, #tpu.memory_space<hbm>>
        %dma_wait3A_330 = arith.constant 0 : i32
        %dma_wait3A_331 = tpu.memref_slice %arg5[%multiple_of3A, %dma_wait3A_330] : memref<179200x128xf32, #tpu.memory_space<hbm>> -> memref<280x128xf32, #tpu.memory_space<hbm>>
        tpu.wait_dma2 semaphore(%arg16 : memref<!tpu.dma_semaphore, #tpu.memory_space<semaphore_mem>>) src(%arg9 : memref<280x128xf32, #tpu.memory_space<vmem>>) dst(%dma_wait3A_331 : memref<280x128xf32, #tpu.memory_space<hbm>>)
      } else {
      }
      %add3A_34 = arith.constant 0 : i32
      %add3A_35 = arith.addi %multiple_of3A, %add3A_34 : i32
      %dma_wait3A_36 = tpu.memref_slice %arg4[%add3A_35] : memref<179200xi32, #tpu.memory_space<hbm>> -> memref<280xi32, #tpu.memory_space<hbm>>
      %dma_wait3A_37 = tpu.memref_slice %arg4[%add3A_35] : memref<179200xi32, #tpu.memory_space<hbm>> -> memref<280xi32, #tpu.memory_space<hbm>>
      tpu.wait_dma2 semaphore(%arg12 : memref<!tpu.dma_semaphore, #tpu.memory_space<semaphore_mem>>) src(%dma_wait3A_37 : memref<280xi32, #tpu.memory_space<hbm>>) dst(%arg7 : memref<280xi32, #tpu.memory_space<vmem>>)
      %dma_start3A_38 = arith.constant 0 : i32
      %dma_start3A_39 = arith.constant 0 : i32
      %dma_start3A_40 = tpu.memref_slice %arg9[%dma_start3A_38, %dma_start3A_39] : memref<280x128xf32, #tpu.memory_space<vmem>> -> memref<40x128xf32, #tpu.memory_space<vmem>>
      %dma_start3A_41 = arith.constant 0 : i32
      %dma_start3A_42 = tpu.memref_slice %arg7[%dma_start3A_41] : memref<280xi32, #tpu.memory_space<vmem>> -> memref<40xi32, #tpu.memory_space<vmem>>
      %dma_start3A_43 = arith.constant 0 : i32
      %dma_start3A_44 = arith.constant 0 : i32
      %dma_start3A_45 = tpu.memref_slice %arg2[%dma_start3A_43, %dma_start3A_44] : memref<100000x128xf32, #tpu.memory_space<hbm>> -> memref<100000x128xf32, #tpu.memory_space<hbm>>
      tpu.enqueue_indirect_dma source(%dma_start3A_45 : memref<100000x128xf32, #tpu.memory_space<hbm>>) target(%dma_start3A_40 : memref<40x128xf32, #tpu.memory_space<vmem>>) offsets(%dma_start3A_42 : memref<40xi32, #tpu.memory_space<vmem>>) semaphore(%arg14 : memref<!tpu.dma_semaphore, #tpu.memory_space<semaphore_mem>>)
      %dma_start3A_46 = arith.constant 40 : i32
      %dma_start3A_47 = arith.constant 0 : i32
      %dma_start3A_48 = tpu.memref_slice %arg9[%dma_start3A_46, %dma_start3A_47] : memref<280x128xf32, #tpu.memory_space<vmem>> -> memref<40x128xf32, #tpu.memory_space<vmem>>
      %dma_start3A_49 = arith.constant 40 : i32
      %dma_start3A_50 = tpu.memref_slice %arg7[%dma_start3A_49] : memref<280xi32, #tpu.memory_space<vmem>> -> memref<40xi32, #tpu.memory_space<vmem>>
      %dma_start3A_51 = arith.constant 0 : i32
      %dma_start3A_52 = arith.constant 0 : i32
      %dma_start3A_53 = tpu.memref_slice %arg2[%dma_start3A_51, %dma_start3A_52] : memref<100000x128xf32, #tpu.memory_space<hbm>> -> memref<100000x128xf32, #tpu.memory_space<hbm>>
      tpu.enqueue_indirect_dma source(%dma_start3A_53 : memref<100000x128xf32, #tpu.memory_space<hbm>>) target(%dma_start3A_48 : memref<40x128xf32, #tpu.memory_space<vmem>>) offsets(%dma_start3A_50 : memref<40xi32, #tpu.memory_space<vmem>>) semaphore(%arg14 : memref<!tpu.dma_semaphore, #tpu.memory_space<semaphore_mem>>)
      %dma_start3A_54 = arith.constant 80 : i32
      %dma_start3A_55 = arith.constant 0 : i32
      %dma_start3A_56 = tpu.memref_slice %arg9[%dma_start3A_54, %dma_start3A_55] : memref<280x128xf32, #tpu.memory_space<vmem>> -> memref<40x128xf32, #tpu.memory_space<vmem>>
      %dma_start3A_57 = arith.constant 80 : i32
      %dma_start3A_58 = tpu.memref_slice %arg7[%dma_start3A_57] : memref<280xi32, #tpu.memory_space<vmem>> -> memref<40xi32, #tpu.memory_space<vmem>>
      %dma_start3A_59 = arith.constant 0 : i32
      %dma_start3A_60 = arith.constant 0 : i32
      %dma_start3A_61 = tpu.memref_slice %arg2[%dma_start3A_59, %dma_start3A_60] : memref<100000x128xf32, #tpu.memory_space<hbm>> -> memref<100000x128xf32, #tpu.memory_space<hbm>>
      tpu.enqueue_indirect_dma source(%dma_start3A_61 : memref<100000x128xf32, #tpu.memory_space<hbm>>) target(%dma_start3A_56 : memref<40x128xf32, #tpu.memory_space<vmem>>) offsets(%dma_start3A_58 : memref<40xi32, #tpu.memory_space<vmem>>) semaphore(%arg14 : memref<!tpu.dma_semaphore, #tpu.memory_space<semaphore_mem>>)
      %dma_start3A_62 = arith.constant 120 : i32
      %dma_start3A_63 = arith.constant 0 : i32
      %dma_start3A_64 = tpu.memref_slice %arg9[%dma_start3A_62, %dma_start3A_63] : memref<280x128xf32, #tpu.memory_space<vmem>> -> memref<40x128xf32, #tpu.memory_space<vmem>>
      %dma_start3A_65 = arith.constant 120 : i32
      %dma_start3A_66 = tpu.memref_slice %arg7[%dma_start3A_65] : memref<280xi32, #tpu.memory_space<vmem>> -> memref<40xi32, #tpu.memory_space<vmem>>
      %dma_start3A_67 = arith.constant 0 : i32
      %dma_start3A_68 = arith.constant 0 : i32
      %dma_start3A_69 = tpu.memref_slice %arg2[%dma_start3A_67, %dma_start3A_68] : memref<100000x128xf32, #tpu.memory_space<hbm>> -> memref<100000x128xf32, #tpu.memory_space<hbm>>
      tpu.enqueue_indirect_dma source(%dma_start3A_69 : memref<100000x128xf32, #tpu.memory_space<hbm>>) target(%dma_start3A_64 : memref<40x128xf32, #tpu.memory_space<vmem>>) offsets(%dma_start3A_66 : memref<40xi32, #tpu.memory_space<vmem>>) semaphore(%arg14 : memref<!tpu.dma_semaphore, #tpu.memory_space<semaphore_mem>>)
      %dma_start3A_70 = arith.constant 160 : i32
      %dma_start3A_71 = arith.constant 0 : i32
      %dma_start3A_72 = tpu.memref_slice %arg9[%dma_start3A_70, %dma_start3A_71] : memref<280x128xf32, #tpu.memory_space<vmem>> -> memref<40x128xf32, #tpu.memory_space<vmem>>
      %dma_start3A_73 = arith.constant 160 : i32
      %dma_start3A_74 = tpu.memref_slice %arg7[%dma_start3A_73] : memref<280xi32, #tpu.memory_space<vmem>> -> memref<40xi32, #tpu.memory_space<vmem>>
      %dma_start3A_75 = arith.constant 0 : i32
      %dma_start3A_76 = arith.constant 0 : i32
      %dma_start3A_77 = tpu.memref_slice %arg2[%dma_start3A_75, %dma_start3A_76] : memref<100000x128xf32, #tpu.memory_space<hbm>> -> memref<100000x128xf32, #tpu.memory_space<hbm>>
      tpu.enqueue_indirect_dma source(%dma_start3A_77 : memref<100000x128xf32, #tpu.memory_space<hbm>>) target(%dma_start3A_72 : memref<40x128xf32, #tpu.memory_space<vmem>>) offsets(%dma_start3A_74 : memref<40xi32, #tpu.memory_space<vmem>>) semaphore(%arg14 : memref<!tpu.dma_semaphore, #tpu.memory_space<semaphore_mem>>)
      %dma_start3A_78 = arith.constant 200 : i32
      %dma_start3A_79 = arith.constant 0 : i32
      %dma_start3A_80 = tpu.memref_slice %arg9[%dma_start3A_78, %dma_start3A_79] : memref<280x128xf32, #tpu.memory_space<vmem>> -> memref<40x128xf32, #tpu.memory_space<vmem>>
      %dma_start3A_81 = arith.constant 200 : i32
      %dma_start3A_82 = tpu.memref_slice %arg7[%dma_start3A_81] : memref<280xi32, #tpu.memory_space<vmem>> -> memref<40xi32, #tpu.memory_space<vmem>>
      %dma_start3A_83 = arith.constant 0 : i32
      %dma_start3A_84 = arith.constant 0 : i32
      %dma_start3A_85 = tpu.memref_slice %arg2[%dma_start3A_83, %dma_start3A_84] : memref<100000x128xf32, #tpu.memory_space<hbm>> -> memref<100000x128xf32, #tpu.memory_space<hbm>>
      tpu.enqueue_indirect_dma source(%dma_start3A_85 : memref<100000x128xf32, #tpu.memory_space<hbm>>) target(%dma_start3A_80 : memref<40x128xf32, #tpu.memory_space<vmem>>) offsets(%dma_start3A_82 : memref<40xi32, #tpu.memory_space<vmem>>) semaphore(%arg14 : memref<!tpu.dma_semaphore, #tpu.memory_space<semaphore_mem>>)
      %dma_start3A_86 = arith.constant 240 : i32
      %dma_start3A_87 = arith.constant 0 : i32
      %dma_start3A_88 = tpu.memref_slice %arg9[%dma_start3A_86, %dma_start3A_87] : memref<280x128xf32, #tpu.memory_space<vmem>> -> memref<40x128xf32, #tpu.memory_space<vmem>>
      %dma_start3A_89 = arith.constant 240 : i32
      %dma_start3A_90 = tpu.memref_slice %arg7[%dma_start3A_89] : memref<280xi32, #tpu.memory_space<vmem>> -> memref<40xi32, #tpu.memory_space<vmem>>
      %dma_start3A_91 = arith.constant 0 : i32
      %dma_start3A_92 = arith.constant 0 : i32
      %dma_start3A_93 = tpu.memref_slice %arg2[%dma_start3A_91, %dma_start3A_92] : memref<100000x128xf32, #tpu.memory_space<hbm>> -> memref<100000x128xf32, #tpu.memory_space<hbm>>
      tpu.enqueue_indirect_dma source(%dma_start3A_93 : memref<100000x128xf32, #tpu.memory_space<hbm>>) target(%dma_start3A_88 : memref<40x128xf32, #tpu.memory_space<vmem>>) offsets(%dma_start3A_90 : memref<40xi32, #tpu.memory_space<vmem>>) semaphore(%arg14 : memref<!tpu.dma_semaphore, #tpu.memory_space<semaphore_mem>>)
      %mul3A_94 = arith.constant 40 : i32
      %mul3A_95 = arith.muli %add3A_31, %mul3A_94 : i32
      %dma_start3A_96 = tpu.memref_slice %arg11[%mul3A_95] : memref<800xf32, #tpu.memory_space<vmem>> -> memref<40xf32, #tpu.memory_space<vmem>>
      %dma_start3A_97 = arith.constant 0 : i32
      %dma_start3A_98 = tpu.memref_slice %arg7[%dma_start3A_97] : memref<280xi32, #tpu.memory_space<vmem>> -> memref<40xi32, #tpu.memory_space<vmem>>
      %dma_start3A_99 = arith.constant 0 : i32
      %dma_start3A_100 = tpu.memref_slice %arg3[%dma_start3A_99] : memref<100000xf32, #tpu.memory_space<hbm>> -> memref<100000xf32, #tpu.memory_space<hbm>>
      tpu.enqueue_indirect_dma source(%dma_start3A_100 : memref<100000xf32, #tpu.memory_space<hbm>>) target(%dma_start3A_96 : memref<40xf32, #tpu.memory_space<vmem>>) offsets(%dma_start3A_98 : memref<40xi32, #tpu.memory_space<vmem>>) semaphore(%arg14 : memref<!tpu.dma_semaphore, #tpu.memory_space<semaphore_mem>>)
      %dma_wait3A_101 = arith.constant 0 : i32
      %dma_wait3A_102 = arith.constant 0 : i32
      %dma_wait3A_103 = tpu.memref_slice %arg9[%dma_wait3A_101, %dma_wait3A_102] : memref<280x128xf32, #tpu.memory_space<vmem>> -> memref<40x128xf32, #tpu.memory_space<vmem>>
      %dma_wait3A_104 = arith.constant 0 : i32
      %dma_wait3A_105 = tpu.memref_slice %arg7[%dma_wait3A_104] : memref<280xi32, #tpu.memory_space<vmem>> -> memref<40xi32, #tpu.memory_space<vmem>>
      %dma_wait3A_106 = arith.constant 0 : i32
      %dma_wait3A_107 = arith.constant 0 : i32
      %dma_wait3A_108 = tpu.memref_slice %arg2[%dma_wait3A_106, %dma_wait3A_107] : memref<100000x128xf32, #tpu.memory_space<hbm>> -> memref<100000x128xf32, #tpu.memory_space<hbm>>
      tpu.wait_indirect_dma semaphore(%arg14 : memref<!tpu.dma_semaphore, #tpu.memory_space<semaphore_mem>>) src(%dma_wait3A_108 : memref<100000x128xf32, #tpu.memory_space<hbm>>) dst(%dma_wait3A_103 : memref<40x128xf32, #tpu.memory_space<vmem>>)
      %dma_wait3A_109 = arith.constant 40 : i32
      %dma_wait3A_110 = arith.constant 0 : i32
      %dma_wait3A_111 = tpu.memref_slice %arg9[%dma_wait3A_109, %dma_wait3A_110] : memref<280x128xf32, #tpu.memory_space<vmem>> -> memref<40x128xf32, #tpu.memory_space<vmem>>
      %dma_wait3A_112 = arith.constant 0 : i32
      %dma_wait3A_113 = tpu.memref_slice %arg7[%dma_wait3A_112] : memref<280xi32, #tpu.memory_space<vmem>> -> memref<40xi32, #tpu.memory_space<vmem>>
      %dma_wait3A_114 = arith.constant 0 : i32
      %dma_wait3A_115 = arith.constant 0 : i32
      %dma_wait3A_116 = tpu.memref_slice %arg2[%dma_wait3A_114, %dma_wait3A_115] : memref<100000x128xf32, #tpu.memory_space<hbm>> -> memref<100000x128xf32, #tpu.memory_space<hbm>>
      tpu.wait_indirect_dma semaphore(%arg14 : memref<!tpu.dma_semaphore, #tpu.memory_space<semaphore_mem>>) src(%dma_wait3A_116 : memref<100000x128xf32, #tpu.memory_space<hbm>>) dst(%dma_wait3A_111 : memref<40x128xf32, #tpu.memory_space<vmem>>)
      %dma_wait3A_117 = arith.constant 80 : i32
      %dma_wait3A_118 = arith.constant 0 : i32
      %dma_wait3A_119 = tpu.memref_slice %arg9[%dma_wait3A_117, %dma_wait3A_118] : memref<280x128xf32, #tpu.memory_space<vmem>> -> memref<40x128xf32, #tpu.memory_space<vmem>>
      %dma_wait3A_120 = arith.constant 0 : i32
      %dma_wait3A_121 = tpu.memref_slice %arg7[%dma_wait3A_120] : memref<280xi32, #tpu.memory_space<vmem>> -> memref<40xi32, #tpu.memory_space<vmem>>
      %dma_wait3A_122 = arith.constant 0 : i32
      %dma_wait3A_123 = arith.constant 0 : i32
      %dma_wait3A_124 = tpu.memref_slice %arg2[%dma_wait3A_122, %dma_wait3A_123] : memref<100000x128xf32, #tpu.memory_space<hbm>> -> memref<100000x128xf32, #tpu.memory_space<hbm>>
      tpu.wait_indirect_dma semaphore(%arg14 : memref<!tpu.dma_semaphore, #tpu.memory_space<semaphore_mem>>) src(%dma_wait3A_124 : memref<100000x128xf32, #tpu.memory_space<hbm>>) dst(%dma_wait3A_119 : memref<40x128xf32, #tpu.memory_space<vmem>>)
      %dma_wait3A_125 = arith.constant 120 : i32
      %dma_wait3A_126 = arith.constant 0 : i32
      %dma_wait3A_127 = tpu.memref_slice %arg9[%dma_wait3A_125, %dma_wait3A_126] : memref<280x128xf32, #tpu.memory_space<vmem>> -> memref<40x128xf32, #tpu.memory_space<vmem>>
      %dma_wait3A_128 = arith.constant 0 : i32
      %dma_wait3A_129 = tpu.memref_slice %arg7[%dma_wait3A_128] : memref<280xi32, #tpu.memory_space<vmem>> -> memref<40xi32, #tpu.memory_space<vmem>>
      %dma_wait3A_130 = arith.constant 0 : i32
      %dma_wait3A_131 = arith.constant 0 : i32
      %dma_wait3A_132 = tpu.memref_slice %arg2[%dma_wait3A_130, %dma_wait3A_131] : memref<100000x128xf32, #tpu.memory_space<hbm>> -> memref<100000x128xf32, #tpu.memory_space<hbm>>
      tpu.wait_indirect_dma semaphore(%arg14 : memref<!tpu.dma_semaphore, #tpu.memory_space<semaphore_mem>>) src(%dma_wait3A_132 : memref<100000x128xf32, #tpu.memory_space<hbm>>) dst(%dma_wait3A_127 : memref<40x128xf32, #tpu.memory_space<vmem>>)
      %dma_wait3A_133 = arith.constant 160 : i32
      %dma_wait3A_134 = arith.constant 0 : i32
      %dma_wait3A_135 = tpu.memref_slice %arg9[%dma_wait3A_133, %dma_wait3A_134] : memref<280x128xf32, #tpu.memory_space<vmem>> -> memref<40x128xf32, #tpu.memory_space<vmem>>
      %dma_wait3A_136 = arith.constant 0 : i32
      %dma_wait3A_137 = tpu.memref_slice %arg7[%dma_wait3A_136] : memref<280xi32, #tpu.memory_space<vmem>> -> memref<40xi32, #tpu.memory_space<vmem>>
      %dma_wait3A_138 = arith.constant 0 : i32
      %dma_wait3A_139 = arith.constant 0 : i32
      %dma_wait3A_140 = tpu.memref_slice %arg2[%dma_wait3A_138, %dma_wait3A_139] : memref<100000x128xf32, #tpu.memory_space<hbm>> -> memref<100000x128xf32, #tpu.memory_space<hbm>>
      tpu.wait_indirect_dma semaphore(%arg14 : memref<!tpu.dma_semaphore, #tpu.memory_space<semaphore_mem>>) src(%dma_wait3A_140 : memref<100000x128xf32, #tpu.memory_space<hbm>>) dst(%dma_wait3A_135 : memref<40x128xf32, #tpu.memory_space<vmem>>)
      %dma_wait3A_141 = arith.constant 200 : i32
      %dma_wait3A_142 = arith.constant 0 : i32
      %dma_wait3A_143 = tpu.memref_slice %arg9[%dma_wait3A_141, %dma_wait3A_142] : memref<280x128xf32, #tpu.memory_space<vmem>> -> memref<40x128xf32, #tpu.memory_space<vmem>>
      %dma_wait3A_144 = arith.constant 0 : i32
      %dma_wait3A_145 = tpu.memref_slice %arg7[%dma_wait3A_144] : memref<280xi32, #tpu.memory_space<vmem>> -> memref<40xi32, #tpu.memory_space<vmem>>
      %dma_wait3A_146 = arith.constant 0 : i32
      %dma_wait3A_147 = arith.constant 0 : i32
      %dma_wait3A_148 = tpu.memref_slice %arg2[%dma_wait3A_146, %dma_wait3A_147] : memref<100000x128xf32, #tpu.memory_space<hbm>> -> memref<100000x128xf32, #tpu.memory_space<hbm>>
      tpu.wait_indirect_dma semaphore(%arg14 : memref<!tpu.dma_semaphore, #tpu.memory_space<semaphore_mem>>) src(%dma_wait3A_148 : memref<100000x128xf32, #tpu.memory_space<hbm>>) dst(%dma_wait3A_143 : memref<40x128xf32, #tpu.memory_space<vmem>>)
      %dma_wait3A_149 = arith.constant 240 : i32
      %dma_wait3A_150 = arith.constant 0 : i32
      %dma_wait3A_151 = tpu.memref_slice %arg9[%dma_wait3A_149, %dma_wait3A_150] : memref<280x128xf32, #tpu.memory_space<vmem>> -> memref<40x128xf32, #tpu.memory_space<vmem>>
      %dma_wait3A_152 = arith.constant 0 : i32
      %dma_wait3A_153 = tpu.memref_slice %arg7[%dma_wait3A_152] : memref<280xi32, #tpu.memory_space<vmem>> -> memref<40xi32, #tpu.memory_space<vmem>>
      %dma_wait3A_154 = arith.constant 0 : i32
      %dma_wait3A_155 = arith.constant 0 : i32
      %dma_wait3A_156 = tpu.memref_slice %arg2[%dma_wait3A_154, %dma_wait3A_155] : memref<100000x128xf32, #tpu.memory_space<hbm>> -> memref<100000x128xf32, #tpu.memory_space<hbm>>
      tpu.wait_indirect_dma semaphore(%arg14 : memref<!tpu.dma_semaphore, #tpu.memory_space<semaphore_mem>>) src(%dma_wait3A_156 : memref<100000x128xf32, #tpu.memory_space<hbm>>) dst(%dma_wait3A_151 : memref<40x128xf32, #tpu.memory_space<vmem>>)
      %dma_wait3A_157 = arith.constant 0 : i32
      %dma_wait3A_158 = tpu.memref_slice %arg11[%dma_wait3A_157] : memref<800xf32, #tpu.memory_space<vmem>> -> memref<40xf32, #tpu.memory_space<vmem>>
      %dma_wait3A_159 = arith.constant 0 : i32
      %dma_wait3A_160 = tpu.memref_slice %arg7[%dma_wait3A_159] : memref<280xi32, #tpu.memory_space<vmem>> -> memref<40xi32, #tpu.memory_space<vmem>>
      %dma_wait3A_161 = arith.constant 0 : i32
      %dma_wait3A_162 = tpu.memref_slice %arg3[%dma_wait3A_161] : memref<100000xf32, #tpu.memory_space<hbm>> -> memref<100000xf32, #tpu.memory_space<hbm>>
      tpu.wait_indirect_dma semaphore(%arg14 : memref<!tpu.dma_semaphore, #tpu.memory_space<semaphore_mem>>) src(%dma_wait3A_162 : memref<100000xf32, #tpu.memory_space<hbm>>) dst(%dma_wait3A_158 : memref<40xf32, #tpu.memory_space<vmem>>)
      %add3A_163 = arith.constant 2 : i32
      %add3A_164 = arith.addi %add3A_31, %add3A_163 : i32
      %lt3A = arith.constant 20 : i32
      %lt3A_165 = arith.cmpi slt, %add3A_164, %lt3A : i32
      %convert_element_type3A_166 = arith.extui %lt3A_165 : i1 to i32
      %cond3A_167 = arith.constant 0 : i32
      %cond3A_168 = arith.cmpi ne, %convert_element_type3A_166, %cond3A_167 : i32
      scf.if %cond3A_168 {
        %add3A_328 = arith.constant 2 : i32
        %add3A_329 = arith.addi %add3A_31, %add3A_328 : i32
        %mul3A_330 = arith.constant 280 : i32
        %mul3A_331 = arith.muli %add3A_329, %mul3A_330 : i32
        %add3A_332 = arith.addi %multiple_of3A, %mul3A_331 : i32
        %dma_start3A_333 = tpu.memref_slice %arg4[%add3A_332] : memref<179200xi32, #tpu.memory_space<hbm>> -> memref<280xi32, #tpu.memory_space<hbm>>
        %dma_start3A_334 = tpu.memref_slice %arg4[%add3A_332] : memref<179200xi32, #tpu.memory_space<hbm>> -> memref<280xi32, #tpu.memory_space<hbm>>
        tpu.enqueue_dma source(%dma_start3A_334 : memref<280xi32, #tpu.memory_space<hbm>>) target(%arg7 : memref<280xi32, #tpu.memory_space<vmem>>) target_semaphore(%arg12 : memref<!tpu.dma_semaphore, #tpu.memory_space<semaphore_mem>>)
      } else {
      }
      %mul3A_169 = arith.constant 280 : i32
      %mul3A_170 = arith.muli %add3A_31, %mul3A_169 : i32
      %add3A_171 = arith.addi %multiple_of3A, %mul3A_170 : i32
      %dma_start3A_172 = arith.constant 0 : i32
      %dma_start3A_173 = tpu.memref_slice %arg5[%add3A_171, %dma_start3A_172] : memref<179200x128xf32, #tpu.memory_space<hbm>> -> memref<280x128xf32, #tpu.memory_space<hbm>>
      %dma_start3A_174 = arith.constant 0 : i32
      %dma_start3A_175 = tpu.memref_slice %arg5[%add3A_171, %dma_start3A_174] : memref<179200x128xf32, #tpu.memory_space<hbm>> -> memref<280x128xf32, #tpu.memory_space<hbm>>
      tpu.enqueue_dma source(%arg9 : memref<280x128xf32, #tpu.memory_space<vmem>>) target(%dma_start3A_175 : memref<280x128xf32, #tpu.memory_space<hbm>>) target_semaphore(%arg16 : memref<!tpu.dma_semaphore, #tpu.memory_space<semaphore_mem>>)
      %mul3A_176 = arith.constant 2 : i32
      %mul3A_177 = arith.muli %mul3A_176, %scan3A_27 : i32
      %add3A_178 = arith.constant 1 : i32
      %add3A_179 = arith.addi %mul3A_177, %add3A_178 : i32
      %ge3A_180 = arith.constant 2 : i32
      %ge3A_181 = arith.cmpi sge, %add3A_179, %ge3A_180 : i32
      %convert_element_type3A_182 = arith.extui %ge3A_181 : i1 to i32
      %cond3A_183 = arith.constant 0 : i32
      %cond3A_184 = arith.cmpi ne, %convert_element_type3A_182, %cond3A_183 : i32
      scf.if %cond3A_184 {
        %dma_wait3A_328 = arith.constant 0 : i32
        %dma_wait3A_329 = tpu.memref_slice %arg5[%multiple_of3A, %dma_wait3A_328] : memref<179200x128xf32, #tpu.memory_space<hbm>> -> memref<280x128xf32, #tpu.memory_space<hbm>>
        %dma_wait3A_330 = arith.constant 0 : i32
        %dma_wait3A_331 = tpu.memref_slice %arg5[%multiple_of3A, %dma_wait3A_330] : memref<179200x128xf32, #tpu.memory_space<hbm>> -> memref<280x128xf32, #tpu.memory_space<hbm>>
        tpu.wait_dma2 semaphore(%arg17 : memref<!tpu.dma_semaphore, #tpu.memory_space<semaphore_mem>>) src(%arg10 : memref<280x128xf32, #tpu.memory_space<vmem>>) dst(%dma_wait3A_331 : memref<280x128xf32, #tpu.memory_space<hbm>>)
      } else {
      }
      %add3A_185 = arith.constant 0 : i32
      %add3A_186 = arith.addi %multiple_of3A, %add3A_185 : i32
      %dma_wait3A_187 = tpu.memref_slice %arg4[%add3A_186] : memref<179200xi32, #tpu.memory_space<hbm>> -> memref<280xi32, #tpu.memory_space<hbm>>
      %dma_wait3A_188 = tpu.memref_slice %arg4[%add3A_186] : memref<179200xi32, #tpu.memory_space<hbm>> -> memref<280xi32, #tpu.memory_space<hbm>>
      tpu.wait_dma2 semaphore(%arg13 : memref<!tpu.dma_semaphore, #tpu.memory_space<semaphore_mem>>) src(%dma_wait3A_188 : memref<280xi32, #tpu.memory_space<hbm>>) dst(%arg8 : memref<280xi32, #tpu.memory_space<vmem>>)
      %dma_start3A_189 = arith.constant 0 : i32
      %dma_start3A_190 = arith.constant 0 : i32
      %dma_start3A_191 = tpu.memref_slice %arg10[%dma_start3A_189, %dma_start3A_190] : memref<280x128xf32, #tpu.memory_space<vmem>> -> memref<40x128xf32, #tpu.memory_space<vmem>>
      %dma_start3A_192 = arith.constant 0 : i32
      %dma_start3A_193 = tpu.memref_slice %arg8[%dma_start3A_192] : memref<280xi32, #tpu.memory_space<vmem>> -> memref<40xi32, #tpu.memory_space<vmem>>
      %dma_start3A_194 = arith.constant 0 : i32
      %dma_start3A_195 = arith.constant 0 : i32
      %dma_start3A_196 = tpu.memref_slice %arg2[%dma_start3A_194, %dma_start3A_195] : memref<100000x128xf32, #tpu.memory_space<hbm>> -> memref<100000x128xf32, #tpu.memory_space<hbm>>
      tpu.enqueue_indirect_dma source(%dma_start3A_196 : memref<100000x128xf32, #tpu.memory_space<hbm>>) target(%dma_start3A_191 : memref<40x128xf32, #tpu.memory_space<vmem>>) offsets(%dma_start3A_193 : memref<40xi32, #tpu.memory_space<vmem>>) semaphore(%arg15 : memref<!tpu.dma_semaphore, #tpu.memory_space<semaphore_mem>>)
      %dma_start3A_197 = arith.constant 40 : i32
      %dma_start3A_198 = arith.constant 0 : i32
      %dma_start3A_199 = tpu.memref_slice %arg10[%dma_start3A_197, %dma_start3A_198] : memref<280x128xf32, #tpu.memory_space<vmem>> -> memref<40x128xf32, #tpu.memory_space<vmem>>
      %dma_start3A_200 = arith.constant 40 : i32
      %dma_start3A_201 = tpu.memref_slice %arg8[%dma_start3A_200] : memref<280xi32, #tpu.memory_space<vmem>> -> memref<40xi32, #tpu.memory_space<vmem>>
      %dma_start3A_202 = arith.constant 0 : i32
      %dma_start3A_203 = arith.constant 0 : i32
      %dma_start3A_204 = tpu.memref_slice %arg2[%dma_start3A_202, %dma_start3A_203] : memref<100000x128xf32, #tpu.memory_space<hbm>> -> memref<100000x128xf32, #tpu.memory_space<hbm>>
      tpu.enqueue_indirect_dma source(%dma_start3A_204 : memref<100000x128xf32, #tpu.memory_space<hbm>>) target(%dma_start3A_199 : memref<40x128xf32, #tpu.memory_space<vmem>>) offsets(%dma_start3A_201 : memref<40xi32, #tpu.memory_space<vmem>>) semaphore(%arg15 : memref<!tpu.dma_semaphore, #tpu.memory_space<semaphore_mem>>)
      %dma_start3A_205 = arith.constant 80 : i32
      %dma_start3A_206 = arith.constant 0 : i32
      %dma_start3A_207 = tpu.memref_slice %arg10[%dma_start3A_205, %dma_start3A_206] : memref<280x128xf32, #tpu.memory_space<vmem>> -> memref<40x128xf32, #tpu.memory_space<vmem>>
      %dma_start3A_208 = arith.constant 80 : i32
      %dma_start3A_209 = tpu.memref_slice %arg8[%dma_start3A_208] : memref<280xi32, #tpu.memory_space<vmem>> -> memref<40xi32, #tpu.memory_space<vmem>>
      %dma_start3A_210 = arith.constant 0 : i32
      %dma_start3A_211 = arith.constant 0 : i32
      %dma_start3A_212 = tpu.memref_slice %arg2[%dma_start3A_210, %dma_start3A_211] : memref<100000x128xf32, #tpu.memory_space<hbm>> -> memref<100000x128xf32, #tpu.memory_space<hbm>>
      tpu.enqueue_indirect_dma source(%dma_start3A_212 : memref<100000x128xf32, #tpu.memory_space<hbm>>) target(%dma_start3A_207 : memref<40x128xf32, #tpu.memory_space<vmem>>) offsets(%dma_start3A_209 : memref<40xi32, #tpu.memory_space<vmem>>) semaphore(%arg15 : memref<!tpu.dma_semaphore, #tpu.memory_space<semaphore_mem>>)
      %dma_start3A_213 = arith.constant 120 : i32
      %dma_start3A_214 = arith.constant 0 : i32
      %dma_start3A_215 = tpu.memref_slice %arg10[%dma_start3A_213, %dma_start3A_214] : memref<280x128xf32, #tpu.memory_space<vmem>> -> memref<40x128xf32, #tpu.memory_space<vmem>>
      %dma_start3A_216 = arith.constant 120 : i32
      %dma_start3A_217 = tpu.memref_slice %arg8[%dma_start3A_216] : memref<280xi32, #tpu.memory_space<vmem>> -> memref<40xi32, #tpu.memory_space<vmem>>
      %dma_start3A_218 = arith.constant 0 : i32
      %dma_start3A_219 = arith.constant 0 : i32
      %dma_start3A_220 = tpu.memref_slice %arg2[%dma_start3A_218, %dma_start3A_219] : memref<100000x128xf32, #tpu.memory_space<hbm>> -> memref<100000x128xf32, #tpu.memory_space<hbm>>
      tpu.enqueue_indirect_dma source(%dma_start3A_220 : memref<100000x128xf32, #tpu.memory_space<hbm>>) target(%dma_start3A_215 : memref<40x128xf32, #tpu.memory_space<vmem>>) offsets(%dma_start3A_217 : memref<40xi32, #tpu.memory_space<vmem>>) semaphore(%arg15 : memref<!tpu.dma_semaphore, #tpu.memory_space<semaphore_mem>>)
      %dma_start3A_221 = arith.constant 160 : i32
      %dma_start3A_222 = arith.constant 0 : i32
      %dma_start3A_223 = tpu.memref_slice %arg10[%dma_start3A_221, %dma_start3A_222] : memref<280x128xf32, #tpu.memory_space<vmem>> -> memref<40x128xf32, #tpu.memory_space<vmem>>
      %dma_start3A_224 = arith.constant 160 : i32
      %dma_start3A_225 = tpu.memref_slice %arg8[%dma_start3A_224] : memref<280xi32, #tpu.memory_space<vmem>> -> memref<40xi32, #tpu.memory_space<vmem>>
      %dma_start3A_226 = arith.constant 0 : i32
      %dma_start3A_227 = arith.constant 0 : i32
      %dma_start3A_228 = tpu.memref_slice %arg2[%dma_start3A_226, %dma_start3A_227] : memref<100000x128xf32, #tpu.memory_space<hbm>> -> memref<100000x128xf32, #tpu.memory_space<hbm>>
      tpu.enqueue_indirect_dma source(%dma_start3A_228 : memref<100000x128xf32, #tpu.memory_space<hbm>>) target(%dma_start3A_223 : memref<40x128xf32, #tpu.memory_space<vmem>>) offsets(%dma_start3A_225 : memref<40xi32, #tpu.memory_space<vmem>>) semaphore(%arg15 : memref<!tpu.dma_semaphore, #tpu.memory_space<semaphore_mem>>)
      %dma_start3A_229 = arith.constant 200 : i32
      %dma_start3A_230 = arith.constant 0 : i32
      %dma_start3A_231 = tpu.memref_slice %arg10[%dma_start3A_229, %dma_start3A_230] : memref<280x128xf32, #tpu.memory_space<vmem>> -> memref<40x128xf32, #tpu.memory_space<vmem>>
      %dma_start3A_232 = arith.constant 200 : i32
      %dma_start3A_233 = tpu.memref_slice %arg8[%dma_start3A_232] : memref<280xi32, #tpu.memory_space<vmem>> -> memref<40xi32, #tpu.memory_space<vmem>>
      %dma_start3A_234 = arith.constant 0 : i32
      %dma_start3A_235 = arith.constant 0 : i32
      %dma_start3A_236 = tpu.memref_slice %arg2[%dma_start3A_234, %dma_start3A_235] : memref<100000x128xf32, #tpu.memory_space<hbm>> -> memref<100000x128xf32, #tpu.memory_space<hbm>>
      tpu.enqueue_indirect_dma source(%dma_start3A_236 : memref<100000x128xf32, #tpu.memory_space<hbm>>) target(%dma_start3A_231 : memref<40x128xf32, #tpu.memory_space<vmem>>) offsets(%dma_start3A_233 : memref<40xi32, #tpu.memory_space<vmem>>) semaphore(%arg15 : memref<!tpu.dma_semaphore, #tpu.memory_space<semaphore_mem>>)
      %dma_start3A_237 = arith.constant 240 : i32
      %dma_start3A_238 = arith.constant 0 : i32
      %dma_start3A_239 = tpu.memref_slice %arg10[%dma_start3A_237, %dma_start3A_238] : memref<280x128xf32, #tpu.memory_space<vmem>> -> memref<40x128xf32, #tpu.memory_space<vmem>>
      %dma_start3A_240 = arith.constant 240 : i32
      %dma_start3A_241 = tpu.memref_slice %arg8[%dma_start3A_240] : memref<280xi32, #tpu.memory_space<vmem>> -> memref<40xi32, #tpu.memory_space<vmem>>
      %dma_start3A_242 = arith.constant 0 : i32
      %dma_start3A_243 = arith.constant 0 : i32
      %dma_start3A_244 = tpu.memref_slice %arg2[%dma_start3A_242, %dma_start3A_243] : memref<100000x128xf32, #tpu.memory_space<hbm>> -> memref<100000x128xf32, #tpu.memory_space<hbm>>
      tpu.enqueue_indirect_dma source(%dma_start3A_244 : memref<100000x128xf32, #tpu.memory_space<hbm>>) target(%dma_start3A_239 : memref<40x128xf32, #tpu.memory_space<vmem>>) offsets(%dma_start3A_241 : memref<40xi32, #tpu.memory_space<vmem>>) semaphore(%arg15 : memref<!tpu.dma_semaphore, #tpu.memory_space<semaphore_mem>>)
      %mul3A_245 = arith.constant 40 : i32
      %mul3A_246 = arith.muli %add3A_179, %mul3A_245 : i32
      %dma_start3A_247 = tpu.memref_slice %arg11[%mul3A_246] : memref<800xf32, #tpu.memory_space<vmem>> -> memref<40xf32, #tpu.memory_space<vmem>>
      %dma_start3A_248 = arith.constant 0 : i32
      %dma_start3A_249 = tpu.memref_slice %arg8[%dma_start3A_248] : memref<280xi32, #tpu.memory_space<vmem>> -> memref<40xi32, #tpu.memory_space<vmem>>
      %dma_start3A_250 = arith.constant 0 : i32
      %dma_start3A_251 = tpu.memref_slice %arg3[%dma_start3A_250] : memref<100000xf32, #tpu.memory_space<hbm>> -> memref<100000xf32, #tpu.memory_space<hbm>>
      tpu.enqueue_indirect_dma source(%dma_start3A_251 : memref<100000xf32, #tpu.memory_space<hbm>>) target(%dma_start3A_247 : memref<40xf32, #tpu.memory_space<vmem>>) offsets(%dma_start3A_249 : memref<40xi32, #tpu.memory_space<vmem>>) semaphore(%arg15 : memref<!tpu.dma_semaphore, #tpu.memory_space<semaphore_mem>>)
      %dma_wait3A_252 = arith.constant 0 : i32
      %dma_wait3A_253 = arith.constant 0 : i32
      %dma_wait3A_254 = tpu.memref_slice %arg10[%dma_wait3A_252, %dma_wait3A_253] : memref<280x128xf32, #tpu.memory_space<vmem>> -> memref<40x128xf32, #tpu.memory_space<vmem>>
      %dma_wait3A_255 = arith.constant 0 : i32
      %dma_wait3A_256 = tpu.memref_slice %arg8[%dma_wait3A_255] : memref<280xi32, #tpu.memory_space<vmem>> -> memref<40xi32, #tpu.memory_space<vmem>>
      %dma_wait3A_257 = arith.constant 0 : i32
      %dma_wait3A_258 = arith.constant 0 : i32
      %dma_wait3A_259 = tpu.memref_slice %arg2[%dma_wait3A_257, %dma_wait3A_258] : memref<100000x128xf32, #tpu.memory_space<hbm>> -> memref<100000x128xf32, #tpu.memory_space<hbm>>
      tpu.wait_indirect_dma semaphore(%arg15 : memref<!tpu.dma_semaphore, #tpu.memory_space<semaphore_mem>>) src(%dma_wait3A_259 : memref<100000x128xf32, #tpu.memory_space<hbm>>) dst(%dma_wait3A_254 : memref<40x128xf32, #tpu.memory_space<vmem>>)
      %dma_wait3A_260 = arith.constant 40 : i32
      %dma_wait3A_261 = arith.constant 0 : i32
      %dma_wait3A_262 = tpu.memref_slice %arg10[%dma_wait3A_260, %dma_wait3A_261] : memref<280x128xf32, #tpu.memory_space<vmem>> -> memref<40x128xf32, #tpu.memory_space<vmem>>
      %dma_wait3A_263 = arith.constant 0 : i32
      %dma_wait3A_264 = tpu.memref_slice %arg8[%dma_wait3A_263] : memref<280xi32, #tpu.memory_space<vmem>> -> memref<40xi32, #tpu.memory_space<vmem>>
      %dma_wait3A_265 = arith.constant 0 : i32
      %dma_wait3A_266 = arith.constant 0 : i32
      %dma_wait3A_267 = tpu.memref_slice %arg2[%dma_wait3A_265, %dma_wait3A_266] : memref<100000x128xf32, #tpu.memory_space<hbm>> -> memref<100000x128xf32, #tpu.memory_space<hbm>>
      tpu.wait_indirect_dma semaphore(%arg15 : memref<!tpu.dma_semaphore, #tpu.memory_space<semaphore_mem>>) src(%dma_wait3A_267 : memref<100000x128xf32, #tpu.memory_space<hbm>>) dst(%dma_wait3A_262 : memref<40x128xf32, #tpu.memory_space<vmem>>)
      %dma_wait3A_268 = arith.constant 80 : i32
      %dma_wait3A_269 = arith.constant 0 : i32
      %dma_wait3A_270 = tpu.memref_slice %arg10[%dma_wait3A_268, %dma_wait3A_269] : memref<280x128xf32, #tpu.memory_space<vmem>> -> memref<40x128xf32, #tpu.memory_space<vmem>>
      %dma_wait3A_271 = arith.constant 0 : i32
      %dma_wait3A_272 = tpu.memref_slice %arg8[%dma_wait3A_271] : memref<280xi32, #tpu.memory_space<vmem>> -> memref<40xi32, #tpu.memory_space<vmem>>
      %dma_wait3A_273 = arith.constant 0 : i32
      %dma_wait3A_274 = arith.constant 0 : i32
      %dma_wait3A_275 = tpu.memref_slice %arg2[%dma_wait3A_273, %dma_wait3A_274] : memref<100000x128xf32, #tpu.memory_space<hbm>> -> memref<100000x128xf32, #tpu.memory_space<hbm>>
      tpu.wait_indirect_dma semaphore(%arg15 : memref<!tpu.dma_semaphore, #tpu.memory_space<semaphore_mem>>) src(%dma_wait3A_275 : memref<100000x128xf32, #tpu.memory_space<hbm>>) dst(%dma_wait3A_270 : memref<40x128xf32, #tpu.memory_space<vmem>>)
      %dma_wait3A_276 = arith.constant 120 : i32
      %dma_wait3A_277 = arith.constant 0 : i32
      %dma_wait3A_278 = tpu.memref_slice %arg10[%dma_wait3A_276, %dma_wait3A_277] : memref<280x128xf32, #tpu.memory_space<vmem>> -> memref<40x128xf32, #tpu.memory_space<vmem>>
      %dma_wait3A_279 = arith.constant 0 : i32
      %dma_wait3A_280 = tpu.memref_slice %arg8[%dma_wait3A_279] : memref<280xi32, #tpu.memory_space<vmem>> -> memref<40xi32, #tpu.memory_space<vmem>>
      %dma_wait3A_281 = arith.constant 0 : i32
      %dma_wait3A_282 = arith.constant 0 : i32
      %dma_wait3A_283 = tpu.memref_slice %arg2[%dma_wait3A_281, %dma_wait3A_282] : memref<100000x128xf32, #tpu.memory_space<hbm>> -> memref<100000x128xf32, #tpu.memory_space<hbm>>
      tpu.wait_indirect_dma semaphore(%arg15 : memref<!tpu.dma_semaphore, #tpu.memory_space<semaphore_mem>>) src(%dma_wait3A_283 : memref<100000x128xf32, #tpu.memory_space<hbm>>) dst(%dma_wait3A_278 : memref<40x128xf32, #tpu.memory_space<vmem>>)
      %dma_wait3A_284 = arith.constant 160 : i32
      %dma_wait3A_285 = arith.constant 0 : i32
      %dma_wait3A_286 = tpu.memref_slice %arg10[%dma_wait3A_284, %dma_wait3A_285] : memref<280x128xf32, #tpu.memory_space<vmem>> -> memref<40x128xf32, #tpu.memory_space<vmem>>
      %dma_wait3A_287 = arith.constant 0 : i32
      %dma_wait3A_288 = tpu.memref_slice %arg8[%dma_wait3A_287] : memref<280xi32, #tpu.memory_space<vmem>> -> memref<40xi32, #tpu.memory_space<vmem>>
      %dma_wait3A_289 = arith.constant 0 : i32
      %dma_wait3A_290 = arith.constant 0 : i32
      %dma_wait3A_291 = tpu.memref_slice %arg2[%dma_wait3A_289, %dma_wait3A_290] : memref<100000x128xf32, #tpu.memory_space<hbm>> -> memref<100000x128xf32, #tpu.memory_space<hbm>>
      tpu.wait_indirect_dma semaphore(%arg15 : memref<!tpu.dma_semaphore, #tpu.memory_space<semaphore_mem>>) src(%dma_wait3A_291 : memref<100000x128xf32, #tpu.memory_space<hbm>>) dst(%dma_wait3A_286 : memref<40x128xf32, #tpu.memory_space<vmem>>)
      %dma_wait3A_292 = arith.constant 200 : i32
      %dma_wait3A_293 = arith.constant 0 : i32
      %dma_wait3A_294 = tpu.memref_slice %arg10[%dma_wait3A_292, %dma_wait3A_293] : memref<280x128xf32, #tpu.memory_space<vmem>> -> memref<40x128xf32, #tpu.memory_space<vmem>>
      %dma_wait3A_295 = arith.constant 0 : i32
      %dma_wait3A_296 = tpu.memref_slice %arg8[%dma_wait3A_295] : memref<280xi32, #tpu.memory_space<vmem>> -> memref<40xi32, #tpu.memory_space<vmem>>
      %dma_wait3A_297 = arith.constant 0 : i32
      %dma_wait3A_298 = arith.constant 0 : i32
      %dma_wait3A_299 = tpu.memref_slice %arg2[%dma_wait3A_297, %dma_wait3A_298] : memref<100000x128xf32, #tpu.memory_space<hbm>> -> memref<100000x128xf32, #tpu.memory_space<hbm>>
      tpu.wait_indirect_dma semaphore(%arg15 : memref<!tpu.dma_semaphore, #tpu.memory_space<semaphore_mem>>) src(%dma_wait3A_299 : memref<100000x128xf32, #tpu.memory_space<hbm>>) dst(%dma_wait3A_294 : memref<40x128xf32, #tpu.memory_space<vmem>>)
      %dma_wait3A_300 = arith.constant 240 : i32
      %dma_wait3A_301 = arith.constant 0 : i32
      %dma_wait3A_302 = tpu.memref_slice %arg10[%dma_wait3A_300, %dma_wait3A_301] : memref<280x128xf32, #tpu.memory_space<vmem>> -> memref<40x128xf32, #tpu.memory_space<vmem>>
      %dma_wait3A_303 = arith.constant 0 : i32
      %dma_wait3A_304 = tpu.memref_slice %arg8[%dma_wait3A_303] : memref<280xi32, #tpu.memory_space<vmem>> -> memref<40xi32, #tpu.memory_space<vmem>>
      %dma_wait3A_305 = arith.constant 0 : i32
      %dma_wait3A_306 = arith.constant 0 : i32
      %dma_wait3A_307 = tpu.memref_slice %arg2[%dma_wait3A_305, %dma_wait3A_306] : memref<100000x128xf32, #tpu.memory_space<hbm>> -> memref<100000x128xf32, #tpu.memory_space<hbm>>
      tpu.wait_indirect_dma semaphore(%arg15 : memref<!tpu.dma_semaphore, #tpu.memory_space<semaphore_mem>>) src(%dma_wait3A_307 : memref<100000x128xf32, #tpu.memory_space<hbm>>) dst(%dma_wait3A_302 : memref<40x128xf32, #tpu.memory_space<vmem>>)
      %dma_wait3A_308 = arith.constant 0 : i32
      %dma_wait3A_309 = tpu.memref_slice %arg11[%dma_wait3A_308] : memref<800xf32, #tpu.memory_space<vmem>> -> memref<40xf32, #tpu.memory_space<vmem>>
      %dma_wait3A_310 = arith.constant 0 : i32
      %dma_wait3A_311 = tpu.memref_slice %arg8[%dma_wait3A_310] : memref<280xi32, #tpu.memory_space<vmem>> -> memref<40xi32, #tpu.memory_space<vmem>>
      %dma_wait3A_312 = arith.constant 0 : i32
      %dma_wait3A_313 = tpu.memref_slice %arg3[%dma_wait3A_312] : memref<100000xf32, #tpu.memory_space<hbm>> -> memref<100000xf32, #tpu.memory_space<hbm>>
      tpu.wait_indirect_dma semaphore(%arg15 : memref<!tpu.dma_semaphore, #tpu.memory_space<semaphore_mem>>) src(%dma_wait3A_313 : memref<100000xf32, #tpu.memory_space<hbm>>) dst(%dma_wait3A_309 : memref<40xf32, #tpu.memory_space<vmem>>)
      %add3A_314 = arith.constant 2 : i32
      %add3A_315 = arith.addi %add3A_179, %add3A_314 : i32
      %lt3A_316 = arith.constant 20 : i32
      %lt3A_317 = arith.cmpi slt, %add3A_315, %lt3A_316 : i32
      %convert_element_type3A_318 = arith.extui %lt3A_317 : i1 to i32
      %cond3A_319 = arith.constant 0 : i32
      %cond3A_320 = arith.cmpi ne, %convert_element_type3A_318, %cond3A_319 : i32
      scf.if %cond3A_320 {
        %add3A_328 = arith.constant 2 : i32
        %add3A_329 = arith.addi %add3A_179, %add3A_328 : i32
        %mul3A_330 = arith.constant 280 : i32
        %mul3A_331 = arith.muli %add3A_329, %mul3A_330 : i32
        %add3A_332 = arith.addi %multiple_of3A, %mul3A_331 : i32
        %dma_start3A_333 = tpu.memref_slice %arg4[%add3A_332] : memref<179200xi32, #tpu.memory_space<hbm>> -> memref<280xi32, #tpu.memory_space<hbm>>
        %dma_start3A_334 = tpu.memref_slice %arg4[%add3A_332] : memref<179200xi32, #tpu.memory_space<hbm>> -> memref<280xi32, #tpu.memory_space<hbm>>
        tpu.enqueue_dma source(%dma_start3A_334 : memref<280xi32, #tpu.memory_space<hbm>>) target(%arg8 : memref<280xi32, #tpu.memory_space<vmem>>) target_semaphore(%arg13 : memref<!tpu.dma_semaphore, #tpu.memory_space<semaphore_mem>>)
      } else {
      }
      %mul3A_321 = arith.constant 280 : i32
      %mul3A_322 = arith.muli %add3A_179, %mul3A_321 : i32
      %add3A_323 = arith.addi %multiple_of3A, %mul3A_322 : i32
      %dma_start3A_324 = arith.constant 0 : i32
      %dma_start3A_325 = tpu.memref_slice %arg5[%add3A_323, %dma_start3A_324] : memref<179200x128xf32, #tpu.memory_space<hbm>> -> memref<280x128xf32, #tpu.memory_space<hbm>>
      %dma_start3A_326 = arith.constant 0 : i32
      %dma_start3A_327 = tpu.memref_slice %arg5[%add3A_323, %dma_start3A_326] : memref<179200x128xf32, #tpu.memory_space<hbm>> -> memref<280x128xf32, #tpu.memory_space<hbm>>
      tpu.enqueue_dma source(%arg10 : memref<280x128xf32, #tpu.memory_space<vmem>>) target(%dma_start3A_327 : memref<280x128xf32, #tpu.memory_space<hbm>>) target_semaphore(%arg17 : memref<!tpu.dma_semaphore, #tpu.memory_space<semaphore_mem>>)
    }
    %scan3A_19 = arith.constant 10 : i32
    %dma_wait3A = arith.constant 0 : i32
    %dma_wait3A_20 = tpu.memref_slice %arg5[%multiple_of3A, %dma_wait3A] : memref<179200x128xf32, #tpu.memory_space<hbm>> -> memref<280x128xf32, #tpu.memory_space<hbm>>
    %dma_wait3A_21 = arith.constant 0 : i32
    %dma_wait3A_22 = tpu.memref_slice %arg5[%multiple_of3A, %dma_wait3A_21] : memref<179200x128xf32, #tpu.memory_space<hbm>> -> memref<280x128xf32, #tpu.memory_space<hbm>>
    tpu.wait_dma2 semaphore(%arg16 : memref<!tpu.dma_semaphore, #tpu.memory_space<semaphore_mem>>) src(%arg9 : memref<280x128xf32, #tpu.memory_space<vmem>>) dst(%dma_wait3A_22 : memref<280x128xf32, #tpu.memory_space<hbm>>)
    %dma_wait3A_23 = arith.constant 0 : i32
    %dma_wait3A_24 = tpu.memref_slice %arg5[%multiple_of3A, %dma_wait3A_23] : memref<179200x128xf32, #tpu.memory_space<hbm>> -> memref<280x128xf32, #tpu.memory_space<hbm>>
    %dma_wait3A_25 = arith.constant 0 : i32
    %dma_wait3A_26 = tpu.memref_slice %arg5[%multiple_of3A, %dma_wait3A_25] : memref<179200x128xf32, #tpu.memory_space<hbm>> -> memref<280x128xf32, #tpu.memory_space<hbm>>
    tpu.wait_dma2 semaphore(%arg17 : memref<!tpu.dma_semaphore, #tpu.memory_space<semaphore_mem>>) src(%arg10 : memref<280x128xf32, #tpu.memory_space<vmem>>) dst(%dma_wait3A_26 : memref<280x128xf32, #tpu.memory_space<hbm>>)
    "tpu.region"() ({
      %run_scoped3A = tpu.sem_alloc : memref<!tpu.dma_semaphore, #tpu.memory_space<semaphore_mem>>
      %dma_start3A_27 = tpu.memref_slice %arg6[%multiple_of3A_7] : memref<25600xf32, #tpu.memory_space<hbm>> -> memref<800xf32, #tpu.memory_space<hbm>>
      %dma_start3A_28 = tpu.memref_slice %arg6[%multiple_of3A_7] : memref<25600xf32, #tpu.memory_space<hbm>> -> memref<800xf32, #tpu.memory_space<hbm>>
      tpu.enqueue_dma source(%arg11 : memref<800xf32, #tpu.memory_space<vmem>>) target(%dma_start3A_28 : memref<800xf32, #tpu.memory_space<hbm>>) target_semaphore(%run_scoped3A : memref<!tpu.dma_semaphore, #tpu.memory_space<semaphore_mem>>)
      %dma_wait3A_29 = tpu.memref_slice %arg6[%multiple_of3A_7] : memref<25600xf32, #tpu.memory_space<hbm>> -> memref<800xf32, #tpu.memory_space<hbm>>
      %dma_wait3A_30 = tpu.memref_slice %arg6[%multiple_of3A_7] : memref<25600xf32, #tpu.memory_space<hbm>> -> memref<800xf32, #tpu.memory_space<hbm>>
      tpu.wait_dma2 semaphore(%run_scoped3A : memref<!tpu.dma_semaphore, #tpu.memory_space<semaphore_mem>>) src(%arg11 : memref<800xf32, #tpu.memory_space<vmem>>) dst(%dma_wait3A_30 : memref<800xf32, #tpu.memory_space<hbm>>)
      tpu.yield
    }) : () -> ()
    return
  }
}

#map = affine_map<(d0, d1) -> (0, 0)>
#map1 = affine_map<(d0, d1) -> (0)>
module attributes {stable_mosaic.version = 14 : i64} {
  func.func @_gather_body(%arg0: i32, %arg1: i32, %arg2: memref<100000x128xf32, #tpu.memory_space<hbm>>, %arg3: memref<100000xf32, #tpu.memory_space<hbm>>, %arg4: memref<179200xi32, #tpu.memory_space<hbm>>, %arg5: memref<179200x128xf32, #tpu.memory_space<hbm>>, %arg6: memref<25600xf32, #tpu.memory_space<hbm>>, %arg7: memref<280xi32, #tpu.memory_space<vmem>>, %arg8: memref<280xi32, #tpu.memory_space<vmem>>, %arg9: memref<280x128xf32, #tpu.memory_space<vmem>>, %arg10: memref<280x128xf32, #tpu.memory_space<vmem>>, %arg11: memref<800xf32, #tpu.memory_space<vmem>>, %arg12: memref<!tpu.dma_semaphore, #tpu.memory_space<semaphore_mem>>, %arg13: memref<!tpu.dma_semaphore, #tpu.memory_space<semaphore_mem>>, %arg14: memref<!tpu.dma_semaphore, #tpu.memory_space<semaphore_mem>>, %arg15: memref<!tpu.dma_semaphore, #tpu.memory_space<semaphore_mem>>, %arg16: memref<!tpu.dma_semaphore, #tpu.memory_space<semaphore_mem>>, %arg17: memref<!tpu.dma_semaphore, #tpu.memory_space<semaphore_mem>>) attributes {dimension_semantics = [#tpu.dimension_semantics<core_parallel>, #tpu.dimension_semantics<subcore_parallel>], iteration_bounds = array<i64: 2, 16>, scalar_prefetch = 0 : i64, scratch_operands = 11 : i64, tpu.core_type = #tpu.core_type<sc_vector_subcore>, window_params = [{transform_indices = #map}, {transform_indices = #map1}, {transform_indices = #map1}, {transform_indices = #map}, {transform_indices = #map1}]} {
    %mul3A = arith.constant 2 : i32
    %mul3A_0 = arith.muli %arg1, %mul3A : i32
    %add3A = arith.addi %mul3A_0, %arg0 : i32
    %mul3A_1 = arith.constant 20 : i32
    %mul3A_2 = arith.muli %add3A, %mul3A_1 : i32
    %mul3A_3 = arith.constant 280 : i32
    %mul3A_4 = arith.muli %mul3A_2, %mul3A_3 : i32
    %multiple_of3A = tpu.assume_multiple %mul3A_4, 8 : i32
    %mul3A_5 = arith.constant 800 : i32
    %mul3A_6 = arith.muli %add3A, %mul3A_5 : i32
    %multiple_of3A_7 = tpu.assume_multiple %mul3A_6, 8 : i32
    %add3A_8 = arith.constant 0 : i32
    %add3A_9 = arith.addi %multiple_of3A, %add3A_8 : i32
    %dma_start3A = tpu.memref_slice %arg4[%add3A_9] : memref<179200xi32, #tpu.memory_space<hbm>> -> memref<280xi32, #tpu.memory_space<hbm>>
    %dma_start3A_10 = tpu.memref_slice %arg4[%add3A_9] : memref<179200xi32, #tpu.memory_space<hbm>> -> memref<280xi32, #tpu.memory_space<hbm>>
    tpu.enqueue_dma source(%dma_start3A_10 : memref<280xi32, #tpu.memory_space<hbm>>) target(%arg7 : memref<280xi32, #tpu.memory_space<vmem>>) target_semaphore(%arg12 : memref<!tpu.dma_semaphore, #tpu.memory_space<semaphore_mem>>)
    %add3A_11 = arith.constant 280 : i32
    %add3A_12 = arith.addi %multiple_of3A, %add3A_11 : i32
    %dma_start3A_13 = tpu.memref_slice %arg4[%add3A_12] : memref<179200xi32, #tpu.memory_space<hbm>> -> memref<280xi32, #tpu.memory_space<hbm>>
    %dma_start3A_14 = tpu.memref_slice %arg4[%add3A_12] : memref<179200xi32, #tpu.memory_space<hbm>> -> memref<280xi32, #tpu.memory_space<hbm>>
    tpu.enqueue_dma source(%dma_start3A_14 : memref<280xi32, #tpu.memory_space<hbm>>) target(%arg8 : memref<280xi32, #tpu.memory_space<vmem>>) target_semaphore(%arg13 : memref<!tpu.dma_semaphore, #tpu.memory_space<semaphore_mem>>)
    %scan3A = arith.constant 0 : i32
    %scan3A_15 = arith.constant 0 : i32
    %scan3A_16 = arith.constant 10 : i32
    %scan3A_17 = arith.addi %scan3A_15, %scan3A_16 : i32
    %scan3A_18 = arith.constant 1 : i32
    scf.for %scan3A_27 = %scan3A_15 to %scan3A_17 step %scan3A_18  : i32 {
      %mul3A_28 = arith.constant 2 : i32
      %mul3A_29 = arith.muli %mul3A_28, %scan3A_27 : i32
      %add3A_30 = arith.constant 0 : i32
      %add3A_31 = arith.addi %mul3A_29, %add3A_30 : i32
      %ge3A = arith.constant 2 : i32
      %ge3A_32 = arith.cmpi sge, %add3A_31, %ge3A : i32
      %convert_element_type3A = arith.extui %ge3A_32 : i1 to i32
      %cond3A = arith.constant 0 : i32
      %cond3A_33 = arith.cmpi ne, %convert_element_type3A, %cond3A : i32
      scf.if %cond3A_33 {
        %dma_wait3A_328 = arith.constant 0 : i32
        %dma_wait3A_329 = tpu.memref_slice %arg5[%multiple_of3A, %dma_wait3A_328] : memref<179200x128xf32, #tpu.memory_space<hbm>> -> memref<280x128xf32, #tpu.memory_space<hbm>>
        %dma_wait3A_330 = arith.constant 0 : i32
        %dma_wait3A_331 = tpu.memref_slice %arg5[%multiple_of3A, %dma_wait3A_330] : memref<179200x128xf32, #tpu.memory_space<hbm>> -> memref<280x128xf32, #tpu.memory_space<hbm>>
        tpu.wait_dma2 semaphore(%arg16 : memref<!tpu.dma_semaphore, #tpu.memory_space<semaphore_mem>>) src(%arg9 : memref<280x128xf32, #tpu.memory_space<vmem>>) dst(%dma_wait3A_331 : memref<280x128xf32, #tpu.memory_space<hbm>>)
      } else {
      }
      %add3A_34 = arith.constant 0 : i32
      %add3A_35 = arith.addi %multiple_of3A, %add3A_34 : i32
      %dma_wait3A_36 = tpu.memref_slice %arg4[%add3A_35] : memref<179200xi32, #tpu.memory_space<hbm>> -> memref<280xi32, #tpu.memory_space<hbm>>
      %dma_wait3A_37 = tpu.memref_slice %arg4[%add3A_35] : memref<179200xi32, #tpu.memory_space<hbm>> -> memref<280xi32, #tpu.memory_space<hbm>>
      tpu.wait_dma2 semaphore(%arg12 : memref<!tpu.dma_semaphore, #tpu.memory_space<semaphore_mem>>) src(%dma_wait3A_37 : memref<280xi32, #tpu.memory_space<hbm>>) dst(%arg7 : memref<280xi32, #tpu.memory_space<vmem>>)
      %dma_start3A_38 = arith.constant 0 : i32
      %dma_start3A_39 = arith.constant 0 : i32
      %dma_start3A_40 = tpu.memref_slice %arg9[%dma_start3A_38, %dma_start3A_39] : memref<280x128xf32, #tpu.memory_space<vmem>> -> memref<40x128xf32, #tpu.memory_space<vmem>>
      %dma_start3A_41 = arith.constant 0 : i32
      %dma_start3A_42 = tpu.memref_slice %arg7[%dma_start3A_41] : memref<280xi32, #tpu.memory_space<vmem>> -> memref<40xi32, #tpu.memory_space<vmem>>
      %dma_start3A_43 = arith.constant 0 : i32
      %dma_start3A_44 = arith.constant 0 : i32
      %dma_start3A_45 = tpu.memref_slice %arg2[%dma_start3A_43, %dma_start3A_44] : memref<100000x128xf32, #tpu.memory_space<hbm>> -> memref<100000x128xf32, #tpu.memory_space<hbm>>
      tpu.enqueue_indirect_dma source(%dma_start3A_45 : memref<100000x128xf32, #tpu.memory_space<hbm>>) target(%dma_start3A_40 : memref<40x128xf32, #tpu.memory_space<vmem>>) offsets(%dma_start3A_42 : memref<40xi32, #tpu.memory_space<vmem>>) semaphore(%arg14 : memref<!tpu.dma_semaphore, #tpu.memory_space<semaphore_mem>>)
      %dma_start3A_46 = arith.constant 40 : i32
      %dma_start3A_47 = arith.constant 0 : i32
      %dma_start3A_48 = tpu.memref_slice %arg9[%dma_start3A_46, %dma_start3A_47] : memref<280x128xf32, #tpu.memory_space<vmem>> -> memref<40x128xf32, #tpu.memory_space<vmem>>
      %dma_start3A_49 = arith.constant 40 : i32
      %dma_start3A_50 = tpu.memref_slice %arg7[%dma_start3A_49] : memref<280xi32, #tpu.memory_space<vmem>> -> memref<40xi32, #tpu.memory_space<vmem>>
      %dma_start3A_51 = arith.constant 0 : i32
      %dma_start3A_52 = arith.constant 0 : i32
      %dma_start3A_53 = tpu.memref_slice %arg2[%dma_start3A_51, %dma_start3A_52] : memref<100000x128xf32, #tpu.memory_space<hbm>> -> memref<100000x128xf32, #tpu.memory_space<hbm>>
      tpu.enqueue_indirect_dma source(%dma_start3A_53 : memref<100000x128xf32, #tpu.memory_space<hbm>>) target(%dma_start3A_48 : memref<40x128xf32, #tpu.memory_space<vmem>>) offsets(%dma_start3A_50 : memref<40xi32, #tpu.memory_space<vmem>>) semaphore(%arg14 : memref<!tpu.dma_semaphore, #tpu.memory_space<semaphore_mem>>)
      %dma_start3A_54 = arith.constant 80 : i32
      %dma_start3A_55 = arith.constant 0 : i32
      %dma_start3A_56 = tpu.memref_slice %arg9[%dma_start3A_54, %dma_start3A_55] : memref<280x128xf32, #tpu.memory_space<vmem>> -> memref<40x128xf32, #tpu.memory_space<vmem>>
      %dma_start3A_57 = arith.constant 80 : i32
      %dma_start3A_58 = tpu.memref_slice %arg7[%dma_start3A_57] : memref<280xi32, #tpu.memory_space<vmem>> -> memref<40xi32, #tpu.memory_space<vmem>>
      %dma_start3A_59 = arith.constant 0 : i32
      %dma_start3A_60 = arith.constant 0 : i32
      %dma_start3A_61 = tpu.memref_slice %arg2[%dma_start3A_59, %dma_start3A_60] : memref<100000x128xf32, #tpu.memory_space<hbm>> -> memref<100000x128xf32, #tpu.memory_space<hbm>>
      tpu.enqueue_indirect_dma source(%dma_start3A_61 : memref<100000x128xf32, #tpu.memory_space<hbm>>) target(%dma_start3A_56 : memref<40x128xf32, #tpu.memory_space<vmem>>) offsets(%dma_start3A_58 : memref<40xi32, #tpu.memory_space<vmem>>) semaphore(%arg14 : memref<!tpu.dma_semaphore, #tpu.memory_space<semaphore_mem>>)
      %dma_start3A_62 = arith.constant 120 : i32
      %dma_start3A_63 = arith.constant 0 : i32
      %dma_start3A_64 = tpu.memref_slice %arg9[%dma_start3A_62, %dma_start3A_63] : memref<280x128xf32, #tpu.memory_space<vmem>> -> memref<40x128xf32, #tpu.memory_space<vmem>>
      %dma_start3A_65 = arith.constant 120 : i32
      %dma_start3A_66 = tpu.memref_slice %arg7[%dma_start3A_65] : memref<280xi32, #tpu.memory_space<vmem>> -> memref<40xi32, #tpu.memory_space<vmem>>
      %dma_start3A_67 = arith.constant 0 : i32
      %dma_start3A_68 = arith.constant 0 : i32
      %dma_start3A_69 = tpu.memref_slice %arg2[%dma_start3A_67, %dma_start3A_68] : memref<100000x128xf32, #tpu.memory_space<hbm>> -> memref<100000x128xf32, #tpu.memory_space<hbm>>
      tpu.enqueue_indirect_dma source(%dma_start3A_69 : memref<100000x128xf32, #tpu.memory_space<hbm>>) target(%dma_start3A_64 : memref<40x128xf32, #tpu.memory_space<vmem>>) offsets(%dma_start3A_66 : memref<40xi32, #tpu.memory_space<vmem>>) semaphore(%arg14 : memref<!tpu.dma_semaphore, #tpu.memory_space<semaphore_mem>>)
      %dma_start3A_70 = arith.constant 160 : i32
      %dma_start3A_71 = arith.constant 0 : i32
      %dma_start3A_72 = tpu.memref_slice %arg9[%dma_start3A_70, %dma_start3A_71] : memref<280x128xf32, #tpu.memory_space<vmem>> -> memref<40x128xf32, #tpu.memory_space<vmem>>
      %dma_start3A_73 = arith.constant 160 : i32
      %dma_start3A_74 = tpu.memref_slice %arg7[%dma_start3A_73] : memref<280xi32, #tpu.memory_space<vmem>> -> memref<40xi32, #tpu.memory_space<vmem>>
      %dma_start3A_75 = arith.constant 0 : i32
      %dma_start3A_76 = arith.constant 0 : i32
      %dma_start3A_77 = tpu.memref_slice %arg2[%dma_start3A_75, %dma_start3A_76] : memref<100000x128xf32, #tpu.memory_space<hbm>> -> memref<100000x128xf32, #tpu.memory_space<hbm>>
      tpu.enqueue_indirect_dma source(%dma_start3A_77 : memref<100000x128xf32, #tpu.memory_space<hbm>>) target(%dma_start3A_72 : memref<40x128xf32, #tpu.memory_space<vmem>>) offsets(%dma_start3A_74 : memref<40xi32, #tpu.memory_space<vmem>>) semaphore(%arg14 : memref<!tpu.dma_semaphore, #tpu.memory_space<semaphore_mem>>)
      %dma_start3A_78 = arith.constant 200 : i32
      %dma_start3A_79 = arith.constant 0 : i32
      %dma_start3A_80 = tpu.memref_slice %arg9[%dma_start3A_78, %dma_start3A_79] : memref<280x128xf32, #tpu.memory_space<vmem>> -> memref<40x128xf32, #tpu.memory_space<vmem>>
      %dma_start3A_81 = arith.constant 200 : i32
      %dma_start3A_82 = tpu.memref_slice %arg7[%dma_start3A_81] : memref<280xi32, #tpu.memory_space<vmem>> -> memref<40xi32, #tpu.memory_space<vmem>>
      %dma_start3A_83 = arith.constant 0 : i32
      %dma_start3A_84 = arith.constant 0 : i32
      %dma_start3A_85 = tpu.memref_slice %arg2[%dma_start3A_83, %dma_start3A_84] : memref<100000x128xf32, #tpu.memory_space<hbm>> -> memref<100000x128xf32, #tpu.memory_space<hbm>>
      tpu.enqueue_indirect_dma source(%dma_start3A_85 : memref<100000x128xf32, #tpu.memory_space<hbm>>) target(%dma_start3A_80 : memref<40x128xf32, #tpu.memory_space<vmem>>) offsets(%dma_start3A_82 : memref<40xi32, #tpu.memory_space<vmem>>) semaphore(%arg14 : memref<!tpu.dma_semaphore, #tpu.memory_space<semaphore_mem>>)
      %dma_start3A_86 = arith.constant 240 : i32
      %dma_start3A_87 = arith.constant 0 : i32
      %dma_start3A_88 = tpu.memref_slice %arg9[%dma_start3A_86, %dma_start3A_87] : memref<280x128xf32, #tpu.memory_space<vmem>> -> memref<40x128xf32, #tpu.memory_space<vmem>>
      %dma_start3A_89 = arith.constant 240 : i32
      %dma_start3A_90 = tpu.memref_slice %arg7[%dma_start3A_89] : memref<280xi32, #tpu.memory_space<vmem>> -> memref<40xi32, #tpu.memory_space<vmem>>
      %dma_start3A_91 = arith.constant 0 : i32
      %dma_start3A_92 = arith.constant 0 : i32
      %dma_start3A_93 = tpu.memref_slice %arg2[%dma_start3A_91, %dma_start3A_92] : memref<100000x128xf32, #tpu.memory_space<hbm>> -> memref<100000x128xf32, #tpu.memory_space<hbm>>
      tpu.enqueue_indirect_dma source(%dma_start3A_93 : memref<100000x128xf32, #tpu.memory_space<hbm>>) target(%dma_start3A_88 : memref<40x128xf32, #tpu.memory_space<vmem>>) offsets(%dma_start3A_90 : memref<40xi32, #tpu.memory_space<vmem>>) semaphore(%arg14 : memref<!tpu.dma_semaphore, #tpu.memory_space<semaphore_mem>>)
      %mul3A_94 = arith.constant 40 : i32
      %mul3A_95 = arith.muli %add3A_31, %mul3A_94 : i32
      %dma_start3A_96 = tpu.memref_slice %arg11[%mul3A_95] : memref<800xf32, #tpu.memory_space<vmem>> -> memref<40xf32, #tpu.memory_space<vmem>>
      %dma_start3A_97 = arith.constant 0 : i32
      %dma_start3A_98 = tpu.memref_slice %arg7[%dma_start3A_97] : memref<280xi32, #tpu.memory_space<vmem>> -> memref<40xi32, #tpu.memory_space<vmem>>
      %dma_start3A_99 = arith.constant 0 : i32
      %dma_start3A_100 = tpu.memref_slice %arg3[%dma_start3A_99] : memref<100000xf32, #tpu.memory_space<hbm>> -> memref<100000xf32, #tpu.memory_space<hbm>>
      tpu.enqueue_indirect_dma source(%dma_start3A_100 : memref<100000xf32, #tpu.memory_space<hbm>>) target(%dma_start3A_96 : memref<40xf32, #tpu.memory_space<vmem>>) offsets(%dma_start3A_98 : memref<40xi32, #tpu.memory_space<vmem>>) semaphore(%arg14 : memref<!tpu.dma_semaphore, #tpu.memory_space<semaphore_mem>>)
      %dma_wait3A_101 = arith.constant 0 : i32
      %dma_wait3A_102 = arith.constant 0 : i32
      %dma_wait3A_103 = tpu.memref_slice %arg9[%dma_wait3A_101, %dma_wait3A_102] : memref<280x128xf32, #tpu.memory_space<vmem>> -> memref<40x128xf32, #tpu.memory_space<vmem>>
      %dma_wait3A_104 = arith.constant 0 : i32
      %dma_wait3A_105 = tpu.memref_slice %arg7[%dma_wait3A_104] : memref<280xi32, #tpu.memory_space<vmem>> -> memref<40xi32, #tpu.memory_space<vmem>>
      %dma_wait3A_106 = arith.constant 0 : i32
      %dma_wait3A_107 = arith.constant 0 : i32
      %dma_wait3A_108 = tpu.memref_slice %arg2[%dma_wait3A_106, %dma_wait3A_107] : memref<100000x128xf32, #tpu.memory_space<hbm>> -> memref<100000x128xf32, #tpu.memory_space<hbm>>
      tpu.wait_indirect_dma semaphore(%arg14 : memref<!tpu.dma_semaphore, #tpu.memory_space<semaphore_mem>>) src(%dma_wait3A_108 : memref<100000x128xf32, #tpu.memory_space<hbm>>) dst(%dma_wait3A_103 : memref<40x128xf32, #tpu.memory_space<vmem>>)
      %dma_wait3A_109 = arith.constant 40 : i32
      %dma_wait3A_110 = arith.constant 0 : i32
      %dma_wait3A_111 = tpu.memref_slice %arg9[%dma_wait3A_109, %dma_wait3A_110] : memref<280x128xf32, #tpu.memory_space<vmem>> -> memref<40x128xf32, #tpu.memory_space<vmem>>
      %dma_wait3A_112 = arith.constant 0 : i32
      %dma_wait3A_113 = tpu.memref_slice %arg7[%dma_wait3A_112] : memref<280xi32, #tpu.memory_space<vmem>> -> memref<40xi32, #tpu.memory_space<vmem>>
      %dma_wait3A_114 = arith.constant 0 : i32
      %dma_wait3A_115 = arith.constant 0 : i32
      %dma_wait3A_116 = tpu.memref_slice %arg2[%dma_wait3A_114, %dma_wait3A_115] : memref<100000x128xf32, #tpu.memory_space<hbm>> -> memref<100000x128xf32, #tpu.memory_space<hbm>>
      tpu.wait_indirect_dma semaphore(%arg14 : memref<!tpu.dma_semaphore, #tpu.memory_space<semaphore_mem>>) src(%dma_wait3A_116 : memref<100000x128xf32, #tpu.memory_space<hbm>>) dst(%dma_wait3A_111 : memref<40x128xf32, #tpu.memory_space<vmem>>)
      %dma_wait3A_117 = arith.constant 80 : i32
      %dma_wait3A_118 = arith.constant 0 : i32
      %dma_wait3A_119 = tpu.memref_slice %arg9[%dma_wait3A_117, %dma_wait3A_118] : memref<280x128xf32, #tpu.memory_space<vmem>> -> memref<40x128xf32, #tpu.memory_space<vmem>>
      %dma_wait3A_120 = arith.constant 0 : i32
      %dma_wait3A_121 = tpu.memref_slice %arg7[%dma_wait3A_120] : memref<280xi32, #tpu.memory_space<vmem>> -> memref<40xi32, #tpu.memory_space<vmem>>
      %dma_wait3A_122 = arith.constant 0 : i32
      %dma_wait3A_123 = arith.constant 0 : i32
      %dma_wait3A_124 = tpu.memref_slice %arg2[%dma_wait3A_122, %dma_wait3A_123] : memref<100000x128xf32, #tpu.memory_space<hbm>> -> memref<100000x128xf32, #tpu.memory_space<hbm>>
      tpu.wait_indirect_dma semaphore(%arg14 : memref<!tpu.dma_semaphore, #tpu.memory_space<semaphore_mem>>) src(%dma_wait3A_124 : memref<100000x128xf32, #tpu.memory_space<hbm>>) dst(%dma_wait3A_119 : memref<40x128xf32, #tpu.memory_space<vmem>>)
      %dma_wait3A_125 = arith.constant 120 : i32
      %dma_wait3A_126 = arith.constant 0 : i32
      %dma_wait3A_127 = tpu.memref_slice %arg9[%dma_wait3A_125, %dma_wait3A_126] : memref<280x128xf32, #tpu.memory_space<vmem>> -> memref<40x128xf32, #tpu.memory_space<vmem>>
      %dma_wait3A_128 = arith.constant 0 : i32
      %dma_wait3A_129 = tpu.memref_slice %arg7[%dma_wait3A_128] : memref<280xi32, #tpu.memory_space<vmem>> -> memref<40xi32, #tpu.memory_space<vmem>>
      %dma_wait3A_130 = arith.constant 0 : i32
      %dma_wait3A_131 = arith.constant 0 : i32
      %dma_wait3A_132 = tpu.memref_slice %arg2[%dma_wait3A_130, %dma_wait3A_131] : memref<100000x128xf32, #tpu.memory_space<hbm>> -> memref<100000x128xf32, #tpu.memory_space<hbm>>
      tpu.wait_indirect_dma semaphore(%arg14 : memref<!tpu.dma_semaphore, #tpu.memory_space<semaphore_mem>>) src(%dma_wait3A_132 : memref<100000x128xf32, #tpu.memory_space<hbm>>) dst(%dma_wait3A_127 : memref<40x128xf32, #tpu.memory_space<vmem>>)
      %dma_wait3A_133 = arith.constant 160 : i32
      %dma_wait3A_134 = arith.constant 0 : i32
      %dma_wait3A_135 = tpu.memref_slice %arg9[%dma_wait3A_133, %dma_wait3A_134] : memref<280x128xf32, #tpu.memory_space<vmem>> -> memref<40x128xf32, #tpu.memory_space<vmem>>
      %dma_wait3A_136 = arith.constant 0 : i32
      %dma_wait3A_137 = tpu.memref_slice %arg7[%dma_wait3A_136] : memref<280xi32, #tpu.memory_space<vmem>> -> memref<40xi32, #tpu.memory_space<vmem>>
      %dma_wait3A_138 = arith.constant 0 : i32
      %dma_wait3A_139 = arith.constant 0 : i32
      %dma_wait3A_140 = tpu.memref_slice %arg2[%dma_wait3A_138, %dma_wait3A_139] : memref<100000x128xf32, #tpu.memory_space<hbm>> -> memref<100000x128xf32, #tpu.memory_space<hbm>>
      tpu.wait_indirect_dma semaphore(%arg14 : memref<!tpu.dma_semaphore, #tpu.memory_space<semaphore_mem>>) src(%dma_wait3A_140 : memref<100000x128xf32, #tpu.memory_space<hbm>>) dst(%dma_wait3A_135 : memref<40x128xf32, #tpu.memory_space<vmem>>)
      %dma_wait3A_141 = arith.constant 200 : i32
      %dma_wait3A_142 = arith.constant 0 : i32
      %dma_wait3A_143 = tpu.memref_slice %arg9[%dma_wait3A_141, %dma_wait3A_142] : memref<280x128xf32, #tpu.memory_space<vmem>> -> memref<40x128xf32, #tpu.memory_space<vmem>>
      %dma_wait3A_144 = arith.constant 0 : i32
      %dma_wait3A_145 = tpu.memref_slice %arg7[%dma_wait3A_144] : memref<280xi32, #tpu.memory_space<vmem>> -> memref<40xi32, #tpu.memory_space<vmem>>
      %dma_wait3A_146 = arith.constant 0 : i32
      %dma_wait3A_147 = arith.constant 0 : i32
      %dma_wait3A_148 = tpu.memref_slice %arg2[%dma_wait3A_146, %dma_wait3A_147] : memref<100000x128xf32, #tpu.memory_space<hbm>> -> memref<100000x128xf32, #tpu.memory_space<hbm>>
      tpu.wait_indirect_dma semaphore(%arg14 : memref<!tpu.dma_semaphore, #tpu.memory_space<semaphore_mem>>) src(%dma_wait3A_148 : memref<100000x128xf32, #tpu.memory_space<hbm>>) dst(%dma_wait3A_143 : memref<40x128xf32, #tpu.memory_space<vmem>>)
      %dma_wait3A_149 = arith.constant 240 : i32
      %dma_wait3A_150 = arith.constant 0 : i32
      %dma_wait3A_151 = tpu.memref_slice %arg9[%dma_wait3A_149, %dma_wait3A_150] : memref<280x128xf32, #tpu.memory_space<vmem>> -> memref<40x128xf32, #tpu.memory_space<vmem>>
      %dma_wait3A_152 = arith.constant 0 : i32
      %dma_wait3A_153 = tpu.memref_slice %arg7[%dma_wait3A_152] : memref<280xi32, #tpu.memory_space<vmem>> -> memref<40xi32, #tpu.memory_space<vmem>>
      %dma_wait3A_154 = arith.constant 0 : i32
      %dma_wait3A_155 = arith.constant 0 : i32
      %dma_wait3A_156 = tpu.memref_slice %arg2[%dma_wait3A_154, %dma_wait3A_155] : memref<100000x128xf32, #tpu.memory_space<hbm>> -> memref<100000x128xf32, #tpu.memory_space<hbm>>
      tpu.wait_indirect_dma semaphore(%arg14 : memref<!tpu.dma_semaphore, #tpu.memory_space<semaphore_mem>>) src(%dma_wait3A_156 : memref<100000x128xf32, #tpu.memory_space<hbm>>) dst(%dma_wait3A_151 : memref<40x128xf32, #tpu.memory_space<vmem>>)
      %dma_wait3A_157 = arith.constant 0 : i32
      %dma_wait3A_158 = tpu.memref_slice %arg11[%dma_wait3A_157] : memref<800xf32, #tpu.memory_space<vmem>> -> memref<40xf32, #tpu.memory_space<vmem>>
      %dma_wait3A_159 = arith.constant 0 : i32
      %dma_wait3A_160 = tpu.memref_slice %arg7[%dma_wait3A_159] : memref<280xi32, #tpu.memory_space<vmem>> -> memref<40xi32, #tpu.memory_space<vmem>>
      %dma_wait3A_161 = arith.constant 0 : i32
      %dma_wait3A_162 = tpu.memref_slice %arg3[%dma_wait3A_161] : memref<100000xf32, #tpu.memory_space<hbm>> -> memref<100000xf32, #tpu.memory_space<hbm>>
      tpu.wait_indirect_dma semaphore(%arg14 : memref<!tpu.dma_semaphore, #tpu.memory_space<semaphore_mem>>) src(%dma_wait3A_162 : memref<100000xf32, #tpu.memory_space<hbm>>) dst(%dma_wait3A_158 : memref<40xf32, #tpu.memory_space<vmem>>)
      %add3A_163 = arith.constant 2 : i32
      %add3A_164 = arith.addi %add3A_31, %add3A_163 : i32
      %lt3A = arith.constant 20 : i32
      %lt3A_165 = arith.cmpi slt, %add3A_164, %lt3A : i32
      %convert_element_type3A_166 = arith.extui %lt3A_165 : i1 to i32
      %cond3A_167 = arith.constant 0 : i32
      %cond3A_168 = arith.cmpi ne, %convert_element_type3A_166, %cond3A_167 : i32
      scf.if %cond3A_168 {
        %add3A_328 = arith.constant 2 : i32
        %add3A_329 = arith.addi %add3A_31, %add3A_328 : i32
        %mul3A_330 = arith.constant 280 : i32
        %mul3A_331 = arith.muli %add3A_329, %mul3A_330 : i32
        %add3A_332 = arith.addi %multiple_of3A, %mul3A_331 : i32
        %dma_start3A_333 = tpu.memref_slice %arg4[%add3A_332] : memref<179200xi32, #tpu.memory_space<hbm>> -> memref<280xi32, #tpu.memory_space<hbm>>
        %dma_start3A_334 = tpu.memref_slice %arg4[%add3A_332] : memref<179200xi32, #tpu.memory_space<hbm>> -> memref<280xi32, #tpu.memory_space<hbm>>
        tpu.enqueue_dma source(%dma_start3A_334 : memref<280xi32, #tpu.memory_space<hbm>>) target(%arg7 : memref<280xi32, #tpu.memory_space<vmem>>) target_semaphore(%arg12 : memref<!tpu.dma_semaphore, #tpu.memory_space<semaphore_mem>>)
      } else {
      }
      %mul3A_169 = arith.constant 280 : i32
      %mul3A_170 = arith.muli %add3A_31, %mul3A_169 : i32
      %add3A_171 = arith.addi %multiple_of3A, %mul3A_170 : i32
      %dma_start3A_172 = arith.constant 0 : i32
      %dma_start3A_173 = tpu.memref_slice %arg5[%add3A_171, %dma_start3A_172] : memref<179200x128xf32, #tpu.memory_space<hbm>> -> memref<280x128xf32, #tpu.memory_space<hbm>>
      %dma_start3A_174 = arith.constant 0 : i32
      %dma_start3A_175 = tpu.memref_slice %arg5[%add3A_171, %dma_start3A_174] : memref<179200x128xf32, #tpu.memory_space<hbm>> -> memref<280x128xf32, #tpu.memory_space<hbm>>
      tpu.enqueue_dma source(%arg9 : memref<280x128xf32, #tpu.memory_space<vmem>>) target(%dma_start3A_175 : memref<280x128xf32, #tpu.memory_space<hbm>>) target_semaphore(%arg16 : memref<!tpu.dma_semaphore, #tpu.memory_space<semaphore_mem>>)
      %mul3A_176 = arith.constant 2 : i32
      %mul3A_177 = arith.muli %mul3A_176, %scan3A_27 : i32
      %add3A_178 = arith.constant 1 : i32
      %add3A_179 = arith.addi %mul3A_177, %add3A_178 : i32
      %ge3A_180 = arith.constant 2 : i32
      %ge3A_181 = arith.cmpi sge, %add3A_179, %ge3A_180 : i32
      %convert_element_type3A_182 = arith.extui %ge3A_181 : i1 to i32
      %cond3A_183 = arith.constant 0 : i32
      %cond3A_184 = arith.cmpi ne, %convert_element_type3A_182, %cond3A_183 : i32
      scf.if %cond3A_184 {
        %dma_wait3A_328 = arith.constant 0 : i32
        %dma_wait3A_329 = tpu.memref_slice %arg5[%multiple_of3A, %dma_wait3A_328] : memref<179200x128xf32, #tpu.memory_space<hbm>> -> memref<280x128xf32, #tpu.memory_space<hbm>>
        %dma_wait3A_330 = arith.constant 0 : i32
        %dma_wait3A_331 = tpu.memref_slice %arg5[%multiple_of3A, %dma_wait3A_330] : memref<179200x128xf32, #tpu.memory_space<hbm>> -> memref<280x128xf32, #tpu.memory_space<hbm>>
        tpu.wait_dma2 semaphore(%arg17 : memref<!tpu.dma_semaphore, #tpu.memory_space<semaphore_mem>>) src(%arg10 : memref<280x128xf32, #tpu.memory_space<vmem>>) dst(%dma_wait3A_331 : memref<280x128xf32, #tpu.memory_space<hbm>>)
      } else {
      }
      %add3A_185 = arith.constant 0 : i32
      %add3A_186 = arith.addi %multiple_of3A, %add3A_185 : i32
      %dma_wait3A_187 = tpu.memref_slice %arg4[%add3A_186] : memref<179200xi32, #tpu.memory_space<hbm>> -> memref<280xi32, #tpu.memory_space<hbm>>
      %dma_wait3A_188 = tpu.memref_slice %arg4[%add3A_186] : memref<179200xi32, #tpu.memory_space<hbm>> -> memref<280xi32, #tpu.memory_space<hbm>>
      tpu.wait_dma2 semaphore(%arg13 : memref<!tpu.dma_semaphore, #tpu.memory_space<semaphore_mem>>) src(%dma_wait3A_188 : memref<280xi32, #tpu.memory_space<hbm>>) dst(%arg8 : memref<280xi32, #tpu.memory_space<vmem>>)
      %dma_start3A_189 = arith.constant 0 : i32
      %dma_start3A_190 = arith.constant 0 : i32
      %dma_start3A_191 = tpu.memref_slice %arg10[%dma_start3A_189, %dma_start3A_190] : memref<280x128xf32, #tpu.memory_space<vmem>> -> memref<40x128xf32, #tpu.memory_space<vmem>>
      %dma_start3A_192 = arith.constant 0 : i32
      %dma_start3A_193 = tpu.memref_slice %arg8[%dma_start3A_192] : memref<280xi32, #tpu.memory_space<vmem>> -> memref<40xi32, #tpu.memory_space<vmem>>
      %dma_start3A_194 = arith.constant 0 : i32
      %dma_start3A_195 = arith.constant 0 : i32
      %dma_start3A_196 = tpu.memref_slice %arg2[%dma_start3A_194, %dma_start3A_195] : memref<100000x128xf32, #tpu.memory_space<hbm>> -> memref<100000x128xf32, #tpu.memory_space<hbm>>
      tpu.enqueue_indirect_dma source(%dma_start3A_196 : memref<100000x128xf32, #tpu.memory_space<hbm>>) target(%dma_start3A_191 : memref<40x128xf32, #tpu.memory_space<vmem>>) offsets(%dma_start3A_193 : memref<40xi32, #tpu.memory_space<vmem>>) semaphore(%arg15 : memref<!tpu.dma_semaphore, #tpu.memory_space<semaphore_mem>>)
      %dma_start3A_197 = arith.constant 40 : i32
      %dma_start3A_198 = arith.constant 0 : i32
      %dma_start3A_199 = tpu.memref_slice %arg10[%dma_start3A_197, %dma_start3A_198] : memref<280x128xf32, #tpu.memory_space<vmem>> -> memref<40x128xf32, #tpu.memory_space<vmem>>
      %dma_start3A_200 = arith.constant 40 : i32
      %dma_start3A_201 = tpu.memref_slice %arg8[%dma_start3A_200] : memref<280xi32, #tpu.memory_space<vmem>> -> memref<40xi32, #tpu.memory_space<vmem>>
      %dma_start3A_202 = arith.constant 0 : i32
      %dma_start3A_203 = arith.constant 0 : i32
      %dma_start3A_204 = tpu.memref_slice %arg2[%dma_start3A_202, %dma_start3A_203] : memref<100000x128xf32, #tpu.memory_space<hbm>> -> memref<100000x128xf32, #tpu.memory_space<hbm>>
      tpu.enqueue_indirect_dma source(%dma_start3A_204 : memref<100000x128xf32, #tpu.memory_space<hbm>>) target(%dma_start3A_199 : memref<40x128xf32, #tpu.memory_space<vmem>>) offsets(%dma_start3A_201 : memref<40xi32, #tpu.memory_space<vmem>>) semaphore(%arg15 : memref<!tpu.dma_semaphore, #tpu.memory_space<semaphore_mem>>)
      %dma_start3A_205 = arith.constant 80 : i32
      %dma_start3A_206 = arith.constant 0 : i32
      %dma_start3A_207 = tpu.memref_slice %arg10[%dma_start3A_205, %dma_start3A_206] : memref<280x128xf32, #tpu.memory_space<vmem>> -> memref<40x128xf32, #tpu.memory_space<vmem>>
      %dma_start3A_208 = arith.constant 80 : i32
      %dma_start3A_209 = tpu.memref_slice %arg8[%dma_start3A_208] : memref<280xi32, #tpu.memory_space<vmem>> -> memref<40xi32, #tpu.memory_space<vmem>>
      %dma_start3A_210 = arith.constant 0 : i32
      %dma_start3A_211 = arith.constant 0 : i32
      %dma_start3A_212 = tpu.memref_slice %arg2[%dma_start3A_210, %dma_start3A_211] : memref<100000x128xf32, #tpu.memory_space<hbm>> -> memref<100000x128xf32, #tpu.memory_space<hbm>>
      tpu.enqueue_indirect_dma source(%dma_start3A_212 : memref<100000x128xf32, #tpu.memory_space<hbm>>) target(%dma_start3A_207 : memref<40x128xf32, #tpu.memory_space<vmem>>) offsets(%dma_start3A_209 : memref<40xi32, #tpu.memory_space<vmem>>) semaphore(%arg15 : memref<!tpu.dma_semaphore, #tpu.memory_space<semaphore_mem>>)
      %dma_start3A_213 = arith.constant 120 : i32
      %dma_start3A_214 = arith.constant 0 : i32
      %dma_start3A_215 = tpu.memref_slice %arg10[%dma_start3A_213, %dma_start3A_214] : memref<280x128xf32, #tpu.memory_space<vmem>> -> memref<40x128xf32, #tpu.memory_space<vmem>>
      %dma_start3A_216 = arith.constant 120 : i32
      %dma_start3A_217 = tpu.memref_slice %arg8[%dma_start3A_216] : memref<280xi32, #tpu.memory_space<vmem>> -> memref<40xi32, #tpu.memory_space<vmem>>
      %dma_start3A_218 = arith.constant 0 : i32
      %dma_start3A_219 = arith.constant 0 : i32
      %dma_start3A_220 = tpu.memref_slice %arg2[%dma_start3A_218, %dma_start3A_219] : memref<100000x128xf32, #tpu.memory_space<hbm>> -> memref<100000x128xf32, #tpu.memory_space<hbm>>
      tpu.enqueue_indirect_dma source(%dma_start3A_220 : memref<100000x128xf32, #tpu.memory_space<hbm>>) target(%dma_start3A_215 : memref<40x128xf32, #tpu.memory_space<vmem>>) offsets(%dma_start3A_217 : memref<40xi32, #tpu.memory_space<vmem>>) semaphore(%arg15 : memref<!tpu.dma_semaphore, #tpu.memory_space<semaphore_mem>>)
      %dma_start3A_221 = arith.constant 160 : i32
      %dma_start3A_222 = arith.constant 0 : i32
      %dma_start3A_223 = tpu.memref_slice %arg10[%dma_start3A_221, %dma_start3A_222] : memref<280x128xf32, #tpu.memory_space<vmem>> -> memref<40x128xf32, #tpu.memory_space<vmem>>
      %dma_start3A_224 = arith.constant 160 : i32
      %dma_start3A_225 = tpu.memref_slice %arg8[%dma_start3A_224] : memref<280xi32, #tpu.memory_space<vmem>> -> memref<40xi32, #tpu.memory_space<vmem>>
      %dma_start3A_226 = arith.constant 0 : i32
      %dma_start3A_227 = arith.constant 0 : i32
      %dma_start3A_228 = tpu.memref_slice %arg2[%dma_start3A_226, %dma_start3A_227] : memref<100000x128xf32, #tpu.memory_space<hbm>> -> memref<100000x128xf32, #tpu.memory_space<hbm>>
      tpu.enqueue_indirect_dma source(%dma_start3A_228 : memref<100000x128xf32, #tpu.memory_space<hbm>>) target(%dma_start3A_223 : memref<40x128xf32, #tpu.memory_space<vmem>>) offsets(%dma_start3A_225 : memref<40xi32, #tpu.memory_space<vmem>>) semaphore(%arg15 : memref<!tpu.dma_semaphore, #tpu.memory_space<semaphore_mem>>)
      %dma_start3A_229 = arith.constant 200 : i32
      %dma_start3A_230 = arith.constant 0 : i32
      %dma_start3A_231 = tpu.memref_slice %arg10[%dma_start3A_229, %dma_start3A_230] : memref<280x128xf32, #tpu.memory_space<vmem>> -> memref<40x128xf32, #tpu.memory_space<vmem>>
      %dma_start3A_232 = arith.constant 200 : i32
      %dma_start3A_233 = tpu.memref_slice %arg8[%dma_start3A_232] : memref<280xi32, #tpu.memory_space<vmem>> -> memref<40xi32, #tpu.memory_space<vmem>>
      %dma_start3A_234 = arith.constant 0 : i32
      %dma_start3A_235 = arith.constant 0 : i32
      %dma_start3A_236 = tpu.memref_slice %arg2[%dma_start3A_234, %dma_start3A_235] : memref<100000x128xf32, #tpu.memory_space<hbm>> -> memref<100000x128xf32, #tpu.memory_space<hbm>>
      tpu.enqueue_indirect_dma source(%dma_start3A_236 : memref<100000x128xf32, #tpu.memory_space<hbm>>) target(%dma_start3A_231 : memref<40x128xf32, #tpu.memory_space<vmem>>) offsets(%dma_start3A_233 : memref<40xi32, #tpu.memory_space<vmem>>) semaphore(%arg15 : memref<!tpu.dma_semaphore, #tpu.memory_space<semaphore_mem>>)
      %dma_start3A_237 = arith.constant 240 : i32
      %dma_start3A_238 = arith.constant 0 : i32
      %dma_start3A_239 = tpu.memref_slice %arg10[%dma_start3A_237, %dma_start3A_238] : memref<280x128xf32, #tpu.memory_space<vmem>> -> memref<40x128xf32, #tpu.memory_space<vmem>>
      %dma_start3A_240 = arith.constant 240 : i32
      %dma_start3A_241 = tpu.memref_slice %arg8[%dma_start3A_240] : memref<280xi32, #tpu.memory_space<vmem>> -> memref<40xi32, #tpu.memory_space<vmem>>
      %dma_start3A_242 = arith.constant 0 : i32
      %dma_start3A_243 = arith.constant 0 : i32
      %dma_start3A_244 = tpu.memref_slice %arg2[%dma_start3A_242, %dma_start3A_243] : memref<100000x128xf32, #tpu.memory_space<hbm>> -> memref<100000x128xf32, #tpu.memory_space<hbm>>
      tpu.enqueue_indirect_dma source(%dma_start3A_244 : memref<100000x128xf32, #tpu.memory_space<hbm>>) target(%dma_start3A_239 : memref<40x128xf32, #tpu.memory_space<vmem>>) offsets(%dma_start3A_241 : memref<40xi32, #tpu.memory_space<vmem>>) semaphore(%arg15 : memref<!tpu.dma_semaphore, #tpu.memory_space<semaphore_mem>>)
      %mul3A_245 = arith.constant 40 : i32
      %mul3A_246 = arith.muli %add3A_179, %mul3A_245 : i32
      %dma_start3A_247 = tpu.memref_slice %arg11[%mul3A_246] : memref<800xf32, #tpu.memory_space<vmem>> -> memref<40xf32, #tpu.memory_space<vmem>>
      %dma_start3A_248 = arith.constant 0 : i32
      %dma_start3A_249 = tpu.memref_slice %arg8[%dma_start3A_248] : memref<280xi32, #tpu.memory_space<vmem>> -> memref<40xi32, #tpu.memory_space<vmem>>
      %dma_start3A_250 = arith.constant 0 : i32
      %dma_start3A_251 = tpu.memref_slice %arg3[%dma_start3A_250] : memref<100000xf32, #tpu.memory_space<hbm>> -> memref<100000xf32, #tpu.memory_space<hbm>>
      tpu.enqueue_indirect_dma source(%dma_start3A_251 : memref<100000xf32, #tpu.memory_space<hbm>>) target(%dma_start3A_247 : memref<40xf32, #tpu.memory_space<vmem>>) offsets(%dma_start3A_249 : memref<40xi32, #tpu.memory_space<vmem>>) semaphore(%arg15 : memref<!tpu.dma_semaphore, #tpu.memory_space<semaphore_mem>>)
      %dma_wait3A_252 = arith.constant 0 : i32
      %dma_wait3A_253 = arith.constant 0 : i32
      %dma_wait3A_254 = tpu.memref_slice %arg10[%dma_wait3A_252, %dma_wait3A_253] : memref<280x128xf32, #tpu.memory_space<vmem>> -> memref<40x128xf32, #tpu.memory_space<vmem>>
      %dma_wait3A_255 = arith.constant 0 : i32
      %dma_wait3A_256 = tpu.memref_slice %arg8[%dma_wait3A_255] : memref<280xi32, #tpu.memory_space<vmem>> -> memref<40xi32, #tpu.memory_space<vmem>>
      %dma_wait3A_257 = arith.constant 0 : i32
      %dma_wait3A_258 = arith.constant 0 : i32
      %dma_wait3A_259 = tpu.memref_slice %arg2[%dma_wait3A_257, %dma_wait3A_258] : memref<100000x128xf32, #tpu.memory_space<hbm>> -> memref<100000x128xf32, #tpu.memory_space<hbm>>
      tpu.wait_indirect_dma semaphore(%arg15 : memref<!tpu.dma_semaphore, #tpu.memory_space<semaphore_mem>>) src(%dma_wait3A_259 : memref<100000x128xf32, #tpu.memory_space<hbm>>) dst(%dma_wait3A_254 : memref<40x128xf32, #tpu.memory_space<vmem>>)
      %dma_wait3A_260 = arith.constant 40 : i32
      %dma_wait3A_261 = arith.constant 0 : i32
      %dma_wait3A_262 = tpu.memref_slice %arg10[%dma_wait3A_260, %dma_wait3A_261] : memref<280x128xf32, #tpu.memory_space<vmem>> -> memref<40x128xf32, #tpu.memory_space<vmem>>
      %dma_wait3A_263 = arith.constant 0 : i32
      %dma_wait3A_264 = tpu.memref_slice %arg8[%dma_wait3A_263] : memref<280xi32, #tpu.memory_space<vmem>> -> memref<40xi32, #tpu.memory_space<vmem>>
      %dma_wait3A_265 = arith.constant 0 : i32
      %dma_wait3A_266 = arith.constant 0 : i32
      %dma_wait3A_267 = tpu.memref_slice %arg2[%dma_wait3A_265, %dma_wait3A_266] : memref<100000x128xf32, #tpu.memory_space<hbm>> -> memref<100000x128xf32, #tpu.memory_space<hbm>>
      tpu.wait_indirect_dma semaphore(%arg15 : memref<!tpu.dma_semaphore, #tpu.memory_space<semaphore_mem>>) src(%dma_wait3A_267 : memref<100000x128xf32, #tpu.memory_space<hbm>>) dst(%dma_wait3A_262 : memref<40x128xf32, #tpu.memory_space<vmem>>)
      %dma_wait3A_268 = arith.constant 80 : i32
      %dma_wait3A_269 = arith.constant 0 : i32
      %dma_wait3A_270 = tpu.memref_slice %arg10[%dma_wait3A_268, %dma_wait3A_269] : memref<280x128xf32, #tpu.memory_space<vmem>> -> memref<40x128xf32, #tpu.memory_space<vmem>>
      %dma_wait3A_271 = arith.constant 0 : i32
      %dma_wait3A_272 = tpu.memref_slice %arg8[%dma_wait3A_271] : memref<280xi32, #tpu.memory_space<vmem>> -> memref<40xi32, #tpu.memory_space<vmem>>
      %dma_wait3A_273 = arith.constant 0 : i32
      %dma_wait3A_274 = arith.constant 0 : i32
      %dma_wait3A_275 = tpu.memref_slice %arg2[%dma_wait3A_273, %dma_wait3A_274] : memref<100000x128xf32, #tpu.memory_space<hbm>> -> memref<100000x128xf32, #tpu.memory_space<hbm>>
      tpu.wait_indirect_dma semaphore(%arg15 : memref<!tpu.dma_semaphore, #tpu.memory_space<semaphore_mem>>) src(%dma_wait3A_275 : memref<100000x128xf32, #tpu.memory_space<hbm>>) dst(%dma_wait3A_270 : memref<40x128xf32, #tpu.memory_space<vmem>>)
      %dma_wait3A_276 = arith.constant 120 : i32
      %dma_wait3A_277 = arith.constant 0 : i32
      %dma_wait3A_278 = tpu.memref_slice %arg10[%dma_wait3A_276, %dma_wait3A_277] : memref<280x128xf32, #tpu.memory_space<vmem>> -> memref<40x128xf32, #tpu.memory_space<vmem>>
      %dma_wait3A_279 = arith.constant 0 : i32
      %dma_wait3A_280 = tpu.memref_slice %arg8[%dma_wait3A_279] : memref<280xi32, #tpu.memory_space<vmem>> -> memref<40xi32, #tpu.memory_space<vmem>>
      %dma_wait3A_281 = arith.constant 0 : i32
      %dma_wait3A_282 = arith.constant 0 : i32
      %dma_wait3A_283 = tpu.memref_slice %arg2[%dma_wait3A_281, %dma_wait3A_282] : memref<100000x128xf32, #tpu.memory_space<hbm>> -> memref<100000x128xf32, #tpu.memory_space<hbm>>
      tpu.wait_indirect_dma semaphore(%arg15 : memref<!tpu.dma_semaphore, #tpu.memory_space<semaphore_mem>>) src(%dma_wait3A_283 : memref<100000x128xf32, #tpu.memory_space<hbm>>) dst(%dma_wait3A_278 : memref<40x128xf32, #tpu.memory_space<vmem>>)
      %dma_wait3A_284 = arith.constant 160 : i32
      %dma_wait3A_285 = arith.constant 0 : i32
      %dma_wait3A_286 = tpu.memref_slice %arg10[%dma_wait3A_284, %dma_wait3A_285] : memref<280x128xf32, #tpu.memory_space<vmem>> -> memref<40x128xf32, #tpu.memory_space<vmem>>
      %dma_wait3A_287 = arith.constant 0 : i32
      %dma_wait3A_288 = tpu.memref_slice %arg8[%dma_wait3A_287] : memref<280xi32, #tpu.memory_space<vmem>> -> memref<40xi32, #tpu.memory_space<vmem>>
      %dma_wait3A_289 = arith.constant 0 : i32
      %dma_wait3A_290 = arith.constant 0 : i32
      %dma_wait3A_291 = tpu.memref_slice %arg2[%dma_wait3A_289, %dma_wait3A_290] : memref<100000x128xf32, #tpu.memory_space<hbm>> -> memref<100000x128xf32, #tpu.memory_space<hbm>>
      tpu.wait_indirect_dma semaphore(%arg15 : memref<!tpu.dma_semaphore, #tpu.memory_space<semaphore_mem>>) src(%dma_wait3A_291 : memref<100000x128xf32, #tpu.memory_space<hbm>>) dst(%dma_wait3A_286 : memref<40x128xf32, #tpu.memory_space<vmem>>)
      %dma_wait3A_292 = arith.constant 200 : i32
      %dma_wait3A_293 = arith.constant 0 : i32
      %dma_wait3A_294 = tpu.memref_slice %arg10[%dma_wait3A_292, %dma_wait3A_293] : memref<280x128xf32, #tpu.memory_space<vmem>> -> memref<40x128xf32, #tpu.memory_space<vmem>>
      %dma_wait3A_295 = arith.constant 0 : i32
      %dma_wait3A_296 = tpu.memref_slice %arg8[%dma_wait3A_295] : memref<280xi32, #tpu.memory_space<vmem>> -> memref<40xi32, #tpu.memory_space<vmem>>
      %dma_wait3A_297 = arith.constant 0 : i32
      %dma_wait3A_298 = arith.constant 0 : i32
      %dma_wait3A_299 = tpu.memref_slice %arg2[%dma_wait3A_297, %dma_wait3A_298] : memref<100000x128xf32, #tpu.memory_space<hbm>> -> memref<100000x128xf32, #tpu.memory_space<hbm>>
      tpu.wait_indirect_dma semaphore(%arg15 : memref<!tpu.dma_semaphore, #tpu.memory_space<semaphore_mem>>) src(%dma_wait3A_299 : memref<100000x128xf32, #tpu.memory_space<hbm>>) dst(%dma_wait3A_294 : memref<40x128xf32, #tpu.memory_space<vmem>>)
      %dma_wait3A_300 = arith.constant 240 : i32
      %dma_wait3A_301 = arith.constant 0 : i32
      %dma_wait3A_302 = tpu.memref_slice %arg10[%dma_wait3A_300, %dma_wait3A_301] : memref<280x128xf32, #tpu.memory_space<vmem>> -> memref<40x128xf32, #tpu.memory_space<vmem>>
      %dma_wait3A_303 = arith.constant 0 : i32
      %dma_wait3A_304 = tpu.memref_slice %arg8[%dma_wait3A_303] : memref<280xi32, #tpu.memory_space<vmem>> -> memref<40xi32, #tpu.memory_space<vmem>>
      %dma_wait3A_305 = arith.constant 0 : i32
      %dma_wait3A_306 = arith.constant 0 : i32
      %dma_wait3A_307 = tpu.memref_slice %arg2[%dma_wait3A_305, %dma_wait3A_306] : memref<100000x128xf32, #tpu.memory_space<hbm>> -> memref<100000x128xf32, #tpu.memory_space<hbm>>
      tpu.wait_indirect_dma semaphore(%arg15 : memref<!tpu.dma_semaphore, #tpu.memory_space<semaphore_mem>>) src(%dma_wait3A_307 : memref<100000x128xf32, #tpu.memory_space<hbm>>) dst(%dma_wait3A_302 : memref<40x128xf32, #tpu.memory_space<vmem>>)
      %dma_wait3A_308 = arith.constant 0 : i32
      %dma_wait3A_309 = tpu.memref_slice %arg11[%dma_wait3A_308] : memref<800xf32, #tpu.memory_space<vmem>> -> memref<40xf32, #tpu.memory_space<vmem>>
      %dma_wait3A_310 = arith.constant 0 : i32
      %dma_wait3A_311 = tpu.memref_slice %arg8[%dma_wait3A_310] : memref<280xi32, #tpu.memory_space<vmem>> -> memref<40xi32, #tpu.memory_space<vmem>>
      %dma_wait3A_312 = arith.constant 0 : i32
      %dma_wait3A_313 = tpu.memref_slice %arg3[%dma_wait3A_312] : memref<100000xf32, #tpu.memory_space<hbm>> -> memref<100000xf32, #tpu.memory_space<hbm>>
      tpu.wait_indirect_dma semaphore(%arg15 : memref<!tpu.dma_semaphore, #tpu.memory_space<semaphore_mem>>) src(%dma_wait3A_313 : memref<100000xf32, #tpu.memory_space<hbm>>) dst(%dma_wait3A_309 : memref<40xf32, #tpu.memory_space<vmem>>)
      %add3A_314 = arith.constant 2 : i32
      %add3A_315 = arith.addi %add3A_179, %add3A_314 : i32
      %lt3A_316 = arith.constant 20 : i32
      %lt3A_317 = arith.cmpi slt, %add3A_315, %lt3A_316 : i32
      %convert_element_type3A_318 = arith.extui %lt3A_317 : i1 to i32
      %cond3A_319 = arith.constant 0 : i32
      %cond3A_320 = arith.cmpi ne, %convert_element_type3A_318, %cond3A_319 : i32
      scf.if %cond3A_320 {
        %add3A_328 = arith.constant 2 : i32
        %add3A_329 = arith.addi %add3A_179, %add3A_328 : i32
        %mul3A_330 = arith.constant 280 : i32
        %mul3A_331 = arith.muli %add3A_329, %mul3A_330 : i32
        %add3A_332 = arith.addi %multiple_of3A, %mul3A_331 : i32
        %dma_start3A_333 = tpu.memref_slice %arg4[%add3A_332] : memref<179200xi32, #tpu.memory_space<hbm>> -> memref<280xi32, #tpu.memory_space<hbm>>
        %dma_start3A_334 = tpu.memref_slice %arg4[%add3A_332] : memref<179200xi32, #tpu.memory_space<hbm>> -> memref<280xi32, #tpu.memory_space<hbm>>
        tpu.enqueue_dma source(%dma_start3A_334 : memref<280xi32, #tpu.memory_space<hbm>>) target(%arg8 : memref<280xi32, #tpu.memory_space<vmem>>) target_semaphore(%arg13 : memref<!tpu.dma_semaphore, #tpu.memory_space<semaphore_mem>>)
      } else {
      }
      %mul3A_321 = arith.constant 280 : i32
      %mul3A_322 = arith.muli %add3A_179, %mul3A_321 : i32
      %add3A_323 = arith.addi %multiple_of3A, %mul3A_322 : i32
      %dma_start3A_324 = arith.constant 0 : i32
      %dma_start3A_325 = tpu.memref_slice %arg5[%add3A_323, %dma_start3A_324] : memref<179200x128xf32, #tpu.memory_space<hbm>> -> memref<280x128xf32, #tpu.memory_space<hbm>>
      %dma_start3A_326 = arith.constant 0 : i32
      %dma_start3A_327 = tpu.memref_slice %arg5[%add3A_323, %dma_start3A_326] : memref<179200x128xf32, #tpu.memory_space<hbm>> -> memref<280x128xf32, #tpu.memory_space<hbm>>
      tpu.enqueue_dma source(%arg10 : memref<280x128xf32, #tpu.memory_space<vmem>>) target(%dma_start3A_327 : memref<280x128xf32, #tpu.memory_space<hbm>>) target_semaphore(%arg17 : memref<!tpu.dma_semaphore, #tpu.memory_space<semaphore_mem>>)
    }
    %scan3A_19 = arith.constant 10 : i32
    %dma_wait3A = arith.constant 0 : i32
    %dma_wait3A_20 = tpu.memref_slice %arg5[%multiple_of3A, %dma_wait3A] : memref<179200x128xf32, #tpu.memory_space<hbm>> -> memref<280x128xf32, #tpu.memory_space<hbm>>
    %dma_wait3A_21 = arith.constant 0 : i32
    %dma_wait3A_22 = tpu.memref_slice %arg5[%multiple_of3A, %dma_wait3A_21] : memref<179200x128xf32, #tpu.memory_space<hbm>> -> memref<280x128xf32, #tpu.memory_space<hbm>>
    tpu.wait_dma2 semaphore(%arg16 : memref<!tpu.dma_semaphore, #tpu.memory_space<semaphore_mem>>) src(%arg9 : memref<280x128xf32, #tpu.memory_space<vmem>>) dst(%dma_wait3A_22 : memref<280x128xf32, #tpu.memory_space<hbm>>)
    %dma_wait3A_23 = arith.constant 0 : i32
    %dma_wait3A_24 = tpu.memref_slice %arg5[%multiple_of3A, %dma_wait3A_23] : memref<179200x128xf32, #tpu.memory_space<hbm>> -> memref<280x128xf32, #tpu.memory_space<hbm>>
    %dma_wait3A_25 = arith.constant 0 : i32
    %dma_wait3A_26 = tpu.memref_slice %arg5[%multiple_of3A, %dma_wait3A_25] : memref<179200x128xf32, #tpu.memory_space<hbm>> -> memref<280x128xf32, #tpu.memory_space<hbm>>
    tpu.wait_dma2 semaphore(%arg17 : memref<!tpu.dma_semaphore, #tpu.memory_space<semaphore_mem>>) src(%arg10 : memref<280x128xf32, #tpu.memory_space<vmem>>) dst(%dma_wait3A_26 : memref<280x128xf32, #tpu.memory_space<hbm>>)
    "tpu.region"() ({
      %run_scoped3A = tpu.sem_alloc : memref<!tpu.dma_semaphore, #tpu.memory_space<semaphore_mem>>
      %dma_start3A_27 = tpu.memref_slice %arg6[%multiple_of3A_7] : memref<25600xf32, #tpu.memory_space<hbm>> -> memref<800xf32, #tpu.memory_space<hbm>>
      %dma_start3A_28 = tpu.memref_slice %arg6[%multiple_of3A_7] : memref<25600xf32, #tpu.memory_space<hbm>> -> memref<800xf32, #tpu.memory_space<hbm>>
      tpu.enqueue_dma source(%arg11 : memref<800xf32, #tpu.memory_space<vmem>>) target(%dma_start3A_28 : memref<800xf32, #tpu.memory_space<hbm>>) target_semaphore(%run_scoped3A : memref<!tpu.dma_semaphore, #tpu.memory_space<semaphore_mem>>)
      %dma_wait3A_29 = tpu.memref_slice %arg6[%multiple_of3A_7] : memref<25600xf32, #tpu.memory_space<hbm>> -> memref<800xf32, #tpu.memory_space<hbm>>
      %dma_wait3A_30 = tpu.memref_slice %arg6[%multiple_of3A_7] : memref<25600xf32, #tpu.memory_space<hbm>> -> memref<800xf32, #tpu.memory_space<hbm>>
      tpu.wait_dma2 semaphore(%run_scoped3A : memref<!tpu.dma_semaphore, #tpu.memory_space<semaphore_mem>>) src(%arg11 : memref<800xf32, #tpu.memory_space<vmem>>) dst(%dma_wait3A_30 : memref<800xf32, #tpu.memory_space<hbm>>)
      tpu.yield
    }) : () -> ()
    return
  }
}

#map = affine_map<(d0, d1) -> (0, 0)>
#map1 = affine_map<(d0, d1) -> (0)>
module attributes {stable_mosaic.version = 14 : i64} {
  func.func @_gather_body(%arg0: i32, %arg1: i32, %arg2: memref<100000x128xf32, #tpu.memory_space<hbm>>, %arg3: memref<100000xf32, #tpu.memory_space<hbm>>, %arg4: memref<179200xi32, #tpu.memory_space<hbm>>, %arg5: memref<179200x128xf32, #tpu.memory_space<hbm>>, %arg6: memref<25600xf32, #tpu.memory_space<hbm>>, %arg7: memref<280xi32, #tpu.memory_space<vmem>>, %arg8: memref<280xi32, #tpu.memory_space<vmem>>, %arg9: memref<280x128xf32, #tpu.memory_space<vmem>>, %arg10: memref<280x128xf32, #tpu.memory_space<vmem>>, %arg11: memref<800xf32, #tpu.memory_space<vmem>>, %arg12: memref<!tpu.dma_semaphore, #tpu.memory_space<semaphore_mem>>, %arg13: memref<!tpu.dma_semaphore, #tpu.memory_space<semaphore_mem>>, %arg14: memref<!tpu.dma_semaphore, #tpu.memory_space<semaphore_mem>>, %arg15: memref<!tpu.dma_semaphore, #tpu.memory_space<semaphore_mem>>, %arg16: memref<!tpu.dma_semaphore, #tpu.memory_space<semaphore_mem>>, %arg17: memref<!tpu.dma_semaphore, #tpu.memory_space<semaphore_mem>>) attributes {dimension_semantics = [#tpu.dimension_semantics<core_parallel>, #tpu.dimension_semantics<subcore_parallel>], iteration_bounds = array<i64: 2, 16>, scalar_prefetch = 0 : i64, scratch_operands = 11 : i64, tpu.core_type = #tpu.core_type<sc_vector_subcore>, window_params = [{transform_indices = #map}, {transform_indices = #map1}, {transform_indices = #map1}, {transform_indices = #map}, {transform_indices = #map1}]} {
    %mul3A = arith.constant 2 : i32
    %mul3A_0 = arith.muli %arg1, %mul3A : i32
    %add3A = arith.addi %mul3A_0, %arg0 : i32
    %mul3A_1 = arith.constant 20 : i32
    %mul3A_2 = arith.muli %add3A, %mul3A_1 : i32
    %mul3A_3 = arith.constant 280 : i32
    %mul3A_4 = arith.muli %mul3A_2, %mul3A_3 : i32
    %multiple_of3A = tpu.assume_multiple %mul3A_4, 8 : i32
    %mul3A_5 = arith.constant 800 : i32
    %mul3A_6 = arith.muli %add3A, %mul3A_5 : i32
    %multiple_of3A_7 = tpu.assume_multiple %mul3A_6, 8 : i32
    %add3A_8 = arith.constant 0 : i32
    %add3A_9 = arith.addi %multiple_of3A, %add3A_8 : i32
    %dma_start3A = tpu.memref_slice %arg4[%add3A_9] : memref<179200xi32, #tpu.memory_space<hbm>> -> memref<280xi32, #tpu.memory_space<hbm>>
    %dma_start3A_10 = tpu.memref_slice %arg4[%add3A_9] : memref<179200xi32, #tpu.memory_space<hbm>> -> memref<280xi32, #tpu.memory_space<hbm>>
    tpu.enqueue_dma source(%dma_start3A_10 : memref<280xi32, #tpu.memory_space<hbm>>) target(%arg7 : memref<280xi32, #tpu.memory_space<vmem>>) target_semaphore(%arg12 : memref<!tpu.dma_semaphore, #tpu.memory_space<semaphore_mem>>)
    %add3A_11 = arith.constant 280 : i32
    %add3A_12 = arith.addi %multiple_of3A, %add3A_11 : i32
    %dma_start3A_13 = tpu.memref_slice %arg4[%add3A_12] : memref<179200xi32, #tpu.memory_space<hbm>> -> memref<280xi32, #tpu.memory_space<hbm>>
    %dma_start3A_14 = tpu.memref_slice %arg4[%add3A_12] : memref<179200xi32, #tpu.memory_space<hbm>> -> memref<280xi32, #tpu.memory_space<hbm>>
    tpu.enqueue_dma source(%dma_start3A_14 : memref<280xi32, #tpu.memory_space<hbm>>) target(%arg8 : memref<280xi32, #tpu.memory_space<vmem>>) target_semaphore(%arg13 : memref<!tpu.dma_semaphore, #tpu.memory_space<semaphore_mem>>)
    %scan3A = arith.constant 0 : i32
    %scan3A_15 = arith.constant 0 : i32
    %scan3A_16 = arith.constant 10 : i32
    %scan3A_17 = arith.addi %scan3A_15, %scan3A_16 : i32
    %scan3A_18 = arith.constant 1 : i32
    scf.for %scan3A_27 = %scan3A_15 to %scan3A_17 step %scan3A_18  : i32 {
      %mul3A_28 = arith.constant 2 : i32
      %mul3A_29 = arith.muli %mul3A_28, %scan3A_27 : i32
      %add3A_30 = arith.constant 0 : i32
      %add3A_31 = arith.addi %mul3A_29, %add3A_30 : i32
      %ge3A = arith.constant 2 : i32
      %ge3A_32 = arith.cmpi sge, %add3A_31, %ge3A : i32
      %convert_element_type3A = arith.extui %ge3A_32 : i1 to i32
      %cond3A = arith.constant 0 : i32
      %cond3A_33 = arith.cmpi ne, %convert_element_type3A, %cond3A : i32
      scf.if %cond3A_33 {
        %dma_wait3A_328 = arith.constant 0 : i32
        %dma_wait3A_329 = tpu.memref_slice %arg5[%multiple_of3A, %dma_wait3A_328] : memref<179200x128xf32, #tpu.memory_space<hbm>> -> memref<280x128xf32, #tpu.memory_space<hbm>>
        %dma_wait3A_330 = arith.constant 0 : i32
        %dma_wait3A_331 = tpu.memref_slice %arg5[%multiple_of3A, %dma_wait3A_330] : memref<179200x128xf32, #tpu.memory_space<hbm>> -> memref<280x128xf32, #tpu.memory_space<hbm>>
        tpu.wait_dma2 semaphore(%arg16 : memref<!tpu.dma_semaphore, #tpu.memory_space<semaphore_mem>>) src(%arg9 : memref<280x128xf32, #tpu.memory_space<vmem>>) dst(%dma_wait3A_331 : memref<280x128xf32, #tpu.memory_space<hbm>>)
      } else {
      }
      %add3A_34 = arith.constant 0 : i32
      %add3A_35 = arith.addi %multiple_of3A, %add3A_34 : i32
      %dma_wait3A_36 = tpu.memref_slice %arg4[%add3A_35] : memref<179200xi32, #tpu.memory_space<hbm>> -> memref<280xi32, #tpu.memory_space<hbm>>
      %dma_wait3A_37 = tpu.memref_slice %arg4[%add3A_35] : memref<179200xi32, #tpu.memory_space<hbm>> -> memref<280xi32, #tpu.memory_space<hbm>>
      tpu.wait_dma2 semaphore(%arg12 : memref<!tpu.dma_semaphore, #tpu.memory_space<semaphore_mem>>) src(%dma_wait3A_37 : memref<280xi32, #tpu.memory_space<hbm>>) dst(%arg7 : memref<280xi32, #tpu.memory_space<vmem>>)
      %dma_start3A_38 = arith.constant 0 : i32
      %dma_start3A_39 = arith.constant 0 : i32
      %dma_start3A_40 = tpu.memref_slice %arg9[%dma_start3A_38, %dma_start3A_39] : memref<280x128xf32, #tpu.memory_space<vmem>> -> memref<40x128xf32, #tpu.memory_space<vmem>>
      %dma_start3A_41 = arith.constant 0 : i32
      %dma_start3A_42 = tpu.memref_slice %arg7[%dma_start3A_41] : memref<280xi32, #tpu.memory_space<vmem>> -> memref<40xi32, #tpu.memory_space<vmem>>
      %dma_start3A_43 = arith.constant 0 : i32
      %dma_start3A_44 = arith.constant 0 : i32
      %dma_start3A_45 = tpu.memref_slice %arg2[%dma_start3A_43, %dma_start3A_44] : memref<100000x128xf32, #tpu.memory_space<hbm>> -> memref<100000x128xf32, #tpu.memory_space<hbm>>
      tpu.enqueue_indirect_dma source(%dma_start3A_45 : memref<100000x128xf32, #tpu.memory_space<hbm>>) target(%dma_start3A_40 : memref<40x128xf32, #tpu.memory_space<vmem>>) offsets(%dma_start3A_42 : memref<40xi32, #tpu.memory_space<vmem>>) semaphore(%arg14 : memref<!tpu.dma_semaphore, #tpu.memory_space<semaphore_mem>>)
      %dma_start3A_46 = arith.constant 40 : i32
      %dma_start3A_47 = arith.constant 0 : i32
      %dma_start3A_48 = tpu.memref_slice %arg9[%dma_start3A_46, %dma_start3A_47] : memref<280x128xf32, #tpu.memory_space<vmem>> -> memref<40x128xf32, #tpu.memory_space<vmem>>
      %dma_start3A_49 = arith.constant 40 : i32
      %dma_start3A_50 = tpu.memref_slice %arg7[%dma_start3A_49] : memref<280xi32, #tpu.memory_space<vmem>> -> memref<40xi32, #tpu.memory_space<vmem>>
      %dma_start3A_51 = arith.constant 0 : i32
      %dma_start3A_52 = arith.constant 0 : i32
      %dma_start3A_53 = tpu.memref_slice %arg2[%dma_start3A_51, %dma_start3A_52] : memref<100000x128xf32, #tpu.memory_space<hbm>> -> memref<100000x128xf32, #tpu.memory_space<hbm>>
      tpu.enqueue_indirect_dma source(%dma_start3A_53 : memref<100000x128xf32, #tpu.memory_space<hbm>>) target(%dma_start3A_48 : memref<40x128xf32, #tpu.memory_space<vmem>>) offsets(%dma_start3A_50 : memref<40xi32, #tpu.memory_space<vmem>>) semaphore(%arg14 : memref<!tpu.dma_semaphore, #tpu.memory_space<semaphore_mem>>)
      %dma_start3A_54 = arith.constant 80 : i32
      %dma_start3A_55 = arith.constant 0 : i32
      %dma_start3A_56 = tpu.memref_slice %arg9[%dma_start3A_54, %dma_start3A_55] : memref<280x128xf32, #tpu.memory_space<vmem>> -> memref<40x128xf32, #tpu.memory_space<vmem>>
      %dma_start3A_57 = arith.constant 80 : i32
      %dma_start3A_58 = tpu.memref_slice %arg7[%dma_start3A_57] : memref<280xi32, #tpu.memory_space<vmem>> -> memref<40xi32, #tpu.memory_space<vmem>>
      %dma_start3A_59 = arith.constant 0 : i32
      %dma_start3A_60 = arith.constant 0 : i32
      %dma_start3A_61 = tpu.memref_slice %arg2[%dma_start3A_59, %dma_start3A_60] : memref<100000x128xf32, #tpu.memory_space<hbm>> -> memref<100000x128xf32, #tpu.memory_space<hbm>>
      tpu.enqueue_indirect_dma source(%dma_start3A_61 : memref<100000x128xf32, #tpu.memory_space<hbm>>) target(%dma_start3A_56 : memref<40x128xf32, #tpu.memory_space<vmem>>) offsets(%dma_start3A_58 : memref<40xi32, #tpu.memory_space<vmem>>) semaphore(%arg14 : memref<!tpu.dma_semaphore, #tpu.memory_space<semaphore_mem>>)
      %dma_start3A_62 = arith.constant 120 : i32
      %dma_start3A_63 = arith.constant 0 : i32
      %dma_start3A_64 = tpu.memref_slice %arg9[%dma_start3A_62, %dma_start3A_63] : memref<280x128xf32, #tpu.memory_space<vmem>> -> memref<40x128xf32, #tpu.memory_space<vmem>>
      %dma_start3A_65 = arith.constant 120 : i32
      %dma_start3A_66 = tpu.memref_slice %arg7[%dma_start3A_65] : memref<280xi32, #tpu.memory_space<vmem>> -> memref<40xi32, #tpu.memory_space<vmem>>
      %dma_start3A_67 = arith.constant 0 : i32
      %dma_start3A_68 = arith.constant 0 : i32
      %dma_start3A_69 = tpu.memref_slice %arg2[%dma_start3A_67, %dma_start3A_68] : memref<100000x128xf32, #tpu.memory_space<hbm>> -> memref<100000x128xf32, #tpu.memory_space<hbm>>
      tpu.enqueue_indirect_dma source(%dma_start3A_69 : memref<100000x128xf32, #tpu.memory_space<hbm>>) target(%dma_start3A_64 : memref<40x128xf32, #tpu.memory_space<vmem>>) offsets(%dma_start3A_66 : memref<40xi32, #tpu.memory_space<vmem>>) semaphore(%arg14 : memref<!tpu.dma_semaphore, #tpu.memory_space<semaphore_mem>>)
      %dma_start3A_70 = arith.constant 160 : i32
      %dma_start3A_71 = arith.constant 0 : i32
      %dma_start3A_72 = tpu.memref_slice %arg9[%dma_start3A_70, %dma_start3A_71] : memref<280x128xf32, #tpu.memory_space<vmem>> -> memref<40x128xf32, #tpu.memory_space<vmem>>
      %dma_start3A_73 = arith.constant 160 : i32
      %dma_start3A_74 = tpu.memref_slice %arg7[%dma_start3A_73] : memref<280xi32, #tpu.memory_space<vmem>> -> memref<40xi32, #tpu.memory_space<vmem>>
      %dma_start3A_75 = arith.constant 0 : i32
      %dma_start3A_76 = arith.constant 0 : i32
      %dma_start3A_77 = tpu.memref_slice %arg2[%dma_start3A_75, %dma_start3A_76] : memref<100000x128xf32, #tpu.memory_space<hbm>> -> memref<100000x128xf32, #tpu.memory_space<hbm>>
      tpu.enqueue_indirect_dma source(%dma_start3A_77 : memref<100000x128xf32, #tpu.memory_space<hbm>>) target(%dma_start3A_72 : memref<40x128xf32, #tpu.memory_space<vmem>>) offsets(%dma_start3A_74 : memref<40xi32, #tpu.memory_space<vmem>>) semaphore(%arg14 : memref<!tpu.dma_semaphore, #tpu.memory_space<semaphore_mem>>)
      %dma_start3A_78 = arith.constant 200 : i32
      %dma_start3A_79 = arith.constant 0 : i32
      %dma_start3A_80 = tpu.memref_slice %arg9[%dma_start3A_78, %dma_start3A_79] : memref<280x128xf32, #tpu.memory_space<vmem>> -> memref<40x128xf32, #tpu.memory_space<vmem>>
      %dma_start3A_81 = arith.constant 200 : i32
      %dma_start3A_82 = tpu.memref_slice %arg7[%dma_start3A_81] : memref<280xi32, #tpu.memory_space<vmem>> -> memref<40xi32, #tpu.memory_space<vmem>>
      %dma_start3A_83 = arith.constant 0 : i32
      %dma_start3A_84 = arith.constant 0 : i32
      %dma_start3A_85 = tpu.memref_slice %arg2[%dma_start3A_83, %dma_start3A_84] : memref<100000x128xf32, #tpu.memory_space<hbm>> -> memref<100000x128xf32, #tpu.memory_space<hbm>>
      tpu.enqueue_indirect_dma source(%dma_start3A_85 : memref<100000x128xf32, #tpu.memory_space<hbm>>) target(%dma_start3A_80 : memref<40x128xf32, #tpu.memory_space<vmem>>) offsets(%dma_start3A_82 : memref<40xi32, #tpu.memory_space<vmem>>) semaphore(%arg14 : memref<!tpu.dma_semaphore, #tpu.memory_space<semaphore_mem>>)
      %dma_start3A_86 = arith.constant 240 : i32
      %dma_start3A_87 = arith.constant 0 : i32
      %dma_start3A_88 = tpu.memref_slice %arg9[%dma_start3A_86, %dma_start3A_87] : memref<280x128xf32, #tpu.memory_space<vmem>> -> memref<40x128xf32, #tpu.memory_space<vmem>>
      %dma_start3A_89 = arith.constant 240 : i32
      %dma_start3A_90 = tpu.memref_slice %arg7[%dma_start3A_89] : memref<280xi32, #tpu.memory_space<vmem>> -> memref<40xi32, #tpu.memory_space<vmem>>
      %dma_start3A_91 = arith.constant 0 : i32
      %dma_start3A_92 = arith.constant 0 : i32
      %dma_start3A_93 = tpu.memref_slice %arg2[%dma_start3A_91, %dma_start3A_92] : memref<100000x128xf32, #tpu.memory_space<hbm>> -> memref<100000x128xf32, #tpu.memory_space<hbm>>
      tpu.enqueue_indirect_dma source(%dma_start3A_93 : memref<100000x128xf32, #tpu.memory_space<hbm>>) target(%dma_start3A_88 : memref<40x128xf32, #tpu.memory_space<vmem>>) offsets(%dma_start3A_90 : memref<40xi32, #tpu.memory_space<vmem>>) semaphore(%arg14 : memref<!tpu.dma_semaphore, #tpu.memory_space<semaphore_mem>>)
      %mul3A_94 = arith.constant 40 : i32
      %mul3A_95 = arith.muli %add3A_31, %mul3A_94 : i32
      %dma_start3A_96 = tpu.memref_slice %arg11[%mul3A_95] : memref<800xf32, #tpu.memory_space<vmem>> -> memref<40xf32, #tpu.memory_space<vmem>>
      %dma_start3A_97 = arith.constant 0 : i32
      %dma_start3A_98 = tpu.memref_slice %arg7[%dma_start3A_97] : memref<280xi32, #tpu.memory_space<vmem>> -> memref<40xi32, #tpu.memory_space<vmem>>
      %dma_start3A_99 = arith.constant 0 : i32
      %dma_start3A_100 = tpu.memref_slice %arg3[%dma_start3A_99] : memref<100000xf32, #tpu.memory_space<hbm>> -> memref<100000xf32, #tpu.memory_space<hbm>>
      tpu.enqueue_indirect_dma source(%dma_start3A_100 : memref<100000xf32, #tpu.memory_space<hbm>>) target(%dma_start3A_96 : memref<40xf32, #tpu.memory_space<vmem>>) offsets(%dma_start3A_98 : memref<40xi32, #tpu.memory_space<vmem>>) semaphore(%arg14 : memref<!tpu.dma_semaphore, #tpu.memory_space<semaphore_mem>>)
      %dma_wait3A_101 = arith.constant 0 : i32
      %dma_wait3A_102 = arith.constant 0 : i32
      %dma_wait3A_103 = tpu.memref_slice %arg9[%dma_wait3A_101, %dma_wait3A_102] : memref<280x128xf32, #tpu.memory_space<vmem>> -> memref<40x128xf32, #tpu.memory_space<vmem>>
      %dma_wait3A_104 = arith.constant 0 : i32
      %dma_wait3A_105 = tpu.memref_slice %arg7[%dma_wait3A_104] : memref<280xi32, #tpu.memory_space<vmem>> -> memref<40xi32, #tpu.memory_space<vmem>>
      %dma_wait3A_106 = arith.constant 0 : i32
      %dma_wait3A_107 = arith.constant 0 : i32
      %dma_wait3A_108 = tpu.memref_slice %arg2[%dma_wait3A_106, %dma_wait3A_107] : memref<100000x128xf32, #tpu.memory_space<hbm>> -> memref<100000x128xf32, #tpu.memory_space<hbm>>
      tpu.wait_indirect_dma semaphore(%arg14 : memref<!tpu.dma_semaphore, #tpu.memory_space<semaphore_mem>>) src(%dma_wait3A_108 : memref<100000x128xf32, #tpu.memory_space<hbm>>) dst(%dma_wait3A_103 : memref<40x128xf32, #tpu.memory_space<vmem>>)
      %dma_wait3A_109 = arith.constant 40 : i32
      %dma_wait3A_110 = arith.constant 0 : i32
      %dma_wait3A_111 = tpu.memref_slice %arg9[%dma_wait3A_109, %dma_wait3A_110] : memref<280x128xf32, #tpu.memory_space<vmem>> -> memref<40x128xf32, #tpu.memory_space<vmem>>
      %dma_wait3A_112 = arith.constant 0 : i32
      %dma_wait3A_113 = tpu.memref_slice %arg7[%dma_wait3A_112] : memref<280xi32, #tpu.memory_space<vmem>> -> memref<40xi32, #tpu.memory_space<vmem>>
      %dma_wait3A_114 = arith.constant 0 : i32
      %dma_wait3A_115 = arith.constant 0 : i32
      %dma_wait3A_116 = tpu.memref_slice %arg2[%dma_wait3A_114, %dma_wait3A_115] : memref<100000x128xf32, #tpu.memory_space<hbm>> -> memref<100000x128xf32, #tpu.memory_space<hbm>>
      tpu.wait_indirect_dma semaphore(%arg14 : memref<!tpu.dma_semaphore, #tpu.memory_space<semaphore_mem>>) src(%dma_wait3A_116 : memref<100000x128xf32, #tpu.memory_space<hbm>>) dst(%dma_wait3A_111 : memref<40x128xf32, #tpu.memory_space<vmem>>)
      %dma_wait3A_117 = arith.constant 80 : i32
      %dma_wait3A_118 = arith.constant 0 : i32
      %dma_wait3A_119 = tpu.memref_slice %arg9[%dma_wait3A_117, %dma_wait3A_118] : memref<280x128xf32, #tpu.memory_space<vmem>> -> memref<40x128xf32, #tpu.memory_space<vmem>>
      %dma_wait3A_120 = arith.constant 0 : i32
      %dma_wait3A_121 = tpu.memref_slice %arg7[%dma_wait3A_120] : memref<280xi32, #tpu.memory_space<vmem>> -> memref<40xi32, #tpu.memory_space<vmem>>
      %dma_wait3A_122 = arith.constant 0 : i32
      %dma_wait3A_123 = arith.constant 0 : i32
      %dma_wait3A_124 = tpu.memref_slice %arg2[%dma_wait3A_122, %dma_wait3A_123] : memref<100000x128xf32, #tpu.memory_space<hbm>> -> memref<100000x128xf32, #tpu.memory_space<hbm>>
      tpu.wait_indirect_dma semaphore(%arg14 : memref<!tpu.dma_semaphore, #tpu.memory_space<semaphore_mem>>) src(%dma_wait3A_124 : memref<100000x128xf32, #tpu.memory_space<hbm>>) dst(%dma_wait3A_119 : memref<40x128xf32, #tpu.memory_space<vmem>>)
      %dma_wait3A_125 = arith.constant 120 : i32
      %dma_wait3A_126 = arith.constant 0 : i32
      %dma_wait3A_127 = tpu.memref_slice %arg9[%dma_wait3A_125, %dma_wait3A_126] : memref<280x128xf32, #tpu.memory_space<vmem>> -> memref<40x128xf32, #tpu.memory_space<vmem>>
      %dma_wait3A_128 = arith.constant 0 : i32
      %dma_wait3A_129 = tpu.memref_slice %arg7[%dma_wait3A_128] : memref<280xi32, #tpu.memory_space<vmem>> -> memref<40xi32, #tpu.memory_space<vmem>>
      %dma_wait3A_130 = arith.constant 0 : i32
      %dma_wait3A_131 = arith.constant 0 : i32
      %dma_wait3A_132 = tpu.memref_slice %arg2[%dma_wait3A_130, %dma_wait3A_131] : memref<100000x128xf32, #tpu.memory_space<hbm>> -> memref<100000x128xf32, #tpu.memory_space<hbm>>
      tpu.wait_indirect_dma semaphore(%arg14 : memref<!tpu.dma_semaphore, #tpu.memory_space<semaphore_mem>>) src(%dma_wait3A_132 : memref<100000x128xf32, #tpu.memory_space<hbm>>) dst(%dma_wait3A_127 : memref<40x128xf32, #tpu.memory_space<vmem>>)
      %dma_wait3A_133 = arith.constant 160 : i32
      %dma_wait3A_134 = arith.constant 0 : i32
      %dma_wait3A_135 = tpu.memref_slice %arg9[%dma_wait3A_133, %dma_wait3A_134] : memref<280x128xf32, #tpu.memory_space<vmem>> -> memref<40x128xf32, #tpu.memory_space<vmem>>
      %dma_wait3A_136 = arith.constant 0 : i32
      %dma_wait3A_137 = tpu.memref_slice %arg7[%dma_wait3A_136] : memref<280xi32, #tpu.memory_space<vmem>> -> memref<40xi32, #tpu.memory_space<vmem>>
      %dma_wait3A_138 = arith.constant 0 : i32
      %dma_wait3A_139 = arith.constant 0 : i32
      %dma_wait3A_140 = tpu.memref_slice %arg2[%dma_wait3A_138, %dma_wait3A_139] : memref<100000x128xf32, #tpu.memory_space<hbm>> -> memref<100000x128xf32, #tpu.memory_space<hbm>>
      tpu.wait_indirect_dma semaphore(%arg14 : memref<!tpu.dma_semaphore, #tpu.memory_space<semaphore_mem>>) src(%dma_wait3A_140 : memref<100000x128xf32, #tpu.memory_space<hbm>>) dst(%dma_wait3A_135 : memref<40x128xf32, #tpu.memory_space<vmem>>)
      %dma_wait3A_141 = arith.constant 200 : i32
      %dma_wait3A_142 = arith.constant 0 : i32
      %dma_wait3A_143 = tpu.memref_slice %arg9[%dma_wait3A_141, %dma_wait3A_142] : memref<280x128xf32, #tpu.memory_space<vmem>> -> memref<40x128xf32, #tpu.memory_space<vmem>>
      %dma_wait3A_144 = arith.constant 0 : i32
      %dma_wait3A_145 = tpu.memref_slice %arg7[%dma_wait3A_144] : memref<280xi32, #tpu.memory_space<vmem>> -> memref<40xi32, #tpu.memory_space<vmem>>
      %dma_wait3A_146 = arith.constant 0 : i32
      %dma_wait3A_147 = arith.constant 0 : i32
      %dma_wait3A_148 = tpu.memref_slice %arg2[%dma_wait3A_146, %dma_wait3A_147] : memref<100000x128xf32, #tpu.memory_space<hbm>> -> memref<100000x128xf32, #tpu.memory_space<hbm>>
      tpu.wait_indirect_dma semaphore(%arg14 : memref<!tpu.dma_semaphore, #tpu.memory_space<semaphore_mem>>) src(%dma_wait3A_148 : memref<100000x128xf32, #tpu.memory_space<hbm>>) dst(%dma_wait3A_143 : memref<40x128xf32, #tpu.memory_space<vmem>>)
      %dma_wait3A_149 = arith.constant 240 : i32
      %dma_wait3A_150 = arith.constant 0 : i32
      %dma_wait3A_151 = tpu.memref_slice %arg9[%dma_wait3A_149, %dma_wait3A_150] : memref<280x128xf32, #tpu.memory_space<vmem>> -> memref<40x128xf32, #tpu.memory_space<vmem>>
      %dma_wait3A_152 = arith.constant 0 : i32
      %dma_wait3A_153 = tpu.memref_slice %arg7[%dma_wait3A_152] : memref<280xi32, #tpu.memory_space<vmem>> -> memref<40xi32, #tpu.memory_space<vmem>>
      %dma_wait3A_154 = arith.constant 0 : i32
      %dma_wait3A_155 = arith.constant 0 : i32
      %dma_wait3A_156 = tpu.memref_slice %arg2[%dma_wait3A_154, %dma_wait3A_155] : memref<100000x128xf32, #tpu.memory_space<hbm>> -> memref<100000x128xf32, #tpu.memory_space<hbm>>
      tpu.wait_indirect_dma semaphore(%arg14 : memref<!tpu.dma_semaphore, #tpu.memory_space<semaphore_mem>>) src(%dma_wait3A_156 : memref<100000x128xf32, #tpu.memory_space<hbm>>) dst(%dma_wait3A_151 : memref<40x128xf32, #tpu.memory_space<vmem>>)
      %dma_wait3A_157 = arith.constant 0 : i32
      %dma_wait3A_158 = tpu.memref_slice %arg11[%dma_wait3A_157] : memref<800xf32, #tpu.memory_space<vmem>> -> memref<40xf32, #tpu.memory_space<vmem>>
      %dma_wait3A_159 = arith.constant 0 : i32
      %dma_wait3A_160 = tpu.memref_slice %arg7[%dma_wait3A_159] : memref<280xi32, #tpu.memory_space<vmem>> -> memref<40xi32, #tpu.memory_space<vmem>>
      %dma_wait3A_161 = arith.constant 0 : i32
      %dma_wait3A_162 = tpu.memref_slice %arg3[%dma_wait3A_161] : memref<100000xf32, #tpu.memory_space<hbm>> -> memref<100000xf32, #tpu.memory_space<hbm>>
      tpu.wait_indirect_dma semaphore(%arg14 : memref<!tpu.dma_semaphore, #tpu.memory_space<semaphore_mem>>) src(%dma_wait3A_162 : memref<100000xf32, #tpu.memory_space<hbm>>) dst(%dma_wait3A_158 : memref<40xf32, #tpu.memory_space<vmem>>)
      %add3A_163 = arith.constant 2 : i32
      %add3A_164 = arith.addi %add3A_31, %add3A_163 : i32
      %lt3A = arith.constant 20 : i32
      %lt3A_165 = arith.cmpi slt, %add3A_164, %lt3A : i32
      %convert_element_type3A_166 = arith.extui %lt3A_165 : i1 to i32
      %cond3A_167 = arith.constant 0 : i32
      %cond3A_168 = arith.cmpi ne, %convert_element_type3A_166, %cond3A_167 : i32
      scf.if %cond3A_168 {
        %add3A_328 = arith.constant 2 : i32
        %add3A_329 = arith.addi %add3A_31, %add3A_328 : i32
        %mul3A_330 = arith.constant 280 : i32
        %mul3A_331 = arith.muli %add3A_329, %mul3A_330 : i32
        %add3A_332 = arith.addi %multiple_of3A, %mul3A_331 : i32
        %dma_start3A_333 = tpu.memref_slice %arg4[%add3A_332] : memref<179200xi32, #tpu.memory_space<hbm>> -> memref<280xi32, #tpu.memory_space<hbm>>
        %dma_start3A_334 = tpu.memref_slice %arg4[%add3A_332] : memref<179200xi32, #tpu.memory_space<hbm>> -> memref<280xi32, #tpu.memory_space<hbm>>
        tpu.enqueue_dma source(%dma_start3A_334 : memref<280xi32, #tpu.memory_space<hbm>>) target(%arg7 : memref<280xi32, #tpu.memory_space<vmem>>) target_semaphore(%arg12 : memref<!tpu.dma_semaphore, #tpu.memory_space<semaphore_mem>>)
      } else {
      }
      %mul3A_169 = arith.constant 280 : i32
      %mul3A_170 = arith.muli %add3A_31, %mul3A_169 : i32
      %add3A_171 = arith.addi %multiple_of3A, %mul3A_170 : i32
      %dma_start3A_172 = arith.constant 0 : i32
      %dma_start3A_173 = tpu.memref_slice %arg5[%add3A_171, %dma_start3A_172] : memref<179200x128xf32, #tpu.memory_space<hbm>> -> memref<280x128xf32, #tpu.memory_space<hbm>>
      %dma_start3A_174 = arith.constant 0 : i32
      %dma_start3A_175 = tpu.memref_slice %arg5[%add3A_171, %dma_start3A_174] : memref<179200x128xf32, #tpu.memory_space<hbm>> -> memref<280x128xf32, #tpu.memory_space<hbm>>
      tpu.enqueue_dma source(%arg9 : memref<280x128xf32, #tpu.memory_space<vmem>>) target(%dma_start3A_175 : memref<280x128xf32, #tpu.memory_space<hbm>>) target_semaphore(%arg16 : memref<!tpu.dma_semaphore, #tpu.memory_space<semaphore_mem>>)
      %mul3A_176 = arith.constant 2 : i32
      %mul3A_177 = arith.muli %mul3A_176, %scan3A_27 : i32
      %add3A_178 = arith.constant 1 : i32
      %add3A_179 = arith.addi %mul3A_177, %add3A_178 : i32
      %ge3A_180 = arith.constant 2 : i32
      %ge3A_181 = arith.cmpi sge, %add3A_179, %ge3A_180 : i32
      %convert_element_type3A_182 = arith.extui %ge3A_181 : i1 to i32
      %cond3A_183 = arith.constant 0 : i32
      %cond3A_184 = arith.cmpi ne, %convert_element_type3A_182, %cond3A_183 : i32
      scf.if %cond3A_184 {
        %dma_wait3A_328 = arith.constant 0 : i32
        %dma_wait3A_329 = tpu.memref_slice %arg5[%multiple_of3A, %dma_wait3A_328] : memref<179200x128xf32, #tpu.memory_space<hbm>> -> memref<280x128xf32, #tpu.memory_space<hbm>>
        %dma_wait3A_330 = arith.constant 0 : i32
        %dma_wait3A_331 = tpu.memref_slice %arg5[%multiple_of3A, %dma_wait3A_330] : memref<179200x128xf32, #tpu.memory_space<hbm>> -> memref<280x128xf32, #tpu.memory_space<hbm>>
        tpu.wait_dma2 semaphore(%arg17 : memref<!tpu.dma_semaphore, #tpu.memory_space<semaphore_mem>>) src(%arg10 : memref<280x128xf32, #tpu.memory_space<vmem>>) dst(%dma_wait3A_331 : memref<280x128xf32, #tpu.memory_space<hbm>>)
      } else {
      }
      %add3A_185 = arith.constant 0 : i32
      %add3A_186 = arith.addi %multiple_of3A, %add3A_185 : i32
      %dma_wait3A_187 = tpu.memref_slice %arg4[%add3A_186] : memref<179200xi32, #tpu.memory_space<hbm>> -> memref<280xi32, #tpu.memory_space<hbm>>
      %dma_wait3A_188 = tpu.memref_slice %arg4[%add3A_186] : memref<179200xi32, #tpu.memory_space<hbm>> -> memref<280xi32, #tpu.memory_space<hbm>>
      tpu.wait_dma2 semaphore(%arg13 : memref<!tpu.dma_semaphore, #tpu.memory_space<semaphore_mem>>) src(%dma_wait3A_188 : memref<280xi32, #tpu.memory_space<hbm>>) dst(%arg8 : memref<280xi32, #tpu.memory_space<vmem>>)
      %dma_start3A_189 = arith.constant 0 : i32
      %dma_start3A_190 = arith.constant 0 : i32
      %dma_start3A_191 = tpu.memref_slice %arg10[%dma_start3A_189, %dma_start3A_190] : memref<280x128xf32, #tpu.memory_space<vmem>> -> memref<40x128xf32, #tpu.memory_space<vmem>>
      %dma_start3A_192 = arith.constant 0 : i32
      %dma_start3A_193 = tpu.memref_slice %arg8[%dma_start3A_192] : memref<280xi32, #tpu.memory_space<vmem>> -> memref<40xi32, #tpu.memory_space<vmem>>
      %dma_start3A_194 = arith.constant 0 : i32
      %dma_start3A_195 = arith.constant 0 : i32
      %dma_start3A_196 = tpu.memref_slice %arg2[%dma_start3A_194, %dma_start3A_195] : memref<100000x128xf32, #tpu.memory_space<hbm>> -> memref<100000x128xf32, #tpu.memory_space<hbm>>
      tpu.enqueue_indirect_dma source(%dma_start3A_196 : memref<100000x128xf32, #tpu.memory_space<hbm>>) target(%dma_start3A_191 : memref<40x128xf32, #tpu.memory_space<vmem>>) offsets(%dma_start3A_193 : memref<40xi32, #tpu.memory_space<vmem>>) semaphore(%arg15 : memref<!tpu.dma_semaphore, #tpu.memory_space<semaphore_mem>>)
      %dma_start3A_197 = arith.constant 40 : i32
      %dma_start3A_198 = arith.constant 0 : i32
      %dma_start3A_199 = tpu.memref_slice %arg10[%dma_start3A_197, %dma_start3A_198] : memref<280x128xf32, #tpu.memory_space<vmem>> -> memref<40x128xf32, #tpu.memory_space<vmem>>
      %dma_start3A_200 = arith.constant 40 : i32
      %dma_start3A_201 = tpu.memref_slice %arg8[%dma_start3A_200] : memref<280xi32, #tpu.memory_space<vmem>> -> memref<40xi32, #tpu.memory_space<vmem>>
      %dma_start3A_202 = arith.constant 0 : i32
      %dma_start3A_203 = arith.constant 0 : i32
      %dma_start3A_204 = tpu.memref_slice %arg2[%dma_start3A_202, %dma_start3A_203] : memref<100000x128xf32, #tpu.memory_space<hbm>> -> memref<100000x128xf32, #tpu.memory_space<hbm>>
      tpu.enqueue_indirect_dma source(%dma_start3A_204 : memref<100000x128xf32, #tpu.memory_space<hbm>>) target(%dma_start3A_199 : memref<40x128xf32, #tpu.memory_space<vmem>>) offsets(%dma_start3A_201 : memref<40xi32, #tpu.memory_space<vmem>>) semaphore(%arg15 : memref<!tpu.dma_semaphore, #tpu.memory_space<semaphore_mem>>)
      %dma_start3A_205 = arith.constant 80 : i32
      %dma_start3A_206 = arith.constant 0 : i32
      %dma_start3A_207 = tpu.memref_slice %arg10[%dma_start3A_205, %dma_start3A_206] : memref<280x128xf32, #tpu.memory_space<vmem>> -> memref<40x128xf32, #tpu.memory_space<vmem>>
      %dma_start3A_208 = arith.constant 80 : i32
      %dma_start3A_209 = tpu.memref_slice %arg8[%dma_start3A_208] : memref<280xi32, #tpu.memory_space<vmem>> -> memref<40xi32, #tpu.memory_space<vmem>>
      %dma_start3A_210 = arith.constant 0 : i32
      %dma_start3A_211 = arith.constant 0 : i32
      %dma_start3A_212 = tpu.memref_slice %arg2[%dma_start3A_210, %dma_start3A_211] : memref<100000x128xf32, #tpu.memory_space<hbm>> -> memref<100000x128xf32, #tpu.memory_space<hbm>>
      tpu.enqueue_indirect_dma source(%dma_start3A_212 : memref<100000x128xf32, #tpu.memory_space<hbm>>) target(%dma_start3A_207 : memref<40x128xf32, #tpu.memory_space<vmem>>) offsets(%dma_start3A_209 : memref<40xi32, #tpu.memory_space<vmem>>) semaphore(%arg15 : memref<!tpu.dma_semaphore, #tpu.memory_space<semaphore_mem>>)
      %dma_start3A_213 = arith.constant 120 : i32
      %dma_start3A_214 = arith.constant 0 : i32
      %dma_start3A_215 = tpu.memref_slice %arg10[%dma_start3A_213, %dma_start3A_214] : memref<280x128xf32, #tpu.memory_space<vmem>> -> memref<40x128xf32, #tpu.memory_space<vmem>>
      %dma_start3A_216 = arith.constant 120 : i32
      %dma_start3A_217 = tpu.memref_slice %arg8[%dma_start3A_216] : memref<280xi32, #tpu.memory_space<vmem>> -> memref<40xi32, #tpu.memory_space<vmem>>
      %dma_start3A_218 = arith.constant 0 : i32
      %dma_start3A_219 = arith.constant 0 : i32
      %dma_start3A_220 = tpu.memref_slice %arg2[%dma_start3A_218, %dma_start3A_219] : memref<100000x128xf32, #tpu.memory_space<hbm>> -> memref<100000x128xf32, #tpu.memory_space<hbm>>
      tpu.enqueue_indirect_dma source(%dma_start3A_220 : memref<100000x128xf32, #tpu.memory_space<hbm>>) target(%dma_start3A_215 : memref<40x128xf32, #tpu.memory_space<vmem>>) offsets(%dma_start3A_217 : memref<40xi32, #tpu.memory_space<vmem>>) semaphore(%arg15 : memref<!tpu.dma_semaphore, #tpu.memory_space<semaphore_mem>>)
      %dma_start3A_221 = arith.constant 160 : i32
      %dma_start3A_222 = arith.constant 0 : i32
      %dma_start3A_223 = tpu.memref_slice %arg10[%dma_start3A_221, %dma_start3A_222] : memref<280x128xf32, #tpu.memory_space<vmem>> -> memref<40x128xf32, #tpu.memory_space<vmem>>
      %dma_start3A_224 = arith.constant 160 : i32
      %dma_start3A_225 = tpu.memref_slice %arg8[%dma_start3A_224] : memref<280xi32, #tpu.memory_space<vmem>> -> memref<40xi32, #tpu.memory_space<vmem>>
      %dma_start3A_226 = arith.constant 0 : i32
      %dma_start3A_227 = arith.constant 0 : i32
      %dma_start3A_228 = tpu.memref_slice %arg2[%dma_start3A_226, %dma_start3A_227] : memref<100000x128xf32, #tpu.memory_space<hbm>> -> memref<100000x128xf32, #tpu.memory_space<hbm>>
      tpu.enqueue_indirect_dma source(%dma_start3A_228 : memref<100000x128xf32, #tpu.memory_space<hbm>>) target(%dma_start3A_223 : memref<40x128xf32, #tpu.memory_space<vmem>>) offsets(%dma_start3A_225 : memref<40xi32, #tpu.memory_space<vmem>>) semaphore(%arg15 : memref<!tpu.dma_semaphore, #tpu.memory_space<semaphore_mem>>)
      %dma_start3A_229 = arith.constant 200 : i32
      %dma_start3A_230 = arith.constant 0 : i32
      %dma_start3A_231 = tpu.memref_slice %arg10[%dma_start3A_229, %dma_start3A_230] : memref<280x128xf32, #tpu.memory_space<vmem>> -> memref<40x128xf32, #tpu.memory_space<vmem>>
      %dma_start3A_232 = arith.constant 200 : i32
      %dma_start3A_233 = tpu.memref_slice %arg8[%dma_start3A_232] : memref<280xi32, #tpu.memory_space<vmem>> -> memref<40xi32, #tpu.memory_space<vmem>>
      %dma_start3A_234 = arith.constant 0 : i32
      %dma_start3A_235 = arith.constant 0 : i32
      %dma_start3A_236 = tpu.memref_slice %arg2[%dma_start3A_234, %dma_start3A_235] : memref<100000x128xf32, #tpu.memory_space<hbm>> -> memref<100000x128xf32, #tpu.memory_space<hbm>>
      tpu.enqueue_indirect_dma source(%dma_start3A_236 : memref<100000x128xf32, #tpu.memory_space<hbm>>) target(%dma_start3A_231 : memref<40x128xf32, #tpu.memory_space<vmem>>) offsets(%dma_start3A_233 : memref<40xi32, #tpu.memory_space<vmem>>) semaphore(%arg15 : memref<!tpu.dma_semaphore, #tpu.memory_space<semaphore_mem>>)
      %dma_start3A_237 = arith.constant 240 : i32
      %dma_start3A_238 = arith.constant 0 : i32
      %dma_start3A_239 = tpu.memref_slice %arg10[%dma_start3A_237, %dma_start3A_238] : memref<280x128xf32, #tpu.memory_space<vmem>> -> memref<40x128xf32, #tpu.memory_space<vmem>>
      %dma_start3A_240 = arith.constant 240 : i32
      %dma_start3A_241 = tpu.memref_slice %arg8[%dma_start3A_240] : memref<280xi32, #tpu.memory_space<vmem>> -> memref<40xi32, #tpu.memory_space<vmem>>
      %dma_start3A_242 = arith.constant 0 : i32
      %dma_start3A_243 = arith.constant 0 : i32
      %dma_start3A_244 = tpu.memref_slice %arg2[%dma_start3A_242, %dma_start3A_243] : memref<100000x128xf32, #tpu.memory_space<hbm>> -> memref<100000x128xf32, #tpu.memory_space<hbm>>
      tpu.enqueue_indirect_dma source(%dma_start3A_244 : memref<100000x128xf32, #tpu.memory_space<hbm>>) target(%dma_start3A_239 : memref<40x128xf32, #tpu.memory_space<vmem>>) offsets(%dma_start3A_241 : memref<40xi32, #tpu.memory_space<vmem>>) semaphore(%arg15 : memref<!tpu.dma_semaphore, #tpu.memory_space<semaphore_mem>>)
      %mul3A_245 = arith.constant 40 : i32
      %mul3A_246 = arith.muli %add3A_179, %mul3A_245 : i32
      %dma_start3A_247 = tpu.memref_slice %arg11[%mul3A_246] : memref<800xf32, #tpu.memory_space<vmem>> -> memref<40xf32, #tpu.memory_space<vmem>>
      %dma_start3A_248 = arith.constant 0 : i32
      %dma_start3A_249 = tpu.memref_slice %arg8[%dma_start3A_248] : memref<280xi32, #tpu.memory_space<vmem>> -> memref<40xi32, #tpu.memory_space<vmem>>
      %dma_start3A_250 = arith.constant 0 : i32
      %dma_start3A_251 = tpu.memref_slice %arg3[%dma_start3A_250] : memref<100000xf32, #tpu.memory_space<hbm>> -> memref<100000xf32, #tpu.memory_space<hbm>>
      tpu.enqueue_indirect_dma source(%dma_start3A_251 : memref<100000xf32, #tpu.memory_space<hbm>>) target(%dma_start3A_247 : memref<40xf32, #tpu.memory_space<vmem>>) offsets(%dma_start3A_249 : memref<40xi32, #tpu.memory_space<vmem>>) semaphore(%arg15 : memref<!tpu.dma_semaphore, #tpu.memory_space<semaphore_mem>>)
      %dma_wait3A_252 = arith.constant 0 : i32
      %dma_wait3A_253 = arith.constant 0 : i32
      %dma_wait3A_254 = tpu.memref_slice %arg10[%dma_wait3A_252, %dma_wait3A_253] : memref<280x128xf32, #tpu.memory_space<vmem>> -> memref<40x128xf32, #tpu.memory_space<vmem>>
      %dma_wait3A_255 = arith.constant 0 : i32
      %dma_wait3A_256 = tpu.memref_slice %arg8[%dma_wait3A_255] : memref<280xi32, #tpu.memory_space<vmem>> -> memref<40xi32, #tpu.memory_space<vmem>>
      %dma_wait3A_257 = arith.constant 0 : i32
      %dma_wait3A_258 = arith.constant 0 : i32
      %dma_wait3A_259 = tpu.memref_slice %arg2[%dma_wait3A_257, %dma_wait3A_258] : memref<100000x128xf32, #tpu.memory_space<hbm>> -> memref<100000x128xf32, #tpu.memory_space<hbm>>
      tpu.wait_indirect_dma semaphore(%arg15 : memref<!tpu.dma_semaphore, #tpu.memory_space<semaphore_mem>>) src(%dma_wait3A_259 : memref<100000x128xf32, #tpu.memory_space<hbm>>) dst(%dma_wait3A_254 : memref<40x128xf32, #tpu.memory_space<vmem>>)
      %dma_wait3A_260 = arith.constant 40 : i32
      %dma_wait3A_261 = arith.constant 0 : i32
      %dma_wait3A_262 = tpu.memref_slice %arg10[%dma_wait3A_260, %dma_wait3A_261] : memref<280x128xf32, #tpu.memory_space<vmem>> -> memref<40x128xf32, #tpu.memory_space<vmem>>
      %dma_wait3A_263 = arith.constant 0 : i32
      %dma_wait3A_264 = tpu.memref_slice %arg8[%dma_wait3A_263] : memref<280xi32, #tpu.memory_space<vmem>> -> memref<40xi32, #tpu.memory_space<vmem>>
      %dma_wait3A_265 = arith.constant 0 : i32
      %dma_wait3A_266 = arith.constant 0 : i32
      %dma_wait3A_267 = tpu.memref_slice %arg2[%dma_wait3A_265, %dma_wait3A_266] : memref<100000x128xf32, #tpu.memory_space<hbm>> -> memref<100000x128xf32, #tpu.memory_space<hbm>>
      tpu.wait_indirect_dma semaphore(%arg15 : memref<!tpu.dma_semaphore, #tpu.memory_space<semaphore_mem>>) src(%dma_wait3A_267 : memref<100000x128xf32, #tpu.memory_space<hbm>>) dst(%dma_wait3A_262 : memref<40x128xf32, #tpu.memory_space<vmem>>)
      %dma_wait3A_268 = arith.constant 80 : i32
      %dma_wait3A_269 = arith.constant 0 : i32
      %dma_wait3A_270 = tpu.memref_slice %arg10[%dma_wait3A_268, %dma_wait3A_269] : memref<280x128xf32, #tpu.memory_space<vmem>> -> memref<40x128xf32, #tpu.memory_space<vmem>>
      %dma_wait3A_271 = arith.constant 0 : i32
      %dma_wait3A_272 = tpu.memref_slice %arg8[%dma_wait3A_271] : memref<280xi32, #tpu.memory_space<vmem>> -> memref<40xi32, #tpu.memory_space<vmem>>
      %dma_wait3A_273 = arith.constant 0 : i32
      %dma_wait3A_274 = arith.constant 0 : i32
      %dma_wait3A_275 = tpu.memref_slice %arg2[%dma_wait3A_273, %dma_wait3A_274] : memref<100000x128xf32, #tpu.memory_space<hbm>> -> memref<100000x128xf32, #tpu.memory_space<hbm>>
      tpu.wait_indirect_dma semaphore(%arg15 : memref<!tpu.dma_semaphore, #tpu.memory_space<semaphore_mem>>) src(%dma_wait3A_275 : memref<100000x128xf32, #tpu.memory_space<hbm>>) dst(%dma_wait3A_270 : memref<40x128xf32, #tpu.memory_space<vmem>>)
      %dma_wait3A_276 = arith.constant 120 : i32
      %dma_wait3A_277 = arith.constant 0 : i32
      %dma_wait3A_278 = tpu.memref_slice %arg10[%dma_wait3A_276, %dma_wait3A_277] : memref<280x128xf32, #tpu.memory_space<vmem>> -> memref<40x128xf32, #tpu.memory_space<vmem>>
      %dma_wait3A_279 = arith.constant 0 : i32
      %dma_wait3A_280 = tpu.memref_slice %arg8[%dma_wait3A_279] : memref<280xi32, #tpu.memory_space<vmem>> -> memref<40xi32, #tpu.memory_space<vmem>>
      %dma_wait3A_281 = arith.constant 0 : i32
      %dma_wait3A_282 = arith.constant 0 : i32
      %dma_wait3A_283 = tpu.memref_slice %arg2[%dma_wait3A_281, %dma_wait3A_282] : memref<100000x128xf32, #tpu.memory_space<hbm>> -> memref<100000x128xf32, #tpu.memory_space<hbm>>
      tpu.wait_indirect_dma semaphore(%arg15 : memref<!tpu.dma_semaphore, #tpu.memory_space<semaphore_mem>>) src(%dma_wait3A_283 : memref<100000x128xf32, #tpu.memory_space<hbm>>) dst(%dma_wait3A_278 : memref<40x128xf32, #tpu.memory_space<vmem>>)
      %dma_wait3A_284 = arith.constant 160 : i32
      %dma_wait3A_285 = arith.constant 0 : i32
      %dma_wait3A_286 = tpu.memref_slice %arg10[%dma_wait3A_284, %dma_wait3A_285] : memref<280x128xf32, #tpu.memory_space<vmem>> -> memref<40x128xf32, #tpu.memory_space<vmem>>
      %dma_wait3A_287 = arith.constant 0 : i32
      %dma_wait3A_288 = tpu.memref_slice %arg8[%dma_wait3A_287] : memref<280xi32, #tpu.memory_space<vmem>> -> memref<40xi32, #tpu.memory_space<vmem>>
      %dma_wait3A_289 = arith.constant 0 : i32
      %dma_wait3A_290 = arith.constant 0 : i32
      %dma_wait3A_291 = tpu.memref_slice %arg2[%dma_wait3A_289, %dma_wait3A_290] : memref<100000x128xf32, #tpu.memory_space<hbm>> -> memref<100000x128xf32, #tpu.memory_space<hbm>>
      tpu.wait_indirect_dma semaphore(%arg15 : memref<!tpu.dma_semaphore, #tpu.memory_space<semaphore_mem>>) src(%dma_wait3A_291 : memref<100000x128xf32, #tpu.memory_space<hbm>>) dst(%dma_wait3A_286 : memref<40x128xf32, #tpu.memory_space<vmem>>)
      %dma_wait3A_292 = arith.constant 200 : i32
      %dma_wait3A_293 = arith.constant 0 : i32
      %dma_wait3A_294 = tpu.memref_slice %arg10[%dma_wait3A_292, %dma_wait3A_293] : memref<280x128xf32, #tpu.memory_space<vmem>> -> memref<40x128xf32, #tpu.memory_space<vmem>>
      %dma_wait3A_295 = arith.constant 0 : i32
      %dma_wait3A_296 = tpu.memref_slice %arg8[%dma_wait3A_295] : memref<280xi32, #tpu.memory_space<vmem>> -> memref<40xi32, #tpu.memory_space<vmem>>
      %dma_wait3A_297 = arith.constant 0 : i32
      %dma_wait3A_298 = arith.constant 0 : i32
      %dma_wait3A_299 = tpu.memref_slice %arg2[%dma_wait3A_297, %dma_wait3A_298] : memref<100000x128xf32, #tpu.memory_space<hbm>> -> memref<100000x128xf32, #tpu.memory_space<hbm>>
      tpu.wait_indirect_dma semaphore(%arg15 : memref<!tpu.dma_semaphore, #tpu.memory_space<semaphore_mem>>) src(%dma_wait3A_299 : memref<100000x128xf32, #tpu.memory_space<hbm>>) dst(%dma_wait3A_294 : memref<40x128xf32, #tpu.memory_space<vmem>>)
      %dma_wait3A_300 = arith.constant 240 : i32
      %dma_wait3A_301 = arith.constant 0 : i32
      %dma_wait3A_302 = tpu.memref_slice %arg10[%dma_wait3A_300, %dma_wait3A_301] : memref<280x128xf32, #tpu.memory_space<vmem>> -> memref<40x128xf32, #tpu.memory_space<vmem>>
      %dma_wait3A_303 = arith.constant 0 : i32
      %dma_wait3A_304 = tpu.memref_slice %arg8[%dma_wait3A_303] : memref<280xi32, #tpu.memory_space<vmem>> -> memref<40xi32, #tpu.memory_space<vmem>>
      %dma_wait3A_305 = arith.constant 0 : i32
      %dma_wait3A_306 = arith.constant 0 : i32
      %dma_wait3A_307 = tpu.memref_slice %arg2[%dma_wait3A_305, %dma_wait3A_306] : memref<100000x128xf32, #tpu.memory_space<hbm>> -> memref<100000x128xf32, #tpu.memory_space<hbm>>
      tpu.wait_indirect_dma semaphore(%arg15 : memref<!tpu.dma_semaphore, #tpu.memory_space<semaphore_mem>>) src(%dma_wait3A_307 : memref<100000x128xf32, #tpu.memory_space<hbm>>) dst(%dma_wait3A_302 : memref<40x128xf32, #tpu.memory_space<vmem>>)
      %dma_wait3A_308 = arith.constant 0 : i32
      %dma_wait3A_309 = tpu.memref_slice %arg11[%dma_wait3A_308] : memref<800xf32, #tpu.memory_space<vmem>> -> memref<40xf32, #tpu.memory_space<vmem>>
      %dma_wait3A_310 = arith.constant 0 : i32
      %dma_wait3A_311 = tpu.memref_slice %arg8[%dma_wait3A_310] : memref<280xi32, #tpu.memory_space<vmem>> -> memref<40xi32, #tpu.memory_space<vmem>>
      %dma_wait3A_312 = arith.constant 0 : i32
      %dma_wait3A_313 = tpu.memref_slice %arg3[%dma_wait3A_312] : memref<100000xf32, #tpu.memory_space<hbm>> -> memref<100000xf32, #tpu.memory_space<hbm>>
      tpu.wait_indirect_dma semaphore(%arg15 : memref<!tpu.dma_semaphore, #tpu.memory_space<semaphore_mem>>) src(%dma_wait3A_313 : memref<100000xf32, #tpu.memory_space<hbm>>) dst(%dma_wait3A_309 : memref<40xf32, #tpu.memory_space<vmem>>)
      %add3A_314 = arith.constant 2 : i32
      %add3A_315 = arith.addi %add3A_179, %add3A_314 : i32
      %lt3A_316 = arith.constant 20 : i32
      %lt3A_317 = arith.cmpi slt, %add3A_315, %lt3A_316 : i32
      %convert_element_type3A_318 = arith.extui %lt3A_317 : i1 to i32
      %cond3A_319 = arith.constant 0 : i32
      %cond3A_320 = arith.cmpi ne, %convert_element_type3A_318, %cond3A_319 : i32
      scf.if %cond3A_320 {
        %add3A_328 = arith.constant 2 : i32
        %add3A_329 = arith.addi %add3A_179, %add3A_328 : i32
        %mul3A_330 = arith.constant 280 : i32
        %mul3A_331 = arith.muli %add3A_329, %mul3A_330 : i32
        %add3A_332 = arith.addi %multiple_of3A, %mul3A_331 : i32
        %dma_start3A_333 = tpu.memref_slice %arg4[%add3A_332] : memref<179200xi32, #tpu.memory_space<hbm>> -> memref<280xi32, #tpu.memory_space<hbm>>
        %dma_start3A_334 = tpu.memref_slice %arg4[%add3A_332] : memref<179200xi32, #tpu.memory_space<hbm>> -> memref<280xi32, #tpu.memory_space<hbm>>
        tpu.enqueue_dma source(%dma_start3A_334 : memref<280xi32, #tpu.memory_space<hbm>>) target(%arg8 : memref<280xi32, #tpu.memory_space<vmem>>) target_semaphore(%arg13 : memref<!tpu.dma_semaphore, #tpu.memory_space<semaphore_mem>>)
      } else {
      }
      %mul3A_321 = arith.constant 280 : i32
      %mul3A_322 = arith.muli %add3A_179, %mul3A_321 : i32
      %add3A_323 = arith.addi %multiple_of3A, %mul3A_322 : i32
      %dma_start3A_324 = arith.constant 0 : i32
      %dma_start3A_325 = tpu.memref_slice %arg5[%add3A_323, %dma_start3A_324] : memref<179200x128xf32, #tpu.memory_space<hbm>> -> memref<280x128xf32, #tpu.memory_space<hbm>>
      %dma_start3A_326 = arith.constant 0 : i32
      %dma_start3A_327 = tpu.memref_slice %arg5[%add3A_323, %dma_start3A_326] : memref<179200x128xf32, #tpu.memory_space<hbm>> -> memref<280x128xf32, #tpu.memory_space<hbm>>
      tpu.enqueue_dma source(%arg10 : memref<280x128xf32, #tpu.memory_space<vmem>>) target(%dma_start3A_327 : memref<280x128xf32, #tpu.memory_space<hbm>>) target_semaphore(%arg17 : memref<!tpu.dma_semaphore, #tpu.memory_space<semaphore_mem>>)
    }
    %scan3A_19 = arith.constant 10 : i32
    %dma_wait3A = arith.constant 0 : i32
    %dma_wait3A_20 = tpu.memref_slice %arg5[%multiple_of3A, %dma_wait3A] : memref<179200x128xf32, #tpu.memory_space<hbm>> -> memref<280x128xf32, #tpu.memory_space<hbm>>
    %dma_wait3A_21 = arith.constant 0 : i32
    %dma_wait3A_22 = tpu.memref_slice %arg5[%multiple_of3A, %dma_wait3A_21] : memref<179200x128xf32, #tpu.memory_space<hbm>> -> memref<280x128xf32, #tpu.memory_space<hbm>>
    tpu.wait_dma2 semaphore(%arg16 : memref<!tpu.dma_semaphore, #tpu.memory_space<semaphore_mem>>) src(%arg9 : memref<280x128xf32, #tpu.memory_space<vmem>>) dst(%dma_wait3A_22 : memref<280x128xf32, #tpu.memory_space<hbm>>)
    %dma_wait3A_23 = arith.constant 0 : i32
    %dma_wait3A_24 = tpu.memref_slice %arg5[%multiple_of3A, %dma_wait3A_23] : memref<179200x128xf32, #tpu.memory_space<hbm>> -> memref<280x128xf32, #tpu.memory_space<hbm>>
    %dma_wait3A_25 = arith.constant 0 : i32
    %dma_wait3A_26 = tpu.memref_slice %arg5[%multiple_of3A, %dma_wait3A_25] : memref<179200x128xf32, #tpu.memory_space<hbm>> -> memref<280x128xf32, #tpu.memory_space<hbm>>
    tpu.wait_dma2 semaphore(%arg17 : memref<!tpu.dma_semaphore, #tpu.memory_space<semaphore_mem>>) src(%arg10 : memref<280x128xf32, #tpu.memory_space<vmem>>) dst(%dma_wait3A_26 : memref<280x128xf32, #tpu.memory_space<hbm>>)
    "tpu.region"() ({
      %run_scoped3A = tpu.sem_alloc : memref<!tpu.dma_semaphore, #tpu.memory_space<semaphore_mem>>
      %dma_start3A_27 = tpu.memref_slice %arg6[%multiple_of3A_7] : memref<25600xf32, #tpu.memory_space<hbm>> -> memref<800xf32, #tpu.memory_space<hbm>>
      %dma_start3A_28 = tpu.memref_slice %arg6[%multiple_of3A_7] : memref<25600xf32, #tpu.memory_space<hbm>> -> memref<800xf32, #tpu.memory_space<hbm>>
      tpu.enqueue_dma source(%arg11 : memref<800xf32, #tpu.memory_space<vmem>>) target(%dma_start3A_28 : memref<800xf32, #tpu.memory_space<hbm>>) target_semaphore(%run_scoped3A : memref<!tpu.dma_semaphore, #tpu.memory_space<semaphore_mem>>)
      %dma_wait3A_29 = tpu.memref_slice %arg6[%multiple_of3A_7] : memref<25600xf32, #tpu.memory_space<hbm>> -> memref<800xf32, #tpu.memory_space<hbm>>
      %dma_wait3A_30 = tpu.memref_slice %arg6[%multiple_of3A_7] : memref<25600xf32, #tpu.memory_space<hbm>> -> memref<800xf32, #tpu.memory_space<hbm>>
      tpu.wait_dma2 semaphore(%run_scoped3A : memref<!tpu.dma_semaphore, #tpu.memory_space<semaphore_mem>>) src(%arg11 : memref<800xf32, #tpu.memory_space<vmem>>) dst(%dma_wait3A_30 : memref<800xf32, #tpu.memory_space<hbm>>)
      tpu.yield
    }) : () -> ()
    return
  }
}

module attributes {stable_mosaic.version = 14 : i64} {
  func.func @_math_body(%arg0: i32, %arg1: memref<4480x128xf32, #tpu.memory_space<vmem>>, %arg2: memref<1x640xf32, #tpu.memory_space<vmem>>, %arg3: memref<1x640xf32, #tpu.memory_space<vmem>>, %arg4: memref<5x640xf32, #tpu.memory_space<vmem>>, %arg5: memref<5x640xf32, #tpu.memory_space<vmem>>, %arg6: memref<1xf32, #tpu.memory_space<smem>>, %arg7: memref<1x640xf32, #tpu.memory_space<vmem>>) attributes {dimension_semantics = [#tpu.dimension_semantics<arbitrary>], iteration_bounds = array<i64: 40>, scalar_prefetch = 0 : i64, scratch_operands = 0 : i64, tpu.core_type = #tpu.core_type<tc>, window_params = [{transform_indices = @transform_0, window_bounds = array<i64: 4480, 128>}, {transform_indices = @transform_1, window_bounds = array<i64: 1, 640>}, {transform_indices = @transform_2, window_bounds = array<i64: 1, 640>}, {transform_indices = @transform_3, window_bounds = array<i64: 5, 640>}, {transform_indices = @transform_4, window_bounds = array<i64: 5, 640>}, {transform_indices = @transform_5, window_bounds = array<i64: 1>}, {transform_indices = @transform_6, window_bounds = array<i64: 1, 640>}]} {
    %get3A = arith.constant 0 : index
    %get3A_0 = arith.constant 0 : index
    %get3A_1 = vector.load %arg1[%get3A, %get3A_0] : memref<4480x128xf32, #tpu.memory_space<vmem>>, vector<40x128xf32>
    %get3A_2 = arith.constant 40 : index
    %get3A_3 = arith.constant 0 : index
    %get3A_4 = vector.load %arg1[%get3A_2, %get3A_3] : memref<4480x128xf32, #tpu.memory_space<vmem>>, vector<40x128xf32>
    %sub3A = arith.subf %get3A_1, %get3A_4 : vector<40x128xf32>
    %convert_element_type3A = arith.truncf %sub3A : vector<40x128xf32> to vector<40x128xbf16>
    %get3A_5 = arith.constant 80 : index
    %get3A_6 = arith.constant 0 : index
    %get3A_7 = vector.load %arg1[%get3A_5, %get3A_6] : memref<4480x128xf32, #tpu.memory_space<vmem>>, vector<40x128xf32>
    %sub3A_8 = arith.subf %get3A_1, %get3A_7 : vector<40x128xf32>
    %convert_element_type3A_9 = arith.truncf %sub3A_8 : vector<40x128xf32> to vector<40x128xbf16>
    %get3A_10 = arith.constant 120 : index
    %get3A_11 = arith.constant 0 : index
    %get3A_12 = vector.load %arg1[%get3A_10, %get3A_11] : memref<4480x128xf32, #tpu.memory_space<vmem>>, vector<40x128xf32>
    %sub3A_13 = arith.subf %get3A_1, %get3A_12 : vector<40x128xf32>
    %convert_element_type3A_14 = arith.truncf %sub3A_13 : vector<40x128xf32> to vector<40x128xbf16>
    %get3A_15 = arith.constant 160 : index
    %get3A_16 = arith.constant 0 : index
    %get3A_17 = vector.load %arg1[%get3A_15, %get3A_16] : memref<4480x128xf32, #tpu.memory_space<vmem>>, vector<40x128xf32>
    %sub3A_18 = arith.subf %get3A_1, %get3A_17 : vector<40x128xf32>
    %convert_element_type3A_19 = arith.truncf %sub3A_18 : vector<40x128xf32> to vector<40x128xbf16>
    %get3A_20 = arith.constant 200 : index
    %get3A_21 = arith.constant 0 : index
    %get3A_22 = vector.load %arg1[%get3A_20, %get3A_21] : memref<4480x128xf32, #tpu.memory_space<vmem>>, vector<40x128xf32>
    %sub3A_23 = arith.subf %get3A_1, %get3A_22 : vector<40x128xf32>
    %convert_element_type3A_24 = arith.truncf %sub3A_23 : vector<40x128xf32> to vector<40x128xbf16>
    %get3A_25 = arith.constant 240 : index
    %get3A_26 = arith.constant 0 : index
    %get3A_27 = vector.load %arg1[%get3A_25, %get3A_26] : memref<4480x128xf32, #tpu.memory_space<vmem>>, vector<40x128xf32>
    %sub3A_28 = arith.subf %get3A_1, %get3A_27 : vector<40x128xf32>
    %convert_element_type3A_29 = arith.truncf %sub3A_28 : vector<40x128xf32> to vector<40x128xbf16>
    %mul3A = arith.mulf %convert_element_type3A, %convert_element_type3A : vector<40x128xbf16>
    %mul3A_30 = arith.mulf %convert_element_type3A_9, %convert_element_type3A_9 : vector<40x128xbf16>
    %mul3A_31 = arith.mulf %convert_element_type3A_14, %convert_element_type3A_14 : vector<40x128xbf16>
    %mul3A_32 = arith.mulf %convert_element_type3A_19, %convert_element_type3A_19 : vector<40x128xbf16>
    %mul3A_33 = arith.mulf %convert_element_type3A_24, %convert_element_type3A_24 : vector<40x128xbf16>
    %mul3A_34 = arith.mulf %convert_element_type3A_29, %convert_element_type3A_29 : vector<40x128xbf16>
    %concatenate3A = tpu.concatenate %mul3A, %mul3A_30, %mul3A_31, %mul3A_32, %mul3A_33, %mul3A_34 in 1 : vector<40x128xbf16>, vector<40x128xbf16>, vector<40x128xbf16>, vector<40x128xbf16>, vector<40x128xbf16>, vector<40x128xbf16> -> vector<40x768xbf16>
    %get3A_35 = arith.constant 280 : index
    %get3A_36 = arith.constant 0 : index
    %get3A_37 = vector.load %arg1[%get3A_35, %get3A_36] : memref<4480x128xf32, #tpu.memory_space<vmem>>, vector<40x128xf32>
    %get3A_38 = arith.constant 320 : index
    %get3A_39 = arith.constant 0 : index
    %get3A_40 = vector.load %arg1[%get3A_38, %get3A_39] : memref<4480x128xf32, #tpu.memory_space<vmem>>, vector<40x128xf32>
    %sub3A_41 = arith.subf %get3A_37, %get3A_40 : vector<40x128xf32>
    %convert_element_type3A_42 = arith.truncf %sub3A_41 : vector<40x128xf32> to vector<40x128xbf16>
    %get3A_43 = arith.constant 360 : index
    %get3A_44 = arith.constant 0 : index
    %get3A_45 = vector.load %arg1[%get3A_43, %get3A_44] : memref<4480x128xf32, #tpu.memory_space<vmem>>, vector<40x128xf32>
    %sub3A_46 = arith.subf %get3A_37, %get3A_45 : vector<40x128xf32>
    %convert_element_type3A_47 = arith.truncf %sub3A_46 : vector<40x128xf32> to vector<40x128xbf16>
    %get3A_48 = arith.constant 400 : index
    %get3A_49 = arith.constant 0 : index
    %get3A_50 = vector.load %arg1[%get3A_48, %get3A_49] : memref<4480x128xf32, #tpu.memory_space<vmem>>, vector<40x128xf32>
    %sub3A_51 = arith.subf %get3A_37, %get3A_50 : vector<40x128xf32>
    %convert_element_type3A_52 = arith.truncf %sub3A_51 : vector<40x128xf32> to vector<40x128xbf16>
    %get3A_53 = arith.constant 440 : index
    %get3A_54 = arith.constant 0 : index
    %get3A_55 = vector.load %arg1[%get3A_53, %get3A_54] : memref<4480x128xf32, #tpu.memory_space<vmem>>, vector<40x128xf32>
    %sub3A_56 = arith.subf %get3A_37, %get3A_55 : vector<40x128xf32>
    %convert_element_type3A_57 = arith.truncf %sub3A_56 : vector<40x128xf32> to vector<40x128xbf16>
    %get3A_58 = arith.constant 480 : index
    %get3A_59 = arith.constant 0 : index
    %get3A_60 = vector.load %arg1[%get3A_58, %get3A_59] : memref<4480x128xf32, #tpu.memory_space<vmem>>, vector<40x128xf32>
    %sub3A_61 = arith.subf %get3A_37, %get3A_60 : vector<40x128xf32>
    %convert_element_type3A_62 = arith.truncf %sub3A_61 : vector<40x128xf32> to vector<40x128xbf16>
    %get3A_63 = arith.constant 520 : index
    %get3A_64 = arith.constant 0 : index
    %get3A_65 = vector.load %arg1[%get3A_63, %get3A_64] : memref<4480x128xf32, #tpu.memory_space<vmem>>, vector<40x128xf32>
    %sub3A_66 = arith.subf %get3A_37, %get3A_65 : vector<40x128xf32>
    %convert_element_type3A_67 = arith.truncf %sub3A_66 : vector<40x128xf32> to vector<40x128xbf16>
    %mul3A_68 = arith.mulf %convert_element_type3A_42, %convert_element_type3A_42 : vector<40x128xbf16>
    %mul3A_69 = arith.mulf %convert_element_type3A_47, %convert_element_type3A_47 : vector<40x128xbf16>
    %mul3A_70 = arith.mulf %convert_element_type3A_52, %convert_element_type3A_52 : vector<40x128xbf16>
    %mul3A_71 = arith.mulf %convert_element_type3A_57, %convert_element_type3A_57 : vector<40x128xbf16>
    %mul3A_72 = arith.mulf %convert_element_type3A_62, %convert_element_type3A_62 : vector<40x128xbf16>
    %mul3A_73 = arith.mulf %convert_element_type3A_67, %convert_element_type3A_67 : vector<40x128xbf16>
    %concatenate3A_74 = tpu.concatenate %mul3A_68, %mul3A_69, %mul3A_70, %mul3A_71, %mul3A_72, %mul3A_73 in 1 : vector<40x128xbf16>, vector<40x128xbf16>, vector<40x128xbf16>, vector<40x128xbf16>, vector<40x128xbf16>, vector<40x128xbf16> -> vector<40x768xbf16>
    %get3A_75 = arith.constant 560 : index
    %get3A_76 = arith.constant 0 : index
    %get3A_77 = vector.load %arg1[%get3A_75, %get3A_76] : memref<4480x128xf32, #tpu.memory_space<vmem>>, vector<40x128xf32>
    %get3A_78 = arith.constant 600 : index
    %get3A_79 = arith.constant 0 : index
    %get3A_80 = vector.load %arg1[%get3A_78, %get3A_79] : memref<4480x128xf32, #tpu.memory_space<vmem>>, vector<40x128xf32>
    %sub3A_81 = arith.subf %get3A_77, %get3A_80 : vector<40x128xf32>
    %convert_element_type3A_82 = arith.truncf %sub3A_81 : vector<40x128xf32> to vector<40x128xbf16>
    %get3A_83 = arith.constant 640 : index
    %get3A_84 = arith.constant 0 : index
    %get3A_85 = vector.load %arg1[%get3A_83, %get3A_84] : memref<4480x128xf32, #tpu.memory_space<vmem>>, vector<40x128xf32>
    %sub3A_86 = arith.subf %get3A_77, %get3A_85 : vector<40x128xf32>
    %convert_element_type3A_87 = arith.truncf %sub3A_86 : vector<40x128xf32> to vector<40x128xbf16>
    %get3A_88 = arith.constant 680 : index
    %get3A_89 = arith.constant 0 : index
    %get3A_90 = vector.load %arg1[%get3A_88, %get3A_89] : memref<4480x128xf32, #tpu.memory_space<vmem>>, vector<40x128xf32>
    %sub3A_91 = arith.subf %get3A_77, %get3A_90 : vector<40x128xf32>
    %convert_element_type3A_92 = arith.truncf %sub3A_91 : vector<40x128xf32> to vector<40x128xbf16>
    %get3A_93 = arith.constant 720 : index
    %get3A_94 = arith.constant 0 : index
    %get3A_95 = vector.load %arg1[%get3A_93, %get3A_94] : memref<4480x128xf32, #tpu.memory_space<vmem>>, vector<40x128xf32>
    %sub3A_96 = arith.subf %get3A_77, %get3A_95 : vector<40x128xf32>
    %convert_element_type3A_97 = arith.truncf %sub3A_96 : vector<40x128xf32> to vector<40x128xbf16>
    %get3A_98 = arith.constant 760 : index
    %get3A_99 = arith.constant 0 : index
    %get3A_100 = vector.load %arg1[%get3A_98, %get3A_99] : memref<4480x128xf32, #tpu.memory_space<vmem>>, vector<40x128xf32>
    %sub3A_101 = arith.subf %get3A_77, %get3A_100 : vector<40x128xf32>
    %convert_element_type3A_102 = arith.truncf %sub3A_101 : vector<40x128xf32> to vector<40x128xbf16>
    %get3A_103 = arith.constant 800 : index
    %get3A_104 = arith.constant 0 : index
    %get3A_105 = vector.load %arg1[%get3A_103, %get3A_104] : memref<4480x128xf32, #tpu.memory_space<vmem>>, vector<40x128xf32>
    %sub3A_106 = arith.subf %get3A_77, %get3A_105 : vector<40x128xf32>
    %convert_element_type3A_107 = arith.truncf %sub3A_106 : vector<40x128xf32> to vector<40x128xbf16>
    %mul3A_108 = arith.mulf %convert_element_type3A_82, %convert_element_type3A_82 : vector<40x128xbf16>
    %mul3A_109 = arith.mulf %convert_element_type3A_87, %convert_element_type3A_87 : vector<40x128xbf16>
    %mul3A_110 = arith.mulf %convert_element_type3A_92, %convert_element_type3A_92 : vector<40x128xbf16>
    %mul3A_111 = arith.mulf %convert_element_type3A_97, %convert_element_type3A_97 : vector<40x128xbf16>
    %mul3A_112 = arith.mulf %convert_element_type3A_102, %convert_element_type3A_102 : vector<40x128xbf16>
    %mul3A_113 = arith.mulf %convert_element_type3A_107, %convert_element_type3A_107 : vector<40x128xbf16>
    %concatenate3A_114 = tpu.concatenate %mul3A_108, %mul3A_109, %mul3A_110, %mul3A_111, %mul3A_112, %mul3A_113 in 1 : vector<40x128xbf16>, vector<40x128xbf16>, vector<40x128xbf16>, vector<40x128xbf16>, vector<40x128xbf16>, vector<40x128xbf16> -> vector<40x768xbf16>
    %get3A_115 = arith.constant 840 : index
    %get3A_116 = arith.constant 0 : index
    %get3A_117 = vector.load %arg1[%get3A_115, %get3A_116] : memref<4480x128xf32, #tpu.memory_space<vmem>>, vector<40x128xf32>
    %get3A_118 = arith.constant 880 : index
    %get3A_119 = arith.constant 0 : index
    %get3A_120 = vector.load %arg1[%get3A_118, %get3A_119] : memref<4480x128xf32, #tpu.memory_space<vmem>>, vector<40x128xf32>
    %sub3A_121 = arith.subf %get3A_117, %get3A_120 : vector<40x128xf32>
    %convert_element_type3A_122 = arith.truncf %sub3A_121 : vector<40x128xf32> to vector<40x128xbf16>
    %get3A_123 = arith.constant 920 : index
    %get3A_124 = arith.constant 0 : index
    %get3A_125 = vector.load %arg1[%get3A_123, %get3A_124] : memref<4480x128xf32, #tpu.memory_space<vmem>>, vector<40x128xf32>
    %sub3A_126 = arith.subf %get3A_117, %get3A_125 : vector<40x128xf32>
    %convert_element_type3A_127 = arith.truncf %sub3A_126 : vector<40x128xf32> to vector<40x128xbf16>
    %get3A_128 = arith.constant 960 : index
    %get3A_129 = arith.constant 0 : index
    %get3A_130 = vector.load %arg1[%get3A_128, %get3A_129] : memref<4480x128xf32, #tpu.memory_space<vmem>>, vector<40x128xf32>
    %sub3A_131 = arith.subf %get3A_117, %get3A_130 : vector<40x128xf32>
    %convert_element_type3A_132 = arith.truncf %sub3A_131 : vector<40x128xf32> to vector<40x128xbf16>
    %get3A_133 = arith.constant 1000 : index
    %get3A_134 = arith.constant 0 : index
    %get3A_135 = vector.load %arg1[%get3A_133, %get3A_134] : memref<4480x128xf32, #tpu.memory_space<vmem>>, vector<40x128xf32>
    %sub3A_136 = arith.subf %get3A_117, %get3A_135 : vector<40x128xf32>
    %convert_element_type3A_137 = arith.truncf %sub3A_136 : vector<40x128xf32> to vector<40x128xbf16>
    %get3A_138 = arith.constant 1040 : index
    %get3A_139 = arith.constant 0 : index
    %get3A_140 = vector.load %arg1[%get3A_138, %get3A_139] : memref<4480x128xf32, #tpu.memory_space<vmem>>, vector<40x128xf32>
    %sub3A_141 = arith.subf %get3A_117, %get3A_140 : vector<40x128xf32>
    %convert_element_type3A_142 = arith.truncf %sub3A_141 : vector<40x128xf32> to vector<40x128xbf16>
    %get3A_143 = arith.constant 1080 : index
    %get3A_144 = arith.constant 0 : index
    %get3A_145 = vector.load %arg1[%get3A_143, %get3A_144] : memref<4480x128xf32, #tpu.memory_space<vmem>>, vector<40x128xf32>
    %sub3A_146 = arith.subf %get3A_117, %get3A_145 : vector<40x128xf32>
    %convert_element_type3A_147 = arith.truncf %sub3A_146 : vector<40x128xf32> to vector<40x128xbf16>
    %mul3A_148 = arith.mulf %convert_element_type3A_122, %convert_element_type3A_122 : vector<40x128xbf16>
    %mul3A_149 = arith.mulf %convert_element_type3A_127, %convert_element_type3A_127 : vector<40x128xbf16>
    %mul3A_150 = arith.mulf %convert_element_type3A_132, %convert_element_type3A_132 : vector<40x128xbf16>
    %mul3A_151 = arith.mulf %convert_element_type3A_137, %convert_element_type3A_137 : vector<40x128xbf16>
    %mul3A_152 = arith.mulf %convert_element_type3A_142, %convert_element_type3A_142 : vector<40x128xbf16>
    %mul3A_153 = arith.mulf %convert_element_type3A_147, %convert_element_type3A_147 : vector<40x128xbf16>
    %concatenate3A_154 = tpu.concatenate %mul3A_148, %mul3A_149, %mul3A_150, %mul3A_151, %mul3A_152, %mul3A_153 in 1 : vector<40x128xbf16>, vector<40x128xbf16>, vector<40x128xbf16>, vector<40x128xbf16>, vector<40x128xbf16>, vector<40x128xbf16> -> vector<40x768xbf16>
    %get3A_155 = arith.constant 1120 : index
    %get3A_156 = arith.constant 0 : index
    %get3A_157 = vector.load %arg1[%get3A_155, %get3A_156] : memref<4480x128xf32, #tpu.memory_space<vmem>>, vector<40x128xf32>
    %get3A_158 = arith.constant 1160 : index
    %get3A_159 = arith.constant 0 : index
    %get3A_160 = vector.load %arg1[%get3A_158, %get3A_159] : memref<4480x128xf32, #tpu.memory_space<vmem>>, vector<40x128xf32>
    %sub3A_161 = arith.subf %get3A_157, %get3A_160 : vector<40x128xf32>
    %convert_element_type3A_162 = arith.truncf %sub3A_161 : vector<40x128xf32> to vector<40x128xbf16>
    %get3A_163 = arith.constant 1200 : index
    %get3A_164 = arith.constant 0 : index
    %get3A_165 = vector.load %arg1[%get3A_163, %get3A_164] : memref<4480x128xf32, #tpu.memory_space<vmem>>, vector<40x128xf32>
    %sub3A_166 = arith.subf %get3A_157, %get3A_165 : vector<40x128xf32>
    %convert_element_type3A_167 = arith.truncf %sub3A_166 : vector<40x128xf32> to vector<40x128xbf16>
    %get3A_168 = arith.constant 1240 : index
    %get3A_169 = arith.constant 0 : index
    %get3A_170 = vector.load %arg1[%get3A_168, %get3A_169] : memref<4480x128xf32, #tpu.memory_space<vmem>>, vector<40x128xf32>
    %sub3A_171 = arith.subf %get3A_157, %get3A_170 : vector<40x128xf32>
    %convert_element_type3A_172 = arith.truncf %sub3A_171 : vector<40x128xf32> to vector<40x128xbf16>
    %get3A_173 = arith.constant 1280 : index
    %get3A_174 = arith.constant 0 : index
    %get3A_175 = vector.load %arg1[%get3A_173, %get3A_174] : memref<4480x128xf32, #tpu.memory_space<vmem>>, vector<40x128xf32>
    %sub3A_176 = arith.subf %get3A_157, %get3A_175 : vector<40x128xf32>
    %convert_element_type3A_177 = arith.truncf %sub3A_176 : vector<40x128xf32> to vector<40x128xbf16>
    %get3A_178 = arith.constant 1320 : index
    %get3A_179 = arith.constant 0 : index
    %get3A_180 = vector.load %arg1[%get3A_178, %get3A_179] : memref<4480x128xf32, #tpu.memory_space<vmem>>, vector<40x128xf32>
    %sub3A_181 = arith.subf %get3A_157, %get3A_180 : vector<40x128xf32>
    %convert_element_type3A_182 = arith.truncf %sub3A_181 : vector<40x128xf32> to vector<40x128xbf16>
    %get3A_183 = arith.constant 1360 : index
    %get3A_184 = arith.constant 0 : index
    %get3A_185 = vector.load %arg1[%get3A_183, %get3A_184] : memref<4480x128xf32, #tpu.memory_space<vmem>>, vector<40x128xf32>
    %sub3A_186 = arith.subf %get3A_157, %get3A_185 : vector<40x128xf32>
    %convert_element_type3A_187 = arith.truncf %sub3A_186 : vector<40x128xf32> to vector<40x128xbf16>
    %mul3A_188 = arith.mulf %convert_element_type3A_162, %convert_element_type3A_162 : vector<40x128xbf16>
    %mul3A_189 = arith.mulf %convert_element_type3A_167, %convert_element_type3A_167 : vector<40x128xbf16>
    %mul3A_190 = arith.mulf %convert_element_type3A_172, %convert_element_type3A_172 : vector<40x128xbf16>
    %mul3A_191 = arith.mulf %convert_element_type3A_177, %convert_element_type3A_177 : vector<40x128xbf16>
    %mul3A_192 = arith.mulf %convert_element_type3A_182, %convert_element_type3A_182 : vector<40x128xbf16>
    %mul3A_193 = arith.mulf %convert_element_type3A_187, %convert_element_type3A_187 : vector<40x128xbf16>
    %concatenate3A_194 = tpu.concatenate %mul3A_188, %mul3A_189, %mul3A_190, %mul3A_191, %mul3A_192, %mul3A_193 in 1 : vector<40x128xbf16>, vector<40x128xbf16>, vector<40x128xbf16>, vector<40x128xbf16>, vector<40x128xbf16>, vector<40x128xbf16> -> vector<40x768xbf16>
    %get3A_195 = arith.constant 1400 : index
    %get3A_196 = arith.constant 0 : index
    %get3A_197 = vector.load %arg1[%get3A_195, %get3A_196] : memref<4480x128xf32, #tpu.memory_space<vmem>>, vector<40x128xf32>
    %get3A_198 = arith.constant 1440 : index
    %get3A_199 = arith.constant 0 : index
    %get3A_200 = vector.load %arg1[%get3A_198, %get3A_199] : memref<4480x128xf32, #tpu.memory_space<vmem>>, vector<40x128xf32>
    %sub3A_201 = arith.subf %get3A_197, %get3A_200 : vector<40x128xf32>
    %convert_element_type3A_202 = arith.truncf %sub3A_201 : vector<40x128xf32> to vector<40x128xbf16>
    %get3A_203 = arith.constant 1480 : index
    %get3A_204 = arith.constant 0 : index
    %get3A_205 = vector.load %arg1[%get3A_203, %get3A_204] : memref<4480x128xf32, #tpu.memory_space<vmem>>, vector<40x128xf32>
    %sub3A_206 = arith.subf %get3A_197, %get3A_205 : vector<40x128xf32>
    %convert_element_type3A_207 = arith.truncf %sub3A_206 : vector<40x128xf32> to vector<40x128xbf16>
    %get3A_208 = arith.constant 1520 : index
    %get3A_209 = arith.constant 0 : index
    %get3A_210 = vector.load %arg1[%get3A_208, %get3A_209] : memref<4480x128xf32, #tpu.memory_space<vmem>>, vector<40x128xf32>
    %sub3A_211 = arith.subf %get3A_197, %get3A_210 : vector<40x128xf32>
    %convert_element_type3A_212 = arith.truncf %sub3A_211 : vector<40x128xf32> to vector<40x128xbf16>
    %get3A_213 = arith.constant 1560 : index
    %get3A_214 = arith.constant 0 : index
    %get3A_215 = vector.load %arg1[%get3A_213, %get3A_214] : memref<4480x128xf32, #tpu.memory_space<vmem>>, vector<40x128xf32>
    %sub3A_216 = arith.subf %get3A_197, %get3A_215 : vector<40x128xf32>
    %convert_element_type3A_217 = arith.truncf %sub3A_216 : vector<40x128xf32> to vector<40x128xbf16>
    %get3A_218 = arith.constant 1600 : index
    %get3A_219 = arith.constant 0 : index
    %get3A_220 = vector.load %arg1[%get3A_218, %get3A_219] : memref<4480x128xf32, #tpu.memory_space<vmem>>, vector<40x128xf32>
    %sub3A_221 = arith.subf %get3A_197, %get3A_220 : vector<40x128xf32>
    %convert_element_type3A_222 = arith.truncf %sub3A_221 : vector<40x128xf32> to vector<40x128xbf16>
    %get3A_223 = arith.constant 1640 : index
    %get3A_224 = arith.constant 0 : index
    %get3A_225 = vector.load %arg1[%get3A_223, %get3A_224] : memref<4480x128xf32, #tpu.memory_space<vmem>>, vector<40x128xf32>
    %sub3A_226 = arith.subf %get3A_197, %get3A_225 : vector<40x128xf32>
    %convert_element_type3A_227 = arith.truncf %sub3A_226 : vector<40x128xf32> to vector<40x128xbf16>
    %mul3A_228 = arith.mulf %convert_element_type3A_202, %convert_element_type3A_202 : vector<40x128xbf16>
    %mul3A_229 = arith.mulf %convert_element_type3A_207, %convert_element_type3A_207 : vector<40x128xbf16>
    %mul3A_230 = arith.mulf %convert_element_type3A_212, %convert_element_type3A_212 : vector<40x128xbf16>
    %mul3A_231 = arith.mulf %convert_element_type3A_217, %convert_element_type3A_217 : vector<40x128xbf16>
    %mul3A_232 = arith.mulf %convert_element_type3A_222, %convert_element_type3A_222 : vector<40x128xbf16>
    %mul3A_233 = arith.mulf %convert_element_type3A_227, %convert_element_type3A_227 : vector<40x128xbf16>
    %concatenate3A_234 = tpu.concatenate %mul3A_228, %mul3A_229, %mul3A_230, %mul3A_231, %mul3A_232, %mul3A_233 in 1 : vector<40x128xbf16>, vector<40x128xbf16>, vector<40x128xbf16>, vector<40x128xbf16>, vector<40x128xbf16>, vector<40x128xbf16> -> vector<40x768xbf16>
    %get3A_235 = arith.constant 1680 : index
    %get3A_236 = arith.constant 0 : index
    %get3A_237 = vector.load %arg1[%get3A_235, %get3A_236] : memref<4480x128xf32, #tpu.memory_space<vmem>>, vector<40x128xf32>
    %get3A_238 = arith.constant 1720 : index
    %get3A_239 = arith.constant 0 : index
    %get3A_240 = vector.load %arg1[%get3A_238, %get3A_239] : memref<4480x128xf32, #tpu.memory_space<vmem>>, vector<40x128xf32>
    %sub3A_241 = arith.subf %get3A_237, %get3A_240 : vector<40x128xf32>
    %convert_element_type3A_242 = arith.truncf %sub3A_241 : vector<40x128xf32> to vector<40x128xbf16>
    %get3A_243 = arith.constant 1760 : index
    %get3A_244 = arith.constant 0 : index
    %get3A_245 = vector.load %arg1[%get3A_243, %get3A_244] : memref<4480x128xf32, #tpu.memory_space<vmem>>, vector<40x128xf32>
    %sub3A_246 = arith.subf %get3A_237, %get3A_245 : vector<40x128xf32>
    %convert_element_type3A_247 = arith.truncf %sub3A_246 : vector<40x128xf32> to vector<40x128xbf16>
    %get3A_248 = arith.constant 1800 : index
    %get3A_249 = arith.constant 0 : index
    %get3A_250 = vector.load %arg1[%get3A_248, %get3A_249] : memref<4480x128xf32, #tpu.memory_space<vmem>>, vector<40x128xf32>
    %sub3A_251 = arith.subf %get3A_237, %get3A_250 : vector<40x128xf32>
    %convert_element_type3A_252 = arith.truncf %sub3A_251 : vector<40x128xf32> to vector<40x128xbf16>
    %get3A_253 = arith.constant 1840 : index
    %get3A_254 = arith.constant 0 : index
    %get3A_255 = vector.load %arg1[%get3A_253, %get3A_254] : memref<4480x128xf32, #tpu.memory_space<vmem>>, vector<40x128xf32>
    %sub3A_256 = arith.subf %get3A_237, %get3A_255 : vector<40x128xf32>
    %convert_element_type3A_257 = arith.truncf %sub3A_256 : vector<40x128xf32> to vector<40x128xbf16>
    %get3A_258 = arith.constant 1880 : index
    %get3A_259 = arith.constant 0 : index
    %get3A_260 = vector.load %arg1[%get3A_258, %get3A_259] : memref<4480x128xf32, #tpu.memory_space<vmem>>, vector<40x128xf32>
    %sub3A_261 = arith.subf %get3A_237, %get3A_260 : vector<40x128xf32>
    %convert_element_type3A_262 = arith.truncf %sub3A_261 : vector<40x128xf32> to vector<40x128xbf16>
    %get3A_263 = arith.constant 1920 : index
    %get3A_264 = arith.constant 0 : index
    %get3A_265 = vector.load %arg1[%get3A_263, %get3A_264] : memref<4480x128xf32, #tpu.memory_space<vmem>>, vector<40x128xf32>
    %sub3A_266 = arith.subf %get3A_237, %get3A_265 : vector<40x128xf32>
    %convert_element_type3A_267 = arith.truncf %sub3A_266 : vector<40x128xf32> to vector<40x128xbf16>
    %mul3A_268 = arith.mulf %convert_element_type3A_242, %convert_element_type3A_242 : vector<40x128xbf16>
    %mul3A_269 = arith.mulf %convert_element_type3A_247, %convert_element_type3A_247 : vector<40x128xbf16>
    %mul3A_270 = arith.mulf %convert_element_type3A_252, %convert_element_type3A_252 : vector<40x128xbf16>
    %mul3A_271 = arith.mulf %convert_element_type3A_257, %convert_element_type3A_257 : vector<40x128xbf16>
    %mul3A_272 = arith.mulf %convert_element_type3A_262, %convert_element_type3A_262 : vector<40x128xbf16>
    %mul3A_273 = arith.mulf %convert_element_type3A_267, %convert_element_type3A_267 : vector<40x128xbf16>
    %concatenate3A_274 = tpu.concatenate %mul3A_268, %mul3A_269, %mul3A_270, %mul3A_271, %mul3A_272, %mul3A_273 in 1 : vector<40x128xbf16>, vector<40x128xbf16>, vector<40x128xbf16>, vector<40x128xbf16>, vector<40x128xbf16>, vector<40x128xbf16> -> vector<40x768xbf16>
    %get3A_275 = arith.constant 1960 : index
    %get3A_276 = arith.constant 0 : index
    %get3A_277 = vector.load %arg1[%get3A_275, %get3A_276] : memref<4480x128xf32, #tpu.memory_space<vmem>>, vector<40x128xf32>
    %get3A_278 = arith.constant 2000 : index
    %get3A_279 = arith.constant 0 : index
    %get3A_280 = vector.load %arg1[%get3A_278, %get3A_279] : memref<4480x128xf32, #tpu.memory_space<vmem>>, vector<40x128xf32>
    %sub3A_281 = arith.subf %get3A_277, %get3A_280 : vector<40x128xf32>
    %convert_element_type3A_282 = arith.truncf %sub3A_281 : vector<40x128xf32> to vector<40x128xbf16>
    %get3A_283 = arith.constant 2040 : index
    %get3A_284 = arith.constant 0 : index
    %get3A_285 = vector.load %arg1[%get3A_283, %get3A_284] : memref<4480x128xf32, #tpu.memory_space<vmem>>, vector<40x128xf32>
    %sub3A_286 = arith.subf %get3A_277, %get3A_285 : vector<40x128xf32>
    %convert_element_type3A_287 = arith.truncf %sub3A_286 : vector<40x128xf32> to vector<40x128xbf16>
    %get3A_288 = arith.constant 2080 : index
    %get3A_289 = arith.constant 0 : index
    %get3A_290 = vector.load %arg1[%get3A_288, %get3A_289] : memref<4480x128xf32, #tpu.memory_space<vmem>>, vector<40x128xf32>
    %sub3A_291 = arith.subf %get3A_277, %get3A_290 : vector<40x128xf32>
    %convert_element_type3A_292 = arith.truncf %sub3A_291 : vector<40x128xf32> to vector<40x128xbf16>
    %get3A_293 = arith.constant 2120 : index
    %get3A_294 = arith.constant 0 : index
    %get3A_295 = vector.load %arg1[%get3A_293, %get3A_294] : memref<4480x128xf32, #tpu.memory_space<vmem>>, vector<40x128xf32>
    %sub3A_296 = arith.subf %get3A_277, %get3A_295 : vector<40x128xf32>
    %convert_element_type3A_297 = arith.truncf %sub3A_296 : vector<40x128xf32> to vector<40x128xbf16>
    %get3A_298 = arith.constant 2160 : index
    %get3A_299 = arith.constant 0 : index
    %get3A_300 = vector.load %arg1[%get3A_298, %get3A_299] : memref<4480x128xf32, #tpu.memory_space<vmem>>, vector<40x128xf32>
    %sub3A_301 = arith.subf %get3A_277, %get3A_300 : vector<40x128xf32>
    %convert_element_type3A_302 = arith.truncf %sub3A_301 : vector<40x128xf32> to vector<40x128xbf16>
    %get3A_303 = arith.constant 2200 : index
    %get3A_304 = arith.constant 0 : index
    %get3A_305 = vector.load %arg1[%get3A_303, %get3A_304] : memref<4480x128xf32, #tpu.memory_space<vmem>>, vector<40x128xf32>
    %sub3A_306 = arith.subf %get3A_277, %get3A_305 : vector<40x128xf32>
    %convert_element_type3A_307 = arith.truncf %sub3A_306 : vector<40x128xf32> to vector<40x128xbf16>
    %mul3A_308 = arith.mulf %convert_element_type3A_282, %convert_element_type3A_282 : vector<40x128xbf16>
    %mul3A_309 = arith.mulf %convert_element_type3A_287, %convert_element_type3A_287 : vector<40x128xbf16>
    %mul3A_310 = arith.mulf %convert_element_type3A_292, %convert_element_type3A_292 : vector<40x128xbf16>
    %mul3A_311 = arith.mulf %convert_element_type3A_297, %convert_element_type3A_297 : vector<40x128xbf16>
    %mul3A_312 = arith.mulf %convert_element_type3A_302, %convert_element_type3A_302 : vector<40x128xbf16>
    %mul3A_313 = arith.mulf %convert_element_type3A_307, %convert_element_type3A_307 : vector<40x128xbf16>
    %concatenate3A_314 = tpu.concatenate %mul3A_308, %mul3A_309, %mul3A_310, %mul3A_311, %mul3A_312, %mul3A_313 in 1 : vector<40x128xbf16>, vector<40x128xbf16>, vector<40x128xbf16>, vector<40x128xbf16>, vector<40x128xbf16>, vector<40x128xbf16> -> vector<40x768xbf16>
    %get3A_315 = arith.constant 2240 : index
    %get3A_316 = arith.constant 0 : index
    %get3A_317 = vector.load %arg1[%get3A_315, %get3A_316] : memref<4480x128xf32, #tpu.memory_space<vmem>>, vector<40x128xf32>
    %get3A_318 = arith.constant 2280 : index
    %get3A_319 = arith.constant 0 : index
    %get3A_320 = vector.load %arg1[%get3A_318, %get3A_319] : memref<4480x128xf32, #tpu.memory_space<vmem>>, vector<40x128xf32>
    %sub3A_321 = arith.subf %get3A_317, %get3A_320 : vector<40x128xf32>
    %convert_element_type3A_322 = arith.truncf %sub3A_321 : vector<40x128xf32> to vector<40x128xbf16>
    %get3A_323 = arith.constant 2320 : index
    %get3A_324 = arith.constant 0 : index
    %get3A_325 = vector.load %arg1[%get3A_323, %get3A_324] : memref<4480x128xf32, #tpu.memory_space<vmem>>, vector<40x128xf32>
    %sub3A_326 = arith.subf %get3A_317, %get3A_325 : vector<40x128xf32>
    %convert_element_type3A_327 = arith.truncf %sub3A_326 : vector<40x128xf32> to vector<40x128xbf16>
    %get3A_328 = arith.constant 2360 : index
    %get3A_329 = arith.constant 0 : index
    %get3A_330 = vector.load %arg1[%get3A_328, %get3A_329] : memref<4480x128xf32, #tpu.memory_space<vmem>>, vector<40x128xf32>
    %sub3A_331 = arith.subf %get3A_317, %get3A_330 : vector<40x128xf32>
    %convert_element_type3A_332 = arith.truncf %sub3A_331 : vector<40x128xf32> to vector<40x128xbf16>
    %get3A_333 = arith.constant 2400 : index
    %get3A_334 = arith.constant 0 : index
    %get3A_335 = vector.load %arg1[%get3A_333, %get3A_334] : memref<4480x128xf32, #tpu.memory_space<vmem>>, vector<40x128xf32>
    %sub3A_336 = arith.subf %get3A_317, %get3A_335 : vector<40x128xf32>
    %convert_element_type3A_337 = arith.truncf %sub3A_336 : vector<40x128xf32> to vector<40x128xbf16>
    %get3A_338 = arith.constant 2440 : index
    %get3A_339 = arith.constant 0 : index
    %get3A_340 = vector.load %arg1[%get3A_338, %get3A_339] : memref<4480x128xf32, #tpu.memory_space<vmem>>, vector<40x128xf32>
    %sub3A_341 = arith.subf %get3A_317, %get3A_340 : vector<40x128xf32>
    %convert_element_type3A_342 = arith.truncf %sub3A_341 : vector<40x128xf32> to vector<40x128xbf16>
    %get3A_343 = arith.constant 2480 : index
    %get3A_344 = arith.constant 0 : index
    %get3A_345 = vector.load %arg1[%get3A_343, %get3A_344] : memref<4480x128xf32, #tpu.memory_space<vmem>>, vector<40x128xf32>
    %sub3A_346 = arith.subf %get3A_317, %get3A_345 : vector<40x128xf32>
    %convert_element_type3A_347 = arith.truncf %sub3A_346 : vector<40x128xf32> to vector<40x128xbf16>
    %mul3A_348 = arith.mulf %convert_element_type3A_322, %convert_element_type3A_322 : vector<40x128xbf16>
    %mul3A_349 = arith.mulf %convert_element_type3A_327, %convert_element_type3A_327 : vector<40x128xbf16>
    %mul3A_350 = arith.mulf %convert_element_type3A_332, %convert_element_type3A_332 : vector<40x128xbf16>
    %mul3A_351 = arith.mulf %convert_element_type3A_337, %convert_element_type3A_337 : vector<40x128xbf16>
    %mul3A_352 = arith.mulf %convert_element_type3A_342, %convert_element_type3A_342 : vector<40x128xbf16>
    %mul3A_353 = arith.mulf %convert_element_type3A_347, %convert_element_type3A_347 : vector<40x128xbf16>
    %concatenate3A_354 = tpu.concatenate %mul3A_348, %mul3A_349, %mul3A_350, %mul3A_351, %mul3A_352, %mul3A_353 in 1 : vector<40x128xbf16>, vector<40x128xbf16>, vector<40x128xbf16>, vector<40x128xbf16>, vector<40x128xbf16>, vector<40x128xbf16> -> vector<40x768xbf16>
    %get3A_355 = arith.constant 2520 : index
    %get3A_356 = arith.constant 0 : index
    %get3A_357 = vector.load %arg1[%get3A_355, %get3A_356] : memref<4480x128xf32, #tpu.memory_space<vmem>>, vector<40x128xf32>
    %get3A_358 = arith.constant 2560 : index
    %get3A_359 = arith.constant 0 : index
    %get3A_360 = vector.load %arg1[%get3A_358, %get3A_359] : memref<4480x128xf32, #tpu.memory_space<vmem>>, vector<40x128xf32>
    %sub3A_361 = arith.subf %get3A_357, %get3A_360 : vector<40x128xf32>
    %convert_element_type3A_362 = arith.truncf %sub3A_361 : vector<40x128xf32> to vector<40x128xbf16>
    %get3A_363 = arith.constant 2600 : index
    %get3A_364 = arith.constant 0 : index
    %get3A_365 = vector.load %arg1[%get3A_363, %get3A_364] : memref<4480x128xf32, #tpu.memory_space<vmem>>, vector<40x128xf32>
    %sub3A_366 = arith.subf %get3A_357, %get3A_365 : vector<40x128xf32>
    %convert_element_type3A_367 = arith.truncf %sub3A_366 : vector<40x128xf32> to vector<40x128xbf16>
    %get3A_368 = arith.constant 2640 : index
    %get3A_369 = arith.constant 0 : index
    %get3A_370 = vector.load %arg1[%get3A_368, %get3A_369] : memref<4480x128xf32, #tpu.memory_space<vmem>>, vector<40x128xf32>
    %sub3A_371 = arith.subf %get3A_357, %get3A_370 : vector<40x128xf32>
    %convert_element_type3A_372 = arith.truncf %sub3A_371 : vector<40x128xf32> to vector<40x128xbf16>
    %get3A_373 = arith.constant 2680 : index
    %get3A_374 = arith.constant 0 : index
    %get3A_375 = vector.load %arg1[%get3A_373, %get3A_374] : memref<4480x128xf32, #tpu.memory_space<vmem>>, vector<40x128xf32>
    %sub3A_376 = arith.subf %get3A_357, %get3A_375 : vector<40x128xf32>
    %convert_element_type3A_377 = arith.truncf %sub3A_376 : vector<40x128xf32> to vector<40x128xbf16>
    %get3A_378 = arith.constant 2720 : index
    %get3A_379 = arith.constant 0 : index
    %get3A_380 = vector.load %arg1[%get3A_378, %get3A_379] : memref<4480x128xf32, #tpu.memory_space<vmem>>, vector<40x128xf32>
    %sub3A_381 = arith.subf %get3A_357, %get3A_380 : vector<40x128xf32>
    %convert_element_type3A_382 = arith.truncf %sub3A_381 : vector<40x128xf32> to vector<40x128xbf16>
    %get3A_383 = arith.constant 2760 : index
    %get3A_384 = arith.constant 0 : index
    %get3A_385 = vector.load %arg1[%get3A_383, %get3A_384] : memref<4480x128xf32, #tpu.memory_space<vmem>>, vector<40x128xf32>
    %sub3A_386 = arith.subf %get3A_357, %get3A_385 : vector<40x128xf32>
    %convert_element_type3A_387 = arith.truncf %sub3A_386 : vector<40x128xf32> to vector<40x128xbf16>
    %mul3A_388 = arith.mulf %convert_element_type3A_362, %convert_element_type3A_362 : vector<40x128xbf16>
    %mul3A_389 = arith.mulf %convert_element_type3A_367, %convert_element_type3A_367 : vector<40x128xbf16>
    %mul3A_390 = arith.mulf %convert_element_type3A_372, %convert_element_type3A_372 : vector<40x128xbf16>
    %mul3A_391 = arith.mulf %convert_element_type3A_377, %convert_element_type3A_377 : vector<40x128xbf16>
    %mul3A_392 = arith.mulf %convert_element_type3A_382, %convert_element_type3A_382 : vector<40x128xbf16>
    %mul3A_393 = arith.mulf %convert_element_type3A_387, %convert_element_type3A_387 : vector<40x128xbf16>
    %concatenate3A_394 = tpu.concatenate %mul3A_388, %mul3A_389, %mul3A_390, %mul3A_391, %mul3A_392, %mul3A_393 in 1 : vector<40x128xbf16>, vector<40x128xbf16>, vector<40x128xbf16>, vector<40x128xbf16>, vector<40x128xbf16>, vector<40x128xbf16> -> vector<40x768xbf16>
    %get3A_395 = arith.constant 2800 : index
    %get3A_396 = arith.constant 0 : index
    %get3A_397 = vector.load %arg1[%get3A_395, %get3A_396] : memref<4480x128xf32, #tpu.memory_space<vmem>>, vector<40x128xf32>
    %get3A_398 = arith.constant 2840 : index
    %get3A_399 = arith.constant 0 : index
    %get3A_400 = vector.load %arg1[%get3A_398, %get3A_399] : memref<4480x128xf32, #tpu.memory_space<vmem>>, vector<40x128xf32>
    %sub3A_401 = arith.subf %get3A_397, %get3A_400 : vector<40x128xf32>
    %convert_element_type3A_402 = arith.truncf %sub3A_401 : vector<40x128xf32> to vector<40x128xbf16>
    %get3A_403 = arith.constant 2880 : index
    %get3A_404 = arith.constant 0 : index
    %get3A_405 = vector.load %arg1[%get3A_403, %get3A_404] : memref<4480x128xf32, #tpu.memory_space<vmem>>, vector<40x128xf32>
    %sub3A_406 = arith.subf %get3A_397, %get3A_405 : vector<40x128xf32>
    %convert_element_type3A_407 = arith.truncf %sub3A_406 : vector<40x128xf32> to vector<40x128xbf16>
    %get3A_408 = arith.constant 2920 : index
    %get3A_409 = arith.constant 0 : index
    %get3A_410 = vector.load %arg1[%get3A_408, %get3A_409] : memref<4480x128xf32, #tpu.memory_space<vmem>>, vector<40x128xf32>
    %sub3A_411 = arith.subf %get3A_397, %get3A_410 : vector<40x128xf32>
    %convert_element_type3A_412 = arith.truncf %sub3A_411 : vector<40x128xf32> to vector<40x128xbf16>
    %get3A_413 = arith.constant 2960 : index
    %get3A_414 = arith.constant 0 : index
    %get3A_415 = vector.load %arg1[%get3A_413, %get3A_414] : memref<4480x128xf32, #tpu.memory_space<vmem>>, vector<40x128xf32>
    %sub3A_416 = arith.subf %get3A_397, %get3A_415 : vector<40x128xf32>
    %convert_element_type3A_417 = arith.truncf %sub3A_416 : vector<40x128xf32> to vector<40x128xbf16>
    %get3A_418 = arith.constant 3000 : index
    %get3A_419 = arith.constant 0 : index
    %get3A_420 = vector.load %arg1[%get3A_418, %get3A_419] : memref<4480x128xf32, #tpu.memory_space<vmem>>, vector<40x128xf32>
    %sub3A_421 = arith.subf %get3A_397, %get3A_420 : vector<40x128xf32>
    %convert_element_type3A_422 = arith.truncf %sub3A_421 : vector<40x128xf32> to vector<40x128xbf16>
    %get3A_423 = arith.constant 3040 : index
    %get3A_424 = arith.constant 0 : index
    %get3A_425 = vector.load %arg1[%get3A_423, %get3A_424] : memref<4480x128xf32, #tpu.memory_space<vmem>>, vector<40x128xf32>
    %sub3A_426 = arith.subf %get3A_397, %get3A_425 : vector<40x128xf32>
    %convert_element_type3A_427 = arith.truncf %sub3A_426 : vector<40x128xf32> to vector<40x128xbf16>
    %mul3A_428 = arith.mulf %convert_element_type3A_402, %convert_element_type3A_402 : vector<40x128xbf16>
    %mul3A_429 = arith.mulf %convert_element_type3A_407, %convert_element_type3A_407 : vector<40x128xbf16>
    %mul3A_430 = arith.mulf %convert_element_type3A_412, %convert_element_type3A_412 : vector<40x128xbf16>
    %mul3A_431 = arith.mulf %convert_element_type3A_417, %convert_element_type3A_417 : vector<40x128xbf16>
    %mul3A_432 = arith.mulf %convert_element_type3A_422, %convert_element_type3A_422 : vector<40x128xbf16>
    %mul3A_433 = arith.mulf %convert_element_type3A_427, %convert_element_type3A_427 : vector<40x128xbf16>
    %concatenate3A_434 = tpu.concatenate %mul3A_428, %mul3A_429, %mul3A_430, %mul3A_431, %mul3A_432, %mul3A_433 in 1 : vector<40x128xbf16>, vector<40x128xbf16>, vector<40x128xbf16>, vector<40x128xbf16>, vector<40x128xbf16>, vector<40x128xbf16> -> vector<40x768xbf16>
    %get3A_435 = arith.constant 3080 : index
    %get3A_436 = arith.constant 0 : index
    %get3A_437 = vector.load %arg1[%get3A_435, %get3A_436] : memref<4480x128xf32, #tpu.memory_space<vmem>>, vector<40x128xf32>
    %get3A_438 = arith.constant 3120 : index
    %get3A_439 = arith.constant 0 : index
    %get3A_440 = vector.load %arg1[%get3A_438, %get3A_439] : memref<4480x128xf32, #tpu.memory_space<vmem>>, vector<40x128xf32>
    %sub3A_441 = arith.subf %get3A_437, %get3A_440 : vector<40x128xf32>
    %convert_element_type3A_442 = arith.truncf %sub3A_441 : vector<40x128xf32> to vector<40x128xbf16>
    %get3A_443 = arith.constant 3160 : index
    %get3A_444 = arith.constant 0 : index
    %get3A_445 = vector.load %arg1[%get3A_443, %get3A_444] : memref<4480x128xf32, #tpu.memory_space<vmem>>, vector<40x128xf32>
    %sub3A_446 = arith.subf %get3A_437, %get3A_445 : vector<40x128xf32>
    %convert_element_type3A_447 = arith.truncf %sub3A_446 : vector<40x128xf32> to vector<40x128xbf16>
    %get3A_448 = arith.constant 3200 : index
    %get3A_449 = arith.constant 0 : index
    %get3A_450 = vector.load %arg1[%get3A_448, %get3A_449] : memref<4480x128xf32, #tpu.memory_space<vmem>>, vector<40x128xf32>
    %sub3A_451 = arith.subf %get3A_437, %get3A_450 : vector<40x128xf32>
    %convert_element_type3A_452 = arith.truncf %sub3A_451 : vector<40x128xf32> to vector<40x128xbf16>
    %get3A_453 = arith.constant 3240 : index
    %get3A_454 = arith.constant 0 : index
    %get3A_455 = vector.load %arg1[%get3A_453, %get3A_454] : memref<4480x128xf32, #tpu.memory_space<vmem>>, vector<40x128xf32>
    %sub3A_456 = arith.subf %get3A_437, %get3A_455 : vector<40x128xf32>
    %convert_element_type3A_457 = arith.truncf %sub3A_456 : vector<40x128xf32> to vector<40x128xbf16>
    %get3A_458 = arith.constant 3280 : index
    %get3A_459 = arith.constant 0 : index
    %get3A_460 = vector.load %arg1[%get3A_458, %get3A_459] : memref<4480x128xf32, #tpu.memory_space<vmem>>, vector<40x128xf32>
    %sub3A_461 = arith.subf %get3A_437, %get3A_460 : vector<40x128xf32>
    %convert_element_type3A_462 = arith.truncf %sub3A_461 : vector<40x128xf32> to vector<40x128xbf16>
    %get3A_463 = arith.constant 3320 : index
    %get3A_464 = arith.constant 0 : index
    %get3A_465 = vector.load %arg1[%get3A_463, %get3A_464] : memref<4480x128xf32, #tpu.memory_space<vmem>>, vector<40x128xf32>
    %sub3A_466 = arith.subf %get3A_437, %get3A_465 : vector<40x128xf32>
    %convert_element_type3A_467 = arith.truncf %sub3A_466 : vector<40x128xf32> to vector<40x128xbf16>
    %mul3A_468 = arith.mulf %convert_element_type3A_442, %convert_element_type3A_442 : vector<40x128xbf16>
    %mul3A_469 = arith.mulf %convert_element_type3A_447, %convert_element_type3A_447 : vector<40x128xbf16>
    %mul3A_470 = arith.mulf %convert_element_type3A_452, %convert_element_type3A_452 : vector<40x128xbf16>
    %mul3A_471 = arith.mulf %convert_element_type3A_457, %convert_element_type3A_457 : vector<40x128xbf16>
    %mul3A_472 = arith.mulf %convert_element_type3A_462, %convert_element_type3A_462 : vector<40x128xbf16>
    %mul3A_473 = arith.mulf %convert_element_type3A_467, %convert_element_type3A_467 : vector<40x128xbf16>
    %concatenate3A_474 = tpu.concatenate %mul3A_468, %mul3A_469, %mul3A_470, %mul3A_471, %mul3A_472, %mul3A_473 in 1 : vector<40x128xbf16>, vector<40x128xbf16>, vector<40x128xbf16>, vector<40x128xbf16>, vector<40x128xbf16>, vector<40x128xbf16> -> vector<40x768xbf16>
    %get3A_475 = arith.constant 3360 : index
    %get3A_476 = arith.constant 0 : index
    %get3A_477 = vector.load %arg1[%get3A_475, %get3A_476] : memref<4480x128xf32, #tpu.memory_space<vmem>>, vector<40x128xf32>
    %get3A_478 = arith.constant 3400 : index
    %get3A_479 = arith.constant 0 : index
    %get3A_480 = vector.load %arg1[%get3A_478, %get3A_479] : memref<4480x128xf32, #tpu.memory_space<vmem>>, vector<40x128xf32>
    %sub3A_481 = arith.subf %get3A_477, %get3A_480 : vector<40x128xf32>
    %convert_element_type3A_482 = arith.truncf %sub3A_481 : vector<40x128xf32> to vector<40x128xbf16>
    %get3A_483 = arith.constant 3440 : index
    %get3A_484 = arith.constant 0 : index
    %get3A_485 = vector.load %arg1[%get3A_483, %get3A_484] : memref<4480x128xf32, #tpu.memory_space<vmem>>, vector<40x128xf32>
    %sub3A_486 = arith.subf %get3A_477, %get3A_485 : vector<40x128xf32>
    %convert_element_type3A_487 = arith.truncf %sub3A_486 : vector<40x128xf32> to vector<40x128xbf16>
    %get3A_488 = arith.constant 3480 : index
    %get3A_489 = arith.constant 0 : index
    %get3A_490 = vector.load %arg1[%get3A_488, %get3A_489] : memref<4480x128xf32, #tpu.memory_space<vmem>>, vector<40x128xf32>
    %sub3A_491 = arith.subf %get3A_477, %get3A_490 : vector<40x128xf32>
    %convert_element_type3A_492 = arith.truncf %sub3A_491 : vector<40x128xf32> to vector<40x128xbf16>
    %get3A_493 = arith.constant 3520 : index
    %get3A_494 = arith.constant 0 : index
    %get3A_495 = vector.load %arg1[%get3A_493, %get3A_494] : memref<4480x128xf32, #tpu.memory_space<vmem>>, vector<40x128xf32>
    %sub3A_496 = arith.subf %get3A_477, %get3A_495 : vector<40x128xf32>
    %convert_element_type3A_497 = arith.truncf %sub3A_496 : vector<40x128xf32> to vector<40x128xbf16>
    %get3A_498 = arith.constant 3560 : index
    %get3A_499 = arith.constant 0 : index
    %get3A_500 = vector.load %arg1[%get3A_498, %get3A_499] : memref<4480x128xf32, #tpu.memory_space<vmem>>, vector<40x128xf32>
    %sub3A_501 = arith.subf %get3A_477, %get3A_500 : vector<40x128xf32>
    %convert_element_type3A_502 = arith.truncf %sub3A_501 : vector<40x128xf32> to vector<40x128xbf16>
    %get3A_503 = arith.constant 3600 : index
    %get3A_504 = arith.constant 0 : index
    %get3A_505 = vector.load %arg1[%get3A_503, %get3A_504] : memref<4480x128xf32, #tpu.memory_space<vmem>>, vector<40x128xf32>
    %sub3A_506 = arith.subf %get3A_477, %get3A_505 : vector<40x128xf32>
    %convert_element_type3A_507 = arith.truncf %sub3A_506 : vector<40x128xf32> to vector<40x128xbf16>
    %mul3A_508 = arith.mulf %convert_element_type3A_482, %convert_element_type3A_482 : vector<40x128xbf16>
    %mul3A_509 = arith.mulf %convert_element_type3A_487, %convert_element_type3A_487 : vector<40x128xbf16>
    %mul3A_510 = arith.mulf %convert_element_type3A_492, %convert_element_type3A_492 : vector<40x128xbf16>
    %mul3A_511 = arith.mulf %convert_element_type3A_497, %convert_element_type3A_497 : vector<40x128xbf16>
    %mul3A_512 = arith.mulf %convert_element_type3A_502, %convert_element_type3A_502 : vector<40x128xbf16>
    %mul3A_513 = arith.mulf %convert_element_type3A_507, %convert_element_type3A_507 : vector<40x128xbf16>
    %concatenate3A_514 = tpu.concatenate %mul3A_508, %mul3A_509, %mul3A_510, %mul3A_511, %mul3A_512, %mul3A_513 in 1 : vector<40x128xbf16>, vector<40x128xbf16>, vector<40x128xbf16>, vector<40x128xbf16>, vector<40x128xbf16>, vector<40x128xbf16> -> vector<40x768xbf16>
    %get3A_515 = arith.constant 3640 : index
    %get3A_516 = arith.constant 0 : index
    %get3A_517 = vector.load %arg1[%get3A_515, %get3A_516] : memref<4480x128xf32, #tpu.memory_space<vmem>>, vector<40x128xf32>
    %get3A_518 = arith.constant 3680 : index
    %get3A_519 = arith.constant 0 : index
    %get3A_520 = vector.load %arg1[%get3A_518, %get3A_519] : memref<4480x128xf32, #tpu.memory_space<vmem>>, vector<40x128xf32>
    %sub3A_521 = arith.subf %get3A_517, %get3A_520 : vector<40x128xf32>
    %convert_element_type3A_522 = arith.truncf %sub3A_521 : vector<40x128xf32> to vector<40x128xbf16>
    %get3A_523 = arith.constant 3720 : index
    %get3A_524 = arith.constant 0 : index
    %get3A_525 = vector.load %arg1[%get3A_523, %get3A_524] : memref<4480x128xf32, #tpu.memory_space<vmem>>, vector<40x128xf32>
    %sub3A_526 = arith.subf %get3A_517, %get3A_525 : vector<40x128xf32>
    %convert_element_type3A_527 = arith.truncf %sub3A_526 : vector<40x128xf32> to vector<40x128xbf16>
    %get3A_528 = arith.constant 3760 : index
    %get3A_529 = arith.constant 0 : index
    %get3A_530 = vector.load %arg1[%get3A_528, %get3A_529] : memref<4480x128xf32, #tpu.memory_space<vmem>>, vector<40x128xf32>
    %sub3A_531 = arith.subf %get3A_517, %get3A_530 : vector<40x128xf32>
    %convert_element_type3A_532 = arith.truncf %sub3A_531 : vector<40x128xf32> to vector<40x128xbf16>
    %get3A_533 = arith.constant 3800 : index
    %get3A_534 = arith.constant 0 : index
    %get3A_535 = vector.load %arg1[%get3A_533, %get3A_534] : memref<4480x128xf32, #tpu.memory_space<vmem>>, vector<40x128xf32>
    %sub3A_536 = arith.subf %get3A_517, %get3A_535 : vector<40x128xf32>
    %convert_element_type3A_537 = arith.truncf %sub3A_536 : vector<40x128xf32> to vector<40x128xbf16>
    %get3A_538 = arith.constant 3840 : index
    %get3A_539 = arith.constant 0 : index
    %get3A_540 = vector.load %arg1[%get3A_538, %get3A_539] : memref<4480x128xf32, #tpu.memory_space<vmem>>, vector<40x128xf32>
    %sub3A_541 = arith.subf %get3A_517, %get3A_540 : vector<40x128xf32>
    %convert_element_type3A_542 = arith.truncf %sub3A_541 : vector<40x128xf32> to vector<40x128xbf16>
    %get3A_543 = arith.constant 3880 : index
    %get3A_544 = arith.constant 0 : index
    %get3A_545 = vector.load %arg1[%get3A_543, %get3A_544] : memref<4480x128xf32, #tpu.memory_space<vmem>>, vector<40x128xf32>
    %sub3A_546 = arith.subf %get3A_517, %get3A_545 : vector<40x128xf32>
    %convert_element_type3A_547 = arith.truncf %sub3A_546 : vector<40x128xf32> to vector<40x128xbf16>
    %mul3A_548 = arith.mulf %convert_element_type3A_522, %convert_element_type3A_522 : vector<40x128xbf16>
    %mul3A_549 = arith.mulf %convert_element_type3A_527, %convert_element_type3A_527 : vector<40x128xbf16>
    %mul3A_550 = arith.mulf %convert_element_type3A_532, %convert_element_type3A_532 : vector<40x128xbf16>
    %mul3A_551 = arith.mulf %convert_element_type3A_537, %convert_element_type3A_537 : vector<40x128xbf16>
    %mul3A_552 = arith.mulf %convert_element_type3A_542, %convert_element_type3A_542 : vector<40x128xbf16>
    %mul3A_553 = arith.mulf %convert_element_type3A_547, %convert_element_type3A_547 : vector<40x128xbf16>
    %concatenate3A_554 = tpu.concatenate %mul3A_548, %mul3A_549, %mul3A_550, %mul3A_551, %mul3A_552, %mul3A_553 in 1 : vector<40x128xbf16>, vector<40x128xbf16>, vector<40x128xbf16>, vector<40x128xbf16>, vector<40x128xbf16>, vector<40x128xbf16> -> vector<40x768xbf16>
    %get3A_555 = arith.constant 3920 : index
    %get3A_556 = arith.constant 0 : index
    %get3A_557 = vector.load %arg1[%get3A_555, %get3A_556] : memref<4480x128xf32, #tpu.memory_space<vmem>>, vector<40x128xf32>
    %get3A_558 = arith.constant 3960 : index
    %get3A_559 = arith.constant 0 : index
    %get3A_560 = vector.load %arg1[%get3A_558, %get3A_559] : memref<4480x128xf32, #tpu.memory_space<vmem>>, vector<40x128xf32>
    %sub3A_561 = arith.subf %get3A_557, %get3A_560 : vector<40x128xf32>
    %convert_element_type3A_562 = arith.truncf %sub3A_561 : vector<40x128xf32> to vector<40x128xbf16>
    %get3A_563 = arith.constant 4000 : index
    %get3A_564 = arith.constant 0 : index
    %get3A_565 = vector.load %arg1[%get3A_563, %get3A_564] : memref<4480x128xf32, #tpu.memory_space<vmem>>, vector<40x128xf32>
    %sub3A_566 = arith.subf %get3A_557, %get3A_565 : vector<40x128xf32>
    %convert_element_type3A_567 = arith.truncf %sub3A_566 : vector<40x128xf32> to vector<40x128xbf16>
    %get3A_568 = arith.constant 4040 : index
    %get3A_569 = arith.constant 0 : index
    %get3A_570 = vector.load %arg1[%get3A_568, %get3A_569] : memref<4480x128xf32, #tpu.memory_space<vmem>>, vector<40x128xf32>
    %sub3A_571 = arith.subf %get3A_557, %get3A_570 : vector<40x128xf32>
    %convert_element_type3A_572 = arith.truncf %sub3A_571 : vector<40x128xf32> to vector<40x128xbf16>
    %get3A_573 = arith.constant 4080 : index
    %get3A_574 = arith.constant 0 : index
    %get3A_575 = vector.load %arg1[%get3A_573, %get3A_574] : memref<4480x128xf32, #tpu.memory_space<vmem>>, vector<40x128xf32>
    %sub3A_576 = arith.subf %get3A_557, %get3A_575 : vector<40x128xf32>
    %convert_element_type3A_577 = arith.truncf %sub3A_576 : vector<40x128xf32> to vector<40x128xbf16>
    %get3A_578 = arith.constant 4120 : index
    %get3A_579 = arith.constant 0 : index
    %get3A_580 = vector.load %arg1[%get3A_578, %get3A_579] : memref<4480x128xf32, #tpu.memory_space<vmem>>, vector<40x128xf32>
    %sub3A_581 = arith.subf %get3A_557, %get3A_580 : vector<40x128xf32>
    %convert_element_type3A_582 = arith.truncf %sub3A_581 : vector<40x128xf32> to vector<40x128xbf16>
    %get3A_583 = arith.constant 4160 : index
    %get3A_584 = arith.constant 0 : index
    %get3A_585 = vector.load %arg1[%get3A_583, %get3A_584] : memref<4480x128xf32, #tpu.memory_space<vmem>>, vector<40x128xf32>
    %sub3A_586 = arith.subf %get3A_557, %get3A_585 : vector<40x128xf32>
    %convert_element_type3A_587 = arith.truncf %sub3A_586 : vector<40x128xf32> to vector<40x128xbf16>
    %mul3A_588 = arith.mulf %convert_element_type3A_562, %convert_element_type3A_562 : vector<40x128xbf16>
    %mul3A_589 = arith.mulf %convert_element_type3A_567, %convert_element_type3A_567 : vector<40x128xbf16>
    %mul3A_590 = arith.mulf %convert_element_type3A_572, %convert_element_type3A_572 : vector<40x128xbf16>
    %mul3A_591 = arith.mulf %convert_element_type3A_577, %convert_element_type3A_577 : vector<40x128xbf16>
    %mul3A_592 = arith.mulf %convert_element_type3A_582, %convert_element_type3A_582 : vector<40x128xbf16>
    %mul3A_593 = arith.mulf %convert_element_type3A_587, %convert_element_type3A_587 : vector<40x128xbf16>
    %concatenate3A_594 = tpu.concatenate %mul3A_588, %mul3A_589, %mul3A_590, %mul3A_591, %mul3A_592, %mul3A_593 in 1 : vector<40x128xbf16>, vector<40x128xbf16>, vector<40x128xbf16>, vector<40x128xbf16>, vector<40x128xbf16>, vector<40x128xbf16> -> vector<40x768xbf16>
    %get3A_595 = arith.constant 4200 : index
    %get3A_596 = arith.constant 0 : index
    %get3A_597 = vector.load %arg1[%get3A_595, %get3A_596] : memref<4480x128xf32, #tpu.memory_space<vmem>>, vector<40x128xf32>
    %get3A_598 = arith.constant 4240 : index
    %get3A_599 = arith.constant 0 : index
    %get3A_600 = vector.load %arg1[%get3A_598, %get3A_599] : memref<4480x128xf32, #tpu.memory_space<vmem>>, vector<40x128xf32>
    %sub3A_601 = arith.subf %get3A_597, %get3A_600 : vector<40x128xf32>
    %convert_element_type3A_602 = arith.truncf %sub3A_601 : vector<40x128xf32> to vector<40x128xbf16>
    %get3A_603 = arith.constant 4280 : index
    %get3A_604 = arith.constant 0 : index
    %get3A_605 = vector.load %arg1[%get3A_603, %get3A_604] : memref<4480x128xf32, #tpu.memory_space<vmem>>, vector<40x128xf32>
    %sub3A_606 = arith.subf %get3A_597, %get3A_605 : vector<40x128xf32>
    %convert_element_type3A_607 = arith.truncf %sub3A_606 : vector<40x128xf32> to vector<40x128xbf16>
    %get3A_608 = arith.constant 4320 : index
    %get3A_609 = arith.constant 0 : index
    %get3A_610 = vector.load %arg1[%get3A_608, %get3A_609] : memref<4480x128xf32, #tpu.memory_space<vmem>>, vector<40x128xf32>
    %sub3A_611 = arith.subf %get3A_597, %get3A_610 : vector<40x128xf32>
    %convert_element_type3A_612 = arith.truncf %sub3A_611 : vector<40x128xf32> to vector<40x128xbf16>
    %get3A_613 = arith.constant 4360 : index
    %get3A_614 = arith.constant 0 : index
    %get3A_615 = vector.load %arg1[%get3A_613, %get3A_614] : memref<4480x128xf32, #tpu.memory_space<vmem>>, vector<40x128xf32>
    %sub3A_616 = arith.subf %get3A_597, %get3A_615 : vector<40x128xf32>
    %convert_element_type3A_617 = arith.truncf %sub3A_616 : vector<40x128xf32> to vector<40x128xbf16>
    %get3A_618 = arith.constant 4400 : index
    %get3A_619 = arith.constant 0 : index
    %get3A_620 = vector.load %arg1[%get3A_618, %get3A_619] : memref<4480x128xf32, #tpu.memory_space<vmem>>, vector<40x128xf32>
    %sub3A_621 = arith.subf %get3A_597, %get3A_620 : vector<40x128xf32>
    %convert_element_type3A_622 = arith.truncf %sub3A_621 : vector<40x128xf32> to vector<40x128xbf16>
    %get3A_623 = arith.constant 4440 : index
    %get3A_624 = arith.constant 0 : index
    %get3A_625 = vector.load %arg1[%get3A_623, %get3A_624] : memref<4480x128xf32, #tpu.memory_space<vmem>>, vector<40x128xf32>
    %sub3A_626 = arith.subf %get3A_597, %get3A_625 : vector<40x128xf32>
    %convert_element_type3A_627 = arith.truncf %sub3A_626 : vector<40x128xf32> to vector<40x128xbf16>
    %mul3A_628 = arith.mulf %convert_element_type3A_602, %convert_element_type3A_602 : vector<40x128xbf16>
    %mul3A_629 = arith.mulf %convert_element_type3A_607, %convert_element_type3A_607 : vector<40x128xbf16>
    %mul3A_630 = arith.mulf %convert_element_type3A_612, %convert_element_type3A_612 : vector<40x128xbf16>
    %mul3A_631 = arith.mulf %convert_element_type3A_617, %convert_element_type3A_617 : vector<40x128xbf16>
    %mul3A_632 = arith.mulf %convert_element_type3A_622, %convert_element_type3A_622 : vector<40x128xbf16>
    %mul3A_633 = arith.mulf %convert_element_type3A_627, %convert_element_type3A_627 : vector<40x128xbf16>
    %concatenate3A_634 = tpu.concatenate %mul3A_628, %mul3A_629, %mul3A_630, %mul3A_631, %mul3A_632, %mul3A_633 in 1 : vector<40x128xbf16>, vector<40x128xbf16>, vector<40x128xbf16>, vector<40x128xbf16>, vector<40x128xbf16>, vector<40x128xbf16> -> vector<40x768xbf16>
    %concatenate3A_635 = tpu.concatenate %concatenate3A, %concatenate3A_74, %concatenate3A_114, %concatenate3A_154, %concatenate3A_194, %concatenate3A_234, %concatenate3A_274, %concatenate3A_314, %concatenate3A_354, %concatenate3A_394, %concatenate3A_434, %concatenate3A_474, %concatenate3A_514, %concatenate3A_554, %concatenate3A_594, %concatenate3A_634 in 0 : vector<40x768xbf16>, vector<40x768xbf16>, vector<40x768xbf16>, vector<40x768xbf16>, vector<40x768xbf16>, vector<40x768xbf16>, vector<40x768xbf16>, vector<40x768xbf16>, vector<40x768xbf16>, vector<40x768xbf16>, vector<40x768xbf16>, vector<40x768xbf16>, vector<40x768xbf16>, vector<40x768xbf16>, vector<40x768xbf16>, vector<40x768xbf16> -> vector<640x768xbf16>
    %iota3A = tpu.iota {dimensions = array<i32: 0>} : vector<768x8xi32>
    %jit3A = arith.constant 128 : i32
    %div3A = vector.broadcast %jit3A : i32 to vector<768x8xi32>
    %div3A_636 = arith.divsi %iota3A, %div3A : vector<768x8xi32>
    %sign3A = arith.constant 0 : i32
    %sign3A_637 = vector.broadcast %sign3A : i32 to vector<768x8xi32>
    %sign3A_638 = arith.cmpi sgt, %iota3A, %sign3A_637 : vector<768x8xi32>
    %sign3A_639 = arith.extui %sign3A_638 : vector<768x8xi1> to vector<768x8xi32>
    %sign3A_640 = arith.constant 0 : i32
    %sign3A_641 = vector.broadcast %sign3A_640 : i32 to vector<768x8xi32>
    %sign3A_642 = arith.cmpi slt, %iota3A, %sign3A_641 : vector<768x8xi32>
    %sign3A_643 = arith.extui %sign3A_642 : vector<768x8xi1> to vector<768x8xi32>
    %sign3A_644 = arith.subi %sign3A_639, %sign3A_643 : vector<768x8xi32>
    %sign3A_645 = arith.constant 0 : i32
    %sign3A_646 = arith.cmpi sgt, %jit3A, %sign3A_645 : i32
    %sign3A_647 = arith.extui %sign3A_646 : i1 to i32
    %sign3A_648 = arith.constant 0 : i32
    %sign3A_649 = arith.cmpi slt, %jit3A, %sign3A_648 : i32
    %sign3A_650 = arith.extui %sign3A_649 : i1 to i32
    %sign3A_651 = arith.subi %sign3A_647, %sign3A_650 : i32
    %ne3A = vector.broadcast %sign3A_651 : i32 to vector<768x8xi32>
    %ne3A_652 = arith.cmpi ne, %sign3A_644, %ne3A : vector<768x8xi32>
    %rem3A = vector.broadcast %jit3A : i32 to vector<768x8xi32>
    %rem3A_653 = arith.remsi %iota3A, %rem3A : vector<768x8xi32>
    %ne3A_654 = arith.constant 0 : i32
    %ne3A_655 = vector.broadcast %ne3A_654 : i32 to vector<768x8xi32>
    %ne3A_656 = arith.cmpi ne, %rem3A_653, %ne3A_655 : vector<768x8xi32>
    %and3A = arith.andi %ne3A_652, %ne3A_656 : vector<768x8xi1>
    %sub3A_657 = arith.constant 1 : i32
    %sub3A_658 = vector.broadcast %sub3A_657 : i32 to vector<768x8xi32>
    %sub3A_659 = arith.subi %div3A_636, %sub3A_658 : vector<768x8xi32>
    %select_n3A = arith.select %and3A, %sub3A_659, %div3A_636 : vector<768x8xi1>, vector<768x8xi32>
    %iota3A_660 = tpu.iota {dimensions = array<i32: 1>} : vector<768x8xi32>
    %eq3A = arith.cmpi eq, %select_n3A, %iota3A_660 : vector<768x8xi32>
    %convert_element_type3A_661 = arith.extui %eq3A : vector<768x8xi1> to vector<768x8xi32>
    %convert_element_type3A_662 = arith.sitofp %convert_element_type3A_661 : vector<768x8xi32> to vector<768x8xf32>
    %convert_element_type3A_663 = arith.truncf %convert_element_type3A_662 : vector<768x8xf32> to vector<768x8xbf16>
    %dot_general3A = arith.constant dense<0.000000e+00> : vector<640x8xf32>
    %dot_general3A_664 = tpu.matmul %concatenate3A_635, %convert_element_type3A_663, %dot_general3A {dimension_numbers = #tpu.dot_dimension_numbers<[1], [0], [0], [1], [0, 0, 1, 1], [], []>, transpose_lhs_hint = false} : vector<640x768xbf16>, vector<768x8xbf16>, vector<640x8xf32> -> vector<640x8xf32>
    %transpose3A = tpu.transpose %dot_general3A_664, [1, 0] : vector<640x8xf32> -> vector<8x640xf32>
    %neg3A = arith.constant 0.000000e+00 : f32
    %neg3A_665 = vector.broadcast %neg3A : f32 to vector<8x640xf32>
    %neg3A_666 = arith.subf %neg3A_665, %transpose3A : vector<8x640xf32>
    %slice3A = vector.extract_strided_slice %neg3A_666 {offsets = [0, 0], sizes = [1, 640], strides = [1, 1]} : vector<8x640xf32> to vector<1x640xf32>
    %slice3A_667 = vector.extract_strided_slice %neg3A_666 {offsets = [1, 0], sizes = [5, 640], strides = [1, 1]} : vector<8x640xf32> to vector<5x640xf32>
    %reduce_max3A = arith.constant dense<0xFF800000> : vector<640xf32>
    %reduce_max3A_668 = vector.multi_reduction <maximumf>, %slice3A_667, %reduce_max3A [0] : vector<5x640xf32> to vector<640xf32>
    %broadcast_in_dim3A = vector.shape_cast %reduce_max3A_668 : vector<640xf32> to vector<1x640xf32>
    %sub3A_669 = vector.broadcast %broadcast_in_dim3A : vector<1x640xf32> to vector<5x640xf32>
    %sub3A_670 = arith.subf %slice3A_667, %sub3A_669 : vector<5x640xf32>
    %exp3A = math.exp %sub3A_670 : vector<5x640xf32>
    %reduce_sum3A = arith.constant dense<0.000000e+00> : vector<640xf32>
    %reduce_sum3A_671 = vector.multi_reduction <add>, %exp3A, %reduce_sum3A [0] : vector<5x640xf32> to vector<640xf32>
    %broadcast_in_dim3A_672 = vector.shape_cast %reduce_sum3A_671 : vector<640xf32> to vector<1x640xf32>
    %get3A_673 = arith.constant 0 : index
    %get3A_674 = arith.constant 0 : index
    %get3A_675 = vector.load %arg3[%get3A_673, %get3A_674] : memref<1x640xf32, #tpu.memory_space<vmem>>, vector<1x640xf32>
    %get3A_676 = arith.constant 0 : index
    %get3A_677 = arith.constant 0 : index
    %get3A_678 = vector.load %arg4[%get3A_676, %get3A_677] : memref<5x640xf32, #tpu.memory_space<vmem>>, vector<5x640xf32>
    %sub3A_679 = vector.broadcast %get3A_675 : vector<1x640xf32> to vector<5x640xf32>
    %sub3A_680 = arith.subf %sub3A_679, %get3A_678 : vector<5x640xf32>
    %div3A_681 = vector.broadcast %broadcast_in_dim3A_672 : vector<1x640xf32> to vector<5x640xf32>
    %div3A_682 = arith.divf %exp3A, %div3A_681 : vector<5x640xf32>
    %mul3A_683 = arith.mulf %div3A_682, %slice3A_667 : vector<5x640xf32>
    %get3A_684 = arith.constant 0 : index
    %get3A_685 = arith.constant 0 : index
    %get3A_686 = vector.load %arg2[%get3A_684, %get3A_685] : memref<1x640xf32, #tpu.memory_space<vmem>>, vector<1x640xf32>
    %neg3A_687 = arith.constant 0.000000e+00 : f32
    %neg3A_688 = vector.broadcast %neg3A_687 : f32 to vector<1x640xf32>
    %neg3A_689 = arith.subf %neg3A_688, %get3A_686 : vector<1x640xf32>
    %mul3A_690 = vector.broadcast %neg3A_689 : vector<1x640xf32> to vector<5x640xf32>
    %mul3A_691 = arith.mulf %mul3A_690, %sub3A_680 : vector<5x640xf32>
    %exp3A_692 = math.exp %mul3A_691 : vector<5x640xf32>
    %mul3A_693 = arith.mulf %mul3A_683, %exp3A_692 : vector<5x640xf32>
    %get3A_694 = arith.constant 0 : index
    %get3A_695 = arith.constant 0 : index
    %get3A_696 = vector.load %arg5[%get3A_694, %get3A_695] : memref<5x640xf32, #tpu.memory_space<vmem>>, vector<5x640xf32>
    %mul3A_697 = arith.mulf %mul3A_693, %get3A_696 : vector<5x640xf32>
    %reduce_sum3A_698 = arith.constant dense<0.000000e+00> : vector<640xf32>
    %reduce_sum3A_699 = vector.multi_reduction <add>, %mul3A_697, %reduce_sum3A_698 [0] : vector<5x640xf32> to vector<640xf32>
    %broadcast_in_dim3A_700 = vector.shape_cast %reduce_sum3A_699 : vector<640xf32> to vector<1x640xf32>
    %add3A = arith.addf %slice3A, %broadcast_in_dim3A_700 : vector<1x640xf32>
    %get3A_701 = arith.constant 0 : index
    %get3A_702 = memref.load %arg6[%get3A_701] : memref<1xf32, #tpu.memory_space<smem>>
    %mul3A_703 = vector.broadcast %get3A_702 : f32 to vector<1x640xf32>
    %mul3A_704 = arith.mulf %mul3A_703, %add3A : vector<1x640xf32>
    %neg3A_705 = arith.constant 0.000000e+00 : f32
    %neg3A_706 = vector.broadcast %neg3A_705 : f32 to vector<1x640xf32>
    %neg3A_707 = arith.subf %neg3A_706, %mul3A_704 : vector<1x640xf32>
    %max3A = arith.constant 0.000000e+00 : f32
    %max3A_708 = vector.broadcast %max3A : f32 to vector<1x640xf32>
    %max3A_709 = arith.maximumf %neg3A_707, %max3A_708 : vector<1x640xf32>
    %abs3A = math.absf %mul3A_704 : vector<1x640xf32>
    %neg3A_710 = arith.constant 0.000000e+00 : f32
    %neg3A_711 = vector.broadcast %neg3A_710 : f32 to vector<1x640xf32>
    %neg3A_712 = arith.subf %neg3A_711, %abs3A : vector<1x640xf32>
    %exp3A_713 = math.exp %neg3A_712 : vector<1x640xf32>
    %add3A_714 = arith.constant 1.000000e+00 : f32
    %add3A_715 = vector.broadcast %add3A_714 : f32 to vector<1x640xf32>
    %add3A_716 = arith.addf %add3A_715, %exp3A_713 : vector<1x640xf32>
    %log3A = math.log %add3A_716 : vector<1x640xf32>
    %add3A_717 = arith.addf %max3A_709, %log3A : vector<1x640xf32>
    %swap3A = arith.constant 0 : index
    %swap3A_718 = arith.constant 0 : index
    %swap3A_719 = vector.load %arg7[%swap3A, %swap3A_718] : memref<1x640xf32, #tpu.memory_space<vmem>>, vector<1x640xf32>
    tpu.vector_store %arg7[%swap3A, %swap3A_718], %add3A_717 {strides = array<i32>} : memref<1x640xf32, #tpu.memory_space<vmem>>, vector<1x640xf32>,
    return
  }
  func.func @transform_0(%arg0: i32) -> (i32, i32) {
    %c0_i32 = arith.constant 0 : i32
    %c0_i32_0 = arith.constant 0 : i32
    return %arg0, %c0_i32 : i32, i32
  }
  func.func @transform_1(%arg0: i32) -> (i32, i32) {
    %c0_i32 = arith.constant 0 : i32
    %c0_i32_0 = arith.constant 0 : i32
    return %c0_i32, %arg0 : i32, i32
  }
  func.func @transform_2(%arg0: i32) -> (i32, i32) {
    %c0_i32 = arith.constant 0 : i32
    %c0_i32_0 = arith.constant 0 : i32
    return %c0_i32, %arg0 : i32, i32
  }
  func.func @transform_3(%arg0: i32) -> (i32, i32) {
    %c0_i32 = arith.constant 0 : i32
    %c0_i32_0 = arith.constant 0 : i32
    return %c0_i32, %arg0 : i32, i32
  }
  func.func @transform_4(%arg0: i32) -> (i32, i32) {
    %c0_i32 = arith.constant 0 : i32
    %c0_i32_0 = arith.constant 0 : i32
    return %c0_i32, %arg0 : i32, i32
  }
  func.func @transform_5(%arg0: i32) -> i32 {
    %c0_i32 = arith.constant 0 : i32
    %c0_i32_0 = arith.constant 0 : i32
    return %c0_i32 : i32
  }
  func.func @transform_6(%arg0: i32) -> (i32, i32) {
    %c0_i32 = arith.constant 0 : i32
    %c0_i32_0 = arith.constant 0 : i32
    return %c0_i32, %arg0 : i32, i32
  }
}

</mosaic_0001>

<sc_bundles>
// kernel: kernel.10.cloned.1.call-start
scs
__scs_entry_jumppad:
0x0: {  	(pc) =	sbr.rel $0x88, $3  }
0x1: {  	(tag) =	ssettag $0x0;
	lr =	simm.s32 $0x1  }
0x2: {  	[smem:$0x3F98] =	sst lr;
	_ =	strace $0xD0000000  }
0x3: {  	_ = 	snop  }
0x4: {  	_ = 	snop  }
0x5: {  	_ = 	snop  }
0x6: {  	_ = 	snop  }
0x7: {  	_ = 	snop  }
__scs_overlays_trampoline_lowered:
0x8: {  	[smem:$0x3FA7] =	sst s0  }
0x9: {  	[smem:$0x3FA8] =	sst s1  }
0xa: {  	[smem:$0x3FA9] =	sst s2  }
0xb: {  	[smem:$0x3FAA] =	sst s3  }
0xc: {  	[smem:$0x3FAB] =	sst s4  }
0xd: {  	[smem:$0x3FAC] =	sst s5  }
0xe: {  	[smem:$0x3FAD] =	sst s6  }
0xf: {  	[smem:$0x3FAE] =	sst s7  }
0x10: {  	[smem:$0x3FAF] =	sst s8  }
0x11: {  	[smem:$0x3FB0] =	sst s9;
	s0 =	simm.s32 @!p0 $0x0  }
0x12: {  	s1 =	sld [smem:$0x3F96];
	s0 =	simm.s32 @p0 $0x1  }
0x13: {  	[smem:$0x3FB1] =	sst s0;
	s0 =	simm.s32 @!p1 $0x0  }
0x14: {  	s2 =	sld [smem:$0x3F95];
	s0 =	simm.s32 @p1 $0x1  }
0x15: {  	[smem:$0x3FB2] =	sst s0;
	s0 =	simm.s32 @!p2 $0x0  }
0x16: {  	s3 =	sld [smem:$0x3FDB];
	s0 =	simm.s32 @p2 $0x1  }
0x17: {  	s4 =	simm.s32 $0x1BF5;
	[smem:$0x3FB4] =	sst s0  }
0x18: {  	s0 =	sld [smem:$0x3F97];
	_ =	swait.ge [sflag:s4], $0x0  }
0x19: {  	s7 =	sld [smem:$0x3F98]  }
0x1a: {  	s8 =	sadd.s32 $0xFFFFE003, lr  }
0x1b: {  	s9 =	sadd.s32 $0xFFFFFEF7, lr;
	s5 =	simm.s32 $0xFFFFFFFF;
	p2 =	slt.u32 s8, $0xFFFFF086  }
0x1c: {  	p1 =	slt.u32 s9, $0xF7A;
	s5 =	simm.s32 @!p2 $0x0  }
0x1d: {  	s5 =	simm.s32 @p1 $0x1;
	p0 =	seq.s32 s7, s2  }
0x1e: {  	s7 =	smul.u32 @!p0 $0xF7A, s2;
	p2 =	seq.s32 @!p0 s5, $0x0  }
0x1f: {  	s9 =	smul.u32 $0xF7A, s1;
	s8 =	simm.s32 @!p0 $0x1BF5;
	p2 =	por !p2, p0  }
0x20: {  	[sflag:s8] =	ssyncset.s32 @!p0 $0xFFFFF086;
	s6 =	sadd.s32 @!p0 s3, s7;
	s7 =	simm.s32 @!p0 $0x108  }
0x21: {  	s3 =	sadd.s32 s3, s9;
	s6 =	sadd.s32 @!p0 $0x88, s6;
	s7 =	simm.s32 @p2 $0x1082  }
0x22: {  	[simem:s7], [sflag:s8] =	dma.local @!p0 [hbm:s6], $0xF7A  }
0x23: {  	s9 =	sor.u32 $0xD0000000, s2;
	s6 =	simm.s32 $0x108;
	_ =	swait.ge @!p0 [sflag:s8], $0x0  }
0x24: {  	s3 =	sadd.s32 $0x88, s3;
	s6 =	simm.s32 @!p1 $0x1082;
	[sflag:s4] =	ssyncset.s32 $0xFFFFF086  }
0x25: {  	[simem:s6], [sflag:s4] =	dma.local [hbm:s3], $0xF7A  }
0x26: {  	[smem:$0x3F98] =	sst s1;
	(tag) =	ssettag s2;
	_ =	strace s9  }
0x27: {  	s1 =	sld [smem:$0x3FA8]  }
0x28: {  	s2 =	sld [smem:$0x3FA9]  }
0x29: {  	s4 =	sld [smem:$0x3FAB]  }
0x2a: {  	p0 =	seq.s32 s5, $0x0;
	s5 =	sld [smem:$0x3FAC]  }
0x2b: {  	s6 =	sld [smem:$0x3FAD]  }
0x2c: {  	s7 =	sld [smem:$0x3FAE]  }
0x2d: {  	s3 =	simm.s32 $0x108;
	s8 =	sld [smem:$0x3FAF]  }
0x2e: {  	s3 =	simm.s32 @!p0 $0x1082;
	s9 =	sld [smem:$0x3FB0]  }
0x2f: {  	lr =	sadd.s32 s0, s3;
	s0 =	sld [smem:$0x3FA7]  }
0x30: {  	s3 =	sld [smem:$0x3FAA]  }
0x31: {  	[smem:$0x3FB3] =	sst s10  }
0x32: {  	s10 =	sld [smem:$0x3FB1];
	_ =	sdelay $0x3  }
0x33: {  	p0 =	seq.s32 s10, $0x1;
	s10 =	sld [smem:$0x3FB3];
	_ =	sdelay $0x3  }
0x34: {  	[smem:$0x3FB3] =	sst s10  }
0x35: {  	s10 =	sld [smem:$0x3FB2];
	_ =	sdelay $0x3  }
0x36: {  	p1 =	seq.s32 s10, $0x1;
	s10 =	sld [smem:$0x3FB3];
	_ =	sdelay $0x3  }
0x37: {  	[smem:$0x3FB3] =	sst s10  }
0x38: {  	s10 =	sld [smem:$0x3FB4]  }
0x39: {  	_ = 	snop;
	(pc) =	sbr.ind lr, $3  }
0x3a: {  	_ = 	snop  }
0x3b: {  	_ = 	snop  }
0x3c: {  	p2 =	seq.s32 s10, $0x1;
	s10 =	sld [smem:$0x3FB3]  }
0x3d: {  	_ =	shalt  }
0x3e: {  	_ =	shalt  }
0x3f: {  	_ =	shalt  }
0x40: {  	_ =	shalt  }
0x41: {  	_ =	shalt  }
0x42: {  	_ =	shalt  }
0x43: {  	_ =	shalt  }
0x44: {  	_ =	shalt  }
0x45: {  	_ =	shalt  }
0x46: {  	_ =	shalt  }
0x47: {  	_ =	shalt  }
0x48: {  	_ =	shalt  }
0x49: {  	_ =	shalt  }
0x4a: {  	_ =	shalt  }
0x4b: {  	_ =	shalt  }
0x4c: {  	_ =	shalt  }
0x4d: {  	_ =	shalt  }
0x4e: {  	_ =	shalt  }
0x4f: {  	_ =	shalt  }
0x50: {  	_ =	shalt  }
0x51: {  	_ =	shalt  }
0x52: {  	_ =	shalt  }
0x53: {  	_ =	shalt  }
0x54: {  	_ =	shalt  }
0x55: {  	_ =	shalt  }
0x56: {  	_ =	shalt  }
0x57: {  	_ =	shalt  }
0x58: {  	_ =	shalt  }
0x59: {  	_ =	shalt  }
0x5a: {  	_ =	shalt  }
0x5b: {  	_ =	shalt  }
0x5c: {  	_ =	shalt  }
0x5d: {  	_ =	shalt  }
0x5e: {  	_ =	shalt  }
0x5f: {  	_ =	shalt  }
0x60: {  	_ =	shalt  }
0x61: {  	_ =	shalt  }
0x62: {  	_ =	shalt  }
0x63: {  	_ =	shalt  }
0x64: {  	_ =	shalt  }
0x65: {  	_ =	shalt  }
0x66: {  	_ =	shalt  }
0x67: {  	_ =	shalt  }
0x68: {  	_ =	shalt  }
0x69: {  	_ =	shalt  }
0x6a: {  	_ =	shalt  }
0x6b: {  	_ =	shalt  }
0x6c: {  	_ =	shalt  }
0x6d: {  	_ =	shalt  }
0x6e: {  	_ =	shalt  }
0x6f: {  	_ =	shalt  }
0x70: {  	_ =	shalt  }
0x71: {  	_ =	shalt  }
0x72: {  	_ =	shalt  }
0x73: {  	_ =	shalt  }
0x74: {  	_ =	shalt  }
0x75: {  	_ =	shalt  }
0x76: {  	_ =	shalt  }
0x77: {  	_ =	shalt  }
0x78: {  	_ =	shalt  }
0x79: {  	_ =	shalt  }
0x7a: {  	_ =	shalt  }
0x7b: {  	_ =	shalt  }
0x7c: {  	_ =	shalt  }
0x7d: {  	_ =	shalt  }
0x7e: {  	_ =	shalt  }
0x7f: {  	_ =	shalt  }
0x80: {  	_ =	shalt  }
0x81: {  	_ =	shalt  }
0x82: {  	_ =	shalt  }
0x83: {  	_ =	shalt  }
0x84: {  	_ =	shalt  }
0x85: {  	_ =	shalt  }
0x86: {  	_ =	shalt  }
0x87: {  	_ =	shalt  }
.Lfunc_end0:
.L_simem_size_0:
called_computation_lowered:
.L_overlay_start_0:
0x88: {  	s2 =	sld [smem:$0x3FD9]  }
0x89: {  	s3 =	sld [smem:$0x3FFE];
	_ =	sdelay $0x1  }
0x8a: {  	s1 =	srdreg.scid  }
0x8b: {  	s0 =	sand.u32 $0x1, s1  }
0x8c: {  	s17 =	sshll.u32 s0, $0xA;
	s2 =	sadd.s32 s3, s2  }
0x8d: {  	s2 =	sadd.s32 s2, s17  }
0x8e: {  	[smem:$0x3FBF] =	sst s2  }
0x8f: {  	_ = 	snop  }
0x90: {  	s18 =	sld [smem:$0x3FC2]  }
0x91: {  	s4 =	sld [smem:$0x3FD0];
	(tm) =	ssettm $0x1  }
0x92: {  	s19 =	sld [smem:$0x3FFB];
	_ =	sdelay $0x3  }
0x93: {  	_ =	strace s19  }
0x94: {  	s2 =	sld [smem:$0x3FFC];
	_ =	sdelay $0x3  }
0x95: {  	_ =	strace s2  }
0x96: {  	s2 =	sld [smem:$0x3FFD];
	_ =	sdelay $0x3  }
0x97: {  	_ =	strace s2  }
0x98: {  	_ =	strace $0x8FFFFFFF  }
0x99: {  	s20 =	sld [smem:$0x3FDB];
	_ =	sdelay $0x1  }
0x9a: {  	s5 =	simm.s32 $_scs_section_size  }
0x9b: {  	s6 =	simm.s32 $_size__tile_overlayer_lowered;
	s7 =	simm.s32 $_tile_overlayer_lowered  }
0x9c: {  	s8 =	simm.s32 $0x1BFF;
	s21 =	sshll.u32 s7, $0x1;
	s5 =	sadd.s32 s5, s20  }
0x9d: {  	s22 =	simm.s32 $0x0;
	s6 =	sshll.u32 s6, $0x1;
	s7 =	sadd.s32 s21, s5  }
0x9e: {  	[timem:s22], [sflag:s8] =	dma.local [hbm:s7], s6  }
0x9f: {  	_ =	swait.ge [sflag:s8], s6  }
0xa0: {  	s6 =	ssub.s32 $0x0, s6;
	[sflag:s8] =	ssyncset.done $0x0  }
0xa1: {  	[sflag:s8] =	ssyncadd.s32 s6;
	_ =	sdelay $0x1  }
0xa2: {  	s23 =	simm.s32 $0x1B8B  }
0xa3: {  	_ =	swait.ge [sflag:s23], $0x1  }
0xa4: {  	[sflag:s23] =	ssyncset.done $0x0  }
0xa5: {  	[sflag:s23] =	ssyncadd.s32 $0xFFFFFFFF  }
0xa6: {  	s6 =	sld [smem:$0x0]  }
0xa7: {  	s7 =	sand.u32 $0xFFFFFFFE, s1  }
0xa8: {  	p0 =	sne.s32 s1, s7  }
0xa9: {  	s7 =	sshll.u32 @p0 s7, $0xE  }
0xaa: {  	s7 =	sadd.s32 @p0 $0x11B8D, s7;
	s8 =	sshll.u32 @p0 s6, $0x11  }
0xab: {  	s7 =	sor.u32 @p0 s8, s7  }
0xac: {  	[sflag:s7] =	ssyncadd.remote.s32 @p0 $0x1;
	_ =	sdelay $0x1  }
0xad: {  	s7 =	simm.s32 @p0 $0x1B8D  }
0xae: {  	_ =	swait.eq @p0 [sflag:s7], $0x1  }
0xaf: {  	[sflag:s7] =	ssyncadd.s32 @p0 $0xFFFFFFFF  }
0xb0: {  	s8 =	sshll.u32 @!p0 s1, $0xE  }
0xb1: {  	s8 =	sor.u32 @!p0 $0x4000, s8;
	s7 =	simm.s32 @!p0 $0x1B8D  }
0xb2: {  	s6 =	sshll.u32 @!p0 s6, $0x11;
	s8 =	sadd.s32 @!p0 $0x11B8D, s8;
	_ =	swait.eq @!p0 [sflag:s7], $0x1  }
0xb3: {  	s6 =	sor.u32 @!p0 s6, s8;
	[sflag:s7] =	ssyncadd.s32 @!p0 $0xFFFFFFFF  }
0xb4: {  	s25 =	simm.s32 $0x1B8E;
	s24 =	sld [smem:$0x3FFE];
	[sflag:s6] =	ssyncadd.remote.s32 @!p0 $0x1  }
0xb5: {  	s26 =	simm.s32 $execute0_lowered;
	[smem:$0x3FD2] =	sst s25  }
0xb6: {  	s7 =	sshll.u32 s26, $0x1;
	_ =	strace $0x8000004F;
	[dreg:$0x1] =	wrdreg $0xFFFFFFFF  }
0xb7: {  	s28 =	simm.s32 $_size_execute0_lowered;
	s5 =	sadd.s32 s5, s7;
	[dreg:$0x0] =	wrdreg $0x0  }
0xb8: {  	s7 =	sshll.u32 s28, $0x1;
	[dreg:$0x2] =	wrdreg s5  }
0xb9: {  	[dreg:$0x3] =	wrdreg s7  }
0xba: {  	[dreg:$0x4] =	wrdreg $0xC0  }
0xbb: {  	_ =	task [dreg:s22], $0x5FFFF  }
0xbc: {  	[dreg:$0x1] =	wrdreg $0xFFFFFFFF  }
0xbd: {  	[dreg:$0x0] =	wrdreg $0x60  }
0xbe: {  	[dreg:$0x2] =	wrdreg s18  }
0xbf: {  	[dreg:$0x3] =	wrdreg s4  }
0xc0: {  	[dreg:$0x4] =	wrdreg s24  }
0xc1: {  	[dreg:$0x5] =	wrdreg $0x9  }
0xc2: {  	_ =	task.clear_ibuf [dreg:s22], $0x6FFFF;
	_ =	strace $0x9000004F  }
0xc3: {  	s29 =	simm.s32 $0x9;
	_ =	strace $0x80000051  }
0xc4: {  	_ =	swait.ge [sflag:s29], $0x1  }
0xc5: {  	[sflag:s29] =	ssyncadd.s32 $0xFFFFFFFF  }
0xc6: {  	_ =	strace $0x90000051  }
0xc7: {  	_ =	sfence  }
0xc8: {  	s30 =	sld [smem:$0x0];
	_ =	sdelay $0x2  }
0xc9: {  	s31 =	sshll.u32 s1, $0xD;
	s1 =	sshrl.u32 s1, $0x2  }
0xca: {  	s4 =	sand.u32 $0x4000, s31;
	s1 =	sadd.s32 s1, s30  }
0xcb: {  	s0 =	sor.u32 s4, s0;
	s1 =	sshll.u32 s1, $0x11  }
0xcc: {  	s0 =	sor.u32 s1, s0  }
0xcd: {  	s0 =	sadd.s32 $0x8F2B, s0  }
0xce: {  	[sflag:s0] =	ssyncadd.remote.s32 $0x1  }
0xcf: {  	_ =	sfence.sel $0xFFFF  }
0xd0: {  	[dreg:$0x0] =	wrdreg $0xFFFFFFFF;
	(pc) =	sbr.abs _section_cstart, $3  }
0xd1: {  	[dreg:$0x1] =	wrdreg $0xFFFFFFFF  }
0xd2: {  	_ =	task.clear_ibuf [dreg:s22], $0x2FFFF;
	_ =	strace $0x9FFFFFFF  }
0xd3: {  	(tm) =	ssettm $0x7FFFFFFF  }
tec
execute0_lowered:
.L_overlay_start_1:
0x0: {  	(tag) =	ssettag $0x1  }
0x1: {  	s2 =	rddreg [dreg:$0x0]  }
0x2: {  	s3 =	rddreg [dreg:$0x1]  }
0x3: {  	s8 =	rddreg [dreg:$0x2];
	s5 =	simm.s32 $0x0  }
0x4: {  	s22 =	simm.s32 $0x1700;
	[smem:$0x7FF] =	sst s5  }
0x5: {  	s23 =	simm.s32 $0x50;
	_ =	strace $0x80000050;
	[dreg:$0x6] =	wrdreg s22  }
0x6: {  	s0 =	srdreg.scid;
	s24 =	simm.s32 $0x2B00;
	[dreg:$0x7] =	wrdreg s23  }
0x7: {  	s13 =	stileid.u32;
	s26 =	simm.s32 $0x78;
	[dreg:$0x8] =	wrdreg s24  }
0x8: {  	s28 =	simm.s32 $0x3F00;
	s29 =	simm.s32 $0xA0;
	[dreg:$0x9] =	wrdreg s26  }
0x9: {  	s31 =	simm.s32 $0x5300;
	s14 =	simm.s32 $0x6700;
	[dreg:$0xa] =	wrdreg s28  }
0xa: {  	s16 =	simm.s32 $0x7B00;
	s17 =	simm.s32 $0x1A8;
	[dreg:$0xb] =	wrdreg s29  }
0xb: {  	s19 =	simm.s32 $0xA300;
	s21 =	simm.s32 $0x1D0;
	[dreg:$0xc] =	wrdreg s31  }
0xc: {  	s0 =	sand.u32 $0x1, s0;
	s6 =	smul.u32 $0x2BC0, s13;
	[dreg:$0xe] =	wrdreg s14  }
0xd: {  	s1 =	sshll.u32 s13, $0x1;
	s20 =	smul.u32 $0x2BC00, s13;
	[dreg:$0x10] =	wrdreg s16  }
0xe: {  	s13 =	simm.s32 $0x180;
	s1 =	sor.u32 s0, s1;
	[dreg:$0x11] =	wrdreg s17  }
0xf: {  	s7 =	smul.u32 $0x15E0, s0;
	s25 =	ssub.s32 $0x2, s0;
	[dreg:$0x12] =	wrdreg s19  }
0x10: {  	s0 =	smul.u32 $0x15E00, s0;
	[dreg:$0x13] =	wrdreg s21;
	s22 =	simm.s32 $0xB700  }
0x11: {  	s23 =	simm.s32 $0x1F8;
	s24 =	simm.s32 $0xCB00;
	[dreg:$0x14] =	wrdreg s22  }
0x12: {  	s26 =	simm.s32 $0xDF00;
	s14 =	simm.s32 $0x1;
	[dreg:$0x15] =	wrdreg s23  }
0x13: {  	s28 =	simm.s32 $0x248;
	s29 =	simm.s32 $0xF300;
	[dreg:$0x16] =	wrdreg s24  }
0x14: {  	s16 =	simm.s32 $0x300;
	s17 =	simm.s32 $0x3;
	[dreg:$0x18] =	wrdreg s26  }
0x15: {  	s31 =	simm.s32 $0x10700;
	s4 =	smul.u32 $0x15E0, s1;
	[dreg:$0x19] =	wrdreg s28  }
0x16: {  	s19 =	simm.s32 $0x8F00;
	s1 =	smul.u32 $0x64, s1;
	[dreg:$0x1a] =	wrdreg s29  }
0x17: {  	s10 =	sshrl.u32 s25, $0x1;
	[dreg:$0x1c] =	wrdreg s31;
	s24 =	simm.s32 $0x7  }
0x18: {  	s7 =	sadd.s32 s7, s6;
	s6 =	sadd.s32 $0x84A800, s8;
	s11 =	ssub.s32 s25, s10  }
0x19: {  	s10 =	simm.s32 $0xC8;
	s25 =	simm.s32 $0x220;
	s9 =	sadd.s32 $0x348, s4  }
0x1a: {  	s7 =	sadd.s32 $0x230, s7;
	s1 =	sadd.s32 s1, s8;
	[dreg:$0xd] =	wrdreg s10  }
0x1b: {  	s30 =	sshrl.u32 s4, $0x3;
	s12 =	sadd.s32 $0x118, s4;
	[dreg:$0x17] =	wrdreg s25  }
0x1c: {  	s18 =	smax.u32 s11, $0x1;
	s25 =	simm.s32 $0x0;
	[dreg:$0x4] =	wrdreg s9  }
0x1d: {  	[dreg:$0x5] =	wrdreg s7;
	s7 =	sadd.s32 $0x850E00, s8;
	s9 =	sadd.s32 s6, s30  }
0x1e: {  	s10 =	sshrl.u32 s12, $0x3;
	s12 =	simm.s32 $0xF0;
	[smem:$0x7FD] =	sst s18  }
0x1f: {  	s1 =	sadd.s32 $0x850000, s1;
	s30 =	simm.s32 $0x270;
	[dreg:$0x1d] =	wrdreg s9  }
0x20: {  	s18 =	simm.s32 $0x2;
	s8 =	simm.s32 $0x11B00;
	[dreg:$0xf] =	wrdreg s12  }
0x21: {  	s15 =	sadd.s32 s6, s10;
	[dreg:$0x1f] =	wrdreg s1;
	s12 =	sadd.s32 s20, s7  }
0x22: {  	[dreg:$0x1b] =	wrdreg s30;
	s20 =	simm.s32 $0x4;
	s0 =	sadd.s32 s0, s12  }
0x23: {  	[dreg:$0x1e] =	wrdreg s15;
	s15 =	simm.s32 $0x28;
	s12 =	sadd.s32 $0x1180, s0  }
.LBB2_1:
0x24: {  	s0 =	rddreg [dreg:$0x1d];
	p0 =	por $0x1, $0x1  }
0x25: {  	[tilespmem:s5], [sflag:$0x1] =	stream.linear.gather [hbm4b:s0+s5], $0x118, $0x38;
	[tilespmem:$0x11E80] =	vst v63  }
0x26: {  	s9 =	rddreg [dreg:$0x1e];
	s0 =	simm.s32 @!p0 $0x5  }
0x27: {  	[tilespmem:s13], [sflag:$0x2] =	stream.linear.gather [hbm4b:s9+s5], $0x118, $0x38;
	[tilespmem:$0x11E80] =	vst v63  }
0x28: {  	_ =	swait.ge @!p0 [sflag:s0], $0x8C00  }
0x29: {  	[sflag:s0] =	ssyncset.done @!p0 $0x0  }
0x2a: {  	[sflag:s0] =	ssyncadd.s32 @!p0 $0xFFFF7400  }
0x2b: {  	_ =	swait.ge [sflag:s14], $0x118  }
0x2c: {  	s10 =	rddreg [dreg:$0xc]  }
0x2d: {  	s1 =	rddreg [dreg:$0x7]  }
0x2e: {  	s26 =	rddreg [dreg:$0x6]  }
0x2f: {  	[sflag:s14] =	ssyncset.done $0x0;
	s28 =	rddreg [dreg:$0xa]  }
0x30: {  	s29 =	rddreg [dreg:$0x8];
	[sflag:s14] =	ssyncadd.s32 $0xFFFFFEE8  }
0x31: {  	[tilespmem:s16], [sflag:$0x3] =	stream.indirect.gather [hbm4b:s2+s15], $0x80, s5, s15, $0xb8;
	[tilespmem:$0x11E80] =	vst v63  }
0x32: {  	s30 =	rddreg [dreg:$0x9]  }
0x33: {  	[tilespmem:s26], [sflag:$0x3] =	stream.indirect.gather [hbm4b:s2+s15], $0x80, s15, s15, $0xb8;
	[tilespmem:$0x11E80] =	vst v63  }
0x34: {  	s11 =	rddreg [dreg:$0xb]  }
0x35: {  	[tilespmem:s29], [sflag:$0x3] =	stream.indirect.gather [hbm4b:s2+s15], $0x80, s1, s15, $0xb8;
	[tilespmem:$0x11E80] =	vst v63  }
0x36: {  	s21 =	rddreg [dreg:$0xe]  }
0x37: {  	[tilespmem:s28], [sflag:$0x3] =	stream.indirect.gather [hbm4b:s2+s15], $0x80, s30, s15, $0xb8;
	[tilespmem:$0x11E80] =	vst v63  }
0x38: {  	s22 =	rddreg [dreg:$0x10]  }
0x39: {  	[tilespmem:s10], [sflag:$0x3] =	stream.indirect.gather [hbm4b:s2+s15], $0x80, s11, s15, $0xb8;
	[tilespmem:$0x11E80] =	vst v63  }
0x3a: {  	s29 =	rddreg [dreg:$0xd]  }
0x3b: {  	[tilespmem:s21], [sflag:$0x3] =	stream.indirect.gather [hbm4b:s2+s15], $0x80, s29, s15, $0xb8;
	[tilespmem:$0x11E80] =	vst v63  }
0x3c: {  	s28 =	rddreg [dreg:$0xf]  }
0x3d: {  	[tilespmem:s22], [sflag:$0x3] =	stream.indirect.gather [hbm4b:s2+s15], $0x80, s28, s15, $0xb8;
	[tilespmem:$0x11E80] =	vst v63  }
0x3e: {  	_ = 	snop  }
0x3f: {  	[tilespmem:s8], [sflag:$0x3] =	stream.indirect.gather [hbm4b:s3+s15], $0x1, s5, s15, $0xb8;
	[tilespmem:$0x11E80] =	vst v63  }
0x40: {  	_ =	swait.ge [sflag:s17], $0x1400  }
0x41: {  	[sflag:s17] =	ssyncset.done $0x0  }
0x42: {  	[sflag:s17] =	ssyncadd.s32 $0xFFFFEC00  }
0x43: {  	_ =	swait.ge [sflag:s17], $0x1400  }
0x44: {  	[sflag:s17] =	ssyncset.done $0x0  }
0x45: {  	[sflag:s17] =	ssyncadd.s32 $0xFFFFEC00  }
0x46: {  	_ =	swait.ge [sflag:s17], $0x1400  }
0x47: {  	[sflag:s17] =	ssyncset.done $0x0  }
0x48: {  	[sflag:s17] =	ssyncadd.s32 $0xFFFFEC00  }
0x49: {  	_ =	swait.ge [sflag:s17], $0x1400  }
0x4a: {  	[sflag:s17] =	ssyncset.done $0x0  }
0x4b: {  	[sflag:s17] =	ssyncadd.s32 $0xFFFFEC00  }
0x4c: {  	_ =	swait.ge [sflag:s17], $0x1400  }
0x4d: {  	[sflag:s17] =	ssyncset.done $0x0  }
0x4e: {  	[sflag:s17] =	ssyncadd.s32 $0xFFFFEC00  }
0x4f: {  	_ =	swait.ge [sflag:s17], $0x1400  }
0x50: {  	[sflag:s17] =	ssyncset.done $0x0  }
0x51: {  	[sflag:s17] =	ssyncadd.s32 $0xFFFFEC00  }
0x52: {  	_ =	swait.ge [sflag:s17], $0x1400  }
0x53: {  	[sflag:s17] =	ssyncset.done $0x0  }
0x54: {  	[sflag:s17] =	ssyncadd.s32 $0xFFFFEC00  }
0x55: {  	_ =	swait.ge [sflag:s17], $0x28  }
0x56: {  	p1 =	por $0x0, $0x0;
	s1 =	simm.s32 $0x0;
	s0 =	rddreg [dreg:$0x5]  }
0x57: {  	s31 =	simm.s32 @!p1 $0x0;
	s1 =	simm.s32 @p1 $0x13B0;
	s0 =	sadd.s32 @!p1 $0x0, s0  }
0x58: {  	s23 =	sadd.s32 s4, s1;
	[sflag:s17] =	ssyncset.done $0x0;
	s0 =	sshrl.u32 @!p1 s0, $0x3  }
0x59: {  	s26 =	sshll.u32 s23, $0x4;
	[sflag:s17] =	ssyncadd.s32 $0xFFFFFFD8;
	s0 =	sadd.s32 @!p1 s6, s0  }
0x5a: {  	[tilespmem:s31], [sflag:$0x1] =	stream.linear.gather @!p1 [hbm4b:s0+s31], $0x118, $0x38;
	[tilespmem:$0x11E80] =	vst v63  }
0x5b: {  	s8 =	sadd.s32 s7, s26;
	s26 =	simm.s32 @!p0 $0x6  }
0x5c: {  	[hbm4b:s8+s5] =	stream.linear.scatter [tilespmem:s16], [sflag:$0x5], $0x8C00, $0x38;
	[tilespmem:$0x11E80] =	vst v63  }
0x5d: {  	_ =	swait.ge @!p0 [sflag:s26], $0x8C00  }
0x5e: {  	[sflag:s26] =	ssyncset.done @!p0 $0x0  }
0x5f: {  	[sflag:s26] =	ssyncadd.s32 @!p0 $0xFFFF7400  }
0x60: {  	_ =	swait.ge [sflag:s18], $0x118  }
0x61: {  	s9 =	rddreg [dreg:$0x14]  }
0x62: {  	s10 =	rddreg [dreg:$0x11]  }
0x63: {  	s28 =	rddreg [dreg:$0x12]  }
0x64: {  	s29 =	rddreg [dreg:$0x13]  }
0x65: {  	[sflag:s18] =	ssyncset.done $0x0;
	s11 =	rddreg [dreg:$0x16]  }
0x66: {  	s21 =	rddreg [dreg:$0x18];
	[sflag:s18] =	ssyncadd.s32 $0xFFFFFEE8  }
0x67: {  	[tilespmem:s19], [sflag:$0x4] =	stream.indirect.gather [hbm4b:s2+s15], $0x80, s13, s15, $0xb8;
	[tilespmem:$0x11E80] =	vst v63  }
0x68: {  	s22 =	rddreg [dreg:$0x19]  }
0x69: {  	[tilespmem:s28], [sflag:$0x4] =	stream.indirect.gather [hbm4b:s2+s15], $0x80, s10, s15, $0xb8;
	[tilespmem:$0x11E80] =	vst v63  }
0x6a: {  	s23 =	rddreg [dreg:$0x1c]  }
0x6b: {  	[tilespmem:s9], [sflag:$0x4] =	stream.indirect.gather [hbm4b:s2+s15], $0x80, s29, s15, $0xb8;
	[tilespmem:$0x11E80] =	vst v63  }
0x6c: {  	s28 =	rddreg [dreg:$0x15]  }
0x6d: {  	[tilespmem:s11], [sflag:$0x4] =	stream.indirect.gather [hbm4b:s2+s15], $0x80, s28, s15, $0xb8;
	[tilespmem:$0x11E80] =	vst v63  }
0x6e: {  	s29 =	rddreg [dreg:$0x17]  }
0x6f: {  	[tilespmem:s21], [sflag:$0x4] =	stream.indirect.gather [hbm4b:s2+s15], $0x80, s29, s15, $0xb8;
	[tilespmem:$0x11E80] =	vst v63  }
0x70: {  	s28 =	rddreg [dreg:$0x1a]  }
0x71: {  	[tilespmem:s28], [sflag:$0x4] =	stream.indirect.gather [hbm4b:s2+s15], $0x80, s22, s15, $0xb8;
	[tilespmem:$0x11E80] =	vst v63  }
0x72: {  	s29 =	rddreg [dreg:$0x1b]  }
0x73: {  	[tilespmem:s23], [sflag:$0x4] =	stream.indirect.gather [hbm4b:s2+s15], $0x80, s29, s15, $0xb8;
	[tilespmem:$0x11E80] =	vst v63  }
0x74: {  	s26 =	simm.s32 $0x11B28  }
0x75: {  	[tilespmem:s26], [sflag:$0x4] =	stream.indirect.gather [hbm4b:s3+s15], $0x1, s13, s15, $0xb8;
	[tilespmem:$0x11E80] =	vst v63  }
0x76: {  	_ =	swait.ge [sflag:s20], $0x1400  }
0x77: {  	[sflag:s20] =	ssyncset.done $0x0  }
0x78: {  	[sflag:s20] =	ssyncadd.s32 $0xFFFFEC00  }
0x79: {  	_ =	swait.ge [sflag:s20], $0x1400  }
0x7a: {  	[sflag:s20] =	ssyncset.done $0x0  }
0x7b: {  	[sflag:s20] =	ssyncadd.s32 $0xFFFFEC00  }
0x7c: {  	_ =	swait.ge [sflag:s20], $0x1400  }
0x7d: {  	[sflag:s20] =	ssyncset.done $0x0  }
0x7e: {  	[sflag:s20] =	ssyncadd.s32 $0xFFFFEC00  }
0x7f: {  	_ =	swait.ge [sflag:s20], $0x1400  }
0x80: {  	[sflag:s20] =	ssyncset.done $0x0  }
0x81: {  	[sflag:s20] =	ssyncadd.s32 $0xFFFFEC00  }
0x82: {  	_ =	swait.ge [sflag:s20], $0x1400  }
0x83: {  	[sflag:s20] =	ssyncset.done $0x0  }
0x84: {  	[sflag:s20] =	ssyncadd.s32 $0xFFFFEC00  }
0x85: {  	_ =	swait.ge [sflag:s20], $0x1400  }
0x86: {  	[sflag:s20] =	ssyncset.done $0x0  }
0x87: {  	[sflag:s20] =	ssyncadd.s32 $0xFFFFEC00  }
0x88: {  	s30 =	simm.s32 $0x11B00;
	s28 =	simm.s32 $0x230;
	_ =	swait.ge [sflag:s20], $0x1400  }
0x89: {  	s29 =	sadd.s32 $0x2300, s12;
	s26 =	smov.u32 s12;
	[sflag:s20] =	ssyncset.done $0x0  }
.LBB2_2:
0x8a: {  	[sflag:s20] =	ssyncadd.s32 $0xFFFFEC00  }
0x8b: {  	_ =	swait.ge [sflag:s20], $0x28  }
0x8c: {  	s8 =	rddreg [dreg:$0x4]  }
0x8d: {  	s0 =	smov.u32 s28;
	s1 =	sadd.s32 @!p1 s1, s8  }
0x8e: {  	p2 =	seq.s32 s0, $0x0;
	[sflag:s20] =	ssyncset.done $0x0;
	s1 =	sshrl.u32 @!p1 s1, $0x3  }
0x8f: {  	s8 =	simm.s32 @!p1 $0x180;
	[sflag:s20] =	ssyncadd.s32 $0xFFFFFFD8;
	s1 =	sadd.s32 @!p1 s6, s1  }
0x90: {  	[tilespmem:s8], [sflag:$0x2] =	stream.linear.gather @!p1 [hbm4b:s1+s31], $0x118, $0x38;
	[tilespmem:$0x11E80] =	vst v63  }
0x91: {  	s1 =	simm.s32 @!p2 $0x5  }
0x92: {  	[hbm4b:s26+s5] =	stream.linear.scatter [tilespmem:s19], [sflag:$0x6], $0x8C00, $0x38;
	[tilespmem:$0x11E80] =	vst v63  }
0x93: {  	_ =	swait.ge @!p2 [sflag:s1], $0x8C00  }
0x94: {  	[sflag:s1] =	ssyncset.done @!p2 $0x0  }
0x95: {  	[sflag:s1] =	ssyncadd.s32 @!p2 $0xFFFF7400  }
0x96: {  	_ =	swait.ge [sflag:s14], $0x118  }
0x97: {  	s1 =	rddreg [dreg:$0xc]  }
0x98: {  	s21 =	rddreg [dreg:$0x7]  }
0x99: {  	s31 =	rddreg [dreg:$0x6]  }
0x9a: {  	[sflag:s14] =	ssyncset.done $0x0;
	s9 =	rddreg [dreg:$0xa]  }
0x9b: {  	s10 =	rddreg [dreg:$0x8];
	[sflag:s14] =	ssyncadd.s32 $0xFFFFFEE8  }
0x9c: {  	[tilespmem:s16], [sflag:$0x3] =	stream.indirect.gather [hbm4b:s2+s15], $0x80, s5, s15, $0xb8;
	[tilespmem:$0x11E80] =	vst v63  }
0x9d: {  	s11 =	rddreg [dreg:$0x9]  }
0x9e: {  	[tilespmem:s31], [sflag:$0x3] =	stream.indirect.gather [hbm4b:s2+s15], $0x80, s15, s15, $0xb8;
	[tilespmem:$0x11E80] =	vst v63  }
0x9f: {  	s23 =	rddreg [dreg:$0xb]  }
0xa0: {  	[tilespmem:s10], [sflag:$0x3] =	stream.indirect.gather [hbm4b:s2+s15], $0x80, s21, s15, $0xb8;
	[tilespmem:$0x11E80] =	vst v63  }
0xa1: {  	s22 =	rddreg [dreg:$0xd]  }
0xa2: {  	[tilespmem:s9], [sflag:$0x3] =	stream.indirect.gather [hbm4b:s2+s15], $0x80, s11, s15, $0xb8;
	[tilespmem:$0x11E80] =	vst v63  }
0xa3: {  	s31 =	rddreg [dreg:$0xe]  }
0xa4: {  	[tilespmem:s1], [sflag:$0x3] =	stream.indirect.gather [hbm4b:s2+s15], $0x80, s23, s15, $0xb8;
	[tilespmem:$0x11E80] =	vst v63  }
0xa5: {  	s10 =	rddreg [dreg:$0xf]  }
0xa6: {  	[tilespmem:s31], [sflag:$0x3] =	stream.indirect.gather [hbm4b:s2+s15], $0x80, s22, s15, $0xb8;
	[tilespmem:$0x11E80] =	vst v63  }
0xa7: {  	s11 =	rddreg [dreg:$0x10]  }
0xa8: {  	[tilespmem:s11], [sflag:$0x3] =	stream.indirect.gather [hbm4b:s2+s15], $0x80, s10, s15, $0xb8;
	[tilespmem:$0x11E80] =	vst v63  }
0xa9: {  	s30 =	sadd.s32 $0x50, s30  }
0xaa: {  	[tilespmem:s30], [sflag:$0x3] =	stream.indirect.gather [hbm4b:s3+s15], $0x1, s5, s15, $0xb8;
	[tilespmem:$0x11E80] =	vst v63  }
0xab: {  	_ =	swait.ge [sflag:s17], $0x1400  }
0xac: {  	[sflag:s17] =	ssyncset.done $0x0  }
0xad: {  	[sflag:s17] =	ssyncadd.s32 $0xFFFFEC00  }
0xae: {  	_ =	swait.ge [sflag:s17], $0x1400  }
0xaf: {  	[sflag:s17] =	ssyncset.done $0x0  }
0xb0: {  	[sflag:s17] =	ssyncadd.s32 $0xFFFFEC00  }
0xb1: {  	_ =	swait.ge [sflag:s17], $0x1400  }
0xb2: {  	[sflag:s17] =	ssyncset.done $0x0  }
0xb3: {  	[sflag:s17] =	ssyncadd.s32 $0xFFFFEC00  }
0xb4: {  	_ =	swait.ge [sflag:s17], $0x1400  }
0xb5: {  	[sflag:s17] =	ssyncset.done $0x0  }
0xb6: {  	[sflag:s17] =	ssyncadd.s32 $0xFFFFEC00  }
0xb7: {  	_ =	swait.ge [sflag:s17], $0x1400  }
0xb8: {  	[sflag:s17] =	ssyncset.done $0x0  }
0xb9: {  	[sflag:s17] =	ssyncadd.s32 $0xFFFFEC00  }
0xba: {  	_ =	swait.ge [sflag:s17], $0x1400  }
0xbb: {  	[sflag:s17] =	ssyncset.done $0x0  }
0xbc: {  	[sflag:s17] =	ssyncadd.s32 $0xFFFFEC00  }
0xbd: {  	_ =	swait.ge [sflag:s17], $0x1400  }
0xbe: {  	[sflag:s17] =	ssyncset.done $0x0  }
0xbf: {  	[sflag:s17] =	ssyncadd.s32 $0xFFFFEC00  }
0xc0: {  	_ =	swait.ge [sflag:s17], $0x28  }
0xc1: {  	p1 =	seq.s32 s0, $0x13B0;
	s1 =	rddreg [dreg:$0x5]  }
0xc2: {  	s8 =	sadd.s32 @!p1 s0, s1;
	s1 =	smov.u32 s0  }
0xc3: {  	s31 =	simm.s32 @!p1 $0x0;
	s1 =	simm.s32 @p1 $0x13B0  }
0xc4: {  	[sflag:s17] =	ssyncset.done $0x0;
	s0 =	sshrl.u32 @!p1 s8, $0x3;
	s21 =	sadd.s32 s4, s1  }
0xc5: {  	[sflag:s17] =	ssyncadd.s32 $0xFFFFFFD8;
	s0 =	sadd.s32 @!p1 s6, s0;
	s8 =	sshll.u32 s21, $0x4  }
0xc6: {  	[tilespmem:s31], [sflag:$0x1] =	stream.linear.gather @!p1 [hbm4b:s0+s31], $0x118, $0x38;
	[tilespmem:$0x11E80] =	vst v63  }
0xc7: {  	s22 =	sadd.s32 s7, s8;
	s8 =	simm.s32 @!p2 $0x6  }
0xc8: {  	[hbm4b:s22+s5] =	stream.linear.scatter [tilespmem:s16], [sflag:$0x5], $0x8C00, $0x38;
	[tilespmem:$0x11E80] =	vst v63  }
0xc9: {  	_ =	swait.ge @!p2 [sflag:s8], $0x8C00  }
0xca: {  	[sflag:s8] =	ssyncset.done @!p2 $0x0  }
0xcb: {  	[sflag:s8] =	ssyncadd.s32 @!p2 $0xFFFF7400  }
0xcc: {  	_ =	swait.ge [sflag:s18], $0x118  }
0xcd: {  	s0 =	rddreg [dreg:$0x1c]  }
0xce: {  	s8 =	rddreg [dreg:$0x19]  }
0xcf: {  	s9 =	rddreg [dreg:$0x16]  }
0xd0: {  	s10 =	rddreg [dreg:$0x14]  }
0xd1: {  	[sflag:s18] =	ssyncset.done $0x0;
	s11 =	rddreg [dreg:$0x13]  }
0xd2: {  	s23 =	rddreg [dreg:$0x11];
	[sflag:s18] =	ssyncadd.s32 $0xFFFFFEE8  }
0xd3: {  	[tilespmem:s19], [sflag:$0x4] =	stream.indirect.gather [hbm4b:s2+s15], $0x80, s13, s15, $0xb8;
	[tilespmem:$0x11E80] =	vst v63  }
0xd4: {  	s21 =	rddreg [dreg:$0x12]  }
0xd5: {  	[tilespmem:s21], [sflag:$0x4] =	stream.indirect.gather [hbm4b:s2+s15], $0x80, s23, s15, $0xb8;
	[tilespmem:$0x11E80] =	vst v63  }
0xd6: {  	s22 =	rddreg [dreg:$0x18]  }
0xd7: {  	[tilespmem:s10], [sflag:$0x4] =	stream.indirect.gather [hbm4b:s2+s15], $0x80, s11, s15, $0xb8;
	[tilespmem:$0x11E80] =	vst v63  }
0xd8: {  	s23 =	rddreg [dreg:$0x15]  }
0xd9: {  	[tilespmem:s9], [sflag:$0x4] =	stream.indirect.gather [hbm4b:s2+s15], $0x80, s23, s15, $0xb8;
	[tilespmem:$0x11E80] =	vst v63  }
0xda: {  	s11 =	rddreg [dreg:$0x17]  }
0xdb: {  	[tilespmem:s22], [sflag:$0x4] =	stream.indirect.gather [hbm4b:s2+s15], $0x80, s11, s15, $0xb8;
	[tilespmem:$0x11E80] =	vst v63  }
0xdc: {  	s21 =	rddreg [dreg:$0x1a]  }
0xdd: {  	[tilespmem:s21], [sflag:$0x4] =	stream.indirect.gather [hbm4b:s2+s15], $0x80, s8, s15, $0xb8;
	[tilespmem:$0x11E80] =	vst v63  }
0xde: {  	s22 =	rddreg [dreg:$0x1b]  }
0xdf: {  	[tilespmem:s0], [sflag:$0x4] =	stream.indirect.gather [hbm4b:s2+s15], $0x80, s22, s15, $0xb8;
	[tilespmem:$0x11E80] =	vst v63  }
0xe0: {  	s23 =	sadd.s32 $0x28, s30  }
0xe1: {  	[tilespmem:s23], [sflag:$0x4] =	stream.indirect.gather [hbm4b:s3+s15], $0x1, s13, s15, $0xb8;
	[tilespmem:$0x11E80] =	vst v63  }
0xe2: {  	_ =	swait.ge [sflag:s20], $0x1400  }
0xe3: {  	[sflag:s20] =	ssyncset.done $0x0  }
0xe4: {  	[sflag:s20] =	ssyncadd.s32 $0xFFFFEC00  }
0xe5: {  	_ =	swait.ge [sflag:s20], $0x1400  }
0xe6: {  	[sflag:s20] =	ssyncset.done $0x0  }
0xe7: {  	[sflag:s20] =	ssyncadd.s32 $0xFFFFEC00  }
0xe8: {  	_ =	swait.ge [sflag:s20], $0x1400  }
0xe9: {  	[sflag:s20] =	ssyncset.done $0x0  }
0xea: {  	[sflag:s20] =	ssyncadd.s32 $0xFFFFEC00  }
0xeb: {  	_ =	swait.ge [sflag:s20], $0x1400  }
0xec: {  	[sflag:s20] =	ssyncset.done $0x0  }
0xed: {  	[sflag:s20] =	ssyncadd.s32 $0xFFFFEC00  }
0xee: {  	_ =	swait.ge [sflag:s20], $0x1400  }
0xef: {  	s28 =	sadd.s32 $0x230, s28;
	[sflag:s20] =	ssyncset.done $0x0  }
0xf0: {  	p0 =	sne.s32 s28, $0x15E0;
	[sflag:s20] =	ssyncadd.s32 $0xFFFFEC00  }
.Ltmp0:
0xf1: {  	_ =	swait.ge [sflag:s20], $0x1400;
	(pc) =	sbr.rel @p0 .LBB2_2-.Ltmp0, $4  }
0xf2: {  	[sflag:s20] =	ssyncset.done $0x0  }
0xf3: {  	[sflag:s20] =	ssyncadd.s32 $0xFFFFEC00  }
0xf4: {  	_ =	swait.ge [sflag:s20], $0x1400  }
0xf5: {  	s26 =	smov.u32 s29;
	s29 =	sadd.s32 $0x2300, s29;
	[sflag:s20] =	ssyncset.done $0x0  }
0xf6: {  	[sflag:s20] =	ssyncadd.s32 $0xFFFFEC00  }
0xf7: {  	_ =	swait.ge [sflag:s20], $0x28  }
0xf8: {  	s0 =	rddreg [dreg:$0x4]  }
0xf9: {  	s0 =	sadd.s32 @!p1 s1, s0  }
0xfa: {  	[sflag:s20] =	ssyncset.done $0x0;
	s0 =	sshrl.u32 @!p1 s0, $0x3  }
0xfb: {  	s1 =	simm.s32 @!p1 $0x180;
	[sflag:s20] =	ssyncadd.s32 $0xFFFFFFD8;
	s0 =	sadd.s32 @!p1 s6, s0  }
0xfc: {  	[tilespmem:s1], [sflag:$0x2] =	stream.linear.gather @!p1 [hbm4b:s0+s31], $0x118, $0x38;
	[tilespmem:$0x11E80] =	vst v63  }
0xfd: {  	s28 =	simm.s32 $0x5  }
0xfe: {  	[hbm4b:s26+s5] =	stream.linear.scatter [tilespmem:s19], [sflag:$0x6], $0x8C00, $0x38;
	[tilespmem:$0x11E80] =	vst v63  }
0xff: {  	_ =	swait.ge [sflag:s28], $0x8C00  }
0x100: {  	[sflag:s28] =	ssyncset.done $0x0  }
0x101: {  	s29 =	simm.s32 $0x6;
	[sflag:s28] =	ssyncadd.s32 $0xFFFF7400  }
0x102: {  	_ =	swait.ge [sflag:s29], $0x8C00  }
0x103: {  	[sflag:s29] =	ssyncset.done $0x0  }
0x104: {  	s8 =	simm.s32 $0x11B00;
	s30 =	rddreg [dreg:$0x1f];
	[sflag:s29] =	ssyncadd.s32 $0xFFFF7400  }
0x105: {  	[hbm4b:s30+s5] =	stream.linear.scatter [tilespmem:s8], [sflag:$0x7], $0x320, $0x38;
	[tilespmem:$0x11E80] =	vst v63  }
0x106: {  	_ =	swait.ge [sflag:s24], $0x320  }
0x107: {  	s31 =	sld [smem:$0x7FD];
	_ =	sdelay $0x1  }
0x108: {  	s25 =	sadd.s32 $0x1, s25  }
0x109: {  	p0 =	sne.s32 s25, s31  }
.Ltmp1:
0x10a: {  	_ = 	snop;
	(pc) =	sbr.rel @p0 .LBB2_1-.Ltmp1, $3  }
0x10b: {  	_ =	sdelay $0x1  }
0x10c: {  	[sflag:s24] =	ssyncset.done $0x0  }
0x10d: {  	[sflag:s24] =	ssyncadd.s32 $0xFFFFFCE0  }
0x10e: {  	_ =	sfence.sel $0x180000  }
0x10f: {  	[bflag:$0x0] =	sbarrier.arrive $0xFFFF  }
0x110: {  	_ =	strace $0x90000050  }
0x111: {  	s0 =	stileid.u32;
	[bflag:$0x2] =	sbarrier.arrive $0xFFFF  }
0x112: {  	p0 =	sne.s32 s0, $0x0;
	s0 =	rddreg [dreg:$0x3]  }
0x113: {  	s0 =	sadd.s32 @!p0 $0x100000, s0  }
0x114: {  	[sflag:s0] =	ssyncadd.tile.s32 @!p0 $0x1;
	_ =	shalt  }
.Lfunc_end2:
_tile_overlayer_lowered:
.L_overlay_start_2:
0x115: {  	(tag) =	ssettag $0x2  }
0x116: {  	s0 =	rddreg [dreg:$0x0];
	s2 =	stileid.u32  }
0x117: {  	s1 =	rddreg [dreg:$0x1];
	p0 =	sne.s32 s2, $0x0  }
0x118: {  	s3 =	rddreg [dreg:$0x2];
	[bflag:$0x3] =	sbarrier.arrive $0xFFFF;
	s2 =	simm.s32 @!p0 $0x1C07  }
0x119: {  	[timem:s3], [sflag:s2] =	dma.local @!p0 [hbm:s0], s1  }
0x11a: {  	s0 =	simm.s32 @!p0 $0x7  }
0x11b: {  	_ =	swait.ge @!p0 [sflag:s0], s1  }
0x11c: {  	s1 =	ssub.s32 @!p0 $0x0, s1;
	[sflag:s0] =	ssyncset.done @!p0 $0x0  }
0x11d: {  	[sflag:s0] =	ssyncadd.s32 @!p0 s1  }
0x11e: {  	[bflag:$0x3] =	sbarrier.arrive $0xFFFF  }
0x11f: {  	_ =	shalt  }

// kernel: kernel.13.cloned.1.call-start
scs
__scs_entry_jumppad:
0x0: {  	(pc) =	sbr.rel $0x88, $3  }
0x1: {  	(tag) =	ssettag $0x0;
	lr =	simm.s32 $0x1  }
0x2: {  	[smem:$0x3F98] =	sst lr;
	_ =	strace $0xD0000000  }
0x3: {  	_ = 	snop  }
0x4: {  	_ = 	snop  }
0x5: {  	_ = 	snop  }
0x6: {  	_ = 	snop  }
0x7: {  	_ = 	snop  }
__scs_overlays_trampoline_lowered:
0x8: {  	[smem:$0x3FA7] =	sst s0  }
0x9: {  	[smem:$0x3FA8] =	sst s1  }
0xa: {  	[smem:$0x3FA9] =	sst s2  }
0xb: {  	[smem:$0x3FAA] =	sst s3  }
0xc: {  	[smem:$0x3FAB] =	sst s4  }
0xd: {  	[smem:$0x3FAC] =	sst s5  }
0xe: {  	[smem:$0x3FAD] =	sst s6  }
0xf: {  	[smem:$0x3FAE] =	sst s7  }
0x10: {  	[smem:$0x3FAF] =	sst s8  }
0x11: {  	[smem:$0x3FB0] =	sst s9;
	s0 =	simm.s32 @!p0 $0x0  }
0x12: {  	s1 =	sld [smem:$0x3F96];
	s0 =	simm.s32 @p0 $0x1  }
0x13: {  	[smem:$0x3FB1] =	sst s0;
	s0 =	simm.s32 @!p1 $0x0  }
0x14: {  	s2 =	sld [smem:$0x3F95];
	s0 =	simm.s32 @p1 $0x1  }
0x15: {  	[smem:$0x3FB2] =	sst s0;
	s0 =	simm.s32 @!p2 $0x0  }
0x16: {  	s3 =	sld [smem:$0x3FDB];
	s0 =	simm.s32 @p2 $0x1  }
0x17: {  	s4 =	simm.s32 $0x1BF5;
	[smem:$0x3FB4] =	sst s0  }
0x18: {  	s0 =	sld [smem:$0x3F97];
	_ =	swait.ge [sflag:s4], $0x0  }
0x19: {  	s7 =	sld [smem:$0x3F98]  }
0x1a: {  	s8 =	sadd.s32 $0xFFFFE003, lr  }
0x1b: {  	s9 =	sadd.s32 $0xFFFFFEF7, lr;
	s5 =	simm.s32 $0xFFFFFFFF;
	p2 =	slt.u32 s8, $0xFFFFF086  }
0x1c: {  	p1 =	slt.u32 s9, $0xF7A;
	s5 =	simm.s32 @!p2 $0x0  }
0x1d: {  	s5 =	simm.s32 @p1 $0x1;
	p0 =	seq.s32 s7, s2  }
0x1e: {  	s7 =	smul.u32 @!p0 $0xF7A, s2;
	p2 =	seq.s32 @!p0 s5, $0x0  }
0x1f: {  	s9 =	smul.u32 $0xF7A, s1;
	s8 =	simm.s32 @!p0 $0x1BF5;
	p2 =	por !p2, p0  }
0x20: {  	[sflag:s8] =	ssyncset.s32 @!p0 $0xFFFFF086;
	s6 =	sadd.s32 @!p0 s3, s7;
	s7 =	simm.s32 @!p0 $0x108  }
0x21: {  	s3 =	sadd.s32 s3, s9;
	s6 =	sadd.s32 @!p0 $0x88, s6;
	s7 =	simm.s32 @p2 $0x1082  }
0x22: {  	[simem:s7], [sflag:s8] =	dma.local @!p0 [hbm:s6], $0xF7A  }
0x23: {  	s9 =	sor.u32 $0xD0000000, s2;
	s6 =	simm.s32 $0x108;
	_ =	swait.ge @!p0 [sflag:s8], $0x0  }
0x24: {  	s3 =	sadd.s32 $0x88, s3;
	s6 =	simm.s32 @!p1 $0x1082;
	[sflag:s4] =	ssyncset.s32 $0xFFFFF086  }
0x25: {  	[simem:s6], [sflag:s4] =	dma.local [hbm:s3], $0xF7A  }
0x26: {  	[smem:$0x3F98] =	sst s1;
	(tag) =	ssettag s2;
	_ =	strace s9  }
0x27: {  	s1 =	sld [smem:$0x3FA8]  }
0x28: {  	s2 =	sld [smem:$0x3FA9]  }
0x29: {  	s4 =	sld [smem:$0x3FAB]  }
0x2a: {  	p0 =	seq.s32 s5, $0x0;
	s5 =	sld [smem:$0x3FAC]  }
0x2b: {  	s6 =	sld [smem:$0x3FAD]  }
0x2c: {  	s7 =	sld [smem:$0x3FAE]  }
0x2d: {  	s3 =	simm.s32 $0x108;
	s8 =	sld [smem:$0x3FAF]  }
0x2e: {  	s3 =	simm.s32 @!p0 $0x1082;
	s9 =	sld [smem:$0x3FB0]  }
0x2f: {  	lr =	sadd.s32 s0, s3;
	s0 =	sld [smem:$0x3FA7]  }
0x30: {  	s3 =	sld [smem:$0x3FAA]  }
0x31: {  	[smem:$0x3FB3] =	sst s10  }
0x32: {  	s10 =	sld [smem:$0x3FB1];
	_ =	sdelay $0x3  }
0x33: {  	p0 =	seq.s32 s10, $0x1;
	s10 =	sld [smem:$0x3FB3];
	_ =	sdelay $0x3  }
0x34: {  	[smem:$0x3FB3] =	sst s10  }
0x35: {  	s10 =	sld [smem:$0x3FB2];
	_ =	sdelay $0x3  }
0x36: {  	p1 =	seq.s32 s10, $0x1;
	s10 =	sld [smem:$0x3FB3];
	_ =	sdelay $0x3  }
0x37: {  	[smem:$0x3FB3] =	sst s10  }
0x38: {  	s10 =	sld [smem:$0x3FB4]  }
0x39: {  	_ = 	snop;
	(pc) =	sbr.ind lr, $3  }
0x3a: {  	_ = 	snop  }
0x3b: {  	_ = 	snop  }
0x3c: {  	p2 =	seq.s32 s10, $0x1;
	s10 =	sld [smem:$0x3FB3]  }
0x3d: {  	_ =	shalt  }
0x3e: {  	_ =	shalt  }
0x3f: {  	_ =	shalt  }
0x40: {  	_ =	shalt  }
0x41: {  	_ =	shalt  }
0x42: {  	_ =	shalt  }
0x43: {  	_ =	shalt  }
0x44: {  	_ =	shalt  }
0x45: {  	_ =	shalt  }
0x46: {  	_ =	shalt  }
0x47: {  	_ =	shalt  }
0x48: {  	_ =	shalt  }
0x49: {  	_ =	shalt  }
0x4a: {  	_ =	shalt  }
0x4b: {  	_ =	shalt  }
0x4c: {  	_ =	shalt  }
0x4d: {  	_ =	shalt  }
0x4e: {  	_ =	shalt  }
0x4f: {  	_ =	shalt  }
0x50: {  	_ =	shalt  }
0x51: {  	_ =	shalt  }
0x52: {  	_ =	shalt  }
0x53: {  	_ =	shalt  }
0x54: {  	_ =	shalt  }
0x55: {  	_ =	shalt  }
0x56: {  	_ =	shalt  }
0x57: {  	_ =	shalt  }
0x58: {  	_ =	shalt  }
0x59: {  	_ =	shalt  }
0x5a: {  	_ =	shalt  }
0x5b: {  	_ =	shalt  }
0x5c: {  	_ =	shalt  }
0x5d: {  	_ =	shalt  }
0x5e: {  	_ =	shalt  }
0x5f: {  	_ =	shalt  }
0x60: {  	_ =	shalt  }
0x61: {  	_ =	shalt  }
0x62: {  	_ =	shalt  }
0x63: {  	_ =	shalt  }
0x64: {  	_ =	shalt  }
0x65: {  	_ =	shalt  }
0x66: {  	_ =	shalt  }
0x67: {  	_ =	shalt  }
0x68: {  	_ =	shalt  }
0x69: {  	_ =	shalt  }
0x6a: {  	_ =	shalt  }
0x6b: {  	_ =	shalt  }
0x6c: {  	_ =	shalt  }
0x6d: {  	_ =	shalt  }
0x6e: {  	_ =	shalt  }
0x6f: {  	_ =	shalt  }
0x70: {  	_ =	shalt  }
0x71: {  	_ =	shalt  }
0x72: {  	_ =	shalt  }
0x73: {  	_ =	shalt  }
0x74: {  	_ =	shalt  }
0x75: {  	_ =	shalt  }
0x76: {  	_ =	shalt  }
0x77: {  	_ =	shalt  }
0x78: {  	_ =	shalt  }
0x79: {  	_ =	shalt  }
0x7a: {  	_ =	shalt  }
0x7b: {  	_ =	shalt  }
0x7c: {  	_ =	shalt  }
0x7d: {  	_ =	shalt  }
0x7e: {  	_ =	shalt  }
0x7f: {  	_ =	shalt  }
0x80: {  	_ =	shalt  }
0x81: {  	_ =	shalt  }
0x82: {  	_ =	shalt  }
0x83: {  	_ =	shalt  }
0x84: {  	_ =	shalt  }
0x85: {  	_ =	shalt  }
0x86: {  	_ =	shalt  }
0x87: {  	_ =	shalt  }
.Lfunc_end0:
.L_simem_size_0:
called_computation.1_lowered:
.L_overlay_start_0:
0x88: {  	s2 =	sld [smem:$0x3FD9]  }
0x89: {  	s3 =	sld [smem:$0x3FFE];
	_ =	sdelay $0x1  }
0x8a: {  	s1 =	srdreg.scid  }
0x8b: {  	s0 =	sand.u32 $0x1, s1  }
0x8c: {  	s17 =	sshll.u32 s0, $0xA;
	s2 =	sadd.s32 s3, s2  }
0x8d: {  	s2 =	sadd.s32 s2, s17  }
0x8e: {  	[smem:$0x3FBF] =	sst s2  }
0x8f: {  	_ = 	snop  }
0x90: {  	s18 =	sld [smem:$0x3FC2]  }
0x91: {  	s4 =	sld [smem:$0x3FD0];
	(tm) =	ssettm $0x1  }
0x92: {  	s19 =	sld [smem:$0x3FFB];
	_ =	sdelay $0x3  }
0x93: {  	_ =	strace s19  }
0x94: {  	s2 =	sld [smem:$0x3FFC];
	_ =	sdelay $0x3  }
0x95: {  	_ =	strace s2  }
0x96: {  	s2 =	sld [smem:$0x3FFD];
	_ =	sdelay $0x3  }
0x97: {  	_ =	strace s2  }
0x98: {  	_ =	strace $0x8FFFFFFF  }
0x99: {  	s20 =	sld [smem:$0x3FDB];
	_ =	sdelay $0x1  }
0x9a: {  	s5 =	simm.s32 $_scs_section_size  }
0x9b: {  	s6 =	simm.s32 $_size__tile_overlayer_lowered;
	s7 =	simm.s32 $_tile_overlayer_lowered  }
0x9c: {  	s8 =	simm.s32 $0x1BFF;
	s21 =	sshll.u32 s7, $0x1;
	s5 =	sadd.s32 s5, s20  }
0x9d: {  	s22 =	simm.s32 $0x0;
	s6 =	sshll.u32 s6, $0x1;
	s7 =	sadd.s32 s21, s5  }
0x9e: {  	[timem:s22], [sflag:s8] =	dma.local [hbm:s7], s6  }
0x9f: {  	_ =	swait.ge [sflag:s8], s6  }
0xa0: {  	s6 =	ssub.s32 $0x0, s6;
	[sflag:s8] =	ssyncset.done $0x0  }
0xa1: {  	[sflag:s8] =	ssyncadd.s32 s6;
	_ =	sdelay $0x1  }
0xa2: {  	s23 =	simm.s32 $0x1B8B  }
0xa3: {  	_ =	swait.ge [sflag:s23], $0x1  }
0xa4: {  	[sflag:s23] =	ssyncset.done $0x0  }
0xa5: {  	[sflag:s23] =	ssyncadd.s32 $0xFFFFFFFF  }
0xa6: {  	s6 =	sld [smem:$0x0]  }
0xa7: {  	s7 =	sand.u32 $0xFFFFFFFE, s1  }
0xa8: {  	p0 =	sne.s32 s1, s7  }
0xa9: {  	s7 =	sshll.u32 @p0 s7, $0xE  }
0xaa: {  	s7 =	sadd.s32 @p0 $0x11B8D, s7;
	s8 =	sshll.u32 @p0 s6, $0x11  }
0xab: {  	s7 =	sor.u32 @p0 s8, s7  }
0xac: {  	[sflag:s7] =	ssyncadd.remote.s32 @p0 $0x1;
	_ =	sdelay $0x1  }
0xad: {  	s7 =	simm.s32 @p0 $0x1B8D  }
0xae: {  	_ =	swait.eq @p0 [sflag:s7], $0x1  }
0xaf: {  	[sflag:s7] =	ssyncadd.s32 @p0 $0xFFFFFFFF  }
0xb0: {  	s8 =	sshll.u32 @!p0 s1, $0xE  }
0xb1: {  	s8 =	sor.u32 @!p0 $0x4000, s8;
	s7 =	simm.s32 @!p0 $0x1B8D  }
0xb2: {  	s6 =	sshll.u32 @!p0 s6, $0x11;
	s8 =	sadd.s32 @!p0 $0x11B8D, s8;
	_ =	swait.eq @!p0 [sflag:s7], $0x1  }
0xb3: {  	s6 =	sor.u32 @!p0 s6, s8;
	[sflag:s7] =	ssyncadd.s32 @!p0 $0xFFFFFFFF  }
0xb4: {  	s25 =	simm.s32 $0x1B8E;
	s24 =	sld [smem:$0x3FFE];
	[sflag:s6] =	ssyncadd.remote.s32 @!p0 $0x1  }
0xb5: {  	s26 =	simm.s32 $execute0_lowered;
	[smem:$0x3FD2] =	sst s25  }
0xb6: {  	s7 =	sshll.u32 s26, $0x1;
	_ =	strace $0x8000004C;
	[dreg:$0x1] =	wrdreg $0xFFFFFFFF  }
0xb7: {  	s28 =	simm.s32 $_size_execute0_lowered;
	s5 =	sadd.s32 s5, s7;
	[dreg:$0x0] =	wrdreg $0x0  }
0xb8: {  	s7 =	sshll.u32 s28, $0x1;
	[dreg:$0x2] =	wrdreg s5  }
0xb9: {  	[dreg:$0x3] =	wrdreg s7  }
0xba: {  	[dreg:$0x4] =	wrdreg $0xC0  }
0xbb: {  	_ =	task [dreg:s22], $0x5FFFF  }
0xbc: {  	[dreg:$0x1] =	wrdreg $0xFFFFFFFF  }
0xbd: {  	[dreg:$0x0] =	wrdreg $0x60  }
0xbe: {  	[dreg:$0x2] =	wrdreg s18  }
0xbf: {  	[dreg:$0x3] =	wrdreg s4  }
0xc0: {  	[dreg:$0x4] =	wrdreg s24  }
0xc1: {  	[dreg:$0x5] =	wrdreg $0xA  }
0xc2: {  	_ =	task.clear_ibuf [dreg:s22], $0x6FFFF;
	_ =	strace $0x9000004C  }
0xc3: {  	s29 =	simm.s32 $0xA;
	_ =	strace $0x8000004E  }
0xc4: {  	_ =	swait.ge [sflag:s29], $0x1  }
0xc5: {  	[sflag:s29] =	ssyncadd.s32 $0xFFFFFFFF  }
0xc6: {  	_ =	strace $0x9000004E  }
0xc7: {  	_ =	sfence  }
0xc8: {  	s30 =	sld [smem:$0x0];
	_ =	sdelay $0x2  }
0xc9: {  	s31 =	sshll.u32 s1, $0xD;
	s1 =	sshrl.u32 s1, $0x2  }
0xca: {  	s4 =	sand.u32 $0x4000, s31;
	s1 =	sadd.s32 s1, s30  }
0xcb: {  	s0 =	sor.u32 s4, s0;
	s1 =	sshll.u32 s1, $0x11  }
0xcc: {  	s0 =	sor.u32 s1, s0  }
0xcd: {  	s0 =	sadd.s32 $0x8F2B, s0  }
0xce: {  	[sflag:s0] =	ssyncadd.remote.s32 $0x1  }
0xcf: {  	_ =	sfence.sel $0xFFFF  }
0xd0: {  	[dreg:$0x0] =	wrdreg $0xFFFFFFFF;
	(pc) =	sbr.abs _section_cstart, $3  }
0xd1: {  	[dreg:$0x1] =	wrdreg $0xFFFFFFFF  }
0xd2: {  	_ =	task.clear_ibuf [dreg:s22], $0x2FFFF;
	_ =	strace $0x9FFFFFFF  }
0xd3: {  	(tm) =	ssettm $0x7FFFFFFF  }
tec
execute0_lowered:
.L_overlay_start_1:
0x0: {  	(tag) =	ssettag $0x1  }
0x1: {  	s2 =	rddreg [dreg:$0x0]  }
0x2: {  	s3 =	rddreg [dreg:$0x1]  }
0x3: {  	s8 =	rddreg [dreg:$0x2];
	s5 =	simm.s32 $0x0  }
0x4: {  	s22 =	simm.s32 $0x1700;
	[smem:$0x7FF] =	sst s5  }
0x5: {  	s23 =	simm.s32 $0x50;
	_ =	strace $0x8000004D;
	[dreg:$0x6] =	wrdreg s22  }
0x6: {  	s0 =	srdreg.scid;
	s24 =	simm.s32 $0x2B00;
	[dreg:$0x7] =	wrdreg s23  }
0x7: {  	s13 =	stileid.u32;
	s26 =	simm.s32 $0x78;
	[dreg:$0x8] =	wrdreg s24  }
0x8: {  	s28 =	simm.s32 $0x3F00;
	s29 =	simm.s32 $0xA0;
	[dreg:$0x9] =	wrdreg s26  }
0x9: {  	s31 =	simm.s32 $0x5300;
	s14 =	simm.s32 $0x6700;
	[dreg:$0xa] =	wrdreg s28  }
0xa: {  	s16 =	simm.s32 $0x7B00;
	s17 =	simm.s32 $0x1A8;
	[dreg:$0xb] =	wrdreg s29  }
0xb: {  	s19 =	simm.s32 $0xA300;
	s21 =	simm.s32 $0x1D0;
	[dreg:$0xc] =	wrdreg s31  }
0xc: {  	s0 =	sand.u32 $0x1, s0;
	s6 =	smul.u32 $0x2BC0, s13;
	[dreg:$0xe] =	wrdreg s14  }
0xd: {  	s1 =	sshll.u32 s13, $0x1;
	s20 =	smul.u32 $0x2BC00, s13;
	[dreg:$0x10] =	wrdreg s16  }
0xe: {  	s13 =	simm.s32 $0x180;
	s1 =	sor.u32 s0, s1;
	[dreg:$0x11] =	wrdreg s17  }
0xf: {  	s7 =	smul.u32 $0x15E0, s0;
	s25 =	ssub.s32 $0x2, s0;
	[dreg:$0x12] =	wrdreg s19  }
0x10: {  	s0 =	smul.u32 $0x15E00, s0;
	[dreg:$0x13] =	wrdreg s21;
	s22 =	simm.s32 $0xB700  }
0x11: {  	s23 =	simm.s32 $0x1F8;
	s24 =	simm.s32 $0xCB00;
	[dreg:$0x14] =	wrdreg s22  }
0x12: {  	s26 =	simm.s32 $0xDF00;
	s14 =	simm.s32 $0x1;
	[dreg:$0x15] =	wrdreg s23  }
0x13: {  	s28 =	simm.s32 $0x248;
	s29 =	simm.s32 $0xF300;
	[dreg:$0x16] =	wrdreg s24  }
0x14: {  	s16 =	simm.s32 $0x300;
	s17 =	simm.s32 $0x3;
	[dreg:$0x18] =	wrdreg s26  }
0x15: {  	s31 =	simm.s32 $0x10700;
	s4 =	smul.u32 $0x15E0, s1;
	[dreg:$0x19] =	wrdreg s28  }
0x16: {  	s19 =	simm.s32 $0x8F00;
	s1 =	smul.u32 $0x64, s1;
	[dreg:$0x1a] =	wrdreg s29  }
0x17: {  	s10 =	sshrl.u32 s25, $0x1;
	[dreg:$0x1c] =	wrdreg s31;
	s24 =	simm.s32 $0x7  }
0x18: {  	s7 =	sadd.s32 s7, s6;
	s6 =	sadd.s32 $0x588200, s8;
	s11 =	ssub.s32 s25, s10  }
0x19: {  	s10 =	simm.s32 $0xC8;
	s25 =	simm.s32 $0x220;
	s9 =	sadd.s32 $0x348, s4  }
0x1a: {  	s7 =	sadd.s32 $0x230, s7;
	s1 =	sadd.s32 s1, s8;
	[dreg:$0xd] =	wrdreg s10  }
0x1b: {  	s30 =	sshrl.u32 s4, $0x3;
	s12 =	sadd.s32 $0x118, s4;
	[dreg:$0x17] =	wrdreg s25  }
0x1c: {  	s18 =	smax.u32 s11, $0x1;
	s25 =	simm.s32 $0x0;
	[dreg:$0x4] =	wrdreg s9  }
0x1d: {  	[dreg:$0x5] =	wrdreg s7;
	s7 =	sadd.s32 $0x58E800, s8;
	s9 =	sadd.s32 s6, s30  }
0x1e: {  	s10 =	sshrl.u32 s12, $0x3;
	s12 =	simm.s32 $0xF0;
	[smem:$0x7FD] =	sst s18  }
0x1f: {  	s1 =	sadd.s32 $0x58DA00, s1;
	s30 =	simm.s32 $0x270;
	[dreg:$0x1d] =	wrdreg s9  }
0x20: {  	s18 =	simm.s32 $0x2;
	s8 =	simm.s32 $0x11B00;
	[dreg:$0xf] =	wrdreg s12  }
0x21: {  	s15 =	sadd.s32 s6, s10;
	[dreg:$0x1f] =	wrdreg s1;
	s12 =	sadd.s32 s20, s7  }
0x22: {  	[dreg:$0x1b] =	wrdreg s30;
	s20 =	simm.s32 $0x4;
	s0 =	sadd.s32 s0, s12  }
0x23: {  	[dreg:$0x1e] =	wrdreg s15;
	s15 =	simm.s32 $0x28;
	s12 =	sadd.s32 $0x1180, s0  }
.LBB2_1:
0x24: {  	s0 =	rddreg [dreg:$0x1d];
	p0 =	por $0x1, $0x1  }
0x25: {  	[tilespmem:s5], [sflag:$0x1] =	stream.linear.gather [hbm4b:s0+s5], $0x118, $0x38;
	[tilespmem:$0x11E80] =	vst v63  }
0x26: {  	s9 =	rddreg [dreg:$0x1e];
	s0 =	simm.s32 @!p0 $0x5  }
0x27: {  	[tilespmem:s13], [sflag:$0x2] =	stream.linear.gather [hbm4b:s9+s5], $0x118, $0x38;
	[tilespmem:$0x11E80] =	vst v63  }
0x28: {  	_ =	swait.ge @!p0 [sflag:s0], $0x8C00  }
0x29: {  	[sflag:s0] =	ssyncset.done @!p0 $0x0  }
0x2a: {  	[sflag:s0] =	ssyncadd.s32 @!p0 $0xFFFF7400  }
0x2b: {  	_ =	swait.ge [sflag:s14], $0x118  }
0x2c: {  	s10 =	rddreg [dreg:$0xc]  }
0x2d: {  	s1 =	rddreg [dreg:$0x7]  }
0x2e: {  	s26 =	rddreg [dreg:$0x6]  }
0x2f: {  	[sflag:s14] =	ssyncset.done $0x0;
	s28 =	rddreg [dreg:$0xa]  }
0x30: {  	s29 =	rddreg [dreg:$0x8];
	[sflag:s14] =	ssyncadd.s32 $0xFFFFFEE8  }
0x31: {  	[tilespmem:s16], [sflag:$0x3] =	stream.indirect.gather [hbm4b:s2+s15], $0x80, s5, s15, $0xb8;
	[tilespmem:$0x11E80] =	vst v63  }
0x32: {  	s30 =	rddreg [dreg:$0x9]  }
0x33: {  	[tilespmem:s26], [sflag:$0x3] =	stream.indirect.gather [hbm4b:s2+s15], $0x80, s15, s15, $0xb8;
	[tilespmem:$0x11E80] =	vst v63  }
0x34: {  	s11 =	rddreg [dreg:$0xb]  }
0x35: {  	[tilespmem:s29], [sflag:$0x3] =	stream.indirect.gather [hbm4b:s2+s15], $0x80, s1, s15, $0xb8;
	[tilespmem:$0x11E80] =	vst v63  }
0x36: {  	s21 =	rddreg [dreg:$0xe]  }
0x37: {  	[tilespmem:s28], [sflag:$0x3] =	stream.indirect.gather [hbm4b:s2+s15], $0x80, s30, s15, $0xb8;
	[tilespmem:$0x11E80] =	vst v63  }
0x38: {  	s22 =	rddreg [dreg:$0x10]  }
0x39: {  	[tilespmem:s10], [sflag:$0x3] =	stream.indirect.gather [hbm4b:s2+s15], $0x80, s11, s15, $0xb8;
	[tilespmem:$0x11E80] =	vst v63  }
0x3a: {  	s29 =	rddreg [dreg:$0xd]  }
0x3b: {  	[tilespmem:s21], [sflag:$0x3] =	stream.indirect.gather [hbm4b:s2+s15], $0x80, s29, s15, $0xb8;
	[tilespmem:$0x11E80] =	vst v63  }
0x3c: {  	s28 =	rddreg [dreg:$0xf]  }
0x3d: {  	[tilespmem:s22], [sflag:$0x3] =	stream.indirect.gather [hbm4b:s2+s15], $0x80, s28, s15, $0xb8;
	[tilespmem:$0x11E80] =	vst v63  }
0x3e: {  	_ = 	snop  }
0x3f: {  	[tilespmem:s8], [sflag:$0x3] =	stream.indirect.gather [hbm4b:s3+s15], $0x1, s5, s15, $0xb8;
	[tilespmem:$0x11E80] =	vst v63  }
0x40: {  	_ =	swait.ge [sflag:s17], $0x1400  }
0x41: {  	[sflag:s17] =	ssyncset.done $0x0  }
0x42: {  	[sflag:s17] =	ssyncadd.s32 $0xFFFFEC00  }
0x43: {  	_ =	swait.ge [sflag:s17], $0x1400  }
0x44: {  	[sflag:s17] =	ssyncset.done $0x0  }
0x45: {  	[sflag:s17] =	ssyncadd.s32 $0xFFFFEC00  }
0x46: {  	_ =	swait.ge [sflag:s17], $0x1400  }
0x47: {  	[sflag:s17] =	ssyncset.done $0x0  }
0x48: {  	[sflag:s17] =	ssyncadd.s32 $0xFFFFEC00  }
0x49: {  	_ =	swait.ge [sflag:s17], $0x1400  }
0x4a: {  	[sflag:s17] =	ssyncset.done $0x0  }
0x4b: {  	[sflag:s17] =	ssyncadd.s32 $0xFFFFEC00  }
0x4c: {  	_ =	swait.ge [sflag:s17], $0x1400  }
0x4d: {  	[sflag:s17] =	ssyncset.done $0x0  }
0x4e: {  	[sflag:s17] =	ssyncadd.s32 $0xFFFFEC00  }
0x4f: {  	_ =	swait.ge [sflag:s17], $0x1400  }
0x50: {  	[sflag:s17] =	ssyncset.done $0x0  }
0x51: {  	[sflag:s17] =	ssyncadd.s32 $0xFFFFEC00  }
0x52: {  	_ =	swait.ge [sflag:s17], $0x1400  }
0x53: {  	[sflag:s17] =	ssyncset.done $0x0  }
0x54: {  	[sflag:s17] =	ssyncadd.s32 $0xFFFFEC00  }
0x55: {  	_ =	swait.ge [sflag:s17], $0x28  }
0x56: {  	p1 =	por $0x0, $0x0;
	s1 =	simm.s32 $0x0;
	s0 =	rddreg [dreg:$0x5]  }
0x57: {  	s31 =	simm.s32 @!p1 $0x0;
	s1 =	simm.s32 @p1 $0x13B0;
	s0 =	sadd.s32 @!p1 $0x0, s0  }
0x58: {  	s23 =	sadd.s32 s4, s1;
	[sflag:s17] =	ssyncset.done $0x0;
	s0 =	sshrl.u32 @!p1 s0, $0x3  }
0x59: {  	s26 =	sshll.u32 s23, $0x4;
	[sflag:s17] =	ssyncadd.s32 $0xFFFFFFD8;
	s0 =	sadd.s32 @!p1 s6, s0  }
0x5a: {  	[tilespmem:s31], [sflag:$0x1] =	stream.linear.gather @!p1 [hbm4b:s0+s31], $0x118, $0x38;
	[tilespmem:$0x11E80] =	vst v63  }
0x5b: {  	s8 =	sadd.s32 s7, s26;
	s26 =	simm.s32 @!p0 $0x6  }
0x5c: {  	[hbm4b:s8+s5] =	stream.linear.scatter [tilespmem:s16], [sflag:$0x5], $0x8C00, $0x38;
	[tilespmem:$0x11E80] =	vst v63  }
0x5d: {  	_ =	swait.ge @!p0 [sflag:s26], $0x8C00  }
0x5e: {  	[sflag:s26] =	ssyncset.done @!p0 $0x0  }
0x5f: {  	[sflag:s26] =	ssyncadd.s32 @!p0 $0xFFFF7400  }
0x60: {  	_ =	swait.ge [sflag:s18], $0x118  }
0x61: {  	s9 =	rddreg [dreg:$0x14]  }
0x62: {  	s10 =	rddreg [dreg:$0x11]  }
0x63: {  	s28 =	rddreg [dreg:$0x12]  }
0x64: {  	s29 =	rddreg [dreg:$0x13]  }
0x65: {  	[sflag:s18] =	ssyncset.done $0x0;
	s11 =	rddreg [dreg:$0x16]  }
0x66: {  	s21 =	rddreg [dreg:$0x18];
	[sflag:s18] =	ssyncadd.s32 $0xFFFFFEE8  }
0x67: {  	[tilespmem:s19], [sflag:$0x4] =	stream.indirect.gather [hbm4b:s2+s15], $0x80, s13, s15, $0xb8;
	[tilespmem:$0x11E80] =	vst v63  }
0x68: {  	s22 =	rddreg [dreg:$0x19]  }
0x69: {  	[tilespmem:s28], [sflag:$0x4] =	stream.indirect.gather [hbm4b:s2+s15], $0x80, s10, s15, $0xb8;
	[tilespmem:$0x11E80] =	vst v63  }
0x6a: {  	s23 =	rddreg [dreg:$0x1c]  }
0x6b: {  	[tilespmem:s9], [sflag:$0x4] =	stream.indirect.gather [hbm4b:s2+s15], $0x80, s29, s15, $0xb8;
	[tilespmem:$0x11E80] =	vst v63  }
0x6c: {  	s28 =	rddreg [dreg:$0x15]  }
0x6d: {  	[tilespmem:s11], [sflag:$0x4] =	stream.indirect.gather [hbm4b:s2+s15], $0x80, s28, s15, $0xb8;
	[tilespmem:$0x11E80] =	vst v63  }
0x6e: {  	s29 =	rddreg [dreg:$0x17]  }
0x6f: {  	[tilespmem:s21], [sflag:$0x4] =	stream.indirect.gather [hbm4b:s2+s15], $0x80, s29, s15, $0xb8;
	[tilespmem:$0x11E80] =	vst v63  }
0x70: {  	s28 =	rddreg [dreg:$0x1a]  }
0x71: {  	[tilespmem:s28], [sflag:$0x4] =	stream.indirect.gather [hbm4b:s2+s15], $0x80, s22, s15, $0xb8;
	[tilespmem:$0x11E80] =	vst v63  }
0x72: {  	s29 =	rddreg [dreg:$0x1b]  }
0x73: {  	[tilespmem:s23], [sflag:$0x4] =	stream.indirect.gather [hbm4b:s2+s15], $0x80, s29, s15, $0xb8;
	[tilespmem:$0x11E80] =	vst v63  }
0x74: {  	s26 =	simm.s32 $0x11B28  }
0x75: {  	[tilespmem:s26], [sflag:$0x4] =	stream.indirect.gather [hbm4b:s3+s15], $0x1, s13, s15, $0xb8;
	[tilespmem:$0x11E80] =	vst v63  }
0x76: {  	_ =	swait.ge [sflag:s20], $0x1400  }
0x77: {  	[sflag:s20] =	ssyncset.done $0x0  }
0x78: {  	[sflag:s20] =	ssyncadd.s32 $0xFFFFEC00  }
0x79: {  	_ =	swait.ge [sflag:s20], $0x1400  }
0x7a: {  	[sflag:s20] =	ssyncset.done $0x0  }
0x7b: {  	[sflag:s20] =	ssyncadd.s32 $0xFFFFEC00  }
0x7c: {  	_ =	swait.ge [sflag:s20], $0x1400  }
0x7d: {  	[sflag:s20] =	ssyncset.done $0x0  }
0x7e: {  	[sflag:s20] =	ssyncadd.s32 $0xFFFFEC00  }
0x7f: {  	_ =	swait.ge [sflag:s20], $0x1400  }
0x80: {  	[sflag:s20] =	ssyncset.done $0x0  }
0x81: {  	[sflag:s20] =	ssyncadd.s32 $0xFFFFEC00  }
0x82: {  	_ =	swait.ge [sflag:s20], $0x1400  }
0x83: {  	[sflag:s20] =	ssyncset.done $0x0  }
0x84: {  	[sflag:s20] =	ssyncadd.s32 $0xFFFFEC00  }
0x85: {  	_ =	swait.ge [sflag:s20], $0x1400  }
0x86: {  	[sflag:s20] =	ssyncset.done $0x0  }
0x87: {  	[sflag:s20] =	ssyncadd.s32 $0xFFFFEC00  }
0x88: {  	s30 =	simm.s32 $0x11B00;
	s28 =	simm.s32 $0x230;
	_ =	swait.ge [sflag:s20], $0x1400  }
0x89: {  	s29 =	sadd.s32 $0x2300, s12;
	s26 =	smov.u32 s12;
	[sflag:s20] =	ssyncset.done $0x0  }
.LBB2_2:
0x8a: {  	[sflag:s20] =	ssyncadd.s32 $0xFFFFEC00  }
0x8b: {  	_ =	swait.ge [sflag:s20], $0x28  }
0x8c: {  	s8 =	rddreg [dreg:$0x4]  }
0x8d: {  	s0 =	smov.u32 s28;
	s1 =	sadd.s32 @!p1 s1, s8  }
0x8e: {  	p2 =	seq.s32 s0, $0x0;
	[sflag:s20] =	ssyncset.done $0x0;
	s1 =	sshrl.u32 @!p1 s1, $0x3  }
0x8f: {  	s8 =	simm.s32 @!p1 $0x180;
	[sflag:s20] =	ssyncadd.s32 $0xFFFFFFD8;
	s1 =	sadd.s32 @!p1 s6, s1  }
0x90: {  	[tilespmem:s8], [sflag:$0x2] =	stream.linear.gather @!p1 [hbm4b:s1+s31], $0x118, $0x38;
	[tilespmem:$0x11E80] =	vst v63  }
0x91: {  	s1 =	simm.s32 @!p2 $0x5  }
0x92: {  	[hbm4b:s26+s5] =	stream.linear.scatter [tilespmem:s19], [sflag:$0x6], $0x8C00, $0x38;
	[tilespmem:$0x11E80] =	vst v63  }
0x93: {  	_ =	swait.ge @!p2 [sflag:s1], $0x8C00  }
0x94: {  	[sflag:s1] =	ssyncset.done @!p2 $0x0  }
0x95: {  	[sflag:s1] =	ssyncadd.s32 @!p2 $0xFFFF7400  }
0x96: {  	_ =	swait.ge [sflag:s14], $0x118  }
0x97: {  	s1 =	rddreg [dreg:$0xc]  }
0x98: {  	s21 =	rddreg [dreg:$0x7]  }
0x99: {  	s31 =	rddreg [dreg:$0x6]  }
0x9a: {  	[sflag:s14] =	ssyncset.done $0x0;
	s9 =	rddreg [dreg:$0xa]  }
0x9b: {  	s10 =	rddreg [dreg:$0x8];
	[sflag:s14] =	ssyncadd.s32 $0xFFFFFEE8  }
0x9c: {  	[tilespmem:s16], [sflag:$0x3] =	stream.indirect.gather [hbm4b:s2+s15], $0x80, s5, s15, $0xb8;
	[tilespmem:$0x11E80] =	vst v63  }
0x9d: {  	s11 =	rddreg [dreg:$0x9]  }
0x9e: {  	[tilespmem:s31], [sflag:$0x3] =	stream.indirect.gather [hbm4b:s2+s15], $0x80, s15, s15, $0xb8;
	[tilespmem:$0x11E80] =	vst v63  }
0x9f: {  	s23 =	rddreg [dreg:$0xb]  }
0xa0: {  	[tilespmem:s10], [sflag:$0x3] =	stream.indirect.gather [hbm4b:s2+s15], $0x80, s21, s15, $0xb8;
	[tilespmem:$0x11E80] =	vst v63  }
0xa1: {  	s22 =	rddreg [dreg:$0xd]  }
0xa2: {  	[tilespmem:s9], [sflag:$0x3] =	stream.indirect.gather [hbm4b:s2+s15], $0x80, s11, s15, $0xb8;
	[tilespmem:$0x11E80] =	vst v63  }
0xa3: {  	s31 =	rddreg [dreg:$0xe]  }
0xa4: {  	[tilespmem:s1], [sflag:$0x3] =	stream.indirect.gather [hbm4b:s2+s15], $0x80, s23, s15, $0xb8;
	[tilespmem:$0x11E80] =	vst v63  }
0xa5: {  	s10 =	rddreg [dreg:$0xf]  }
0xa6: {  	[tilespmem:s31], [sflag:$0x3] =	stream.indirect.gather [hbm4b:s2+s15], $0x80, s22, s15, $0xb8;
	[tilespmem:$0x11E80] =	vst v63  }
0xa7: {  	s11 =	rddreg [dreg:$0x10]  }
0xa8: {  	[tilespmem:s11], [sflag:$0x3] =	stream.indirect.gather [hbm4b:s2+s15], $0x80, s10, s15, $0xb8;
	[tilespmem:$0x11E80] =	vst v63  }
0xa9: {  	s30 =	sadd.s32 $0x50, s30  }
0xaa: {  	[tilespmem:s30], [sflag:$0x3] =	stream.indirect.gather [hbm4b:s3+s15], $0x1, s5, s15, $0xb8;
	[tilespmem:$0x11E80] =	vst v63  }
0xab: {  	_ =	swait.ge [sflag:s17], $0x1400  }
0xac: {  	[sflag:s17] =	ssyncset.done $0x0  }
0xad: {  	[sflag:s17] =	ssyncadd.s32 $0xFFFFEC00  }
0xae: {  	_ =	swait.ge [sflag:s17], $0x1400  }
0xaf: {  	[sflag:s17] =	ssyncset.done $0x0  }
0xb0: {  	[sflag:s17] =	ssyncadd.s32 $0xFFFFEC00  }
0xb1: {  	_ =	swait.ge [sflag:s17], $0x1400  }
0xb2: {  	[sflag:s17] =	ssyncset.done $0x0  }
0xb3: {  	[sflag:s17] =	ssyncadd.s32 $0xFFFFEC00  }
0xb4: {  	_ =	swait.ge [sflag:s17], $0x1400  }
0xb5: {  	[sflag:s17] =	ssyncset.done $0x0  }
0xb6: {  	[sflag:s17] =	ssyncadd.s32 $0xFFFFEC00  }
0xb7: {  	_ =	swait.ge [sflag:s17], $0x1400  }
0xb8: {  	[sflag:s17] =	ssyncset.done $0x0  }
0xb9: {  	[sflag:s17] =	ssyncadd.s32 $0xFFFFEC00  }
0xba: {  	_ =	swait.ge [sflag:s17], $0x1400  }
0xbb: {  	[sflag:s17] =	ssyncset.done $0x0  }
0xbc: {  	[sflag:s17] =	ssyncadd.s32 $0xFFFFEC00  }
0xbd: {  	_ =	swait.ge [sflag:s17], $0x1400  }
0xbe: {  	[sflag:s17] =	ssyncset.done $0x0  }
0xbf: {  	[sflag:s17] =	ssyncadd.s32 $0xFFFFEC00  }
0xc0: {  	_ =	swait.ge [sflag:s17], $0x28  }
0xc1: {  	p1 =	seq.s32 s0, $0x13B0;
	s1 =	rddreg [dreg:$0x5]  }
0xc2: {  	s8 =	sadd.s32 @!p1 s0, s1;
	s1 =	smov.u32 s0  }
0xc3: {  	s31 =	simm.s32 @!p1 $0x0;
	s1 =	simm.s32 @p1 $0x13B0  }
0xc4: {  	[sflag:s17] =	ssyncset.done $0x0;
	s0 =	sshrl.u32 @!p1 s8, $0x3;
	s21 =	sadd.s32 s4, s1  }
0xc5: {  	[sflag:s17] =	ssyncadd.s32 $0xFFFFFFD8;
	s0 =	sadd.s32 @!p1 s6, s0;
	s8 =	sshll.u32 s21, $0x4  }
0xc6: {  	[tilespmem:s31], [sflag:$0x1] =	stream.linear.gather @!p1 [hbm4b:s0+s31], $0x118, $0x38;
	[tilespmem:$0x11E80] =	vst v63  }
0xc7: {  	s22 =	sadd.s32 s7, s8;
	s8 =	simm.s32 @!p2 $0x6  }
0xc8: {  	[hbm4b:s22+s5] =	stream.linear.scatter [tilespmem:s16], [sflag:$0x5], $0x8C00, $0x38;
	[tilespmem:$0x11E80] =	vst v63  }
0xc9: {  	_ =	swait.ge @!p2 [sflag:s8], $0x8C00  }
0xca: {  	[sflag:s8] =	ssyncset.done @!p2 $0x0  }
0xcb: {  	[sflag:s8] =	ssyncadd.s32 @!p2 $0xFFFF7400  }
0xcc: {  	_ =	swait.ge [sflag:s18], $0x118  }
0xcd: {  	s0 =	rddreg [dreg:$0x1c]  }
0xce: {  	s8 =	rddreg [dreg:$0x19]  }
0xcf: {  	s9 =	rddreg [dreg:$0x16]  }
0xd0: {  	s10 =	rddreg [dreg:$0x14]  }
0xd1: {  	[sflag:s18] =	ssyncset.done $0x0;
	s11 =	rddreg [dreg:$0x13]  }
0xd2: {  	s23 =	rddreg [dreg:$0x11];
	[sflag:s18] =	ssyncadd.s32 $0xFFFFFEE8  }
0xd3: {  	[tilespmem:s19], [sflag:$0x4] =	stream.indirect.gather [hbm4b:s2+s15], $0x80, s13, s15, $0xb8;
	[tilespmem:$0x11E80] =	vst v63  }
0xd4: {  	s21 =	rddreg [dreg:$0x12]  }
0xd5: {  	[tilespmem:s21], [sflag:$0x4] =	stream.indirect.gather [hbm4b:s2+s15], $0x80, s23, s15, $0xb8;
	[tilespmem:$0x11E80] =	vst v63  }
0xd6: {  	s22 =	rddreg [dreg:$0x18]  }
0xd7: {  	[tilespmem:s10], [sflag:$0x4] =	stream.indirect.gather [hbm4b:s2+s15], $0x80, s11, s15, $0xb8;
	[tilespmem:$0x11E80] =	vst v63  }
0xd8: {  	s23 =	rddreg [dreg:$0x15]  }
0xd9: {  	[tilespmem:s9], [sflag:$0x4] =	stream.indirect.gather [hbm4b:s2+s15], $0x80, s23, s15, $0xb8;
	[tilespmem:$0x11E80] =	vst v63  }
0xda: {  	s11 =	rddreg [dreg:$0x17]  }
0xdb: {  	[tilespmem:s22], [sflag:$0x4] =	stream.indirect.gather [hbm4b:s2+s15], $0x80, s11, s15, $0xb8;
	[tilespmem:$0x11E80] =	vst v63  }
0xdc: {  	s21 =	rddreg [dreg:$0x1a]  }
0xdd: {  	[tilespmem:s21], [sflag:$0x4] =	stream.indirect.gather [hbm4b:s2+s15], $0x80, s8, s15, $0xb8;
	[tilespmem:$0x11E80] =	vst v63  }
0xde: {  	s22 =	rddreg [dreg:$0x1b]  }
0xdf: {  	[tilespmem:s0], [sflag:$0x4] =	stream.indirect.gather [hbm4b:s2+s15], $0x80, s22, s15, $0xb8;
	[tilespmem:$0x11E80] =	vst v63  }
0xe0: {  	s23 =	sadd.s32 $0x28, s30  }
0xe1: {  	[tilespmem:s23], [sflag:$0x4] =	stream.indirect.gather [hbm4b:s3+s15], $0x1, s13, s15, $0xb8;
	[tilespmem:$0x11E80] =	vst v63  }
0xe2: {  	_ =	swait.ge [sflag:s20], $0x1400  }
0xe3: {  	[sflag:s20] =	ssyncset.done $0x0  }
0xe4: {  	[sflag:s20] =	ssyncadd.s32 $0xFFFFEC00  }
0xe5: {  	_ =	swait.ge [sflag:s20], $0x1400  }
0xe6: {  	[sflag:s20] =	ssyncset.done $0x0  }
0xe7: {  	[sflag:s20] =	ssyncadd.s32 $0xFFFFEC00  }
0xe8: {  	_ =	swait.ge [sflag:s20], $0x1400  }
0xe9: {  	[sflag:s20] =	ssyncset.done $0x0  }
0xea: {  	[sflag:s20] =	ssyncadd.s32 $0xFFFFEC00  }
0xeb: {  	_ =	swait.ge [sflag:s20], $0x1400  }
0xec: {  	[sflag:s20] =	ssyncset.done $0x0  }
0xed: {  	[sflag:s20] =	ssyncadd.s32 $0xFFFFEC00  }
0xee: {  	_ =	swait.ge [sflag:s20], $0x1400  }
0xef: {  	s28 =	sadd.s32 $0x230, s28;
	[sflag:s20] =	ssyncset.done $0x0  }
0xf0: {  	p0 =	sne.s32 s28, $0x15E0;
	[sflag:s20] =	ssyncadd.s32 $0xFFFFEC00  }
.Ltmp0:
0xf1: {  	_ =	swait.ge [sflag:s20], $0x1400;
	(pc) =	sbr.rel @p0 .LBB2_2-.Ltmp0, $4  }
0xf2: {  	[sflag:s20] =	ssyncset.done $0x0  }
0xf3: {  	[sflag:s20] =	ssyncadd.s32 $0xFFFFEC00  }
0xf4: {  	_ =	swait.ge [sflag:s20], $0x1400  }
0xf5: {  	s26 =	smov.u32 s29;
	s29 =	sadd.s32 $0x2300, s29;
	[sflag:s20] =	ssyncset.done $0x0  }
0xf6: {  	[sflag:s20] =	ssyncadd.s32 $0xFFFFEC00  }
0xf7: {  	_ =	swait.ge [sflag:s20], $0x28  }
0xf8: {  	s0 =	rddreg [dreg:$0x4]  }
0xf9: {  	s0 =	sadd.s32 @!p1 s1, s0  }
0xfa: {  	[sflag:s20] =	ssyncset.done $0x0;
	s0 =	sshrl.u32 @!p1 s0, $0x3  }
0xfb: {  	s1 =	simm.s32 @!p1 $0x180;
	[sflag:s20] =	ssyncadd.s32 $0xFFFFFFD8;
	s0 =	sadd.s32 @!p1 s6, s0  }
0xfc: {  	[tilespmem:s1], [sflag:$0x2] =	stream.linear.gather @!p1 [hbm4b:s0+s31], $0x118, $0x38;
	[tilespmem:$0x11E80] =	vst v63  }
0xfd: {  	s28 =	simm.s32 $0x5  }
0xfe: {  	[hbm4b:s26+s5] =	stream.linear.scatter [tilespmem:s19], [sflag:$0x6], $0x8C00, $0x38;
	[tilespmem:$0x11E80] =	vst v63  }
0xff: {  	_ =	swait.ge [sflag:s28], $0x8C00  }
0x100: {  	[sflag:s28] =	ssyncset.done $0x0  }
0x101: {  	s29 =	simm.s32 $0x6;
	[sflag:s28] =	ssyncadd.s32 $0xFFFF7400  }
0x102: {  	_ =	swait.ge [sflag:s29], $0x8C00  }
0x103: {  	[sflag:s29] =	ssyncset.done $0x0  }
0x104: {  	s8 =	simm.s32 $0x11B00;
	s30 =	rddreg [dreg:$0x1f];
	[sflag:s29] =	ssyncadd.s32 $0xFFFF7400  }
0x105: {  	[hbm4b:s30+s5] =	stream.linear.scatter [tilespmem:s8], [sflag:$0x7], $0x320, $0x38;
	[tilespmem:$0x11E80] =	vst v63  }
0x106: {  	_ =	swait.ge [sflag:s24], $0x320  }
0x107: {  	s31 =	sld [smem:$0x7FD];
	_ =	sdelay $0x1  }
0x108: {  	s25 =	sadd.s32 $0x1, s25  }
0x109: {  	p0 =	sne.s32 s25, s31  }
.Ltmp1:
0x10a: {  	_ = 	snop;
	(pc) =	sbr.rel @p0 .LBB2_1-.Ltmp1, $3  }
0x10b: {  	_ =	sdelay $0x1  }
0x10c: {  	[sflag:s24] =	ssyncset.done $0x0  }
0x10d: {  	[sflag:s24] =	ssyncadd.s32 $0xFFFFFCE0  }
0x10e: {  	_ =	sfence.sel $0x180000  }
0x10f: {  	[bflag:$0x0] =	sbarrier.arrive $0xFFFF  }
0x110: {  	_ =	strace $0x9000004D  }
0x111: {  	s0 =	stileid.u32;
	[bflag:$0x2] =	sbarrier.arrive $0xFFFF  }
0x112: {  	p0 =	sne.s32 s0, $0x0;
	s0 =	rddreg [dreg:$0x3]  }
0x113: {  	s0 =	sadd.s32 @!p0 $0x100000, s0  }
0x114: {  	[sflag:s0] =	ssyncadd.tile.s32 @!p0 $0x1;
	_ =	shalt  }
.Lfunc_end2:
_tile_overlayer_lowered:
.L_overlay_start_2:
0x115: {  	(tag) =	ssettag $0x2  }
0x116: {  	s0 =	rddreg [dreg:$0x0];
	s2 =	stileid.u32  }
0x117: {  	s1 =	rddreg [dreg:$0x1];
	p0 =	sne.s32 s2, $0x0  }
0x118: {  	s3 =	rddreg [dreg:$0x2];
	[bflag:$0x3] =	sbarrier.arrive $0xFFFF;
	s2 =	simm.s32 @!p0 $0x1C07  }
0x119: {  	[timem:s3], [sflag:s2] =	dma.local @!p0 [hbm:s0], s1  }
0x11a: {  	s0 =	simm.s32 @!p0 $0x7  }
0x11b: {  	_ =	swait.ge @!p0 [sflag:s0], s1  }
0x11c: {  	s1 =	ssub.s32 @!p0 $0x0, s1;
	[sflag:s0] =	ssyncset.done @!p0 $0x0  }
0x11d: {  	[sflag:s0] =	ssyncadd.s32 @!p0 s1  }
0x11e: {  	[bflag:$0x3] =	sbarrier.arrive $0xFFFF  }
0x11f: {  	_ =	shalt  }

// kernel: kernel.16.cloned.1.call-start
scs
__scs_entry_jumppad:
0x0: {  	(pc) =	sbr.rel $0x88, $3  }
0x1: {  	(tag) =	ssettag $0x0;
	lr =	simm.s32 $0x1  }
0x2: {  	[smem:$0x3F98] =	sst lr;
	_ =	strace $0xD0000000  }
0x3: {  	_ = 	snop  }
0x4: {  	_ = 	snop  }
0x5: {  	_ = 	snop  }
0x6: {  	_ = 	snop  }
0x7: {  	_ = 	snop  }
__scs_overlays_trampoline_lowered:
0x8: {  	[smem:$0x3FA7] =	sst s0  }
0x9: {  	[smem:$0x3FA8] =	sst s1  }
0xa: {  	[smem:$0x3FA9] =	sst s2  }
0xb: {  	[smem:$0x3FAA] =	sst s3  }
0xc: {  	[smem:$0x3FAB] =	sst s4  }
0xd: {  	[smem:$0x3FAC] =	sst s5  }
0xe: {  	[smem:$0x3FAD] =	sst s6  }
0xf: {  	[smem:$0x3FAE] =	sst s7  }
0x10: {  	[smem:$0x3FAF] =	sst s8  }
0x11: {  	[smem:$0x3FB0] =	sst s9;
	s0 =	simm.s32 @!p0 $0x0  }
0x12: {  	s1 =	sld [smem:$0x3F96];
	s0 =	simm.s32 @p0 $0x1  }
0x13: {  	[smem:$0x3FB1] =	sst s0;
	s0 =	simm.s32 @!p1 $0x0  }
0x14: {  	s2 =	sld [smem:$0x3F95];
	s0 =	simm.s32 @p1 $0x1  }
0x15: {  	[smem:$0x3FB2] =	sst s0;
	s0 =	simm.s32 @!p2 $0x0  }
0x16: {  	s3 =	sld [smem:$0x3FDB];
	s0 =	simm.s32 @p2 $0x1  }
0x17: {  	s4 =	simm.s32 $0x1BF5;
	[smem:$0x3FB4] =	sst s0  }
0x18: {  	s0 =	sld [smem:$0x3F97];
	_ =	swait.ge [sflag:s4], $0x0  }
0x19: {  	s7 =	sld [smem:$0x3F98]  }
0x1a: {  	s8 =	sadd.s32 $0xFFFFE003, lr  }
0x1b: {  	s9 =	sadd.s32 $0xFFFFFEF7, lr;
	s5 =	simm.s32 $0xFFFFFFFF;
	p2 =	slt.u32 s8, $0xFFFFF086  }
0x1c: {  	p1 =	slt.u32 s9, $0xF7A;
	s5 =	simm.s32 @!p2 $0x0  }
0x1d: {  	s5 =	simm.s32 @p1 $0x1;
	p0 =	seq.s32 s7, s2  }
0x1e: {  	s7 =	smul.u32 @!p0 $0xF7A, s2;
	p2 =	seq.s32 @!p0 s5, $0x0  }
0x1f: {  	s9 =	smul.u32 $0xF7A, s1;
	s8 =	simm.s32 @!p0 $0x1BF5;
	p2 =	por !p2, p0  }
0x20: {  	[sflag:s8] =	ssyncset.s32 @!p0 $0xFFFFF086;
	s6 =	sadd.s32 @!p0 s3, s7;
	s7 =	simm.s32 @!p0 $0x108  }
0x21: {  	s3 =	sadd.s32 s3, s9;
	s6 =	sadd.s32 @!p0 $0x88, s6;
	s7 =	simm.s32 @p2 $0x1082  }
0x22: {  	[simem:s7], [sflag:s8] =	dma.local @!p0 [hbm:s6], $0xF7A  }
0x23: {  	s9 =	sor.u32 $0xD0000000, s2;
	s6 =	simm.s32 $0x108;
	_ =	swait.ge @!p0 [sflag:s8], $0x0  }
0x24: {  	s3 =	sadd.s32 $0x88, s3;
	s6 =	simm.s32 @!p1 $0x1082;
	[sflag:s4] =	ssyncset.s32 $0xFFFFF086  }
0x25: {  	[simem:s6], [sflag:s4] =	dma.local [hbm:s3], $0xF7A  }
0x26: {  	[smem:$0x3F98] =	sst s1;
	(tag) =	ssettag s2;
	_ =	strace s9  }
0x27: {  	s1 =	sld [smem:$0x3FA8]  }
0x28: {  	s2 =	sld [smem:$0x3FA9]  }
0x29: {  	s4 =	sld [smem:$0x3FAB]  }
0x2a: {  	p0 =	seq.s32 s5, $0x0;
	s5 =	sld [smem:$0x3FAC]  }
0x2b: {  	s6 =	sld [smem:$0x3FAD]  }
0x2c: {  	s7 =	sld [smem:$0x3FAE]  }
0x2d: {  	s3 =	simm.s32 $0x108;
	s8 =	sld [smem:$0x3FAF]  }
0x2e: {  	s3 =	simm.s32 @!p0 $0x1082;
	s9 =	sld [smem:$0x3FB0]  }
0x2f: {  	lr =	sadd.s32 s0, s3;
	s0 =	sld [smem:$0x3FA7]  }
0x30: {  	s3 =	sld [smem:$0x3FAA]  }
0x31: {  	[smem:$0x3FB3] =	sst s10  }
0x32: {  	s10 =	sld [smem:$0x3FB1];
	_ =	sdelay $0x3  }
0x33: {  	p0 =	seq.s32 s10, $0x1;
	s10 =	sld [smem:$0x3FB3];
	_ =	sdelay $0x3  }
0x34: {  	[smem:$0x3FB3] =	sst s10  }
0x35: {  	s10 =	sld [smem:$0x3FB2];
	_ =	sdelay $0x3  }
0x36: {  	p1 =	seq.s32 s10, $0x1;
	s10 =	sld [smem:$0x3FB3];
	_ =	sdelay $0x3  }
0x37: {  	[smem:$0x3FB3] =	sst s10  }
0x38: {  	s10 =	sld [smem:$0x3FB4]  }
0x39: {  	_ = 	snop;
	(pc) =	sbr.ind lr, $3  }
0x3a: {  	_ = 	snop  }
0x3b: {  	_ = 	snop  }
0x3c: {  	p2 =	seq.s32 s10, $0x1;
	s10 =	sld [smem:$0x3FB3]  }
0x3d: {  	_ =	shalt  }
0x3e: {  	_ =	shalt  }
0x3f: {  	_ =	shalt  }
0x40: {  	_ =	shalt  }
0x41: {  	_ =	shalt  }
0x42: {  	_ =	shalt  }
0x43: {  	_ =	shalt  }
0x44: {  	_ =	shalt  }
0x45: {  	_ =	shalt  }
0x46: {  	_ =	shalt  }
0x47: {  	_ =	shalt  }
0x48: {  	_ =	shalt  }
0x49: {  	_ =	shalt  }
0x4a: {  	_ =	shalt  }
0x4b: {  	_ =	shalt  }
0x4c: {  	_ =	shalt  }
0x4d: {  	_ =	shalt  }
0x4e: {  	_ =	shalt  }
0x4f: {  	_ =	shalt  }
0x50: {  	_ =	shalt  }
0x51: {  	_ =	shalt  }
0x52: {  	_ =	shalt  }
0x53: {  	_ =	shalt  }
0x54: {  	_ =	shalt  }
0x55: {  	_ =	shalt  }
0x56: {  	_ =	shalt  }
0x57: {  	_ =	shalt  }
0x58: {  	_ =	shalt  }
0x59: {  	_ =	shalt  }
0x5a: {  	_ =	shalt  }
0x5b: {  	_ =	shalt  }
0x5c: {  	_ =	shalt  }
0x5d: {  	_ =	shalt  }
0x5e: {  	_ =	shalt  }
0x5f: {  	_ =	shalt  }
0x60: {  	_ =	shalt  }
0x61: {  	_ =	shalt  }
0x62: {  	_ =	shalt  }
0x63: {  	_ =	shalt  }
0x64: {  	_ =	shalt  }
0x65: {  	_ =	shalt  }
0x66: {  	_ =	shalt  }
0x67: {  	_ =	shalt  }
0x68: {  	_ =	shalt  }
0x69: {  	_ =	shalt  }
0x6a: {  	_ =	shalt  }
0x6b: {  	_ =	shalt  }
0x6c: {  	_ =	shalt  }
0x6d: {  	_ =	shalt  }
0x6e: {  	_ =	shalt  }
0x6f: {  	_ =	shalt  }
0x70: {  	_ =	shalt  }
0x71: {  	_ =	shalt  }
0x72: {  	_ =	shalt  }
0x73: {  	_ =	shalt  }
0x74: {  	_ =	shalt  }
0x75: {  	_ =	shalt  }
0x76: {  	_ =	shalt  }
0x77: {  	_ =	shalt  }
0x78: {  	_ =	shalt  }
0x79: {  	_ =	shalt  }
0x7a: {  	_ =	shalt  }
0x7b: {  	_ =	shalt  }
0x7c: {  	_ =	shalt  }
0x7d: {  	_ =	shalt  }
0x7e: {  	_ =	shalt  }
0x7f: {  	_ =	shalt  }
0x80: {  	_ =	shalt  }
0x81: {  	_ =	shalt  }
0x82: {  	_ =	shalt  }
0x83: {  	_ =	shalt  }
0x84: {  	_ =	shalt  }
0x85: {  	_ =	shalt  }
0x86: {  	_ =	shalt  }
0x87: {  	_ =	shalt  }
.Lfunc_end0:
.L_simem_size_0:
called_computation.2_lowered:
.L_overlay_start_0:
0x88: {  	s2 =	sld [smem:$0x3FD9]  }
0x89: {  	s3 =	sld [smem:$0x3FFE];
	_ =	sdelay $0x1  }
0x8a: {  	s1 =	srdreg.scid  }
0x8b: {  	s0 =	sand.u32 $0x1, s1  }
0x8c: {  	s17 =	sshll.u32 s0, $0xA;
	s2 =	sadd.s32 s3, s2  }
0x8d: {  	s2 =	sadd.s32 s2, s17  }
0x8e: {  	[smem:$0x3FBF] =	sst s2  }
0x8f: {  	_ = 	snop  }
0x90: {  	s18 =	sld [smem:$0x3FC2]  }
0x91: {  	s4 =	sld [smem:$0x3FD0];
	(tm) =	ssettm $0x1  }
0x92: {  	s19 =	sld [smem:$0x3FFB];
	_ =	sdelay $0x3  }
0x93: {  	_ =	strace s19  }
0x94: {  	s2 =	sld [smem:$0x3FFC];
	_ =	sdelay $0x3  }
0x95: {  	_ =	strace s2  }
0x96: {  	s2 =	sld [smem:$0x3FFD];
	_ =	sdelay $0x3  }
0x97: {  	_ =	strace s2  }
0x98: {  	_ =	strace $0x8FFFFFFF  }
0x99: {  	s20 =	sld [smem:$0x3FDB];
	_ =	sdelay $0x1  }
0x9a: {  	s5 =	simm.s32 $_scs_section_size  }
0x9b: {  	s6 =	simm.s32 $_size__tile_overlayer_lowered;
	s7 =	simm.s32 $_tile_overlayer_lowered  }
0x9c: {  	s8 =	simm.s32 $0x1BFF;
	s21 =	sshll.u32 s7, $0x1;
	s5 =	sadd.s32 s5, s20  }
0x9d: {  	s22 =	simm.s32 $0x0;
	s6 =	sshll.u32 s6, $0x1;
	s7 =	sadd.s32 s21, s5  }
0x9e: {  	[timem:s22], [sflag:s8] =	dma.local [hbm:s7], s6  }
0x9f: {  	_ =	swait.ge [sflag:s8], s6  }
0xa0: {  	s6 =	ssub.s32 $0x0, s6;
	[sflag:s8] =	ssyncset.done $0x0  }
0xa1: {  	[sflag:s8] =	ssyncadd.s32 s6;
	_ =	sdelay $0x1  }
0xa2: {  	s23 =	simm.s32 $0x1B8B  }
0xa3: {  	_ =	swait.ge [sflag:s23], $0x1  }
0xa4: {  	[sflag:s23] =	ssyncset.done $0x0  }
0xa5: {  	[sflag:s23] =	ssyncadd.s32 $0xFFFFFFFF  }
0xa6: {  	s6 =	sld [smem:$0x0]  }
0xa7: {  	s7 =	sand.u32 $0xFFFFFFFE, s1  }
0xa8: {  	p0 =	sne.s32 s1, s7  }
0xa9: {  	s7 =	sshll.u32 @p0 s7, $0xE  }
0xaa: {  	s7 =	sadd.s32 @p0 $0x11B8D, s7;
	s8 =	sshll.u32 @p0 s6, $0x11  }
0xab: {  	s7 =	sor.u32 @p0 s8, s7  }
0xac: {  	[sflag:s7] =	ssyncadd.remote.s32 @p0 $0x1;
	_ =	sdelay $0x1  }
0xad: {  	s7 =	simm.s32 @p0 $0x1B8D  }
0xae: {  	_ =	swait.eq @p0 [sflag:s7], $0x1  }
0xaf: {  	[sflag:s7] =	ssyncadd.s32 @p0 $0xFFFFFFFF  }
0xb0: {  	s8 =	sshll.u32 @!p0 s1, $0xE  }
0xb1: {  	s8 =	sor.u32 @!p0 $0x4000, s8;
	s7 =	simm.s32 @!p0 $0x1B8D  }
0xb2: {  	s6 =	sshll.u32 @!p0 s6, $0x11;
	s8 =	sadd.s32 @!p0 $0x11B8D, s8;
	_ =	swait.eq @!p0 [sflag:s7], $0x1  }
0xb3: {  	s6 =	sor.u32 @!p0 s6, s8;
	[sflag:s7] =	ssyncadd.s32 @!p0 $0xFFFFFFFF  }
0xb4: {  	s25 =	simm.s32 $0x1B8E;
	s24 =	sld [smem:$0x3FFE];
	[sflag:s6] =	ssyncadd.remote.s32 @!p0 $0x1  }
0xb5: {  	s26 =	simm.s32 $execute0_lowered;
	[smem:$0x3FD2] =	sst s25  }
0xb6: {  	s7 =	sshll.u32 s26, $0x1;
	_ =	strace $0x80000049;
	[dreg:$0x1] =	wrdreg $0xFFFFFFFF  }
0xb7: {  	s28 =	simm.s32 $_size_execute0_lowered;
	s5 =	sadd.s32 s5, s7;
	[dreg:$0x0] =	wrdreg $0x0  }
0xb8: {  	s7 =	sshll.u32 s28, $0x1;
	[dreg:$0x2] =	wrdreg s5  }
0xb9: {  	[dreg:$0x3] =	wrdreg s7  }
0xba: {  	[dreg:$0x4] =	wrdreg $0xC0  }
0xbb: {  	_ =	task [dreg:s22], $0x5FFFF  }
0xbc: {  	[dreg:$0x1] =	wrdreg $0xFFFFFFFF  }
0xbd: {  	[dreg:$0x0] =	wrdreg $0x60  }
0xbe: {  	[dreg:$0x2] =	wrdreg s18  }
0xbf: {  	[dreg:$0x3] =	wrdreg s4  }
0xc0: {  	[dreg:$0x4] =	wrdreg s24  }
0xc1: {  	[dreg:$0x5] =	wrdreg $0xB  }
0xc2: {  	_ =	task.clear_ibuf [dreg:s22], $0x6FFFF;
	_ =	strace $0x90000049  }
0xc3: {  	s29 =	simm.s32 $0xB;
	_ =	strace $0x8000004B  }
0xc4: {  	_ =	swait.ge [sflag:s29], $0x1  }
0xc5: {  	[sflag:s29] =	ssyncadd.s32 $0xFFFFFFFF  }
0xc6: {  	_ =	strace $0x9000004B  }
0xc7: {  	_ =	sfence  }
0xc8: {  	s30 =	sld [smem:$0x0];
	_ =	sdelay $0x2  }
0xc9: {  	s31 =	sshll.u32 s1, $0xD;
	s1 =	sshrl.u32 s1, $0x2  }
0xca: {  	s4 =	sand.u32 $0x4000, s31;
	s1 =	sadd.s32 s1, s30  }
0xcb: {  	s0 =	sor.u32 s4, s0;
	s1 =	sshll.u32 s1, $0x11  }
0xcc: {  	s0 =	sor.u32 s1, s0  }
0xcd: {  	s0 =	sadd.s32 $0x8F2B, s0  }
0xce: {  	[sflag:s0] =	ssyncadd.remote.s32 $0x1  }
0xcf: {  	_ =	sfence.sel $0xFFFF  }
0xd0: {  	[dreg:$0x0] =	wrdreg $0xFFFFFFFF;
	(pc) =	sbr.abs _section_cstart, $3  }
0xd1: {  	[dreg:$0x1] =	wrdreg $0xFFFFFFFF  }
0xd2: {  	_ =	task.clear_ibuf [dreg:s22], $0x2FFFF;
	_ =	strace $0x9FFFFFFF  }
0xd3: {  	(tm) =	ssettm $0x7FFFFFFF  }
tec
execute0_lowered:
.L_overlay_start_1:
0x0: {  	(tag) =	ssettag $0x1  }
0x1: {  	s2 =	rddreg [dreg:$0x0]  }
0x2: {  	s3 =	rddreg [dreg:$0x1]  }
0x3: {  	s8 =	rddreg [dreg:$0x2];
	s5 =	simm.s32 $0x0  }
0x4: {  	s22 =	simm.s32 $0x1700;
	[smem:$0x7FF] =	sst s5  }
0x5: {  	s23 =	simm.s32 $0x50;
	_ =	strace $0x8000004A;
	[dreg:$0x6] =	wrdreg s22  }
0x6: {  	s0 =	srdreg.scid;
	s24 =	simm.s32 $0x2B00;
	[dreg:$0x7] =	wrdreg s23  }
0x7: {  	s13 =	stileid.u32;
	s26 =	simm.s32 $0x78;
	[dreg:$0x8] =	wrdreg s24  }
0x8: {  	s28 =	simm.s32 $0x3F00;
	s29 =	simm.s32 $0xA0;
	[dreg:$0x9] =	wrdreg s26  }
0x9: {  	s31 =	simm.s32 $0x5300;
	s14 =	simm.s32 $0x6700;
	[dreg:$0xa] =	wrdreg s28  }
0xa: {  	s16 =	simm.s32 $0x7B00;
	s17 =	simm.s32 $0x1A8;
	[dreg:$0xb] =	wrdreg s29  }
0xb: {  	s19 =	simm.s32 $0xA300;
	s21 =	simm.s32 $0x1D0;
	[dreg:$0xc] =	wrdreg s31  }
0xc: {  	s0 =	sand.u32 $0x1, s0;
	s6 =	smul.u32 $0x2BC0, s13;
	[dreg:$0xe] =	wrdreg s14  }
0xd: {  	s1 =	sshll.u32 s13, $0x1;
	s20 =	smul.u32 $0x2BC00, s13;
	[dreg:$0x10] =	wrdreg s16  }
0xe: {  	s13 =	simm.s32 $0x180;
	s1 =	sor.u32 s0, s1;
	[dreg:$0x11] =	wrdreg s17  }
0xf: {  	s7 =	smul.u32 $0x15E0, s0;
	s25 =	ssub.s32 $0x2, s0;
	[dreg:$0x12] =	wrdreg s19  }
0x10: {  	s0 =	smul.u32 $0x15E00, s0;
	[dreg:$0x13] =	wrdreg s21;
	s22 =	simm.s32 $0xB700  }
0x11: {  	s23 =	simm.s32 $0x1F8;
	s24 =	simm.s32 $0xCB00;
	[dreg:$0x14] =	wrdreg s22  }
0x12: {  	s26 =	simm.s32 $0xDF00;
	s14 =	simm.s32 $0x1;
	[dreg:$0x15] =	wrdreg s23  }
0x13: {  	s28 =	simm.s32 $0x248;
	s29 =	simm.s32 $0xF300;
	[dreg:$0x16] =	wrdreg s24  }
0x14: {  	s16 =	simm.s32 $0x300;
	s17 =	simm.s32 $0x3;
	[dreg:$0x18] =	wrdreg s26  }
0x15: {  	s31 =	simm.s32 $0x10700;
	s4 =	smul.u32 $0x15E0, s1;
	[dreg:$0x19] =	wrdreg s28  }
0x16: {  	s19 =	simm.s32 $0x8F00;
	s1 =	smul.u32 $0x64, s1;
	[dreg:$0x1a] =	wrdreg s29  }
0x17: {  	s10 =	sshrl.u32 s25, $0x1;
	[dreg:$0x1c] =	wrdreg s31;
	s24 =	simm.s32 $0x7  }
0x18: {  	s7 =	sadd.s32 s7, s6;
	s6 =	sadd.s32 $0x2C5C00, s8;
	s11 =	ssub.s32 s25, s10  }
0x19: {  	s10 =	simm.s32 $0xC8;
	s25 =	simm.s32 $0x220;
	s9 =	sadd.s32 $0x348, s4  }
0x1a: {  	s7 =	sadd.s32 $0x230, s7;
	s1 =	sadd.s32 s1, s8;
	[dreg:$0xd] =	wrdreg s10  }
0x1b: {  	s30 =	sshrl.u32 s4, $0x3;
	s12 =	sadd.s32 $0x118, s4;
	[dreg:$0x17] =	wrdreg s25  }
0x1c: {  	s18 =	smax.u32 s11, $0x1;
	s25 =	simm.s32 $0x0;
	[dreg:$0x4] =	wrdreg s9  }
0x1d: {  	[dreg:$0x5] =	wrdreg s7;
	s7 =	sadd.s32 $0x2CC200, s8;
	s9 =	sadd.s32 s6, s30  }
0x1e: {  	s10 =	sshrl.u32 s12, $0x3;
	s12 =	simm.s32 $0xF0;
	[smem:$0x7FD] =	sst s18  }
0x1f: {  	s1 =	sadd.s32 $0x2CB400, s1;
	s30 =	simm.s32 $0x270;
	[dreg:$0x1d] =	wrdreg s9  }
0x20: {  	s18 =	simm.s32 $0x2;
	s8 =	simm.s32 $0x11B00;
	[dreg:$0xf] =	wrdreg s12  }
0x21: {  	s15 =	sadd.s32 s6, s10;
	[dreg:$0x1f] =	wrdreg s1;
	s12 =	sadd.s32 s20, s7  }
0x22: {  	[dreg:$0x1b] =	wrdreg s30;
	s20 =	simm.s32 $0x4;
	s0 =	sadd.s32 s0, s12  }
0x23: {  	[dreg:$0x1e] =	wrdreg s15;
	s15 =	simm.s32 $0x28;
	s12 =	sadd.s32 $0x1180, s0  }
.LBB2_1:
0x24: {  	s0 =	rddreg [dreg:$0x1d];
	p0 =	por $0x1, $0x1  }
0x25: {  	[tilespmem:s5], [sflag:$0x1] =	stream.linear.gather [hbm4b:s0+s5], $0x118, $0x38;
	[tilespmem:$0x11E80] =	vst v63  }
0x26: {  	s9 =	rddreg [dreg:$0x1e];
	s0 =	simm.s32 @!p0 $0x5  }
0x27: {  	[tilespmem:s13], [sflag:$0x2] =	stream.linear.gather [hbm4b:s9+s5], $0x118, $0x38;
	[tilespmem:$0x11E80] =	vst v63  }
0x28: {  	_ =	swait.ge @!p0 [sflag:s0], $0x8C00  }
0x29: {  	[sflag:s0] =	ssyncset.done @!p0 $0x0  }
0x2a: {  	[sflag:s0] =	ssyncadd.s32 @!p0 $0xFFFF7400  }
0x2b: {  	_ =	swait.ge [sflag:s14], $0x118  }
0x2c: {  	s10 =	rddreg [dreg:$0xc]  }
0x2d: {  	s1 =	rddreg [dreg:$0x7]  }
0x2e: {  	s26 =	rddreg [dreg:$0x6]  }
0x2f: {  	[sflag:s14] =	ssyncset.done $0x0;
	s28 =	rddreg [dreg:$0xa]  }
0x30: {  	s29 =	rddreg [dreg:$0x8];
	[sflag:s14] =	ssyncadd.s32 $0xFFFFFEE8  }
0x31: {  	[tilespmem:s16], [sflag:$0x3] =	stream.indirect.gather [hbm4b:s2+s15], $0x80, s5, s15, $0xb8;
	[tilespmem:$0x11E80] =	vst v63  }
0x32: {  	s30 =	rddreg [dreg:$0x9]  }
0x33: {  	[tilespmem:s26], [sflag:$0x3] =	stream.indirect.gather [hbm4b:s2+s15], $0x80, s15, s15, $0xb8;
	[tilespmem:$0x11E80] =	vst v63  }
0x34: {  	s11 =	rddreg [dreg:$0xb]  }
0x35: {  	[tilespmem:s29], [sflag:$0x3] =	stream.indirect.gather [hbm4b:s2+s15], $0x80, s1, s15, $0xb8;
	[tilespmem:$0x11E80] =	vst v63  }
0x36: {  	s21 =	rddreg [dreg:$0xe]  }
0x37: {  	[tilespmem:s28], [sflag:$0x3] =	stream.indirect.gather [hbm4b:s2+s15], $0x80, s30, s15, $0xb8;
	[tilespmem:$0x11E80] =	vst v63  }
0x38: {  	s22 =	rddreg [dreg:$0x10]  }
0x39: {  	[tilespmem:s10], [sflag:$0x3] =	stream.indirect.gather [hbm4b:s2+s15], $0x80, s11, s15, $0xb8;
	[tilespmem:$0x11E80] =	vst v63  }
0x3a: {  	s29 =	rddreg [dreg:$0xd]  }
0x3b: {  	[tilespmem:s21], [sflag:$0x3] =	stream.indirect.gather [hbm4b:s2+s15], $0x80, s29, s15, $0xb8;
	[tilespmem:$0x11E80] =	vst v63  }
0x3c: {  	s28 =	rddreg [dreg:$0xf]  }
0x3d: {  	[tilespmem:s22], [sflag:$0x3] =	stream.indirect.gather [hbm4b:s2+s15], $0x80, s28, s15, $0xb8;
	[tilespmem:$0x11E80] =	vst v63  }
0x3e: {  	_ = 	snop  }
0x3f: {  	[tilespmem:s8], [sflag:$0x3] =	stream.indirect.gather [hbm4b:s3+s15], $0x1, s5, s15, $0xb8;
	[tilespmem:$0x11E80] =	vst v63  }
0x40: {  	_ =	swait.ge [sflag:s17], $0x1400  }
0x41: {  	[sflag:s17] =	ssyncset.done $0x0  }
0x42: {  	[sflag:s17] =	ssyncadd.s32 $0xFFFFEC00  }
0x43: {  	_ =	swait.ge [sflag:s17], $0x1400  }
0x44: {  	[sflag:s17] =	ssyncset.done $0x0  }
0x45: {  	[sflag:s17] =	ssyncadd.s32 $0xFFFFEC00  }
0x46: {  	_ =	swait.ge [sflag:s17], $0x1400  }
0x47: {  	[sflag:s17] =	ssyncset.done $0x0  }
0x48: {  	[sflag:s17] =	ssyncadd.s32 $0xFFFFEC00  }
0x49: {  	_ =	swait.ge [sflag:s17], $0x1400  }
0x4a: {  	[sflag:s17] =	ssyncset.done $0x0  }
0x4b: {  	[sflag:s17] =	ssyncadd.s32 $0xFFFFEC00  }
0x4c: {  	_ =	swait.ge [sflag:s17], $0x1400  }
0x4d: {  	[sflag:s17] =	ssyncset.done $0x0  }
0x4e: {  	[sflag:s17] =	ssyncadd.s32 $0xFFFFEC00  }
0x4f: {  	_ =	swait.ge [sflag:s17], $0x1400  }
0x50: {  	[sflag:s17] =	ssyncset.done $0x0  }
0x51: {  	[sflag:s17] =	ssyncadd.s32 $0xFFFFEC00  }
0x52: {  	_ =	swait.ge [sflag:s17], $0x1400  }
0x53: {  	[sflag:s17] =	ssyncset.done $0x0  }
0x54: {  	[sflag:s17] =	ssyncadd.s32 $0xFFFFEC00  }
0x55: {  	_ =	swait.ge [sflag:s17], $0x28  }
0x56: {  	p1 =	por $0x0, $0x0;
	s1 =	simm.s32 $0x0;
	s0 =	rddreg [dreg:$0x5]  }
0x57: {  	s31 =	simm.s32 @!p1 $0x0;
	s1 =	simm.s32 @p1 $0x13B0;
	s0 =	sadd.s32 @!p1 $0x0, s0  }
0x58: {  	s23 =	sadd.s32 s4, s1;
	[sflag:s17] =	ssyncset.done $0x0;
	s0 =	sshrl.u32 @!p1 s0, $0x3  }
0x59: {  	s26 =	sshll.u32 s23, $0x4;
	[sflag:s17] =	ssyncadd.s32 $0xFFFFFFD8;
	s0 =	sadd.s32 @!p1 s6, s0  }
0x5a: {  	[tilespmem:s31], [sflag:$0x1] =	stream.linear.gather @!p1 [hbm4b:s0+s31], $0x118, $0x38;
	[tilespmem:$0x11E80] =	vst v63  }
0x5b: {  	s8 =	sadd.s32 s7, s26;
	s26 =	simm.s32 @!p0 $0x6  }
0x5c: {  	[hbm4b:s8+s5] =	stream.linear.scatter [tilespmem:s16], [sflag:$0x5], $0x8C00, $0x38;
	[tilespmem:$0x11E80] =	vst v63  }
0x5d: {  	_ =	swait.ge @!p0 [sflag:s26], $0x8C00  }
0x5e: {  	[sflag:s26] =	ssyncset.done @!p0 $0x0  }
0x5f: {  	[sflag:s26] =	ssyncadd.s32 @!p0 $0xFFFF7400  }
0x60: {  	_ =	swait.ge [sflag:s18], $0x118  }
0x61: {  	s9 =	rddreg [dreg:$0x14]  }
0x62: {  	s10 =	rddreg [dreg:$0x11]  }
0x63: {  	s28 =	rddreg [dreg:$0x12]  }
0x64: {  	s29 =	rddreg [dreg:$0x13]  }
0x65: {  	[sflag:s18] =	ssyncset.done $0x0;
	s11 =	rddreg [dreg:$0x16]  }
0x66: {  	s21 =	rddreg [dreg:$0x18];
	[sflag:s18] =	ssyncadd.s32 $0xFFFFFEE8  }
0x67: {  	[tilespmem:s19], [sflag:$0x4] =	stream.indirect.gather [hbm4b:s2+s15], $0x80, s13, s15, $0xb8;
	[tilespmem:$0x11E80] =	vst v63  }
0x68: {  	s22 =	rddreg [dreg:$0x19]  }
0x69: {  	[tilespmem:s28], [sflag:$0x4] =	stream.indirect.gather [hbm4b:s2+s15], $0x80, s10, s15, $0xb8;
	[tilespmem:$0x11E80] =	vst v63  }
0x6a: {  	s23 =	rddreg [dreg:$0x1c]  }
0x6b: {  	[tilespmem:s9], [sflag:$0x4] =	stream.indirect.gather [hbm4b:s2+s15], $0x80, s29, s15, $0xb8;
	[tilespmem:$0x11E80] =	vst v63  }
0x6c: {  	s28 =	rddreg [dreg:$0x15]  }
0x6d: {  	[tilespmem:s11], [sflag:$0x4] =	stream.indirect.gather [hbm4b:s2+s15], $0x80, s28, s15, $0xb8;
	[tilespmem:$0x11E80] =	vst v63  }
0x6e: {  	s29 =	rddreg [dreg:$0x17]  }
0x6f: {  	[tilespmem:s21], [sflag:$0x4] =	stream.indirect.gather [hbm4b:s2+s15], $0x80, s29, s15, $0xb8;
	[tilespmem:$0x11E80] =	vst v63  }
0x70: {  	s28 =	rddreg [dreg:$0x1a]  }
0x71: {  	[tilespmem:s28], [sflag:$0x4] =	stream.indirect.gather [hbm4b:s2+s15], $0x80, s22, s15, $0xb8;
	[tilespmem:$0x11E80] =	vst v63  }
0x72: {  	s29 =	rddreg [dreg:$0x1b]  }
0x73: {  	[tilespmem:s23], [sflag:$0x4] =	stream.indirect.gather [hbm4b:s2+s15], $0x80, s29, s15, $0xb8;
	[tilespmem:$0x11E80] =	vst v63  }
0x74: {  	s26 =	simm.s32 $0x11B28  }
0x75: {  	[tilespmem:s26], [sflag:$0x4] =	stream.indirect.gather [hbm4b:s3+s15], $0x1, s13, s15, $0xb8;
	[tilespmem:$0x11E80] =	vst v63  }
0x76: {  	_ =	swait.ge [sflag:s20], $0x1400  }
0x77: {  	[sflag:s20] =	ssyncset.done $0x0  }
0x78: {  	[sflag:s20] =	ssyncadd.s32 $0xFFFFEC00  }
0x79: {  	_ =	swait.ge [sflag:s20], $0x1400  }
0x7a: {  	[sflag:s20] =	ssyncset.done $0x0  }
0x7b: {  	[sflag:s20] =	ssyncadd.s32 $0xFFFFEC00  }
0x7c: {  	_ =	swait.ge [sflag:s20], $0x1400  }
0x7d: {  	[sflag:s20] =	ssyncset.done $0x0  }
0x7e: {  	[sflag:s20] =	ssyncadd.s32 $0xFFFFEC00  }
0x7f: {  	_ =	swait.ge [sflag:s20], $0x1400  }
0x80: {  	[sflag:s20] =	ssyncset.done $0x0  }
0x81: {  	[sflag:s20] =	ssyncadd.s32 $0xFFFFEC00  }
0x82: {  	_ =	swait.ge [sflag:s20], $0x1400  }
0x83: {  	[sflag:s20] =	ssyncset.done $0x0  }
0x84: {  	[sflag:s20] =	ssyncadd.s32 $0xFFFFEC00  }
0x85: {  	_ =	swait.ge [sflag:s20], $0x1400  }
0x86: {  	[sflag:s20] =	ssyncset.done $0x0  }
0x87: {  	[sflag:s20] =	ssyncadd.s32 $0xFFFFEC00  }
0x88: {  	s30 =	simm.s32 $0x11B00;
	s28 =	simm.s32 $0x230;
	_ =	swait.ge [sflag:s20], $0x1400  }
0x89: {  	s29 =	sadd.s32 $0x2300, s12;
	s26 =	smov.u32 s12;
	[sflag:s20] =	ssyncset.done $0x0  }
.LBB2_2:
0x8a: {  	[sflag:s20] =	ssyncadd.s32 $0xFFFFEC00  }
0x8b: {  	_ =	swait.ge [sflag:s20], $0x28  }
0x8c: {  	s8 =	rddreg [dreg:$0x4]  }
0x8d: {  	s0 =	smov.u32 s28;
	s1 =	sadd.s32 @!p1 s1, s8  }
0x8e: {  	p2 =	seq.s32 s0, $0x0;
	[sflag:s20] =	ssyncset.done $0x0;
	s1 =	sshrl.u32 @!p1 s1, $0x3  }
0x8f: {  	s8 =	simm.s32 @!p1 $0x180;
	[sflag:s20] =	ssyncadd.s32 $0xFFFFFFD8;
	s1 =	sadd.s32 @!p1 s6, s1  }
0x90: {  	[tilespmem:s8], [sflag:$0x2] =	stream.linear.gather @!p1 [hbm4b:s1+s31], $0x118, $0x38;
	[tilespmem:$0x11E80] =	vst v63  }
0x91: {  	s1 =	simm.s32 @!p2 $0x5  }
0x92: {  	[hbm4b:s26+s5] =	stream.linear.scatter [tilespmem:s19], [sflag:$0x6], $0x8C00, $0x38;
	[tilespmem:$0x11E80] =	vst v63  }
0x93: {  	_ =	swait.ge @!p2 [sflag:s1], $0x8C00  }
0x94: {  	[sflag:s1] =	ssyncset.done @!p2 $0x0  }
0x95: {  	[sflag:s1] =	ssyncadd.s32 @!p2 $0xFFFF7400  }
0x96: {  	_ =	swait.ge [sflag:s14], $0x118  }
0x97: {  	s1 =	rddreg [dreg:$0xc]  }
0x98: {  	s21 =	rddreg [dreg:$0x7]  }
0x99: {  	s31 =	rddreg [dreg:$0x6]  }
0x9a: {  	[sflag:s14] =	ssyncset.done $0x0;
	s9 =	rddreg [dreg:$0xa]  }
0x9b: {  	s10 =	rddreg [dreg:$0x8];
	[sflag:s14] =	ssyncadd.s32 $0xFFFFFEE8  }
0x9c: {  	[tilespmem:s16], [sflag:$0x3] =	stream.indirect.gather [hbm4b:s2+s15], $0x80, s5, s15, $0xb8;
	[tilespmem:$0x11E80] =	vst v63  }
0x9d: {  	s11 =	rddreg [dreg:$0x9]  }
0x9e: {  	[tilespmem:s31], [sflag:$0x3] =	stream.indirect.gather [hbm4b:s2+s15], $0x80, s15, s15, $0xb8;
	[tilespmem:$0x11E80] =	vst v63  }
0x9f: {  	s23 =	rddreg [dreg:$0xb]  }
0xa0: {  	[tilespmem:s10], [sflag:$0x3] =	stream.indirect.gather [hbm4b:s2+s15], $0x80, s21, s15, $0xb8;
	[tilespmem:$0x11E80] =	vst v63  }
0xa1: {  	s22 =	rddreg [dreg:$0xd]  }
0xa2: {  	[tilespmem:s9], [sflag:$0x3] =	stream.indirect.gather [hbm4b:s2+s15], $0x80, s11, s15, $0xb8;
	[tilespmem:$0x11E80] =	vst v63  }
0xa3: {  	s31 =	rddreg [dreg:$0xe]  }
0xa4: {  	[tilespmem:s1], [sflag:$0x3] =	stream.indirect.gather [hbm4b:s2+s15], $0x80, s23, s15, $0xb8;
	[tilespmem:$0x11E80] =	vst v63  }
0xa5: {  	s10 =	rddreg [dreg:$0xf]  }
0xa6: {  	[tilespmem:s31], [sflag:$0x3] =	stream.indirect.gather [hbm4b:s2+s15], $0x80, s22, s15, $0xb8;
	[tilespmem:$0x11E80] =	vst v63  }
0xa7: {  	s11 =	rddreg [dreg:$0x10]  }
0xa8: {  	[tilespmem:s11], [sflag:$0x3] =	stream.indirect.gather [hbm4b:s2+s15], $0x80, s10, s15, $0xb8;
	[tilespmem:$0x11E80] =	vst v63  }
0xa9: {  	s30 =	sadd.s32 $0x50, s30  }
0xaa: {  	[tilespmem:s30], [sflag:$0x3] =	stream.indirect.gather [hbm4b:s3+s15], $0x1, s5, s15, $0xb8;
	[tilespmem:$0x11E80] =	vst v63  }
0xab: {  	_ =	swait.ge [sflag:s17], $0x1400  }
0xac: {  	[sflag:s17] =	ssyncset.done $0x0  }
0xad: {  	[sflag:s17] =	ssyncadd.s32 $0xFFFFEC00  }
0xae: {  	_ =	swait.ge [sflag:s17], $0x1400  }
0xaf: {  	[sflag:s17] =	ssyncset.done $0x0  }
0xb0: {  	[sflag:s17] =	ssyncadd.s32 $0xFFFFEC00  }
0xb1: {  	_ =	swait.ge [sflag:s17], $0x1400  }
0xb2: {  	[sflag:s17] =	ssyncset.done $0x0  }
0xb3: {  	[sflag:s17] =	ssyncadd.s32 $0xFFFFEC00  }
0xb4: {  	_ =	swait.ge [sflag:s17], $0x1400  }
0xb5: {  	[sflag:s17] =	ssyncset.done $0x0  }
0xb6: {  	[sflag:s17] =	ssyncadd.s32 $0xFFFFEC00  }
0xb7: {  	_ =	swait.ge [sflag:s17], $0x1400  }
0xb8: {  	[sflag:s17] =	ssyncset.done $0x0  }
0xb9: {  	[sflag:s17] =	ssyncadd.s32 $0xFFFFEC00  }
0xba: {  	_ =	swait.ge [sflag:s17], $0x1400  }
0xbb: {  	[sflag:s17] =	ssyncset.done $0x0  }
0xbc: {  	[sflag:s17] =	ssyncadd.s32 $0xFFFFEC00  }
0xbd: {  	_ =	swait.ge [sflag:s17], $0x1400  }
0xbe: {  	[sflag:s17] =	ssyncset.done $0x0  }
0xbf: {  	[sflag:s17] =	ssyncadd.s32 $0xFFFFEC00  }
0xc0: {  	_ =	swait.ge [sflag:s17], $0x28  }
0xc1: {  	p1 =	seq.s32 s0, $0x13B0;
	s1 =	rddreg [dreg:$0x5]  }
0xc2: {  	s8 =	sadd.s32 @!p1 s0, s1;
	s1 =	smov.u32 s0  }
0xc3: {  	s31 =	simm.s32 @!p1 $0x0;
	s1 =	simm.s32 @p1 $0x13B0  }
0xc4: {  	[sflag:s17] =	ssyncset.done $0x0;
	s0 =	sshrl.u32 @!p1 s8, $0x3;
	s21 =	sadd.s32 s4, s1  }
0xc5: {  	[sflag:s17] =	ssyncadd.s32 $0xFFFFFFD8;
	s0 =	sadd.s32 @!p1 s6, s0;
	s8 =	sshll.u32 s21, $0x4  }
0xc6: {  	[tilespmem:s31], [sflag:$0x1] =	stream.linear.gather @!p1 [hbm4b:s0+s31], $0x118, $0x38;
	[tilespmem:$0x11E80] =	vst v63  }
0xc7: {  	s22 =	sadd.s32 s7, s8;
	s8 =	simm.s32 @!p2 $0x6  }
0xc8: {  	[hbm4b:s22+s5] =	stream.linear.scatter [tilespmem:s16], [sflag:$0x5], $0x8C00, $0x38;
	[tilespmem:$0x11E80] =	vst v63  }
0xc9: {  	_ =	swait.ge @!p2 [sflag:s8], $0x8C00  }
0xca: {  	[sflag:s8] =	ssyncset.done @!p2 $0x0  }
0xcb: {  	[sflag:s8] =	ssyncadd.s32 @!p2 $0xFFFF7400  }
0xcc: {  	_ =	swait.ge [sflag:s18], $0x118  }
0xcd: {  	s0 =	rddreg [dreg:$0x1c]  }
0xce: {  	s8 =	rddreg [dreg:$0x19]  }
0xcf: {  	s9 =	rddreg [dreg:$0x16]  }
0xd0: {  	s10 =	rddreg [dreg:$0x14]  }
0xd1: {  	[sflag:s18] =	ssyncset.done $0x0;
	s11 =	rddreg [dreg:$0x13]  }
0xd2: {  	s23 =	rddreg [dreg:$0x11];
	[sflag:s18] =	ssyncadd.s32 $0xFFFFFEE8  }
0xd3: {  	[tilespmem:s19], [sflag:$0x4] =	stream.indirect.gather [hbm4b:s2+s15], $0x80, s13, s15, $0xb8;
	[tilespmem:$0x11E80] =	vst v63  }
0xd4: {  	s21 =	rddreg [dreg:$0x12]  }
0xd5: {  	[tilespmem:s21], [sflag:$0x4] =	stream.indirect.gather [hbm4b:s2+s15], $0x80, s23, s15, $0xb8;
	[tilespmem:$0x11E80] =	vst v63  }
0xd6: {  	s22 =	rddreg [dreg:$0x18]  }
0xd7: {  	[tilespmem:s10], [sflag:$0x4] =	stream.indirect.gather [hbm4b:s2+s15], $0x80, s11, s15, $0xb8;
	[tilespmem:$0x11E80] =	vst v63  }
0xd8: {  	s23 =	rddreg [dreg:$0x15]  }
0xd9: {  	[tilespmem:s9], [sflag:$0x4] =	stream.indirect.gather [hbm4b:s2+s15], $0x80, s23, s15, $0xb8;
	[tilespmem:$0x11E80] =	vst v63  }
0xda: {  	s11 =	rddreg [dreg:$0x17]  }
0xdb: {  	[tilespmem:s22], [sflag:$0x4] =	stream.indirect.gather [hbm4b:s2+s15], $0x80, s11, s15, $0xb8;
	[tilespmem:$0x11E80] =	vst v63  }
0xdc: {  	s21 =	rddreg [dreg:$0x1a]  }
0xdd: {  	[tilespmem:s21], [sflag:$0x4] =	stream.indirect.gather [hbm4b:s2+s15], $0x80, s8, s15, $0xb8;
	[tilespmem:$0x11E80] =	vst v63  }
0xde: {  	s22 =	rddreg [dreg:$0x1b]  }
0xdf: {  	[tilespmem:s0], [sflag:$0x4] =	stream.indirect.gather [hbm4b:s2+s15], $0x80, s22, s15, $0xb8;
	[tilespmem:$0x11E80] =	vst v63  }
0xe0: {  	s23 =	sadd.s32 $0x28, s30  }
0xe1: {  	[tilespmem:s23], [sflag:$0x4] =	stream.indirect.gather [hbm4b:s3+s15], $0x1, s13, s15, $0xb8;
	[tilespmem:$0x11E80] =	vst v63  }
0xe2: {  	_ =	swait.ge [sflag:s20], $0x1400  }
0xe3: {  	[sflag:s20] =	ssyncset.done $0x0  }
0xe4: {  	[sflag:s20] =	ssyncadd.s32 $0xFFFFEC00  }
0xe5: {  	_ =	swait.ge [sflag:s20], $0x1400  }
0xe6: {  	[sflag:s20] =	ssyncset.done $0x0  }
0xe7: {  	[sflag:s20] =	ssyncadd.s32 $0xFFFFEC00  }
0xe8: {  	_ =	swait.ge [sflag:s20], $0x1400  }
0xe9: {  	[sflag:s20] =	ssyncset.done $0x0  }
0xea: {  	[sflag:s20] =	ssyncadd.s32 $0xFFFFEC00  }
0xeb: {  	_ =	swait.ge [sflag:s20], $0x1400  }
0xec: {  	[sflag:s20] =	ssyncset.done $0x0  }
0xed: {  	[sflag:s20] =	ssyncadd.s32 $0xFFFFEC00  }
0xee: {  	_ =	swait.ge [sflag:s20], $0x1400  }
0xef: {  	s28 =	sadd.s32 $0x230, s28;
	[sflag:s20] =	ssyncset.done $0x0  }
0xf0: {  	p0 =	sne.s32 s28, $0x15E0;
	[sflag:s20] =	ssyncadd.s32 $0xFFFFEC00  }
.Ltmp0:
0xf1: {  	_ =	swait.ge [sflag:s20], $0x1400;
	(pc) =	sbr.rel @p0 .LBB2_2-.Ltmp0, $4  }
0xf2: {  	[sflag:s20] =	ssyncset.done $0x0  }
0xf3: {  	[sflag:s20] =	ssyncadd.s32 $0xFFFFEC00  }
0xf4: {  	_ =	swait.ge [sflag:s20], $0x1400  }
0xf5: {  	s26 =	smov.u32 s29;
	s29 =	sadd.s32 $0x2300, s29;
	[sflag:s20] =	ssyncset.done $0x0  }
0xf6: {  	[sflag:s20] =	ssyncadd.s32 $0xFFFFEC00  }
0xf7: {  	_ =	swait.ge [sflag:s20], $0x28  }
0xf8: {  	s0 =	rddreg [dreg:$0x4]  }
0xf9: {  	s0 =	sadd.s32 @!p1 s1, s0  }
0xfa: {  	[sflag:s20] =	ssyncset.done $0x0;
	s0 =	sshrl.u32 @!p1 s0, $0x3  }
0xfb: {  	s1 =	simm.s32 @!p1 $0x180;
	[sflag:s20] =	ssyncadd.s32 $0xFFFFFFD8;
	s0 =	sadd.s32 @!p1 s6, s0  }
0xfc: {  	[tilespmem:s1], [sflag:$0x2] =	stream.linear.gather @!p1 [hbm4b:s0+s31], $0x118, $0x38;
	[tilespmem:$0x11E80] =	vst v63  }
0xfd: {  	s28 =	simm.s32 $0x5  }
0xfe: {  	[hbm4b:s26+s5] =	stream.linear.scatter [tilespmem:s19], [sflag:$0x6], $0x8C00, $0x38;
	[tilespmem:$0x11E80] =	vst v63  }
0xff: {  	_ =	swait.ge [sflag:s28], $0x8C00  }
0x100: {  	[sflag:s28] =	ssyncset.done $0x0  }
0x101: {  	s29 =	simm.s32 $0x6;
	[sflag:s28] =	ssyncadd.s32 $0xFFFF7400  }
0x102: {  	_ =	swait.ge [sflag:s29], $0x8C00  }
0x103: {  	[sflag:s29] =	ssyncset.done $0x0  }
0x104: {  	s8 =	simm.s32 $0x11B00;
	s30 =	rddreg [dreg:$0x1f];
	[sflag:s29] =	ssyncadd.s32 $0xFFFF7400  }
0x105: {  	[hbm4b:s30+s5] =	stream.linear.scatter [tilespmem:s8], [sflag:$0x7], $0x320, $0x38;
	[tilespmem:$0x11E80] =	vst v63  }
0x106: {  	_ =	swait.ge [sflag:s24], $0x320  }
0x107: {  	s31 =	sld [smem:$0x7FD];
	_ =	sdelay $0x1  }
0x108: {  	s25 =	sadd.s32 $0x1, s25  }
0x109: {  	p0 =	sne.s32 s25, s31  }
.Ltmp1:
0x10a: {  	_ = 	snop;
	(pc) =	sbr.rel @p0 .LBB2_1-.Ltmp1, $3  }
0x10b: {  	_ =	sdelay $0x1  }
0x10c: {  	[sflag:s24] =	ssyncset.done $0x0  }
0x10d: {  	[sflag:s24] =	ssyncadd.s32 $0xFFFFFCE0  }
0x10e: {  	_ =	sfence.sel $0x180000  }
0x10f: {  	[bflag:$0x0] =	sbarrier.arrive $0xFFFF  }
0x110: {  	_ =	strace $0x9000004A  }
0x111: {  	s0 =	stileid.u32;
	[bflag:$0x2] =	sbarrier.arrive $0xFFFF  }
0x112: {  	p0 =	sne.s32 s0, $0x0;
	s0 =	rddreg [dreg:$0x3]  }
0x113: {  	s0 =	sadd.s32 @!p0 $0x100000, s0  }
0x114: {  	[sflag:s0] =	ssyncadd.tile.s32 @!p0 $0x1;
	_ =	shalt  }
.Lfunc_end2:
_tile_overlayer_lowered:
.L_overlay_start_2:
0x115: {  	(tag) =	ssettag $0x2  }
0x116: {  	s0 =	rddreg [dreg:$0x0];
	s2 =	stileid.u32  }
0x117: {  	s1 =	rddreg [dreg:$0x1];
	p0 =	sne.s32 s2, $0x0  }
0x118: {  	s3 =	rddreg [dreg:$0x2];
	[bflag:$0x3] =	sbarrier.arrive $0xFFFF;
	s2 =	simm.s32 @!p0 $0x1C07  }
0x119: {  	[timem:s3], [sflag:s2] =	dma.local @!p0 [hbm:s0], s1  }
0x11a: {  	s0 =	simm.s32 @!p0 $0x7  }
0x11b: {  	_ =	swait.ge @!p0 [sflag:s0], s1  }
0x11c: {  	s1 =	ssub.s32 @!p0 $0x0, s1;
	[sflag:s0] =	ssyncset.done @!p0 $0x0  }
0x11d: {  	[sflag:s0] =	ssyncadd.s32 @!p0 s1  }
0x11e: {  	[bflag:$0x3] =	sbarrier.arrive $0xFFFF  }
0x11f: {  	_ =	shalt  }

// kernel: kernel.19.cloned.1.call-start
scs
__scs_entry_jumppad:
0x0: {  	(pc) =	sbr.rel $0x88, $3  }
0x1: {  	(tag) =	ssettag $0x0;
	lr =	simm.s32 $0x1  }
0x2: {  	[smem:$0x3F98] =	sst lr;
	_ =	strace $0xD0000000  }
0x3: {  	_ = 	snop  }
0x4: {  	_ = 	snop  }
0x5: {  	_ = 	snop  }
0x6: {  	_ = 	snop  }
0x7: {  	_ = 	snop  }
__scs_overlays_trampoline_lowered:
0x8: {  	[smem:$0x3FA7] =	sst s0  }
0x9: {  	[smem:$0x3FA8] =	sst s1  }
0xa: {  	[smem:$0x3FA9] =	sst s2  }
0xb: {  	[smem:$0x3FAA] =	sst s3  }
0xc: {  	[smem:$0x3FAB] =	sst s4  }
0xd: {  	[smem:$0x3FAC] =	sst s5  }
0xe: {  	[smem:$0x3FAD] =	sst s6  }
0xf: {  	[smem:$0x3FAE] =	sst s7  }
0x10: {  	[smem:$0x3FAF] =	sst s8  }
0x11: {  	[smem:$0x3FB0] =	sst s9;
	s0 =	simm.s32 @!p0 $0x0  }
0x12: {  	s1 =	sld [smem:$0x3F96];
	s0 =	simm.s32 @p0 $0x1  }
0x13: {  	[smem:$0x3FB1] =	sst s0;
	s0 =	simm.s32 @!p1 $0x0  }
0x14: {  	s2 =	sld [smem:$0x3F95];
	s0 =	simm.s32 @p1 $0x1  }
0x15: {  	[smem:$0x3FB2] =	sst s0;
	s0 =	simm.s32 @!p2 $0x0  }
0x16: {  	s3 =	sld [smem:$0x3FDB];
	s0 =	simm.s32 @p2 $0x1  }
0x17: {  	s4 =	simm.s32 $0x1BF5;
	[smem:$0x3FB4] =	sst s0  }
0x18: {  	s0 =	sld [smem:$0x3F97];
	_ =	swait.ge [sflag:s4], $0x0  }
0x19: {  	s7 =	sld [smem:$0x3F98]  }
0x1a: {  	s8 =	sadd.s32 $0xFFFFE003, lr  }
0x1b: {  	s9 =	sadd.s32 $0xFFFFFEF7, lr;
	s5 =	simm.s32 $0xFFFFFFFF;
	p2 =	slt.u32 s8, $0xFFFFF086  }
0x1c: {  	p1 =	slt.u32 s9, $0xF7A;
	s5 =	simm.s32 @!p2 $0x0  }
0x1d: {  	s5 =	simm.s32 @p1 $0x1;
	p0 =	seq.s32 s7, s2  }
0x1e: {  	s7 =	smul.u32 @!p0 $0xF7A, s2;
	p2 =	seq.s32 @!p0 s5, $0x0  }
0x1f: {  	s9 =	smul.u32 $0xF7A, s1;
	s8 =	simm.s32 @!p0 $0x1BF5;
	p2 =	por !p2, p0  }
0x20: {  	[sflag:s8] =	ssyncset.s32 @!p0 $0xFFFFF086;
	s6 =	sadd.s32 @!p0 s3, s7;
	s7 =	simm.s32 @!p0 $0x108  }
0x21: {  	s3 =	sadd.s32 s3, s9;
	s6 =	sadd.s32 @!p0 $0x88, s6;
	s7 =	simm.s32 @p2 $0x1082  }
0x22: {  	[simem:s7], [sflag:s8] =	dma.local @!p0 [hbm:s6], $0xF7A  }
0x23: {  	s9 =	sor.u32 $0xD0000000, s2;
	s6 =	simm.s32 $0x108;
	_ =	swait.ge @!p0 [sflag:s8], $0x0  }
0x24: {  	s3 =	sadd.s32 $0x88, s3;
	s6 =	simm.s32 @!p1 $0x1082;
	[sflag:s4] =	ssyncset.s32 $0xFFFFF086  }
0x25: {  	[simem:s6], [sflag:s4] =	dma.local [hbm:s3], $0xF7A  }
0x26: {  	[smem:$0x3F98] =	sst s1;
	(tag) =	ssettag s2;
	_ =	strace s9  }
0x27: {  	s1 =	sld [smem:$0x3FA8]  }
0x28: {  	s2 =	sld [smem:$0x3FA9]  }
0x29: {  	s4 =	sld [smem:$0x3FAB]  }
0x2a: {  	p0 =	seq.s32 s5, $0x0;
	s5 =	sld [smem:$0x3FAC]  }
0x2b: {  	s6 =	sld [smem:$0x3FAD]  }
0x2c: {  	s7 =	sld [smem:$0x3FAE]  }
0x2d: {  	s3 =	simm.s32 $0x108;
	s8 =	sld [smem:$0x3FAF]  }
0x2e: {  	s3 =	simm.s32 @!p0 $0x1082;
	s9 =	sld [smem:$0x3FB0]  }
0x2f: {  	lr =	sadd.s32 s0, s3;
	s0 =	sld [smem:$0x3FA7]  }
0x30: {  	s3 =	sld [smem:$0x3FAA]  }
0x31: {  	[smem:$0x3FB3] =	sst s10  }
0x32: {  	s10 =	sld [smem:$0x3FB1];
	_ =	sdelay $0x3  }
0x33: {  	p0 =	seq.s32 s10, $0x1;
	s10 =	sld [smem:$0x3FB3];
	_ =	sdelay $0x3  }
0x34: {  	[smem:$0x3FB3] =	sst s10  }
0x35: {  	s10 =	sld [smem:$0x3FB2];
	_ =	sdelay $0x3  }
0x36: {  	p1 =	seq.s32 s10, $0x1;
	s10 =	sld [smem:$0x3FB3];
	_ =	sdelay $0x3  }
0x37: {  	[smem:$0x3FB3] =	sst s10  }
0x38: {  	s10 =	sld [smem:$0x3FB4]  }
0x39: {  	_ = 	snop;
	(pc) =	sbr.ind lr, $3  }
0x3a: {  	_ = 	snop  }
0x3b: {  	_ = 	snop  }
0x3c: {  	p2 =	seq.s32 s10, $0x1;
	s10 =	sld [smem:$0x3FB3]  }
0x3d: {  	_ =	shalt  }
0x3e: {  	_ =	shalt  }
0x3f: {  	_ =	shalt  }
0x40: {  	_ =	shalt  }
0x41: {  	_ =	shalt  }
0x42: {  	_ =	shalt  }
0x43: {  	_ =	shalt  }
0x44: {  	_ =	shalt  }
0x45: {  	_ =	shalt  }
0x46: {  	_ =	shalt  }
0x47: {  	_ =	shalt  }
0x48: {  	_ =	shalt  }
0x49: {  	_ =	shalt  }
0x4a: {  	_ =	shalt  }
0x4b: {  	_ =	shalt  }
0x4c: {  	_ =	shalt  }
0x4d: {  	_ =	shalt  }
0x4e: {  	_ =	shalt  }
0x4f: {  	_ =	shalt  }
0x50: {  	_ =	shalt  }
0x51: {  	_ =	shalt  }
0x52: {  	_ =	shalt  }
0x53: {  	_ =	shalt  }
0x54: {  	_ =	shalt  }
0x55: {  	_ =	shalt  }
0x56: {  	_ =	shalt  }
0x57: {  	_ =	shalt  }
0x58: {  	_ =	shalt  }
0x59: {  	_ =	shalt  }
0x5a: {  	_ =	shalt  }
0x5b: {  	_ =	shalt  }
0x5c: {  	_ =	shalt  }
0x5d: {  	_ =	shalt  }
0x5e: {  	_ =	shalt  }
0x5f: {  	_ =	shalt  }
0x60: {  	_ =	shalt  }
0x61: {  	_ =	shalt  }
0x62: {  	_ =	shalt  }
0x63: {  	_ =	shalt  }
0x64: {  	_ =	shalt  }
0x65: {  	_ =	shalt  }
0x66: {  	_ =	shalt  }
0x67: {  	_ =	shalt  }
0x68: {  	_ =	shalt  }
0x69: {  	_ =	shalt  }
0x6a: {  	_ =	shalt  }
0x6b: {  	_ =	shalt  }
0x6c: {  	_ =	shalt  }
0x6d: {  	_ =	shalt  }
0x6e: {  	_ =	shalt  }
0x6f: {  	_ =	shalt  }
0x70: {  	_ =	shalt  }
0x71: {  	_ =	shalt  }
0x72: {  	_ =	shalt  }
0x73: {  	_ =	shalt  }
0x74: {  	_ =	shalt  }
0x75: {  	_ =	shalt  }
0x76: {  	_ =	shalt  }
0x77: {  	_ =	shalt  }
0x78: {  	_ =	shalt  }
0x79: {  	_ =	shalt  }
0x7a: {  	_ =	shalt  }
0x7b: {  	_ =	shalt  }
0x7c: {  	_ =	shalt  }
0x7d: {  	_ =	shalt  }
0x7e: {  	_ =	shalt  }
0x7f: {  	_ =	shalt  }
0x80: {  	_ =	shalt  }
0x81: {  	_ =	shalt  }
0x82: {  	_ =	shalt  }
0x83: {  	_ =	shalt  }
0x84: {  	_ =	shalt  }
0x85: {  	_ =	shalt  }
0x86: {  	_ =	shalt  }
0x87: {  	_ =	shalt  }
.Lfunc_end0:
.L_simem_size_0:
called_computation.3_lowered:
.L_overlay_start_0:
0x88: {  	s2 =	sld [smem:$0x3FD9]  }
0x89: {  	s3 =	sld [smem:$0x3FFE];
	_ =	sdelay $0x1  }
0x8a: {  	s1 =	srdreg.scid  }
0x8b: {  	s0 =	sand.u32 $0x1, s1  }
0x8c: {  	s17 =	sshll.u32 s0, $0xA;
	s2 =	sadd.s32 s3, s2  }
0x8d: {  	s2 =	sadd.s32 s2, s17  }
0x8e: {  	[smem:$0x3FBF] =	sst s2  }
0x8f: {  	_ = 	snop  }
0x90: {  	s2 =	sld [smem:$0x3FC2]  }
0x91: {  	s18 =	sld [smem:$0x3FD0];
	(tm) =	ssettm $0x1  }
0x92: {  	s4 =	sld [smem:$0x3FFB];
	_ =	sdelay $0x3  }
0x93: {  	_ =	strace s4  }
0x94: {  	s4 =	sld [smem:$0x3FFC];
	_ =	sdelay $0x3  }
0x95: {  	_ =	strace s4  }
0x96: {  	s4 =	sld [smem:$0x3FFD];
	_ =	sdelay $0x3  }
0x97: {  	_ =	strace s4  }
0x98: {  	_ =	strace $0x8FFFFFFF  }
0x99: {  	s19 =	sld [smem:$0x3FDB];
	_ =	sdelay $0x1  }
0x9a: {  	s5 =	simm.s32 $_scs_section_size  }
0x9b: {  	s6 =	simm.s32 $_size__tile_overlayer_lowered;
	s7 =	simm.s32 $_tile_overlayer_lowered  }
0x9c: {  	s22 =	simm.s32 $0x1BFF;
	s21 =	sshll.u32 s7, $0x1;
	s4 =	sadd.s32 s5, s19  }
0x9d: {  	s8 =	simm.s32 $0x0;
	s20 =	sshll.u32 s6, $0x1;
	s6 =	sadd.s32 s21, s4  }
0x9e: {  	[timem:s8], [sflag:s22] =	dma.local [hbm:s6], s20  }
0x9f: {  	_ =	swait.ge [sflag:s22], s20  }
0xa0: {  	s5 =	ssub.s32 $0x0, s20;
	[sflag:s22] =	ssyncset.done $0x0  }
0xa1: {  	[sflag:s22] =	ssyncadd.s32 s5;
	_ =	sdelay $0x1  }
0xa2: {  	s23 =	simm.s32 $0x1B8B  }
0xa3: {  	_ =	swait.ge [sflag:s23], $0x1  }
0xa4: {  	[sflag:s23] =	ssyncset.done $0x0  }
0xa5: {  	s25 =	simm.s32 $0x1B8E;
	s24 =	sld [smem:$0x3FFE];
	[sflag:s23] =	ssyncadd.s32 $0xFFFFFFFF  }
0xa6: {  	s26 =	simm.s32 $execute0_lowered;
	[smem:$0x3FD2] =	sst s25  }
0xa7: {  	s6 =	sshll.u32 s26, $0x1;
	_ =	strace $0x80000046;
	[dreg:$0x1] =	wrdreg $0xFFFFFFFF  }
0xa8: {  	s28 =	simm.s32 $_size_execute0_lowered;
	s4 =	sadd.s32 s4, s6;
	[dreg:$0x0] =	wrdreg $0x0  }
0xa9: {  	s6 =	sshll.u32 s28, $0x1;
	[dreg:$0x2] =	wrdreg s4  }
0xaa: {  	[dreg:$0x3] =	wrdreg s6  }
0xab: {  	[dreg:$0x4] =	wrdreg $0xC0  }
0xac: {  	_ =	task [dreg:s8], $0x5FFFF  }
0xad: {  	[dreg:$0x1] =	wrdreg $0xFFFFFFFF  }
0xae: {  	[dreg:$0x0] =	wrdreg $0x60  }
0xaf: {  	[dreg:$0x2] =	wrdreg s2  }
0xb0: {  	[dreg:$0x3] =	wrdreg s18  }
0xb1: {  	[dreg:$0x4] =	wrdreg s24  }
0xb2: {  	[dreg:$0x5] =	wrdreg $0xC  }
0xb3: {  	_ =	task.clear_ibuf [dreg:s8], $0x6FFFF;
	_ =	strace $0x90000046  }
0xb4: {  	s29 =	simm.s32 $0xC;
	_ =	strace $0x80000048  }
0xb5: {  	_ =	swait.ge [sflag:s29], $0x1  }
0xb6: {  	[sflag:s29] =	ssyncadd.s32 $0xFFFFFFFF  }
0xb7: {  	_ =	strace $0x90000048  }
0xb8: {  	_ =	sfence  }
0xb9: {  	s30 =	sld [smem:$0x0];
	_ =	sdelay $0x2  }
0xba: {  	s31 =	sshll.u32 s1, $0xD;
	s1 =	sshrl.u32 s1, $0x2  }
0xbb: {  	s3 =	sand.u32 $0x4000, s31;
	s1 =	sadd.s32 s1, s30  }
0xbc: {  	s0 =	sor.u32 s3, s0;
	s1 =	sshll.u32 s1, $0x11  }
0xbd: {  	s0 =	sor.u32 s1, s0  }
0xbe: {  	s0 =	sadd.s32 $0x8F2B, s0  }
0xbf: {  	[sflag:s0] =	ssyncadd.remote.s32 $0x1  }
0xc0: {  	_ =	sfence.sel $0xFFFF  }
0xc1: {  	[dreg:$0x0] =	wrdreg $0xFFFFFFFF;
	(pc) =	sbr.abs _section_cstart, $3  }
0xc2: {  	[dreg:$0x1] =	wrdreg $0xFFFFFFFF  }
0xc3: {  	_ =	task.clear_ibuf [dreg:s8], $0x2FFFF;
	_ =	strace $0x9FFFFFFF  }
0xc4: {  	(tm) =	ssettm $0x7FFFFFFF  }
0xc5: {  	_ =	shalt  }
tec
execute0_lowered:
.L_overlay_start_1:
0x0: {  	(tag) =	ssettag $0x1  }
0x1: {  	s2 =	rddreg [dreg:$0x0]  }
0x2: {  	s3 =	rddreg [dreg:$0x1]  }
0x3: {  	s8 =	rddreg [dreg:$0x2];
	s5 =	simm.s32 $0x0  }
0x4: {  	s22 =	simm.s32 $0x1700;
	[smem:$0x7FF] =	sst s5  }
0x5: {  	s23 =	simm.s32 $0x50;
	_ =	strace $0x80000047;
	[dreg:$0x6] =	wrdreg s22  }
0x6: {  	s0 =	srdreg.scid;
	s24 =	simm.s32 $0x2B00;
	[dreg:$0x7] =	wrdreg s23  }
0x7: {  	s13 =	stileid.u32;
	s26 =	simm.s32 $0x78;
	[dreg:$0x8] =	wrdreg s24  }
0x8: {  	s28 =	simm.s32 $0x3F00;
	s29 =	simm.s32 $0xA0;
	[dreg:$0x9] =	wrdreg s26  }
0x9: {  	s31 =	simm.s32 $0x5300;
	s14 =	simm.s32 $0x6700;
	[dreg:$0xa] =	wrdreg s28  }
0xa: {  	s16 =	simm.s32 $0x7B00;
	s17 =	simm.s32 $0x1A8;
	[dreg:$0xb] =	wrdreg s29  }
0xb: {  	s19 =	simm.s32 $0xA300;
	s21 =	simm.s32 $0x1D0;
	[dreg:$0xc] =	wrdreg s31  }
0xc: {  	s0 =	sand.u32 $0x1, s0;
	s6 =	smul.u32 $0x2BC0, s13;
	[dreg:$0xe] =	wrdreg s14  }
0xd: {  	s1 =	sshll.u32 s13, $0x1;
	s20 =	smul.u32 $0x2BC00, s13;
	[dreg:$0x10] =	wrdreg s16  }
0xe: {  	s13 =	simm.s32 $0x180;
	s1 =	sor.u32 s0, s1;
	[dreg:$0x11] =	wrdreg s17  }
0xf: {  	s7 =	smul.u32 $0x15E0, s0;
	s25 =	ssub.s32 $0x2, s0;
	[dreg:$0x12] =	wrdreg s19  }
0x10: {  	s0 =	smul.u32 $0x15E00, s0;
	[dreg:$0x13] =	wrdreg s21;
	s22 =	simm.s32 $0xB700  }
0x11: {  	s23 =	simm.s32 $0x1F8;
	s24 =	simm.s32 $0xCB00;
	[dreg:$0x14] =	wrdreg s22  }
0x12: {  	s26 =	simm.s32 $0xDF00;
	s14 =	simm.s32 $0x1;
	[dreg:$0x15] =	wrdreg s23  }
0x13: {  	s28 =	simm.s32 $0x248;
	s29 =	simm.s32 $0xF300;
	[dreg:$0x16] =	wrdreg s24  }
0x14: {  	s16 =	simm.s32 $0x300;
	s17 =	simm.s32 $0x3;
	[dreg:$0x18] =	wrdreg s26  }
0x15: {  	s31 =	simm.s32 $0x10700;
	s4 =	smul.u32 $0x15E0, s1;
	[dreg:$0x19] =	wrdreg s28  }
0x16: {  	s19 =	simm.s32 $0x8F00;
	s1 =	smul.u32 $0x64, s1;
	[dreg:$0x1a] =	wrdreg s29  }
0x17: {  	s10 =	sshrl.u32 s25, $0x1;
	[dreg:$0x1c] =	wrdreg s31;
	s24 =	simm.s32 $0x7  }
0x18: {  	s7 =	sadd.s32 s7, s6;
	s6 =	sadd.s32 $0x3600, s8;
	s11 =	ssub.s32 s25, s10  }
0x19: {  	s10 =	simm.s32 $0xC8;
	s25 =	simm.s32 $0x220;
	s9 =	sadd.s32 $0x348, s4  }
0x1a: {  	s7 =	sadd.s32 $0x230, s7;
	s1 =	sadd.s32 s1, s8;
	[dreg:$0xd] =	wrdreg s10  }
0x1b: {  	s30 =	sshrl.u32 s4, $0x3;
	s12 =	sadd.s32 $0x118, s4;
	[dreg:$0x17] =	wrdreg s25  }
0x1c: {  	s18 =	smax.u32 s11, $0x1;
	s25 =	simm.s32 $0x0;
	[dreg:$0x4] =	wrdreg s9  }
0x1d: {  	[dreg:$0x5] =	wrdreg s7;
	s7 =	sadd.s32 $0x9C00, s8;
	s9 =	sadd.s32 s6, s30  }
0x1e: {  	s10 =	sshrl.u32 s12, $0x3;
	s12 =	simm.s32 $0xF0;
	[smem:$0x7FD] =	sst s18  }
0x1f: {  	s1 =	sadd.s32 $0x8E00, s1;
	s30 =	simm.s32 $0x270;
	[dreg:$0x1d] =	wrdreg s9  }
0x20: {  	s18 =	simm.s32 $0x2;
	s8 =	simm.s32 $0x11B00;
	[dreg:$0xf] =	wrdreg s12  }
0x21: {  	s15 =	sadd.s32 s6, s10;
	[dreg:$0x1f] =	wrdreg s1;
	s12 =	sadd.s32 s20, s7  }
0x22: {  	[dreg:$0x1b] =	wrdreg s30;
	s20 =	simm.s32 $0x4;
	s0 =	sadd.s32 s0, s12  }
0x23: {  	[dreg:$0x1e] =	wrdreg s15;
	s15 =	simm.s32 $0x28;
	s12 =	sadd.s32 $0x1180, s0  }
.LBB2_1:
0x24: {  	s0 =	rddreg [dreg:$0x1d];
	p0 =	por $0x1, $0x1  }
0x25: {  	[tilespmem:s5], [sflag:$0x1] =	stream.linear.gather [hbm4b:s0+s5], $0x118, $0x38;
	[tilespmem:$0x11E80] =	vst v63  }
0x26: {  	s9 =	rddreg [dreg:$0x1e];
	s0 =	simm.s32 @!p0 $0x5  }
0x27: {  	[tilespmem:s13], [sflag:$0x2] =	stream.linear.gather [hbm4b:s9+s5], $0x118, $0x38;
	[tilespmem:$0x11E80] =	vst v63  }
0x28: {  	_ =	swait.ge @!p0 [sflag:s0], $0x8C00  }
0x29: {  	[sflag:s0] =	ssyncset.done @!p0 $0x0  }
0x2a: {  	[sflag:s0] =	ssyncadd.s32 @!p0 $0xFFFF7400  }
0x2b: {  	_ =	swait.ge [sflag:s14], $0x118  }
0x2c: {  	s10 =	rddreg [dreg:$0xc]  }
0x2d: {  	s1 =	rddreg [dreg:$0x7]  }
0x2e: {  	s26 =	rddreg [dreg:$0x6]  }
0x2f: {  	[sflag:s14] =	ssyncset.done $0x0;
	s28 =	rddreg [dreg:$0xa]  }
0x30: {  	s29 =	rddreg [dreg:$0x8];
	[sflag:s14] =	ssyncadd.s32 $0xFFFFFEE8  }
0x31: {  	[tilespmem:s16], [sflag:$0x3] =	stream.indirect.gather [hbm4b:s2+s15], $0x80, s5, s15, $0xb8;
	[tilespmem:$0x11E80] =	vst v63  }
0x32: {  	s30 =	rddreg [dreg:$0x9]  }
0x33: {  	[tilespmem:s26], [sflag:$0x3] =	stream.indirect.gather [hbm4b:s2+s15], $0x80, s15, s15, $0xb8;
	[tilespmem:$0x11E80] =	vst v63  }
0x34: {  	s11 =	rddreg [dreg:$0xb]  }
0x35: {  	[tilespmem:s29], [sflag:$0x3] =	stream.indirect.gather [hbm4b:s2+s15], $0x80, s1, s15, $0xb8;
	[tilespmem:$0x11E80] =	vst v63  }
0x36: {  	s21 =	rddreg [dreg:$0xe]  }
0x37: {  	[tilespmem:s28], [sflag:$0x3] =	stream.indirect.gather [hbm4b:s2+s15], $0x80, s30, s15, $0xb8;
	[tilespmem:$0x11E80] =	vst v63  }
0x38: {  	s22 =	rddreg [dreg:$0x10]  }
0x39: {  	[tilespmem:s10], [sflag:$0x3] =	stream.indirect.gather [hbm4b:s2+s15], $0x80, s11, s15, $0xb8;
	[tilespmem:$0x11E80] =	vst v63  }
0x3a: {  	s29 =	rddreg [dreg:$0xd]  }
0x3b: {  	[tilespmem:s21], [sflag:$0x3] =	stream.indirect.gather [hbm4b:s2+s15], $0x80, s29, s15, $0xb8;
	[tilespmem:$0x11E80] =	vst v63  }
0x3c: {  	s28 =	rddreg [dreg:$0xf]  }
0x3d: {  	[tilespmem:s22], [sflag:$0x3] =	stream.indirect.gather [hbm4b:s2+s15], $0x80, s28, s15, $0xb8;
	[tilespmem:$0x11E80] =	vst v63  }
0x3e: {  	_ = 	snop  }
0x3f: {  	[tilespmem:s8], [sflag:$0x3] =	stream.indirect.gather [hbm4b:s3+s15], $0x1, s5, s15, $0xb8;
	[tilespmem:$0x11E80] =	vst v63  }
0x40: {  	_ =	swait.ge [sflag:s17], $0x1400  }
0x41: {  	[sflag:s17] =	ssyncset.done $0x0  }
0x42: {  	[sflag:s17] =	ssyncadd.s32 $0xFFFFEC00  }
0x43: {  	_ =	swait.ge [sflag:s17], $0x1400  }
0x44: {  	[sflag:s17] =	ssyncset.done $0x0  }
0x45: {  	[sflag:s17] =	ssyncadd.s32 $0xFFFFEC00  }
0x46: {  	_ =	swait.ge [sflag:s17], $0x1400  }
0x47: {  	[sflag:s17] =	ssyncset.done $0x0  }
0x48: {  	[sflag:s17] =	ssyncadd.s32 $0xFFFFEC00  }
0x49: {  	_ =	swait.ge [sflag:s17], $0x1400  }
0x4a: {  	[sflag:s17] =	ssyncset.done $0x0  }
0x4b: {  	[sflag:s17] =	ssyncadd.s32 $0xFFFFEC00  }
0x4c: {  	_ =	swait.ge [sflag:s17], $0x1400  }
0x4d: {  	[sflag:s17] =	ssyncset.done $0x0  }
0x4e: {  	[sflag:s17] =	ssyncadd.s32 $0xFFFFEC00  }
0x4f: {  	_ =	swait.ge [sflag:s17], $0x1400  }
0x50: {  	[sflag:s17] =	ssyncset.done $0x0  }
0x51: {  	[sflag:s17] =	ssyncadd.s32 $0xFFFFEC00  }
0x52: {  	_ =	swait.ge [sflag:s17], $0x1400  }
0x53: {  	[sflag:s17] =	ssyncset.done $0x0  }
0x54: {  	[sflag:s17] =	ssyncadd.s32 $0xFFFFEC00  }
0x55: {  	_ =	swait.ge [sflag:s17], $0x28  }
0x56: {  	p1 =	por $0x0, $0x0;
	s1 =	simm.s32 $0x0;
	s0 =	rddreg [dreg:$0x5]  }
0x57: {  	s31 =	simm.s32 @!p1 $0x0;
	s1 =	simm.s32 @p1 $0x13B0;
	s0 =	sadd.s32 @!p1 $0x0, s0  }
0x58: {  	s23 =	sadd.s32 s4, s1;
	[sflag:s17] =	ssyncset.done $0x0;
	s0 =	sshrl.u32 @!p1 s0, $0x3  }
0x59: {  	s26 =	sshll.u32 s23, $0x4;
	[sflag:s17] =	ssyncadd.s32 $0xFFFFFFD8;
	s0 =	sadd.s32 @!p1 s6, s0  }
0x5a: {  	[tilespmem:s31], [sflag:$0x1] =	stream.linear.gather @!p1 [hbm4b:s0+s31], $0x118, $0x38;
	[tilespmem:$0x11E80] =	vst v63  }
0x5b: {  	s8 =	sadd.s32 s7, s26;
	s26 =	simm.s32 @!p0 $0x6  }
0x5c: {  	[hbm4b:s8+s5] =	stream.linear.scatter [tilespmem:s16], [sflag:$0x5], $0x8C00, $0x38;
	[tilespmem:$0x11E80] =	vst v63  }
0x5d: {  	_ =	swait.ge @!p0 [sflag:s26], $0x8C00  }
0x5e: {  	[sflag:s26] =	ssyncset.done @!p0 $0x0  }
0x5f: {  	[sflag:s26] =	ssyncadd.s32 @!p0 $0xFFFF7400  }
0x60: {  	_ =	swait.ge [sflag:s18], $0x118  }
0x61: {  	s9 =	rddreg [dreg:$0x14]  }
0x62: {  	s10 =	rddreg [dreg:$0x11]  }
0x63: {  	s28 =	rddreg [dreg:$0x12]  }
0x64: {  	s29 =	rddreg [dreg:$0x13]  }
0x65: {  	[sflag:s18] =	ssyncset.done $0x0;
	s11 =	rddreg [dreg:$0x16]  }
0x66: {  	s21 =	rddreg [dreg:$0x18];
	[sflag:s18] =	ssyncadd.s32 $0xFFFFFEE8  }
0x67: {  	[tilespmem:s19], [sflag:$0x4] =	stream.indirect.gather [hbm4b:s2+s15], $0x80, s13, s15, $0xb8;
	[tilespmem:$0x11E80] =	vst v63  }
0x68: {  	s22 =	rddreg [dreg:$0x19]  }
0x69: {  	[tilespmem:s28], [sflag:$0x4] =	stream.indirect.gather [hbm4b:s2+s15], $0x80, s10, s15, $0xb8;
	[tilespmem:$0x11E80] =	vst v63  }
0x6a: {  	s23 =	rddreg [dreg:$0x1c]  }
0x6b: {  	[tilespmem:s9], [sflag:$0x4] =	stream.indirect.gather [hbm4b:s2+s15], $0x80, s29, s15, $0xb8;
	[tilespmem:$0x11E80] =	vst v63  }
0x6c: {  	s28 =	rddreg [dreg:$0x15]  }
0x6d: {  	[tilespmem:s11], [sflag:$0x4] =	stream.indirect.gather [hbm4b:s2+s15], $0x80, s28, s15, $0xb8;
	[tilespmem:$0x11E80] =	vst v63  }
0x6e: {  	s29 =	rddreg [dreg:$0x17]  }
0x6f: {  	[tilespmem:s21], [sflag:$0x4] =	stream.indirect.gather [hbm4b:s2+s15], $0x80, s29, s15, $0xb8;
	[tilespmem:$0x11E80] =	vst v63  }
0x70: {  	s28 =	rddreg [dreg:$0x1a]  }
0x71: {  	[tilespmem:s28], [sflag:$0x4] =	stream.indirect.gather [hbm4b:s2+s15], $0x80, s22, s15, $0xb8;
	[tilespmem:$0x11E80] =	vst v63  }
0x72: {  	s29 =	rddreg [dreg:$0x1b]  }
0x73: {  	[tilespmem:s23], [sflag:$0x4] =	stream.indirect.gather [hbm4b:s2+s15], $0x80, s29, s15, $0xb8;
	[tilespmem:$0x11E80] =	vst v63  }
0x74: {  	s26 =	simm.s32 $0x11B28  }
0x75: {  	[tilespmem:s26], [sflag:$0x4] =	stream.indirect.gather [hbm4b:s3+s15], $0x1, s13, s15, $0xb8;
	[tilespmem:$0x11E80] =	vst v63  }
0x76: {  	_ =	swait.ge [sflag:s20], $0x1400  }
0x77: {  	[sflag:s20] =	ssyncset.done $0x0  }
0x78: {  	[sflag:s20] =	ssyncadd.s32 $0xFFFFEC00  }
0x79: {  	_ =	swait.ge [sflag:s20], $0x1400  }
0x7a: {  	[sflag:s20] =	ssyncset.done $0x0  }
0x7b: {  	[sflag:s20] =	ssyncadd.s32 $0xFFFFEC00  }
0x7c: {  	_ =	swait.ge [sflag:s20], $0x1400  }
0x7d: {  	[sflag:s20] =	ssyncset.done $0x0  }
0x7e: {  	[sflag:s20] =	ssyncadd.s32 $0xFFFFEC00  }
0x7f: {  	_ =	swait.ge [sflag:s20], $0x1400  }
0x80: {  	[sflag:s20] =	ssyncset.done $0x0  }
0x81: {  	[sflag:s20] =	ssyncadd.s32 $0xFFFFEC00  }
0x82: {  	_ =	swait.ge [sflag:s20], $0x1400  }
0x83: {  	[sflag:s20] =	ssyncset.done $0x0  }
0x84: {  	[sflag:s20] =	ssyncadd.s32 $0xFFFFEC00  }
0x85: {  	_ =	swait.ge [sflag:s20], $0x1400  }
0x86: {  	[sflag:s20] =	ssyncset.done $0x0  }
0x87: {  	[sflag:s20] =	ssyncadd.s32 $0xFFFFEC00  }
0x88: {  	s30 =	simm.s32 $0x11B00;
	s28 =	simm.s32 $0x230;
	_ =	swait.ge [sflag:s20], $0x1400  }
0x89: {  	s29 =	sadd.s32 $0x2300, s12;
	s26 =	smov.u32 s12;
	[sflag:s20] =	ssyncset.done $0x0  }
.LBB2_2:
0x8a: {  	[sflag:s20] =	ssyncadd.s32 $0xFFFFEC00  }
0x8b: {  	_ =	swait.ge [sflag:s20], $0x28  }
0x8c: {  	s8 =	rddreg [dreg:$0x4]  }
0x8d: {  	s0 =	smov.u32 s28;
	s1 =	sadd.s32 @!p1 s1, s8  }
0x8e: {  	p2 =	seq.s32 s0, $0x0;
	[sflag:s20] =	ssyncset.done $0x0;
	s1 =	sshrl.u32 @!p1 s1, $0x3  }
0x8f: {  	s8 =	simm.s32 @!p1 $0x180;
	[sflag:s20] =	ssyncadd.s32 $0xFFFFFFD8;
	s1 =	sadd.s32 @!p1 s6, s1  }
0x90: {  	[tilespmem:s8], [sflag:$0x2] =	stream.linear.gather @!p1 [hbm4b:s1+s31], $0x118, $0x38;
	[tilespmem:$0x11E80] =	vst v63  }
0x91: {  	s1 =	simm.s32 @!p2 $0x5  }
0x92: {  	[hbm4b:s26+s5] =	stream.linear.scatter [tilespmem:s19], [sflag:$0x6], $0x8C00, $0x38;
	[tilespmem:$0x11E80] =	vst v63  }
0x93: {  	_ =	swait.ge @!p2 [sflag:s1], $0x8C00  }
0x94: {  	[sflag:s1] =	ssyncset.done @!p2 $0x0  }
0x95: {  	[sflag:s1] =	ssyncadd.s32 @!p2 $0xFFFF7400  }
0x96: {  	_ =	swait.ge [sflag:s14], $0x118  }
0x97: {  	s1 =	rddreg [dreg:$0xc]  }
0x98: {  	s21 =	rddreg [dreg:$0x7]  }
0x99: {  	s31 =	rddreg [dreg:$0x6]  }
0x9a: {  	[sflag:s14] =	ssyncset.done $0x0;
	s9 =	rddreg [dreg:$0xa]  }
0x9b: {  	s10 =	rddreg [dreg:$0x8];
	[sflag:s14] =	ssyncadd.s32 $0xFFFFFEE8  }
0x9c: {  	[tilespmem:s16], [sflag:$0x3] =	stream.indirect.gather [hbm4b:s2+s15], $0x80, s5, s15, $0xb8;
	[tilespmem:$0x11E80] =	vst v63  }
0x9d: {  	s11 =	rddreg [dreg:$0x9]  }
0x9e: {  	[tilespmem:s31], [sflag:$0x3] =	stream.indirect.gather [hbm4b:s2+s15], $0x80, s15, s15, $0xb8;
	[tilespmem:$0x11E80] =	vst v63  }
0x9f: {  	s23 =	rddreg [dreg:$0xb]  }
0xa0: {  	[tilespmem:s10], [sflag:$0x3] =	stream.indirect.gather [hbm4b:s2+s15], $0x80, s21, s15, $0xb8;
	[tilespmem:$0x11E80] =	vst v63  }
0xa1: {  	s22 =	rddreg [dreg:$0xd]  }
0xa2: {  	[tilespmem:s9], [sflag:$0x3] =	stream.indirect.gather [hbm4b:s2+s15], $0x80, s11, s15, $0xb8;
	[tilespmem:$0x11E80] =	vst v63  }
0xa3: {  	s31 =	rddreg [dreg:$0xe]  }
0xa4: {  	[tilespmem:s1], [sflag:$0x3] =	stream.indirect.gather [hbm4b:s2+s15], $0x80, s23, s15, $0xb8;
	[tilespmem:$0x11E80] =	vst v63  }
0xa5: {  	s10 =	rddreg [dreg:$0xf]  }
0xa6: {  	[tilespmem:s31], [sflag:$0x3] =	stream.indirect.gather [hbm4b:s2+s15], $0x80, s22, s15, $0xb8;
	[tilespmem:$0x11E80] =	vst v63  }
0xa7: {  	s11 =	rddreg [dreg:$0x10]  }
0xa8: {  	[tilespmem:s11], [sflag:$0x3] =	stream.indirect.gather [hbm4b:s2+s15], $0x80, s10, s15, $0xb8;
	[tilespmem:$0x11E80] =	vst v63  }
0xa9: {  	s30 =	sadd.s32 $0x50, s30  }
0xaa: {  	[tilespmem:s30], [sflag:$0x3] =	stream.indirect.gather [hbm4b:s3+s15], $0x1, s5, s15, $0xb8;
	[tilespmem:$0x11E80] =	vst v63  }
0xab: {  	_ =	swait.ge [sflag:s17], $0x1400  }
0xac: {  	[sflag:s17] =	ssyncset.done $0x0  }
0xad: {  	[sflag:s17] =	ssyncadd.s32 $0xFFFFEC00  }
0xae: {  	_ =	swait.ge [sflag:s17], $0x1400  }
0xaf: {  	[sflag:s17] =	ssyncset.done $0x0  }
0xb0: {  	[sflag:s17] =	ssyncadd.s32 $0xFFFFEC00  }
0xb1: {  	_ =	swait.ge [sflag:s17], $0x1400  }
0xb2: {  	[sflag:s17] =	ssyncset.done $0x0  }
0xb3: {  	[sflag:s17] =	ssyncadd.s32 $0xFFFFEC00  }
0xb4: {  	_ =	swait.ge [sflag:s17], $0x1400  }
0xb5: {  	[sflag:s17] =	ssyncset.done $0x0  }
0xb6: {  	[sflag:s17] =	ssyncadd.s32 $0xFFFFEC00  }
0xb7: {  	_ =	swait.ge [sflag:s17], $0x1400  }
0xb8: {  	[sflag:s17] =	ssyncset.done $0x0  }
0xb9: {  	[sflag:s17] =	ssyncadd.s32 $0xFFFFEC00  }
0xba: {  	_ =	swait.ge [sflag:s17], $0x1400  }
0xbb: {  	[sflag:s17] =	ssyncset.done $0x0  }
0xbc: {  	[sflag:s17] =	ssyncadd.s32 $0xFFFFEC00  }
0xbd: {  	_ =	swait.ge [sflag:s17], $0x1400  }
0xbe: {  	[sflag:s17] =	ssyncset.done $0x0  }
0xbf: {  	[sflag:s17] =	ssyncadd.s32 $0xFFFFEC00  }
0xc0: {  	_ =	swait.ge [sflag:s17], $0x28  }
0xc1: {  	p1 =	seq.s32 s0, $0x13B0;
	s1 =	rddreg [dreg:$0x5]  }
0xc2: {  	s8 =	sadd.s32 @!p1 s0, s1;
	s1 =	smov.u32 s0  }
0xc3: {  	s31 =	simm.s32 @!p1 $0x0;
	s1 =	simm.s32 @p1 $0x13B0  }
0xc4: {  	[sflag:s17] =	ssyncset.done $0x0;
	s0 =	sshrl.u32 @!p1 s8, $0x3;
	s21 =	sadd.s32 s4, s1  }
0xc5: {  	[sflag:s17] =	ssyncadd.s32 $0xFFFFFFD8;
	s0 =	sadd.s32 @!p1 s6, s0;
	s8 =	sshll.u32 s21, $0x4  }
0xc6: {  	[tilespmem:s31], [sflag:$0x1] =	stream.linear.gather @!p1 [hbm4b:s0+s31], $0x118, $0x38;
	[tilespmem:$0x11E80] =	vst v63  }
0xc7: {  	s22 =	sadd.s32 s7, s8;
	s8 =	simm.s32 @!p2 $0x6  }
0xc8: {  	[hbm4b:s22+s5] =	stream.linear.scatter [tilespmem:s16], [sflag:$0x5], $0x8C00, $0x38;
	[tilespmem:$0x11E80] =	vst v63  }
0xc9: {  	_ =	swait.ge @!p2 [sflag:s8], $0x8C00  }
0xca: {  	[sflag:s8] =	ssyncset.done @!p2 $0x0  }
0xcb: {  	[sflag:s8] =	ssyncadd.s32 @!p2 $0xFFFF7400  }
0xcc: {  	_ =	swait.ge [sflag:s18], $0x118  }
0xcd: {  	s0 =	rddreg [dreg:$0x1c]  }
0xce: {  	s8 =	rddreg [dreg:$0x19]  }
0xcf: {  	s9 =	rddreg [dreg:$0x16]  }
0xd0: {  	s10 =	rddreg [dreg:$0x14]  }
0xd1: {  	[sflag:s18] =	ssyncset.done $0x0;
	s11 =	rddreg [dreg:$0x13]  }
0xd2: {  	s23 =	rddreg [dreg:$0x11];
	[sflag:s18] =	ssyncadd.s32 $0xFFFFFEE8  }
0xd3: {  	[tilespmem:s19], [sflag:$0x4] =	stream.indirect.gather [hbm4b:s2+s15], $0x80, s13, s15, $0xb8;
	[tilespmem:$0x11E80] =	vst v63  }
0xd4: {  	s21 =	rddreg [dreg:$0x12]  }
0xd5: {  	[tilespmem:s21], [sflag:$0x4] =	stream.indirect.gather [hbm4b:s2+s15], $0x80, s23, s15, $0xb8;
	[tilespmem:$0x11E80] =	vst v63  }
0xd6: {  	s22 =	rddreg [dreg:$0x18]  }
0xd7: {  	[tilespmem:s10], [sflag:$0x4] =	stream.indirect.gather [hbm4b:s2+s15], $0x80, s11, s15, $0xb8;
	[tilespmem:$0x11E80] =	vst v63  }
0xd8: {  	s23 =	rddreg [dreg:$0x15]  }
0xd9: {  	[tilespmem:s9], [sflag:$0x4] =	stream.indirect.gather [hbm4b:s2+s15], $0x80, s23, s15, $0xb8;
	[tilespmem:$0x11E80] =	vst v63  }
0xda: {  	s11 =	rddreg [dreg:$0x17]  }
0xdb: {  	[tilespmem:s22], [sflag:$0x4] =	stream.indirect.gather [hbm4b:s2+s15], $0x80, s11, s15, $0xb8;
	[tilespmem:$0x11E80] =	vst v63  }
0xdc: {  	s21 =	rddreg [dreg:$0x1a]  }
0xdd: {  	[tilespmem:s21], [sflag:$0x4] =	stream.indirect.gather [hbm4b:s2+s15], $0x80, s8, s15, $0xb8;
	[tilespmem:$0x11E80] =	vst v63  }
0xde: {  	s22 =	rddreg [dreg:$0x1b]  }
0xdf: {  	[tilespmem:s0], [sflag:$0x4] =	stream.indirect.gather [hbm4b:s2+s15], $0x80, s22, s15, $0xb8;
	[tilespmem:$0x11E80] =	vst v63  }
0xe0: {  	s23 =	sadd.s32 $0x28, s30  }
0xe1: {  	[tilespmem:s23], [sflag:$0x4] =	stream.indirect.gather [hbm4b:s3+s15], $0x1, s13, s15, $0xb8;
	[tilespmem:$0x11E80] =	vst v63  }
0xe2: {  	_ =	swait.ge [sflag:s20], $0x1400  }
0xe3: {  	[sflag:s20] =	ssyncset.done $0x0  }
0xe4: {  	[sflag:s20] =	ssyncadd.s32 $0xFFFFEC00  }
0xe5: {  	_ =	swait.ge [sflag:s20], $0x1400  }
0xe6: {  	[sflag:s20] =	ssyncset.done $0x0  }
0xe7: {  	[sflag:s20] =	ssyncadd.s32 $0xFFFFEC00  }
0xe8: {  	_ =	swait.ge [sflag:s20], $0x1400  }
0xe9: {  	[sflag:s20] =	ssyncset.done $0x0  }
0xea: {  	[sflag:s20] =	ssyncadd.s32 $0xFFFFEC00  }
0xeb: {  	_ =	swait.ge [sflag:s20], $0x1400  }
0xec: {  	[sflag:s20] =	ssyncset.done $0x0  }
0xed: {  	[sflag:s20] =	ssyncadd.s32 $0xFFFFEC00  }
0xee: {  	_ =	swait.ge [sflag:s20], $0x1400  }
0xef: {  	s28 =	sadd.s32 $0x230, s28;
	[sflag:s20] =	ssyncset.done $0x0  }
0xf0: {  	p0 =	sne.s32 s28, $0x15E0;
	[sflag:s20] =	ssyncadd.s32 $0xFFFFEC00  }
.Ltmp0:
0xf1: {  	_ =	swait.ge [sflag:s20], $0x1400;
	(pc) =	sbr.rel @p0 .LBB2_2-.Ltmp0, $4  }
0xf2: {  	[sflag:s20] =	ssyncset.done $0x0  }
0xf3: {  	[sflag:s20] =	ssyncadd.s32 $0xFFFFEC00  }
0xf4: {  	_ =	swait.ge [sflag:s20], $0x1400  }
0xf5: {  	s26 =	smov.u32 s29;
	s29 =	sadd.s32 $0x2300, s29;
	[sflag:s20] =	ssyncset.done $0x0  }
0xf6: {  	[sflag:s20] =	ssyncadd.s32 $0xFFFFEC00  }
0xf7: {  	_ =	swait.ge [sflag:s20], $0x28  }
0xf8: {  	s0 =	rddreg [dreg:$0x4]  }
0xf9: {  	s0 =	sadd.s32 @!p1 s1, s0  }
0xfa: {  	[sflag:s20] =	ssyncset.done $0x0;
	s0 =	sshrl.u32 @!p1 s0, $0x3  }
0xfb: {  	s1 =	simm.s32 @!p1 $0x180;
	[sflag:s20] =	ssyncadd.s32 $0xFFFFFFD8;
	s0 =	sadd.s32 @!p1 s6, s0  }
0xfc: {  	[tilespmem:s1], [sflag:$0x2] =	stream.linear.gather @!p1 [hbm4b:s0+s31], $0x118, $0x38;
	[tilespmem:$0x11E80] =	vst v63  }
0xfd: {  	s28 =	simm.s32 $0x5  }
0xfe: {  	[hbm4b:s26+s5] =	stream.linear.scatter [tilespmem:s19], [sflag:$0x6], $0x8C00, $0x38;
	[tilespmem:$0x11E80] =	vst v63  }
0xff: {  	_ =	swait.ge [sflag:s28], $0x8C00  }
0x100: {  	[sflag:s28] =	ssyncset.done $0x0  }
0x101: {  	s29 =	simm.s32 $0x6;
	[sflag:s28] =	ssyncadd.s32 $0xFFFF7400  }
0x102: {  	_ =	swait.ge [sflag:s29], $0x8C00  }
0x103: {  	[sflag:s29] =	ssyncset.done $0x0  }
0x104: {  	s8 =	simm.s32 $0x11B00;
	s30 =	rddreg [dreg:$0x1f];
	[sflag:s29] =	ssyncadd.s32 $0xFFFF7400  }
0x105: {  	[hbm4b:s30+s5] =	stream.linear.scatter [tilespmem:s8], [sflag:$0x7], $0x320, $0x38;
	[tilespmem:$0x11E80] =	vst v63  }
0x106: {  	_ =	swait.ge [sflag:s24], $0x320  }
0x107: {  	s31 =	sld [smem:$0x7FD];
	_ =	sdelay $0x1  }
0x108: {  	s25 =	sadd.s32 $0x1, s25  }
0x109: {  	p0 =	sne.s32 s25, s31  }
.Ltmp1:
0x10a: {  	_ = 	snop;
	(pc) =	sbr.rel @p0 .LBB2_1-.Ltmp1, $3  }
0x10b: {  	_ =	sdelay $0x1  }
0x10c: {  	[sflag:s24] =	ssyncset.done $0x0  }
0x10d: {  	[sflag:s24] =	ssyncadd.s32 $0xFFFFFCE0  }
0x10e: {  	_ =	sfence.sel $0x180000  }
0x10f: {  	[bflag:$0x0] =	sbarrier.arrive $0xFFFF  }
0x110: {  	_ =	strace $0x90000047  }
0x111: {  	s0 =	stileid.u32;
	[bflag:$0x2] =	sbarrier.arrive $0xFFFF  }
0x112: {  	p0 =	sne.s32 s0, $0x0;
	s0 =	rddreg [dreg:$0x3]  }
0x113: {  	s0 =	sadd.s32 @!p0 $0x100000, s0  }
0x114: {  	[sflag:s0] =	ssyncadd.tile.s32 @!p0 $0x1;
	_ =	shalt  }
.Lfunc_end2:
_tile_overlayer_lowered:
.L_overlay_start_2:
0x115: {  	(tag) =	ssettag $0x2  }
0x116: {  	s0 =	rddreg [dreg:$0x0];
	s2 =	stileid.u32  }
0x117: {  	s1 =	rddreg [dreg:$0x1];
	p0 =	sne.s32 s2, $0x0  }
0x118: {  	s3 =	rddreg [dreg:$0x2];
	[bflag:$0x3] =	sbarrier.arrive $0xFFFF;
	s2 =	simm.s32 @!p0 $0x1C07  }
0x119: {  	[timem:s3], [sflag:s2] =	dma.local @!p0 [hbm:s0], s1  }
0x11a: {  	s0 =	simm.s32 @!p0 $0x7  }
0x11b: {  	_ =	swait.ge @!p0 [sflag:s0], s1  }
0x11c: {  	s1 =	ssub.s32 @!p0 $0x0, s1;
	[sflag:s0] =	ssyncset.done @!p0 $0x0  }
0x11d: {  	[sflag:s0] =	ssyncadd.s32 @!p0 s1  }
0x11e: {  	[bflag:$0x3] =	sbarrier.arrive $0xFFFF  }
0x11f: {  	_ =	shalt  }

</sc_bundles>
